<compile_context>
chip_gen: v7x
topology: tpu7x:2x2x1
jax: 0.10.2.dev20260603
libtpu: 0.0.44.dev20260713+nightly
codegen_flags: <defaults>
</compile_context>

<pallas_src>
import jax
import jax.numpy as jnp
from jax import lax
from jax.experimental import pallas as pl
from jax.experimental.pallas import tpu as pltpu
from jax.experimental.pallas import tpu_sc as plsc

NUM_SRC = 10000
NUM_NEIGH = 16
DIM = 256
LANES = 16

NC = 2
NS = 16
NW = NC * NS

NB = 8

SPLIT = 3200
BLK = 400
HEAD_BLOCKS = SPLIT // BLK
TAIL_BLOCKS = (NUM_SRC - SPLIT) // BLK


def _sc_mean_body(neigh, aggr, b0, b1, o0, o1, s0, s1, t0, t1):
    total_blocks = SPLIT // NB
    base_per_w = total_blocks // NW
    extra = total_blocks - base_per_w * NW
    max_per_w = base_per_w + (1 if extra else 0)
    half_iters = (max_per_w + 1) // 2

    c = lax.axis_index("c")
    s = lax.axis_index("s")
    wid = s * NC + c
    start = wid * base_per_w + jnp.minimum(wid, extra)
    count = base_per_w + (wid < extra).astype(jnp.int32)

    bufs = (b0, b1)
    sems = (s0, s1)
    obufs = (o0, o1)
    osems = (t0, t1)

    def in_copy(j, slot):
        return pltpu.make_async_copy(
            neigh.at[pl.ds((start + j) * NB, NB)], bufs[slot], sems[slot])

    def out_copy(j, slot):
        return pltpu.make_async_copy(
            obufs[slot], aggr.at[pl.ds((start + j) * NB, NB)], osems[slot])

    def compute(slot):
        buf = bufs[slot]
        obuf = obufs[slot]

        def node_body(node, carry):
            for ch in range(DIM // LANES):
                sl = pl.ds(ch * LANES, LANES)
                acc = buf[node, 0, sl]
                for k in range(1, NUM_NEIGH):
                    acc = acc + buf[node, k, sl]
                obuf[node, sl] = acc * (1.0 / NUM_NEIGH)
            return carry

        lax.fori_loop(0, NB, node_body, 0)

    in_copy(0, 0).start()

    def step(jj, carry):
        j0 = 2 * jj
        j1 = j0 + 1
        j2 = j0 + 2

        @pl.when(j0 < count)
        def _():
            in_copy(j0, 0).wait()

        @pl.when(j1 < count)
        def _():
            in_copy(j1, 1).start()

        @pl.when(j0 < count)
        def _():
            @pl.when(j0 >= 2)
            def _():
                out_copy(j0, 0).wait()

            compute(0)
            out_copy(j0, 0).start()

        @pl.when(j1 < count)
        def _():
            in_copy(j1, 1).wait()

        @pl.when(j2 < count)
        def _():
            in_copy(j2, 0).start()

        @pl.when(j1 < count)
        def _():
            @pl.when(j1 >= 2)
            def _():
                out_copy(j1, 1).wait()

            compute(1)
            out_copy(j1, 1).start()

        return carry

    lax.fori_loop(0, half_iters, step, 0)

    out_copy(0, 0).wait()
    out_copy(0, 1).wait()


def _sc_mean(neigh):
    mesh = plsc.VectorSubcoreMesh(
        core_axis_name="c", subcore_axis_name="s",
        num_cores=NC, num_subcores=NS)
    return pl.kernel(
        _sc_mean_body,
        out_type=jax.ShapeDtypeStruct((SPLIT, DIM), jnp.float32),
        mesh=mesh,
        scratch_types=[
            pltpu.VMEM((NB, NUM_NEIGH, DIM), jnp.float32),
            pltpu.VMEM((NB, NUM_NEIGH, DIM), jnp.float32),
            pltpu.VMEM((NB, DIM), jnp.float32),
            pltpu.VMEM((NB, DIM), jnp.float32),
            pltpu.SemaphoreType.DMA,
            pltpu.SemaphoreType.DMA,
            pltpu.SemaphoreType.DMA,
            pltpu.SemaphoreType.DMA,
        ],
    )(neigh)


def _fused_body(src_ref, neigh_ref, w_agg_ref, w_ref, out_ref):
    aggr = jnp.sum(neigh_ref[...], axis=1) * (1.0 / NUM_NEIGH)
    h = jnp.dot(aggr, w_agg_ref[...], preferred_element_type=jnp.float32)
    h = h + src_ref[...]
    out = jnp.dot(h, w_ref[...], preferred_element_type=jnp.float32)
    out_ref[...] = jnp.maximum(out, 0.0)


def _tc_fused_tail(src, neigh, W_agg, W):
    return pl.pallas_call(
        _fused_body,
        grid=(TAIL_BLOCKS,),
        in_specs=[
            pl.BlockSpec((BLK, DIM), lambda i: (i + HEAD_BLOCKS, 0)),
            pl.BlockSpec((BLK, NUM_NEIGH, DIM), lambda i: (i + HEAD_BLOCKS, 0, 0)),
            pl.BlockSpec((DIM, DIM), lambda i: (0, 0)),
            pl.BlockSpec((DIM, DIM), lambda i: (0, 0)),
        ],
        out_specs=pl.BlockSpec((BLK, DIM), lambda i: (i + HEAD_BLOCKS, 0)),
        out_shape=jax.ShapeDtypeStruct((NUM_SRC, DIM), jnp.float32),
        compiler_params=pltpu.CompilerParams(
            dimension_semantics=("arbitrary",),
        ),
    )(src, neigh, W_agg, W)


def _finish_body(aggr_ref, src_ref, w_agg_ref, w_ref, _out_alias_ref, out_ref):
    h = jnp.dot(aggr_ref[...], w_agg_ref[...], preferred_element_type=jnp.float32)
    h = h + src_ref[...]
    out = jnp.dot(h, w_ref[...], preferred_element_type=jnp.float32)
    out_ref[...] = jnp.maximum(out, 0.0)


def _tc_finish_head(aggr, src, W_agg, W, partial_out):
    return pl.pallas_call(
        _finish_body,
        grid=(HEAD_BLOCKS,),
        in_specs=[
            pl.BlockSpec((BLK, DIM), lambda i: (i, 0)),
            pl.BlockSpec((BLK, DIM), lambda i: (i, 0)),
            pl.BlockSpec((DIM, DIM), lambda i: (0, 0)),
            pl.BlockSpec((DIM, DIM), lambda i: (0, 0)),
            pl.BlockSpec(memory_space=pl.ANY),
        ],
        out_specs=pl.BlockSpec((BLK, DIM), lambda i: (i, 0)),
        out_shape=jax.ShapeDtypeStruct((NUM_SRC, DIM), jnp.float32),
        input_output_aliases={4: 0},
        compiler_params=pltpu.CompilerParams(
            dimension_semantics=("arbitrary",),
        ),
    )(aggr, src, W_agg, W, partial_out)


def kernel(src_node_features, nei_node_features, W_agg, W):
    aggr_head = _sc_mean(nei_node_features)
    partial = _tc_fused_tail(src_node_features, nei_node_features, W_agg, W)
    return _tc_finish_head(aggr_head, src_node_features, W_agg, W, partial)

# --- scband reference (transcript-rebuilt; emitter-appended) ---
"""Pipeline reference for scband-sage-gcn-12996571037865 (READ-ONLY COPY).

The authoritative reference and input builder live on the scoring server;
editing this copy changes nothing except your own understanding.
"""

import jax, jax.numpy as jnp
import numpy as np

INPUT_DIM = 256
HIDDEN_DIM = 256
NUM_SRC = 10000
NUM_NEIGH = 16

def setup_inputs(seed: int = 0) -> dict:
    key = jax.random.key(seed)
    k1, k2, k3, k4 = jax.random.split(key, 4)
    src = jax.random.normal(k1, (NUM_SRC, INPUT_DIM), dtype=jnp.float32)
    neigh = jax.random.normal(k2, (NUM_SRC, NUM_NEIGH, INPUT_DIM), dtype=jnp.float32)
    # kaiming_uniform-style init for both weight matrices
    bound = float(np.sqrt(6.0 / INPUT_DIM))
    W_agg = jax.random.uniform(k3, (INPUT_DIM, HIDDEN_DIM), minval=-bound, maxval=bound, dtype=jnp.float32)
    W = jax.random.uniform(k4, (INPUT_DIM, HIDDEN_DIM), minval=-bound, maxval=bound, dtype=jnp.float32)
    return {"src_node_features": src, "neighbor_node_features": neigh, "W_agg": W_agg, "W": W}

def reference(src_node_features, neighbor_node_features, W_agg, W):
    # NeighborAggregator: mean over neighbor axis, then linear projection
    aggr = jnp.mean(neighbor_node_features, axis=1)
    neighbor_feats = aggr @ W_agg
    # aggr_method == 'sum': combine self and aggregated neighbor features
    combined = src_node_features + neighbor_feats
    out = combined @ W
    # activation = relu
    return jax.nn.relu(out)

if __name__ == "__main__":
    import jax
    _d = setup_inputs()
    print(jax.jit(kernel)(*tuple(_d.values())))

</pallas_src>

<mosaic_0001>
#map = affine_map<(d0, d1) -> (0, 0, 0)>
#map1 = affine_map<(d0, d1) -> (0, 0)>
module attributes {stable_mosaic.version = 14 : i64} {
  func.func @_sc_mean_body(%arg0: i32, %arg1: i32, %arg2: memref<10000x16x256xf32, #tpu.memory_space<hbm>>, %arg3: memref<3200x256xf32, #tpu.memory_space<hbm>>, %arg4: memref<8x16x256xf32, #tpu.memory_space<vmem>>, %arg5: memref<8x16x256xf32, #tpu.memory_space<vmem>>, %arg6: memref<8x256xf32, #tpu.memory_space<vmem>>, %arg7: memref<8x256xf32, #tpu.memory_space<vmem>>, %arg8: memref<!tpu.dma_semaphore, #tpu.memory_space<semaphore_mem>>, %arg9: memref<!tpu.dma_semaphore, #tpu.memory_space<semaphore_mem>>, %arg10: memref<!tpu.dma_semaphore, #tpu.memory_space<semaphore_mem>>, %arg11: memref<!tpu.dma_semaphore, #tpu.memory_space<semaphore_mem>>) attributes {dimension_semantics = [#tpu.dimension_semantics<core_parallel>, #tpu.dimension_semantics<subcore_parallel>], iteration_bounds = array<i64: 2, 16>, scalar_prefetch = 0 : i64, scratch_operands = 8 : i64, tpu.core_type = #tpu.core_type<sc_vector_subcore>, window_params = [{transform_indices = #map}, {transform_indices = #map1}]} {
    %mul3A = arith.constant 2 : i32
    %mul3A_0 = arith.muli %arg1, %mul3A : i32
    %add3A = arith.addi %mul3A_0, %arg0 : i32
    %mul3A_1 = arith.constant 12 : i32
    %mul3A_2 = arith.muli %add3A, %mul3A_1 : i32
    %min3A = arith.constant 16 : i32
    %min3A_3 = arith.minsi %add3A, %min3A : i32
    %add3A_4 = arith.addi %mul3A_2, %min3A_3 : i32
    %lt3A = arith.constant 16 : i32
    %lt3A_5 = arith.cmpi slt, %add3A, %lt3A : i32
    %convert_element_type3A = arith.extui %lt3A_5 : i1 to i32
    %add3A_6 = arith.constant 12 : i32
    %add3A_7 = arith.addi %add3A_6, %convert_element_type3A : i32
    %add3A_8 = arith.constant 0 : i32
    %add3A_9 = arith.addi %add3A_4, %add3A_8 : i32
    %mul3A_10 = arith.constant 8 : i32
    %mul3A_11 = arith.muli %add3A_9, %mul3A_10 : i32
    %dma_start3A = arith.constant 0 : i32
    %dma_start3A_12 = arith.constant 0 : i32
    %dma_start3A_13 = tpu.memref_slice %arg2[%mul3A_11, %dma_start3A, %dma_start3A_12] : memref<10000x16x256xf32, #tpu.memory_space<hbm>> -> memref<8x16x256xf32, #tpu.memory_space<hbm>>
    %dma_start3A_14 = arith.constant 0 : i32
    %dma_start3A_15 = arith.constant 0 : i32
    %dma_start3A_16 = tpu.memref_slice %arg2[%mul3A_11, %dma_start3A_14, %dma_start3A_15] : memref<10000x16x256xf32, #tpu.memory_space<hbm>> -> memref<8x16x256xf32, #tpu.memory_space<hbm>>
    tpu.enqueue_dma source(%dma_start3A_16 : memref<8x16x256xf32, #tpu.memory_space<hbm>>) target(%arg4 : memref<8x16x256xf32, #tpu.memory_space<vmem>>) target_semaphore(%arg8 : memref<!tpu.dma_semaphore, #tpu.memory_space<semaphore_mem>>)
    %scan3A = arith.constant 0 : i32
    %scan3A_17 = arith.constant 0 : i32
    %scan3A_18 = arith.constant 7 : i32
    %scan3A_19 = arith.addi %scan3A_17, %scan3A_18 : i32
    %scan3A_20 = arith.constant 1 : i32
    scf.for %scan3A_37 = %scan3A_17 to %scan3A_19 step %scan3A_20  : i32 {
      %mul3A_38 = arith.constant 2 : i32
      %mul3A_39 = arith.muli %mul3A_38, %scan3A_37 : i32
      %add3A_40 = arith.constant 1 : i32
      %add3A_41 = arith.addi %mul3A_39, %add3A_40 : i32
      %add3A_42 = arith.constant 2 : i32
      %add3A_43 = arith.addi %mul3A_39, %add3A_42 : i32
      %lt3A_44 = arith.cmpi slt, %mul3A_39, %add3A_7 : i32
      %convert_element_type3A_45 = arith.extui %lt3A_44 : i1 to i32
      %cond3A = arith.constant 0 : i32
      %cond3A_46 = arith.cmpi ne, %convert_element_type3A_45, %cond3A : i32
      scf.if %cond3A_46 {
        %add3A_67 = arith.addi %add3A_4, %mul3A_39 : i32
        %mul3A_68 = arith.constant 8 : i32
        %mul3A_69 = arith.muli %add3A_67, %mul3A_68 : i32
        %dma_wait3A_70 = arith.constant 0 : i32
        %dma_wait3A_71 = arith.constant 0 : i32
        %dma_wait3A_72 = tpu.memref_slice %arg2[%mul3A_69, %dma_wait3A_70, %dma_wait3A_71] : memref<10000x16x256xf32, #tpu.memory_space<hbm>> -> memref<8x16x256xf32, #tpu.memory_space<hbm>>
        %dma_wait3A_73 = arith.constant 0 : i32
        %dma_wait3A_74 = arith.constant 0 : i32
        %dma_wait3A_75 = tpu.memref_slice %arg2[%mul3A_69, %dma_wait3A_73, %dma_wait3A_74] : memref<10000x16x256xf32, #tpu.memory_space<hbm>> -> memref<8x16x256xf32, #tpu.memory_space<hbm>>
        tpu.wait_dma2 semaphore(%arg8 : memref<!tpu.dma_semaphore, #tpu.memory_space<semaphore_mem>>) src(%dma_wait3A_75 : memref<8x16x256xf32, #tpu.memory_space<hbm>>) dst(%arg4 : memref<8x16x256xf32, #tpu.memory_space<vmem>>)
      } else {
      }
      %lt3A_47 = arith.cmpi slt, %add3A_41, %add3A_7 : i32
      %convert_element_type3A_48 = arith.extui %lt3A_47 : i1 to i32
      %cond3A_49 = arith.constant 0 : i32
      %cond3A_50 = arith.cmpi ne, %convert_element_type3A_48, %cond3A_49 : i32
      scf.if %cond3A_50 {
        %add3A_67 = arith.addi %add3A_4, %add3A_41 : i32
        %mul3A_68 = arith.constant 8 : i32
        %mul3A_69 = arith.muli %add3A_67, %mul3A_68 : i32
        %dma_start3A_70 = arith.constant 0 : i32
        %dma_start3A_71 = arith.constant 0 : i32
        %dma_start3A_72 = tpu.memref_slice %arg2[%mul3A_69, %dma_start3A_70, %dma_start3A_71] : memref<10000x16x256xf32, #tpu.memory_space<hbm>> -> memref<8x16x256xf32, #tpu.memory_space<hbm>>
        %dma_start3A_73 = arith.constant 0 : i32
        %dma_start3A_74 = arith.constant 0 : i32
        %dma_start3A_75 = tpu.memref_slice %arg2[%mul3A_69, %dma_start3A_73, %dma_start3A_74] : memref<10000x16x256xf32, #tpu.memory_space<hbm>> -> memref<8x16x256xf32, #tpu.memory_space<hbm>>
        tpu.enqueue_dma source(%dma_start3A_75 : memref<8x16x256xf32, #tpu.memory_space<hbm>>) target(%arg5 : memref<8x16x256xf32, #tpu.memory_space<vmem>>) target_semaphore(%arg9 : memref<!tpu.dma_semaphore, #tpu.memory_space<semaphore_mem>>)
      } else {
      }
      %lt3A_51 = arith.cmpi slt, %mul3A_39, %add3A_7 : i32
      %convert_element_type3A_52 = arith.extui %lt3A_51 : i1 to i32
      %cond3A_53 = arith.constant 0 : i32
      %cond3A_54 = arith.cmpi ne, %convert_element_type3A_52, %cond3A_53 : i32
      scf.if %cond3A_54 {
        %ge3A = arith.constant 2 : i32
        %ge3A_67 = arith.cmpi sge, %mul3A_39, %ge3A : i32
        %convert_element_type3A_68 = arith.extui %ge3A_67 : i1 to i32
        %cond3A_69 = arith.constant 0 : i32
        %cond3A_70 = arith.cmpi ne, %convert_element_type3A_68, %cond3A_69 : i32
        scf.if %cond3A_70 {
          %add3A_84 = arith.addi %add3A_4, %mul3A_39 : i32
          %mul3A_85 = arith.constant 8 : i32
          %mul3A_86 = arith.muli %add3A_84, %mul3A_85 : i32
          %dma_wait3A_87 = arith.constant 0 : i32
          %dma_wait3A_88 = tpu.memref_slice %arg3[%mul3A_86, %dma_wait3A_87] : memref<3200x256xf32, #tpu.memory_space<hbm>> -> memref<8x256xf32, #tpu.memory_space<hbm>>
          %dma_wait3A_89 = arith.constant 0 : i32
          %dma_wait3A_90 = tpu.memref_slice %arg3[%mul3A_86, %dma_wait3A_89] : memref<3200x256xf32, #tpu.memory_space<hbm>> -> memref<8x256xf32, #tpu.memory_space<hbm>>
          tpu.wait_dma2 semaphore(%arg10 : memref<!tpu.dma_semaphore, #tpu.memory_space<semaphore_mem>>) src(%arg6 : memref<8x256xf32, #tpu.memory_space<vmem>>) dst(%dma_wait3A_90 : memref<8x256xf32, #tpu.memory_space<hbm>>)
        } else {
        }
        %scan3A_71 = arith.constant 0 : i32
        %scan3A_72 = arith.constant 0 : i32
        %scan3A_73 = arith.constant 8 : i32
        %scan3A_74 = arith.addi %scan3A_72, %scan3A_73 : i32
        %scan3A_75 = arith.constant 1 : i32
        scf.for %scan3A_84 = %scan3A_72 to %scan3A_74 step %scan3A_75  : i32 {
          %get3A = arith.constant 0 : i32
          %get3A_85 = arith.index_cast %scan3A_84 : i32 to index
          %get3A_86 = arith.index_cast %get3A : i32 to index
          %get3A_87 = arith.constant 0 : index
          %get3A_88 = tpu.vector_load %arg4[%get3A_85, %get3A_86, %get3A_87] {strides = array<i32>} : memref<8x16x256xf32, #tpu.memory_space<vmem>>, vector<1x1x16xf32>,
          %get3A_89 = vector.shape_cast %get3A_88 : vector<1x1x16xf32> to vector<16xf32>
          %get3A_90 = arith.constant 1 : i32
          %get3A_91 = arith.index_cast %scan3A_84 : i32 to index
          %get3A_92 = arith.index_cast %get3A_90 : i32 to index
          %get3A_93 = arith.constant 0 : index
          %get3A_94 = tpu.vector_load %arg4[%get3A_91, %get3A_92, %get3A_93] {strides = array<i32>} : memref<8x16x256xf32, #tpu.memory_space<vmem>>, vector<1x1x16xf32>,
          %get3A_95 = vector.shape_cast %get3A_94 : vector<1x1x16xf32> to vector<16xf32>
          %add3A_96 = arith.addf %get3A_89, %get3A_95 : vector<16xf32>
          %get3A_97 = arith.constant 2 : i32
          %get3A_98 = arith.index_cast %scan3A_84 : i32 to index
          %get3A_99 = arith.index_cast %get3A_97 : i32 to index
          %get3A_100 = arith.constant 0 : index
          %get3A_101 = tpu.vector_load %arg4[%get3A_98, %get3A_99, %get3A_100] {strides = array<i32>} : memref<8x16x256xf32, #tpu.memory_space<vmem>>, vector<1x1x16xf32>,
          %get3A_102 = vector.shape_cast %get3A_101 : vector<1x1x16xf32> to vector<16xf32>
          %add3A_103 = arith.addf %add3A_96, %get3A_102 : vector<16xf32>
          %get3A_104 = arith.constant 3 : i32
          %get3A_105 = arith.index_cast %scan3A_84 : i32 to index
          %get3A_106 = arith.index_cast %get3A_104 : i32 to index
          %get3A_107 = arith.constant 0 : index
          %get3A_108 = tpu.vector_load %arg4[%get3A_105, %get3A_106, %get3A_107] {strides = array<i32>} : memref<8x16x256xf32, #tpu.memory_space<vmem>>, vector<1x1x16xf32>,
          %get3A_109 = vector.shape_cast %get3A_108 : vector<1x1x16xf32> to vector<16xf32>
          %add3A_110 = arith.addf %add3A_103, %get3A_109 : vector<16xf32>
          %get3A_111 = arith.constant 4 : i32
          %get3A_112 = arith.index_cast %scan3A_84 : i32 to index
          %get3A_113 = arith.index_cast %get3A_111 : i32 to index
          %get3A_114 = arith.constant 0 : index
          %get3A_115 = tpu.vector_load %arg4[%get3A_112, %get3A_113, %get3A_114] {strides = array<i32>} : memref<8x16x256xf32, #tpu.memory_space<vmem>>, vector<1x1x16xf32>,
          %get3A_116 = vector.shape_cast %get3A_115 : vector<1x1x16xf32> to vector<16xf32>
          %add3A_117 = arith.addf %add3A_110, %get3A_116 : vector<16xf32>
          %get3A_118 = arith.constant 5 : i32
          %get3A_119 = arith.index_cast %scan3A_84 : i32 to index
          %get3A_120 = arith.index_cast %get3A_118 : i32 to index
          %get3A_121 = arith.constant 0 : index
          %get3A_122 = tpu.vector_load %arg4[%get3A_119, %get3A_120, %get3A_121] {strides = array<i32>} : memref<8x16x256xf32, #tpu.memory_space<vmem>>, vector<1x1x16xf32>,
          %get3A_123 = vector.shape_cast %get3A_122 : vector<1x1x16xf32> to vector<16xf32>
          %add3A_124 = arith.addf %add3A_117, %get3A_123 : vector<16xf32>
          %get3A_125 = arith.constant 6 : i32
          %get3A_126 = arith.index_cast %scan3A_84 : i32 to index
          %get3A_127 = arith.index_cast %get3A_125 : i32 to index
          %get3A_128 = arith.constant 0 : index
          %get3A_129 = tpu.vector_load %arg4[%get3A_126, %get3A_127, %get3A_128] {strides = array<i32>} : memref<8x16x256xf32, #tpu.memory_space<vmem>>, vector<1x1x16xf32>,
          %get3A_130 = vector.shape_cast %get3A_129 : vector<1x1x16xf32> to vector<16xf32>
          %add3A_131 = arith.addf %add3A_124, %get3A_130 : vector<16xf32>
          %get3A_132 = arith.constant 7 : i32
          %get3A_133 = arith.index_cast %scan3A_84 : i32 to index
          %get3A_134 = arith.index_cast %get3A_132 : i32 to index
          %get3A_135 = arith.constant 0 : index
          %get3A_136 = tpu.vector_load %arg4[%get3A_133, %get3A_134, %get3A_135] {strides = array<i32>} : memref<8x16x256xf32, #tpu.memory_space<vmem>>, vector<1x1x16xf32>,
          %get3A_137 = vector.shape_cast %get3A_136 : vector<1x1x16xf32> to vector<16xf32>
          %add3A_138 = arith.addf %add3A_131, %get3A_137 : vector<16xf32>
          %get3A_139 = arith.constant 8 : i32
          %get3A_140 = arith.index_cast %scan3A_84 : i32 to index
          %get3A_141 = arith.index_cast %get3A_139 : i32 to index
          %get3A_142 = arith.constant 0 : index
          %get3A_143 = tpu.vector_load %arg4[%get3A_140, %get3A_141, %get3A_142] {strides = array<i32>} : memref<8x16x256xf32, #tpu.memory_space<vmem>>, vector<1x1x16xf32>,
          %get3A_144 = vector.shape_cast %get3A_143 : vector<1x1x16xf32> to vector<16xf32>
          %add3A_145 = arith.addf %add3A_138, %get3A_144 : vector<16xf32>
          %get3A_146 = arith.constant 9 : i32
          %get3A_147 = arith.index_cast %scan3A_84 : i32 to index
          %get3A_148 = arith.index_cast %get3A_146 : i32 to index
          %get3A_149 = arith.constant 0 : index
          %get3A_150 = tpu.vector_load %arg4[%get3A_147, %get3A_148, %get3A_149] {strides = array<i32>} : memref<8x16x256xf32, #tpu.memory_space<vmem>>, vector<1x1x16xf32>,
          %get3A_151 = vector.shape_cast %get3A_150 : vector<1x1x16xf32> to vector<16xf32>
          %add3A_152 = arith.addf %add3A_145, %get3A_151 : vector<16xf32>
          %get3A_153 = arith.constant 10 : i32
          %get3A_154 = arith.index_cast %scan3A_84 : i32 to index
          %get3A_155 = arith.index_cast %get3A_153 : i32 to index
          %get3A_156 = arith.constant 0 : index
          %get3A_157 = tpu.vector_load %arg4[%get3A_154, %get3A_155, %get3A_156] {strides = array<i32>} : memref<8x16x256xf32, #tpu.memory_space<vmem>>, vector<1x1x16xf32>,
          %get3A_158 = vector.shape_cast %get3A_157 : vector<1x1x16xf32> to vector<16xf32>
          %add3A_159 = arith.addf %add3A_152, %get3A_158 : vector<16xf32>
          %get3A_160 = arith.constant 11 : i32
          %get3A_161 = arith.index_cast %scan3A_84 : i32 to index
          %get3A_162 = arith.index_cast %get3A_160 : i32 to index
          %get3A_163 = arith.constant 0 : index
          %get3A_164 = tpu.vector_load %arg4[%get3A_161, %get3A_162, %get3A_163] {strides = array<i32>} : memref<8x16x256xf32, #tpu.memory_space<vmem>>, vector<1x1x16xf32>,
          %get3A_165 = vector.shape_cast %get3A_164 : vector<1x1x16xf32> to vector<16xf32>
          %add3A_166 = arith.addf %add3A_159, %get3A_165 : vector<16xf32>
          %get3A_167 = arith.constant 12 : i32
          %get3A_168 = arith.index_cast %scan3A_84 : i32 to index
          %get3A_169 = arith.index_cast %get3A_167 : i32 to index
          %get3A_170 = arith.constant 0 : index
          %get3A_171 = tpu.vector_load %arg4[%get3A_168, %get3A_169, %get3A_170] {strides = array<i32>} : memref<8x16x256xf32, #tpu.memory_space<vmem>>, vector<1x1x16xf32>,
          %get3A_172 = vector.shape_cast %get3A_171 : vector<1x1x16xf32> to vector<16xf32>
          %add3A_173 = arith.addf %add3A_166, %get3A_172 : vector<16xf32>
          %get3A_174 = arith.constant 13 : i32
          %get3A_175 = arith.index_cast %scan3A_84 : i32 to index
          %get3A_176 = arith.index_cast %get3A_174 : i32 to index
          %get3A_177 = arith.constant 0 : index
          %get3A_178 = tpu.vector_load %arg4[%get3A_175, %get3A_176, %get3A_177] {strides = array<i32>} : memref<8x16x256xf32, #tpu.memory_space<vmem>>, vector<1x1x16xf32>,
          %get3A_179 = vector.shape_cast %get3A_178 : vector<1x1x16xf32> to vector<16xf32>
          %add3A_180 = arith.addf %add3A_173, %get3A_179 : vector<16xf32>
          %get3A_181 = arith.constant 14 : i32
          %get3A_182 = arith.index_cast %scan3A_84 : i32 to index
          %get3A_183 = arith.index_cast %get3A_181 : i32 to index
          %get3A_184 = arith.constant 0 : index
          %get3A_185 = tpu.vector_load %arg4[%get3A_182, %get3A_183, %get3A_184] {strides = array<i32>} : memref<8x16x256xf32, #tpu.memory_space<vmem>>, vector<1x1x16xf32>,
          %get3A_186 = vector.shape_cast %get3A_185 : vector<1x1x16xf32> to vector<16xf32>
          %add3A_187 = arith.addf %add3A_180, %get3A_186 : vector<16xf32>
          %get3A_188 = arith.constant 15 : i32
          %get3A_189 = arith.index_cast %scan3A_84 : i32 to index
          %get3A_190 = arith.index_cast %get3A_188 : i32 to index
          %get3A_191 = arith.constant 0 : index
          %get3A_192 = tpu.vector_load %arg4[%get3A_189, %get3A_190, %get3A_191] {strides = array<i32>} : memref<8x16x256xf32, #tpu.memory_space<vmem>>, vector<1x1x16xf32>,
          %get3A_193 = vector.shape_cast %get3A_192 : vector<1x1x16xf32> to vector<16xf32>
          %add3A_194 = arith.addf %add3A_187, %get3A_193 : vector<16xf32>
          %mul3A_195 = arith.constant 6.250000e-02 : f32
          %mul3A_196 = vector.broadcast %mul3A_195 : f32 to vector<16xf32>
          %mul3A_197 = arith.mulf %add3A_194, %mul3A_196 : vector<16xf32>
          %swap3A = arith.index_cast %scan3A_84 : i32 to index
          %swap3A_198 = arith.constant 0 : index
          %swap3A_199 = tpu.vector_load %arg6[%swap3A, %swap3A_198] {strides = array<i32>} : memref<8x256xf32, #tpu.memory_space<vmem>>, vector<1x16xf32>,
          %swap3A_200 = vector.shape_cast %swap3A_199 : vector<1x16xf32> to vector<16xf32>
          %swap3A_201 = vector.shape_cast %mul3A_197 : vector<16xf32> to vector<1x16xf32>
          tpu.vector_store %arg6[%swap3A, %swap3A_198], %swap3A_201 {strides = array<i32>} : memref<8x256xf32, #tpu.memory_space<vmem>>, vector<1x16xf32>,
          %get3A_202 = arith.constant 0 : i32
          %get3A_203 = arith.index_cast %scan3A_84 : i32 to index
          %get3A_204 = arith.index_cast %get3A_202 : i32 to index
          %get3A_205 = arith.constant 16 : index
          %get3A_206 = tpu.vector_load %arg4[%get3A_203, %get3A_204, %get3A_205] {strides = array<i32>} : memref<8x16x256xf32, #tpu.memory_space<vmem>>, vector<1x1x16xf32>,
          %get3A_207 = vector.shape_cast %get3A_206 : vector<1x1x16xf32> to vector<16xf32>
          %get3A_208 = arith.constant 1 : i32
          %get3A_209 = arith.index_cast %scan3A_84 : i32 to index
          %get3A_210 = arith.index_cast %get3A_208 : i32 to index
          %get3A_211 = arith.constant 16 : index
          %get3A_212 = tpu.vector_load %arg4[%get3A_209, %get3A_210, %get3A_211] {strides = array<i32>} : memref<8x16x256xf32, #tpu.memory_space<vmem>>, vector<1x1x16xf32>,
          %get3A_213 = vector.shape_cast %get3A_212 : vector<1x1x16xf32> to vector<16xf32>
          %add3A_214 = arith.addf %get3A_207, %get3A_213 : vector<16xf32>
          %get3A_215 = arith.constant 2 : i32
          %get3A_216 = arith.index_cast %scan3A_84 : i32 to index
          %get3A_217 = arith.index_cast %get3A_215 : i32 to index
          %get3A_218 = arith.constant 16 : index
          %get3A_219 = tpu.vector_load %arg4[%get3A_216, %get3A_217, %get3A_218] {strides = array<i32>} : memref<8x16x256xf32, #tpu.memory_space<vmem>>, vector<1x1x16xf32>,
          %get3A_220 = vector.shape_cast %get3A_219 : vector<1x1x16xf32> to vector<16xf32>
          %add3A_221 = arith.addf %add3A_214, %get3A_220 : vector<16xf32>
          %get3A_222 = arith.constant 3 : i32
          %get3A_223 = arith.index_cast %scan3A_84 : i32 to index
          %get3A_224 = arith.index_cast %get3A_222 : i32 to index
          %get3A_225 = arith.constant 16 : index
          %get3A_226 = tpu.vector_load %arg4[%get3A_223, %get3A_224, %get3A_225] {strides = array<i32>} : memref<8x16x256xf32, #tpu.memory_space<vmem>>, vector<1x1x16xf32>,
          %get3A_227 = vector.shape_cast %get3A_226 : vector<1x1x16xf32> to vector<16xf32>
          %add3A_228 = arith.addf %add3A_221, %get3A_227 : vector<16xf32>
          %get3A_229 = arith.constant 4 : i32
          %get3A_230 = arith.index_cast %scan3A_84 : i32 to index
          %get3A_231 = arith.index_cast %get3A_229 : i32 to index
          %get3A_232 = arith.constant 16 : index
          %get3A_233 = tpu.vector_load %arg4[%get3A_230, %get3A_231, %get3A_232] {strides = array<i32>} : memref<8x16x256xf32, #tpu.memory_space<vmem>>, vector<1x1x16xf32>,
          %get3A_234 = vector.shape_cast %get3A_233 : vector<1x1x16xf32> to vector<16xf32>
          %add3A_235 = arith.addf %add3A_228, %get3A_234 : vector<16xf32>
          %get3A_236 = arith.constant 5 : i32
          %get3A_237 = arith.index_cast %scan3A_84 : i32 to index
          %get3A_238 = arith.index_cast %get3A_236 : i32 to index
          %get3A_239 = arith.constant 16 : index
          %get3A_240 = tpu.vector_load %arg4[%get3A_237, %get3A_238, %get3A_239] {strides = array<i32>} : memref<8x16x256xf32, #tpu.memory_space<vmem>>, vector<1x1x16xf32>,
          %get3A_241 = vector.shape_cast %get3A_240 : vector<1x1x16xf32> to vector<16xf32>
          %add3A_242 = arith.addf %add3A_235, %get3A_241 : vector<16xf32>
          %get3A_243 = arith.constant 6 : i32
          %get3A_244 = arith.index_cast %scan3A_84 : i32 to index
          %get3A_245 = arith.index_cast %get3A_243 : i32 to index
          %get3A_246 = arith.constant 16 : index
          %get3A_247 = tpu.vector_load %arg4[%get3A_244, %get3A_245, %get3A_246] {strides = array<i32>} : memref<8x16x256xf32, #tpu.memory_space<vmem>>, vector<1x1x16xf32>,
          %get3A_248 = vector.shape_cast %get3A_247 : vector<1x1x16xf32> to vector<16xf32>
          %add3A_249 = arith.addf %add3A_242, %get3A_248 : vector<16xf32>
          %get3A_250 = arith.constant 7 : i32
          %get3A_251 = arith.index_cast %scan3A_84 : i32 to index
          %get3A_252 = arith.index_cast %get3A_250 : i32 to index
          %get3A_253 = arith.constant 16 : index
          %get3A_254 = tpu.vector_load %arg4[%get3A_251, %get3A_252, %get3A_253] {strides = array<i32>} : memref<8x16x256xf32, #tpu.memory_space<vmem>>, vector<1x1x16xf32>,
          %get3A_255 = vector.shape_cast %get3A_254 : vector<1x1x16xf32> to vector<16xf32>
          %add3A_256 = arith.addf %add3A_249, %get3A_255 : vector<16xf32>
          %get3A_257 = arith.constant 8 : i32
          %get3A_258 = arith.index_cast %scan3A_84 : i32 to index
          %get3A_259 = arith.index_cast %get3A_257 : i32 to index
          %get3A_260 = arith.constant 16 : index
          %get3A_261 = tpu.vector_load %arg4[%get3A_258, %get3A_259, %get3A_260] {strides = array<i32>} : memref<8x16x256xf32, #tpu.memory_space<vmem>>, vector<1x1x16xf32>,
          %get3A_262 = vector.shape_cast %get3A_261 : vector<1x1x16xf32> to vector<16xf32>
          %add3A_263 = arith.addf %add3A_256, %get3A_262 : vector<16xf32>
          %get3A_264 = arith.constant 9 : i32
          %get3A_265 = arith.index_cast %scan3A_84 : i32 to index
          %get3A_266 = arith.index_cast %get3A_264 : i32 to index
          %get3A_267 = arith.constant 16 : index
          %get3A_268 = tpu.vector_load %arg4[%get3A_265, %get3A_266, %get3A_267] {strides = array<i32>} : memref<8x16x256xf32, #tpu.memory_space<vmem>>, vector<1x1x16xf32>,
          %get3A_269 = vector.shape_cast %get3A_268 : vector<1x1x16xf32> to vector<16xf32>
          %add3A_270 = arith.addf %add3A_263, %get3A_269 : vector<16xf32>
          %get3A_271 = arith.constant 10 : i32
          %get3A_272 = arith.index_cast %scan3A_84 : i32 to index
          %get3A_273 = arith.index_cast %get3A_271 : i32 to index
          %get3A_274 = arith.constant 16 : index
          %get3A_275 = tpu.vector_load %arg4[%get3A_272, %get3A_273, %get3A_274] {strides = array<i32>} : memref<8x16x256xf32, #tpu.memory_space<vmem>>, vector<1x1x16xf32>,
          %get3A_276 = vector.shape_cast %get3A_275 : vector<1x1x16xf32> to vector<16xf32>
          %add3A_277 = arith.addf %add3A_270, %get3A_276 : vector<16xf32>
          %get3A_278 = arith.constant 11 : i32
          %get3A_279 = arith.index_cast %scan3A_84 : i32 to index
          %get3A_280 = arith.index_cast %get3A_278 : i32 to index
          %get3A_281 = arith.constant 16 : index
          %get3A_282 = tpu.vector_load %arg4[%get3A_279, %get3A_280, %get3A_281] {strides = array<i32>} : memref<8x16x256xf32, #tpu.memory_space<vmem>>, vector<1x1x16xf32>,
          %get3A_283 = vector.shape_cast %get3A_282 : vector<1x1x16xf32> to vector<16xf32>
          %add3A_284 = arith.addf %add3A_277, %get3A_283 : vector<16xf32>
          %get3A_285 = arith.constant 12 : i32
          %get3A_286 = arith.index_cast %scan3A_84 : i32 to index
          %get3A_287 = arith.index_cast %get3A_285 : i32 to index
          %get3A_288 = arith.constant 16 : index
          %get3A_289 = tpu.vector_load %arg4[%get3A_286, %get3A_287, %get3A_288] {strides = array<i32>} : memref<8x16x256xf32, #tpu.memory_space<vmem>>, vector<1x1x16xf32>,
          %get3A_290 = vector.shape_cast %get3A_289 : vector<1x1x16xf32> to vector<16xf32>
          %add3A_291 = arith.addf %add3A_284, %get3A_290 : vector<16xf32>
          %get3A_292 = arith.constant 13 : i32
          %get3A_293 = arith.index_cast %scan3A_84 : i32 to index
          %get3A_294 = arith.index_cast %get3A_292 : i32 to index
          %get3A_295 = arith.constant 16 : index
          %get3A_296 = tpu.vector_load %arg4[%get3A_293, %get3A_294, %get3A_295] {strides = array<i32>} : memref<8x16x256xf32, #tpu.memory_space<vmem>>, vector<1x1x16xf32>,
          %get3A_297 = vector.shape_cast %get3A_296 : vector<1x1x16xf32> to vector<16xf32>
          %add3A_298 = arith.addf %add3A_291, %get3A_297 : vector<16xf32>
          %get3A_299 = arith.constant 14 : i32
          %get3A_300 = arith.index_cast %scan3A_84 : i32 to index
          %get3A_301 = arith.index_cast %get3A_299 : i32 to index
          %get3A_302 = arith.constant 16 : index
          %get3A_303 = tpu.vector_load %arg4[%get3A_300, %get3A_301, %get3A_302] {strides = array<i32>} : memref<8x16x256xf32, #tpu.memory_space<vmem>>, vector<1x1x16xf32>,
          %get3A_304 = vector.shape_cast %get3A_303 : vector<1x1x16xf32> to vector<16xf32>
          %add3A_305 = arith.addf %add3A_298, %get3A_304 : vector<16xf32>
          %get3A_306 = arith.constant 15 : i32
          %get3A_307 = arith.index_cast %scan3A_84 : i32 to index
          %get3A_308 = arith.index_cast %get3A_306 : i32 to index
          %get3A_309 = arith.constant 16 : index
          %get3A_310 = tpu.vector_load %arg4[%get3A_307, %get3A_308, %get3A_309] {strides = array<i32>} : memref<8x16x256xf32, #tpu.memory_space<vmem>>, vector<1x1x16xf32>,
          %get3A_311 = vector.shape_cast %get3A_310 : vector<1x1x16xf32> to vector<16xf32>
          %add3A_312 = arith.addf %add3A_305, %get3A_311 : vector<16xf32>
          %mul3A_313 = arith.constant 6.250000e-02 : f32
          %mul3A_314 = vector.broadcast %mul3A_313 : f32 to vector<16xf32>
          %mul3A_315 = arith.mulf %add3A_312, %mul3A_314 : vector<16xf32>
          %swap3A_316 = arith.index_cast %scan3A_84 : i32 to index
          %swap3A_317 = arith.constant 16 : index
          %swap3A_318 = tpu.vector_load %arg6[%swap3A_316, %swap3A_317] {strides = array<i32>} : memref<8x256xf32, #tpu.memory_space<vmem>>, vector<1x16xf32>,
          %swap3A_319 = vector.shape_cast %swap3A_318 : vector<1x16xf32> to vector<16xf32>
          %swap3A_320 = vector.shape_cast %mul3A_315 : vector<16xf32> to vector<1x16xf32>
          tpu.vector_store %arg6[%swap3A_316, %swap3A_317], %swap3A_320 {strides = array<i32>} : memref<8x256xf32, #tpu.memory_space<vmem>>, vector<1x16xf32>,
          %get3A_321 = arith.constant 0 : i32
          %get3A_322 = arith.index_cast %scan3A_84 : i32 to index
          %get3A_323 = arith.index_cast %get3A_321 : i32 to index
          %get3A_324 = arith.constant 32 : index
          %get3A_325 = tpu.vector_load %arg4[%get3A_322, %get3A_323, %get3A_324] {strides = array<i32>} : memref<8x16x256xf32, #tpu.memory_space<vmem>>, vector<1x1x16xf32>,
          %get3A_326 = vector.shape_cast %get3A_325 : vector<1x1x16xf32> to vector<16xf32>
          %get3A_327 = arith.constant 1 : i32
          %get3A_328 = arith.index_cast %scan3A_84 : i32 to index
          %get3A_329 = arith.index_cast %get3A_327 : i32 to index
          %get3A_330 = arith.constant 32 : index
          %get3A_331 = tpu.vector_load %arg4[%get3A_328, %get3A_329, %get3A_330] {strides = array<i32>} : memref<8x16x256xf32, #tpu.memory_space<vmem>>, vector<1x1x16xf32>,
          %get3A_332 = vector.shape_cast %get3A_331 : vector<1x1x16xf32> to vector<16xf32>
          %add3A_333 = arith.addf %get3A_326, %get3A_332 : vector<16xf32>
          %get3A_334 = arith.constant 2 : i32
          %get3A_335 = arith.index_cast %scan3A_84 : i32 to index
          %get3A_336 = arith.index_cast %get3A_334 : i32 to index
          %get3A_337 = arith.constant 32 : index
          %get3A_338 = tpu.vector_load %arg4[%get3A_335, %get3A_336, %get3A_337] {strides = array<i32>} : memref<8x16x256xf32, #tpu.memory_space<vmem>>, vector<1x1x16xf32>,
          %get3A_339 = vector.shape_cast %get3A_338 : vector<1x1x16xf32> to vector<16xf32>
          %add3A_340 = arith.addf %add3A_333, %get3A_339 : vector<16xf32>
          %get3A_341 = arith.constant 3 : i32
          %get3A_342 = arith.index_cast %scan3A_84 : i32 to index
          %get3A_343 = arith.index_cast %get3A_341 : i32 to index
          %get3A_344 = arith.constant 32 : index
          %get3A_345 = tpu.vector_load %arg4[%get3A_342, %get3A_343, %get3A_344] {strides = array<i32>} : memref<8x16x256xf32, #tpu.memory_space<vmem>>, vector<1x1x16xf32>,
          %get3A_346 = vector.shape_cast %get3A_345 : vector<1x1x16xf32> to vector<16xf32>
          %add3A_347 = arith.addf %add3A_340, %get3A_346 : vector<16xf32>
          %get3A_348 = arith.constant 4 : i32
          %get3A_349 = arith.index_cast %scan3A_84 : i32 to index
          %get3A_350 = arith.index_cast %get3A_348 : i32 to index
          %get3A_351 = arith.constant 32 : index
          %get3A_352 = tpu.vector_load %arg4[%get3A_349, %get3A_350, %get3A_351] {strides = array<i32>} : memref<8x16x256xf32, #tpu.memory_space<vmem>>, vector<1x1x16xf32>,
          %get3A_353 = vector.shape_cast %get3A_352 : vector<1x1x16xf32> to vector<16xf32>
          %add3A_354 = arith.addf %add3A_347, %get3A_353 : vector<16xf32>
          %get3A_355 = arith.constant 5 : i32
          %get3A_356 = arith.index_cast %scan3A_84 : i32 to index
          %get3A_357 = arith.index_cast %get3A_355 : i32 to index
          %get3A_358 = arith.constant 32 : index
          %get3A_359 = tpu.vector_load %arg4[%get3A_356, %get3A_357, %get3A_358] {strides = array<i32>} : memref<8x16x256xf32, #tpu.memory_space<vmem>>, vector<1x1x16xf32>,
          %get3A_360 = vector.shape_cast %get3A_359 : vector<1x1x16xf32> to vector<16xf32>
          %add3A_361 = arith.addf %add3A_354, %get3A_360 : vector<16xf32>
          %get3A_362 = arith.constant 6 : i32
          %get3A_363 = arith.index_cast %scan3A_84 : i32 to index
          %get3A_364 = arith.index_cast %get3A_362 : i32 to index
          %get3A_365 = arith.constant 32 : index
          %get3A_366 = tpu.vector_load %arg4[%get3A_363, %get3A_364, %get3A_365] {strides = array<i32>} : memref<8x16x256xf32, #tpu.memory_space<vmem>>, vector<1x1x16xf32>,
          %get3A_367 = vector.shape_cast %get3A_366 : vector<1x1x16xf32> to vector<16xf32>
          %add3A_368 = arith.addf %add3A_361, %get3A_367 : vector<16xf32>
          %get3A_369 = arith.constant 7 : i32
          %get3A_370 = arith.index_cast %scan3A_84 : i32 to index
          %get3A_371 = arith.index_cast %get3A_369 : i32 to index
          %get3A_372 = arith.constant 32 : index
          %get3A_373 = tpu.vector_load %arg4[%get3A_370, %get3A_371, %get3A_372] {strides = array<i32>} : memref<8x16x256xf32, #tpu.memory_space<vmem>>, vector<1x1x16xf32>,
          %get3A_374 = vector.shape_cast %get3A_373 : vector<1x1x16xf32> to vector<16xf32>
          %add3A_375 = arith.addf %add3A_368, %get3A_374 : vector<16xf32>
          %get3A_376 = arith.constant 8 : i32
          %get3A_377 = arith.index_cast %scan3A_84 : i32 to index
          %get3A_378 = arith.index_cast %get3A_376 : i32 to index
          %get3A_379 = arith.constant 32 : index
          %get3A_380 = tpu.vector_load %arg4[%get3A_377, %get3A_378, %get3A_379] {strides = array<i32>} : memref<8x16x256xf32, #tpu.memory_space<vmem>>, vector<1x1x16xf32>,
          %get3A_381 = vector.shape_cast %get3A_380 : vector<1x1x16xf32> to vector<16xf32>
          %add3A_382 = arith.addf %add3A_375, %get3A_381 : vector<16xf32>
          %get3A_383 = arith.constant 9 : i32
          %get3A_384 = arith.index_cast %scan3A_84 : i32 to index
          %get3A_385 = arith.index_cast %get3A_383 : i32 to index
          %get3A_386 = arith.constant 32 : index
          %get3A_387 = tpu.vector_load %arg4[%get3A_384, %get3A_385, %get3A_386] {strides = array<i32>} : memref<8x16x256xf32, #tpu.memory_space<vmem>>, vector<1x1x16xf32>,
          %get3A_388 = vector.shape_cast %get3A_387 : vector<1x1x16xf32> to vector<16xf32>
          %add3A_389 = arith.addf %add3A_382, %get3A_388 : vector<16xf32>
          %get3A_390 = arith.constant 10 : i32
          %get3A_391 = arith.index_cast %scan3A_84 : i32 to index
          %get3A_392 = arith.index_cast %get3A_390 : i32 to index
          %get3A_393 = arith.constant 32 : index
          %get3A_394 = tpu.vector_load %arg4[%get3A_391, %get3A_392, %get3A_393] {strides = array<i32>} : memref<8x16x256xf32, #tpu.memory_space<vmem>>, vector<1x1x16xf32>,
          %get3A_395 = vector.shape_cast %get3A_394 : vector<1x1x16xf32> to vector<16xf32>
          %add3A_396 = arith.addf %add3A_389, %get3A_395 : vector<16xf32>
          %get3A_397 = arith.constant 11 : i32
          %get3A_398 = arith.index_cast %scan3A_84 : i32 to index
          %get3A_399 = arith.index_cast %get3A_397 : i32 to index
          %get3A_400 = arith.constant 32 : index
          %get3A_401 = tpu.vector_load %arg4[%get3A_398, %get3A_399, %get3A_400] {strides = array<i32>} : memref<8x16x256xf32, #tpu.memory_space<vmem>>, vector<1x1x16xf32>,
          %get3A_402 = vector.shape_cast %get3A_401 : vector<1x1x16xf32> to vector<16xf32>
          %add3A_403 = arith.addf %add3A_396, %get3A_402 : vector<16xf32>
          %get3A_404 = arith.constant 12 : i32
          %get3A_405 = arith.index_cast %scan3A_84 : i32 to index
          %get3A_406 = arith.index_cast %get3A_404 : i32 to index
          %get3A_407 = arith.constant 32 : index
          %get3A_408 = tpu.vector_load %arg4[%get3A_405, %get3A_406, %get3A_407] {strides = array<i32>} : memref<8x16x256xf32, #tpu.memory_space<vmem>>, vector<1x1x16xf32>,
          %get3A_409 = vector.shape_cast %get3A_408 : vector<1x1x16xf32> to vector<16xf32>
          %add3A_410 = arith.addf %add3A_403, %get3A_409 : vector<16xf32>
          %get3A_411 = arith.constant 13 : i32
          %get3A_412 = arith.index_cast %scan3A_84 : i32 to index
          %get3A_413 = arith.index_cast %get3A_411 : i32 to index
          %get3A_414 = arith.constant 32 : index
          %get3A_415 = tpu.vector_load %arg4[%get3A_412, %get3A_413, %get3A_414] {strides = array<i32>} : memref<8x16x256xf32, #tpu.memory_space<vmem>>, vector<1x1x16xf32>,
          %get3A_416 = vector.shape_cast %get3A_415 : vector<1x1x16xf32> to vector<16xf32>
          %add3A_417 = arith.addf %add3A_410, %get3A_416 : vector<16xf32>
          %get3A_418 = arith.constant 14 : i32
          %get3A_419 = arith.index_cast %scan3A_84 : i32 to index
          %get3A_420 = arith.index_cast %get3A_418 : i32 to index
          %get3A_421 = arith.constant 32 : index
          %get3A_422 = tpu.vector_load %arg4[%get3A_419, %get3A_420, %get3A_421] {strides = array<i32>} : memref<8x16x256xf32, #tpu.memory_space<vmem>>, vector<1x1x16xf32>,
          %get3A_423 = vector.shape_cast %get3A_422 : vector<1x1x16xf32> to vector<16xf32>
          %add3A_424 = arith.addf %add3A_417, %get3A_423 : vector<16xf32>
          %get3A_425 = arith.constant 15 : i32
          %get3A_426 = arith.index_cast %scan3A_84 : i32 to index
          %get3A_427 = arith.index_cast %get3A_425 : i32 to index
          %get3A_428 = arith.constant 32 : index
          %get3A_429 = tpu.vector_load %arg4[%get3A_426, %get3A_427, %get3A_428] {strides = array<i32>} : memref<8x16x256xf32, #tpu.memory_space<vmem>>, vector<1x1x16xf32>,
          %get3A_430 = vector.shape_cast %get3A_429 : vector<1x1x16xf32> to vector<16xf32>
          %add3A_431 = arith.addf %add3A_424, %get3A_430 : vector<16xf32>
          %mul3A_432 = arith.constant 6.250000e-02 : f32
          %mul3A_433 = vector.broadcast %mul3A_432 : f32 to vector<16xf32>
          %mul3A_434 = arith.mulf %add3A_431, %mul3A_433 : vector<16xf32>
          %swap3A_435 = arith.index_cast %scan3A_84 : i32 to index
          %swap3A_436 = arith.constant 32 : index
          %swap3A_437 = tpu.vector_load %arg6[%swap3A_435, %swap3A_436] {strides = array<i32>} : memref<8x256xf32, #tpu.memory_space<vmem>>, vector<1x16xf32>,
          %swap3A_438 = vector.shape_cast %swap3A_437 : vector<1x16xf32> to vector<16xf32>
          %swap3A_439 = vector.shape_cast %mul3A_434 : vector<16xf32> to vector<1x16xf32>
          tpu.vector_store %arg6[%swap3A_435, %swap3A_436], %swap3A_439 {strides = array<i32>} : memref<8x256xf32, #tpu.memory_space<vmem>>, vector<1x16xf32>,
          %get3A_440 = arith.constant 0 : i32
          %get3A_441 = arith.index_cast %scan3A_84 : i32 to index
          %get3A_442 = arith.index_cast %get3A_440 : i32 to index
          %get3A_443 = arith.constant 48 : index
          %get3A_444 = tpu.vector_load %arg4[%get3A_441, %get3A_442, %get3A_443] {strides = array<i32>} : memref<8x16x256xf32, #tpu.memory_space<vmem>>, vector<1x1x16xf32>,
          %get3A_445 = vector.shape_cast %get3A_444 : vector<1x1x16xf32> to vector<16xf32>
          %get3A_446 = arith.constant 1 : i32
          %get3A_447 = arith.index_cast %scan3A_84 : i32 to index
          %get3A_448 = arith.index_cast %get3A_446 : i32 to index
          %get3A_449 = arith.constant 48 : index
          %get3A_450 = tpu.vector_load %arg4[%get3A_447, %get3A_448, %get3A_449] {strides = array<i32>} : memref<8x16x256xf32, #tpu.memory_space<vmem>>, vector<1x1x16xf32>,
          %get3A_451 = vector.shape_cast %get3A_450 : vector<1x1x16xf32> to vector<16xf32>
          %add3A_452 = arith.addf %get3A_445, %get3A_451 : vector<16xf32>
          %get3A_453 = arith.constant 2 : i32
          %get3A_454 = arith.index_cast %scan3A_84 : i32 to index
          %get3A_455 = arith.index_cast %get3A_453 : i32 to index
          %get3A_456 = arith.constant 48 : index
          %get3A_457 = tpu.vector_load %arg4[%get3A_454, %get3A_455, %get3A_456] {strides = array<i32>} : memref<8x16x256xf32, #tpu.memory_space<vmem>>, vector<1x1x16xf32>,
          %get3A_458 = vector.shape_cast %get3A_457 : vector<1x1x16xf32> to vector<16xf32>
          %add3A_459 = arith.addf %add3A_452, %get3A_458 : vector<16xf32>
          %get3A_460 = arith.constant 3 : i32
          %get3A_461 = arith.index_cast %scan3A_84 : i32 to index
          %get3A_462 = arith.index_cast %get3A_460 : i32 to index
          %get3A_463 = arith.constant 48 : index
          %get3A_464 = tpu.vector_load %arg4[%get3A_461, %get3A_462, %get3A_463] {strides = array<i32>} : memref<8x16x256xf32, #tpu.memory_space<vmem>>, vector<1x1x16xf32>,
          %get3A_465 = vector.shape_cast %get3A_464 : vector<1x1x16xf32> to vector<16xf32>
          %add3A_466 = arith.addf %add3A_459, %get3A_465 : vector<16xf32>
          %get3A_467 = arith.constant 4 : i32
          %get3A_468 = arith.index_cast %scan3A_84 : i32 to index
          %get3A_469 = arith.index_cast %get3A_467 : i32 to index
          %get3A_470 = arith.constant 48 : index
          %get3A_471 = tpu.vector_load %arg4[%get3A_468, %get3A_469, %get3A_470] {strides = array<i32>} : memref<8x16x256xf32, #tpu.memory_space<vmem>>, vector<1x1x16xf32>,
          %get3A_472 = vector.shape_cast %get3A_471 : vector<1x1x16xf32> to vector<16xf32>
          %add3A_473 = arith.addf %add3A_466, %get3A_472 : vector<16xf32>
          %get3A_474 = arith.constant 5 : i32
          %get3A_475 = arith.index_cast %scan3A_84 : i32 to index
          %get3A_476 = arith.index_cast %get3A_474 : i32 to index
          %get3A_477 = arith.constant 48 : index
          %get3A_478 = tpu.vector_load %arg4[%get3A_475, %get3A_476, %get3A_477] {strides = array<i32>} : memref<8x16x256xf32, #tpu.memory_space<vmem>>, vector<1x1x16xf32>,
          %get3A_479 = vector.shape_cast %get3A_478 : vector<1x1x16xf32> to vector<16xf32>
          %add3A_480 = arith.addf %add3A_473, %get3A_479 : vector<16xf32>
          %get3A_481 = arith.constant 6 : i32
          %get3A_482 = arith.index_cast %scan3A_84 : i32 to index
          %get3A_483 = arith.index_cast %get3A_481 : i32 to index
          %get3A_484 = arith.constant 48 : index
          %get3A_485 = tpu.vector_load %arg4[%get3A_482, %get3A_483, %get3A_484] {strides = array<i32>} : memref<8x16x256xf32, #tpu.memory_space<vmem>>, vector<1x1x16xf32>,
          %get3A_486 = vector.shape_cast %get3A_485 : vector<1x1x16xf32> to vector<16xf32>
          %add3A_487 = arith.addf %add3A_480, %get3A_486 : vector<16xf32>
          %get3A_488 = arith.constant 7 : i32
          %get3A_489 = arith.index_cast %scan3A_84 : i32 to index
          %get3A_490 = arith.index_cast %get3A_488 : i32 to index
          %get3A_491 = arith.constant 48 : index
          %get3A_492 = tpu.vector_load %arg4[%get3A_489, %get3A_490, %get3A_491] {strides = array<i32>} : memref<8x16x256xf32, #tpu.memory_space<vmem>>, vector<1x1x16xf32>,
          %get3A_493 = vector.shape_cast %get3A_492 : vector<1x1x16xf32> to vector<16xf32>
          %add3A_494 = arith.addf %add3A_487, %get3A_493 : vector<16xf32>
          %get3A_495 = arith.constant 8 : i32
          %get3A_496 = arith.index_cast %scan3A_84 : i32 to index
          %get3A_497 = arith.index_cast %get3A_495 : i32 to index
          %get3A_498 = arith.constant 48 : index
          %get3A_499 = tpu.vector_load %arg4[%get3A_496, %get3A_497, %get3A_498] {strides = array<i32>} : memref<8x16x256xf32, #tpu.memory_space<vmem>>, vector<1x1x16xf32>,
          %get3A_500 = vector.shape_cast %get3A_499 : vector<1x1x16xf32> to vector<16xf32>
          %add3A_501 = arith.addf %add3A_494, %get3A_500 : vector<16xf32>
          %get3A_502 = arith.constant 9 : i32
          %get3A_503 = arith.index_cast %scan3A_84 : i32 to index
          %get3A_504 = arith.index_cast %get3A_502 : i32 to index
          %get3A_505 = arith.constant 48 : index
          %get3A_506 = tpu.vector_load %arg4[%get3A_503, %get3A_504, %get3A_505] {strides = array<i32>} : memref<8x16x256xf32, #tpu.memory_space<vmem>>, vector<1x1x16xf32>,
          %get3A_507 = vector.shape_cast %get3A_506 : vector<1x1x16xf32> to vector<16xf32>
          %add3A_508 = arith.addf %add3A_501, %get3A_507 : vector<16xf32>
          %get3A_509 = arith.constant 10 : i32
          %get3A_510 = arith.index_cast %scan3A_84 : i32 to index
          %get3A_511 = arith.index_cast %get3A_509 : i32 to index
          %get3A_512 = arith.constant 48 : index
          %get3A_513 = tpu.vector_load %arg4[%get3A_510, %get3A_511, %get3A_512] {strides = array<i32>} : memref<8x16x256xf32, #tpu.memory_space<vmem>>, vector<1x1x16xf32>,
          %get3A_514 = vector.shape_cast %get3A_513 : vector<1x1x16xf32> to vector<16xf32>
          %add3A_515 = arith.addf %add3A_508, %get3A_514 : vector<16xf32>
          %get3A_516 = arith.constant 11 : i32
          %get3A_517 = arith.index_cast %scan3A_84 : i32 to index
          %get3A_518 = arith.index_cast %get3A_516 : i32 to index
          %get3A_519 = arith.constant 48 : index
          %get3A_520 = tpu.vector_load %arg4[%get3A_517, %get3A_518, %get3A_519] {strides = array<i32>} : memref<8x16x256xf32, #tpu.memory_space<vmem>>, vector<1x1x16xf32>,
          %get3A_521 = vector.shape_cast %get3A_520 : vector<1x1x16xf32> to vector<16xf32>
          %add3A_522 = arith.addf %add3A_515, %get3A_521 : vector<16xf32>
          %get3A_523 = arith.constant 12 : i32
          %get3A_524 = arith.index_cast %scan3A_84 : i32 to index
          %get3A_525 = arith.index_cast %get3A_523 : i32 to index
          %get3A_526 = arith.constant 48 : index
          %get3A_527 = tpu.vector_load %arg4[%get3A_524, %get3A_525, %get3A_526] {strides = array<i32>} : memref<8x16x256xf32, #tpu.memory_space<vmem>>, vector<1x1x16xf32>,
          %get3A_528 = vector.shape_cast %get3A_527 : vector<1x1x16xf32> to vector<16xf32>
          %add3A_529 = arith.addf %add3A_522, %get3A_528 : vector<16xf32>
          %get3A_530 = arith.constant 13 : i32
          %get3A_531 = arith.index_cast %scan3A_84 : i32 to index
          %get3A_532 = arith.index_cast %get3A_530 : i32 to index
          %get3A_533 = arith.constant 48 : index
          %get3A_534 = tpu.vector_load %arg4[%get3A_531, %get3A_532, %get3A_533] {strides = array<i32>} : memref<8x16x256xf32, #tpu.memory_space<vmem>>, vector<1x1x16xf32>,
          %get3A_535 = vector.shape_cast %get3A_534 : vector<1x1x16xf32> to vector<16xf32>
          %add3A_536 = arith.addf %add3A_529, %get3A_535 : vector<16xf32>
          %get3A_537 = arith.constant 14 : i32
          %get3A_538 = arith.index_cast %scan3A_84 : i32 to index
          %get3A_539 = arith.index_cast %get3A_537 : i32 to index
          %get3A_540 = arith.constant 48 : index
          %get3A_541 = tpu.vector_load %arg4[%get3A_538, %get3A_539, %get3A_540] {strides = array<i32>} : memref<8x16x256xf32, #tpu.memory_space<vmem>>, vector<1x1x16xf32>,
          %get3A_542 = vector.shape_cast %get3A_541 : vector<1x1x16xf32> to vector<16xf32>
          %add3A_543 = arith.addf %add3A_536, %get3A_542 : vector<16xf32>
          %get3A_544 = arith.constant 15 : i32
          %get3A_545 = arith.index_cast %scan3A_84 : i32 to index
          %get3A_546 = arith.index_cast %get3A_544 : i32 to index
          %get3A_547 = arith.constant 48 : index
          %get3A_548 = tpu.vector_load %arg4[%get3A_545, %get3A_546, %get3A_547] {strides = array<i32>} : memref<8x16x256xf32, #tpu.memory_space<vmem>>, vector<1x1x16xf32>,
          %get3A_549 = vector.shape_cast %get3A_548 : vector<1x1x16xf32> to vector<16xf32>
          %add3A_550 = arith.addf %add3A_543, %get3A_549 : vector<16xf32>
          %mul3A_551 = arith.constant 6.250000e-02 : f32
          %mul3A_552 = vector.broadcast %mul3A_551 : f32 to vector<16xf32>
          %mul3A_553 = arith.mulf %add3A_550, %mul3A_552 : vector<16xf32>
          %swap3A_554 = arith.index_cast %scan3A_84 : i32 to index
          %swap3A_555 = arith.constant 48 : index
          %swap3A_556 = tpu.vector_load %arg6[%swap3A_554, %swap3A_555] {strides = array<i32>} : memref<8x256xf32, #tpu.memory_space<vmem>>, vector<1x16xf32>,
          %swap3A_557 = vector.shape_cast %swap3A_556 : vector<1x16xf32> to vector<16xf32>
          %swap3A_558 = vector.shape_cast %mul3A_553 : vector<16xf32> to vector<1x16xf32>
          tpu.vector_store %arg6[%swap3A_554, %swap3A_555], %swap3A_558 {strides = array<i32>} : memref<8x256xf32, #tpu.memory_space<vmem>>, vector<1x16xf32>,
          %get3A_559 = arith.constant 0 : i32
          %get3A_560 = arith.index_cast %scan3A_84 : i32 to index
          %get3A_561 = arith.index_cast %get3A_559 : i32 to index
          %get3A_562 = arith.constant 64 : index
          %get3A_563 = tpu.vector_load %arg4[%get3A_560, %get3A_561, %get3A_562] {strides = array<i32>} : memref<8x16x256xf32, #tpu.memory_space<vmem>>, vector<1x1x16xf32>,
          %get3A_564 = vector.shape_cast %get3A_563 : vector<1x1x16xf32> to vector<16xf32>
          %get3A_565 = arith.constant 1 : i32
          %get3A_566 = arith.index_cast %scan3A_84 : i32 to index
          %get3A_567 = arith.index_cast %get3A_565 : i32 to index
          %get3A_568 = arith.constant 64 : index
          %get3A_569 = tpu.vector_load %arg4[%get3A_566, %get3A_567, %get3A_568] {strides = array<i32>} : memref<8x16x256xf32, #tpu.memory_space<vmem>>, vector<1x1x16xf32>,
          %get3A_570 = vector.shape_cast %get3A_569 : vector<1x1x16xf32> to vector<16xf32>
          %add3A_571 = arith.addf %get3A_564, %get3A_570 : vector<16xf32>
          %get3A_572 = arith.constant 2 : i32
          %get3A_573 = arith.index_cast %scan3A_84 : i32 to index
          %get3A_574 = arith.index_cast %get3A_572 : i32 to index
          %get3A_575 = arith.constant 64 : index
          %get3A_576 = tpu.vector_load %arg4[%get3A_573, %get3A_574, %get3A_575] {strides = array<i32>} : memref<8x16x256xf32, #tpu.memory_space<vmem>>, vector<1x1x16xf32>,
          %get3A_577 = vector.shape_cast %get3A_576 : vector<1x1x16xf32> to vector<16xf32>
          %add3A_578 = arith.addf %add3A_571, %get3A_577 : vector<16xf32>
          %get3A_579 = arith.constant 3 : i32
          %get3A_580 = arith.index_cast %scan3A_84 : i32 to index
          %get3A_581 = arith.index_cast %get3A_579 : i32 to index
          %get3A_582 = arith.constant 64 : index
          %get3A_583 = tpu.vector_load %arg4[%get3A_580, %get3A_581, %get3A_582] {strides = array<i32>} : memref<8x16x256xf32, #tpu.memory_space<vmem>>, vector<1x1x16xf32>,
          %get3A_584 = vector.shape_cast %get3A_583 : vector<1x1x16xf32> to vector<16xf32>
          %add3A_585 = arith.addf %add3A_578, %get3A_584 : vector<16xf32>
          %get3A_586 = arith.constant 4 : i32
          %get3A_587 = arith.index_cast %scan3A_84 : i32 to index
          %get3A_588 = arith.index_cast %get3A_586 : i32 to index
          %get3A_589 = arith.constant 64 : index
          %get3A_590 = tpu.vector_load %arg4[%get3A_587, %get3A_588, %get3A_589] {strides = array<i32>} : memref<8x16x256xf32, #tpu.memory_space<vmem>>, vector<1x1x16xf32>,
          %get3A_591 = vector.shape_cast %get3A_590 : vector<1x1x16xf32> to vector<16xf32>
          %add3A_592 = arith.addf %add3A_585, %get3A_591 : vector<16xf32>
          %get3A_593 = arith.constant 5 : i32
          %get3A_594 = arith.index_cast %scan3A_84 : i32 to index
          %get3A_595 = arith.index_cast %get3A_593 : i32 to index
          %get3A_596 = arith.constant 64 : index
          %get3A_597 = tpu.vector_load %arg4[%get3A_594, %get3A_595, %get3A_596] {strides = array<i32>} : memref<8x16x256xf32, #tpu.memory_space<vmem>>, vector<1x1x16xf32>,
          %get3A_598 = vector.shape_cast %get3A_597 : vector<1x1x16xf32> to vector<16xf32>
          %add3A_599 = arith.addf %add3A_592, %get3A_598 : vector<16xf32>
          %get3A_600 = arith.constant 6 : i32
          %get3A_601 = arith.index_cast %scan3A_84 : i32 to index
          %get3A_602 = arith.index_cast %get3A_600 : i32 to index
          %get3A_603 = arith.constant 64 : index
          %get3A_604 = tpu.vector_load %arg4[%get3A_601, %get3A_602, %get3A_603] {strides = array<i32>} : memref<8x16x256xf32, #tpu.memory_space<vmem>>, vector<1x1x16xf32>,
          %get3A_605 = vector.shape_cast %get3A_604 : vector<1x1x16xf32> to vector<16xf32>
          %add3A_606 = arith.addf %add3A_599, %get3A_605 : vector<16xf32>
          %get3A_607 = arith.constant 7 : i32
          %get3A_608 = arith.index_cast %scan3A_84 : i32 to index
          %get3A_609 = arith.index_cast %get3A_607 : i32 to index
          %get3A_610 = arith.constant 64 : index
          %get3A_611 = tpu.vector_load %arg4[%get3A_608, %get3A_609, %get3A_610] {strides = array<i32>} : memref<8x16x256xf32, #tpu.memory_space<vmem>>, vector<1x1x16xf32>,
          %get3A_612 = vector.shape_cast %get3A_611 : vector<1x1x16xf32> to vector<16xf32>
          %add3A_613 = arith.addf %add3A_606, %get3A_612 : vector<16xf32>
          %get3A_614 = arith.constant 8 : i32
          %get3A_615 = arith.index_cast %scan3A_84 : i32 to index
          %get3A_616 = arith.index_cast %get3A_614 : i32 to index
          %get3A_617 = arith.constant 64 : index
          %get3A_618 = tpu.vector_load %arg4[%get3A_615, %get3A_616, %get3A_617] {strides = array<i32>} : memref<8x16x256xf32, #tpu.memory_space<vmem>>, vector<1x1x16xf32>,
          %get3A_619 = vector.shape_cast %get3A_618 : vector<1x1x16xf32> to vector<16xf32>
          %add3A_620 = arith.addf %add3A_613, %get3A_619 : vector<16xf32>
          %get3A_621 = arith.constant 9 : i32
          %get3A_622 = arith.index_cast %scan3A_84 : i32 to index
          %get3A_623 = arith.index_cast %get3A_621 : i32 to index
          %get3A_624 = arith.constant 64 : index
          %get3A_625 = tpu.vector_load %arg4[%get3A_622, %get3A_623, %get3A_624] {strides = array<i32>} : memref<8x16x256xf32, #tpu.memory_space<vmem>>, vector<1x1x16xf32>,
          %get3A_626 = vector.shape_cast %get3A_625 : vector<1x1x16xf32> to vector<16xf32>
          %add3A_627 = arith.addf %add3A_620, %get3A_626 : vector<16xf32>
          %get3A_628 = arith.constant 10 : i32
          %get3A_629 = arith.index_cast %scan3A_84 : i32 to index
          %get3A_630 = arith.index_cast %get3A_628 : i32 to index
          %get3A_631 = arith.constant 64 : index
          %get3A_632 = tpu.vector_load %arg4[%get3A_629, %get3A_630, %get3A_631] {strides = array<i32>} : memref<8x16x256xf32, #tpu.memory_space<vmem>>, vector<1x1x16xf32>,
          %get3A_633 = vector.shape_cast %get3A_632 : vector<1x1x16xf32> to vector<16xf32>
          %add3A_634 = arith.addf %add3A_627, %get3A_633 : vector<16xf32>
          %get3A_635 = arith.constant 11 : i32
          %get3A_636 = arith.index_cast %scan3A_84 : i32 to index
          %get3A_637 = arith.index_cast %get3A_635 : i32 to index
          %get3A_638 = arith.constant 64 : index
          %get3A_639 = tpu.vector_load %arg4[%get3A_636, %get3A_637, %get3A_638] {strides = array<i32>} : memref<8x16x256xf32, #tpu.memory_space<vmem>>, vector<1x1x16xf32>,
          %get3A_640 = vector.shape_cast %get3A_639 : vector<1x1x16xf32> to vector<16xf32>
          %add3A_641 = arith.addf %add3A_634, %get3A_640 : vector<16xf32>
          %get3A_642 = arith.constant 12 : i32
          %get3A_643 = arith.index_cast %scan3A_84 : i32 to index
          %get3A_644 = arith.index_cast %get3A_642 : i32 to index
          %get3A_645 = arith.constant 64 : index
          %get3A_646 = tpu.vector_load %arg4[%get3A_643, %get3A_644, %get3A_645] {strides = array<i32>} : memref<8x16x256xf32, #tpu.memory_space<vmem>>, vector<1x1x16xf32>,
          %get3A_647 = vector.shape_cast %get3A_646 : vector<1x1x16xf32> to vector<16xf32>
          %add3A_648 = arith.addf %add3A_641, %get3A_647 : vector<16xf32>
          %get3A_649 = arith.constant 13 : i32
          %get3A_650 = arith.index_cast %scan3A_84 : i32 to index
          %get3A_651 = arith.index_cast %get3A_649 : i32 to index
          %get3A_652 = arith.constant 64 : index
          %get3A_653 = tpu.vector_load %arg4[%get3A_650, %get3A_651, %get3A_652] {strides = array<i32>} : memref<8x16x256xf32, #tpu.memory_space<vmem>>, vector<1x1x16xf32>,
          %get3A_654 = vector.shape_cast %get3A_653 : vector<1x1x16xf32> to vector<16xf32>
          %add3A_655 = arith.addf %add3A_648, %get3A_654 : vector<16xf32>
          %get3A_656 = arith.constant 14 : i32
          %get3A_657 = arith.index_cast %scan3A_84 : i32 to index
          %get3A_658 = arith.index_cast %get3A_656 : i32 to index
          %get3A_659 = arith.constant 64 : index
          %get3A_660 = tpu.vector_load %arg4[%get3A_657, %get3A_658, %get3A_659] {strides = array<i32>} : memref<8x16x256xf32, #tpu.memory_space<vmem>>, vector<1x1x16xf32>,
          %get3A_661 = vector.shape_cast %get3A_660 : vector<1x1x16xf32> to vector<16xf32>
          %add3A_662 = arith.addf %add3A_655, %get3A_661 : vector<16xf32>
          %get3A_663 = arith.constant 15 : i32
          %get3A_664 = arith.index_cast %scan3A_84 : i32 to index
          %get3A_665 = arith.index_cast %get3A_663 : i32 to index
          %get3A_666 = arith.constant 64 : index
          %get3A_667 = tpu.vector_load %arg4[%get3A_664, %get3A_665, %get3A_666] {strides = array<i32>} : memref<8x16x256xf32, #tpu.memory_space<vmem>>, vector<1x1x16xf32>,
          %get3A_668 = vector.shape_cast %get3A_667 : vector<1x1x16xf32> to vector<16xf32>
          %add3A_669 = arith.addf %add3A_662, %get3A_668 : vector<16xf32>
          %mul3A_670 = arith.constant 6.250000e-02 : f32
          %mul3A_671 = vector.broadcast %mul3A_670 : f32 to vector<16xf32>
          %mul3A_672 = arith.mulf %add3A_669, %mul3A_671 : vector<16xf32>
          %swap3A_673 = arith.index_cast %scan3A_84 : i32 to index
          %swap3A_674 = arith.constant 64 : index
          %swap3A_675 = tpu.vector_load %arg6[%swap3A_673, %swap3A_674] {strides = array<i32>} : memref<8x256xf32, #tpu.memory_space<vmem>>, vector<1x16xf32>,
          %swap3A_676 = vector.shape_cast %swap3A_675 : vector<1x16xf32> to vector<16xf32>
          %swap3A_677 = vector.shape_cast %mul3A_672 : vector<16xf32> to vector<1x16xf32>
          tpu.vector_store %arg6[%swap3A_673, %swap3A_674], %swap3A_677 {strides = array<i32>} : memref<8x256xf32, #tpu.memory_space<vmem>>, vector<1x16xf32>,
          %get3A_678 = arith.constant 0 : i32
          %get3A_679 = arith.index_cast %scan3A_84 : i32 to index
          %get3A_680 = arith.index_cast %get3A_678 : i32 to index
          %get3A_681 = arith.constant 80 : index
          %get3A_682 = tpu.vector_load %arg4[%get3A_679, %get3A_680, %get3A_681] {strides = array<i32>} : memref<8x16x256xf32, #tpu.memory_space<vmem>>, vector<1x1x16xf32>,
          %get3A_683 = vector.shape_cast %get3A_682 : vector<1x1x16xf32> to vector<16xf32>
          %get3A_684 = arith.constant 1 : i32
          %get3A_685 = arith.index_cast %scan3A_84 : i32 to index
          %get3A_686 = arith.index_cast %get3A_684 : i32 to index
          %get3A_687 = arith.constant 80 : index
          %get3A_688 = tpu.vector_load %arg4[%get3A_685, %get3A_686, %get3A_687] {strides = array<i32>} : memref<8x16x256xf32, #tpu.memory_space<vmem>>, vector<1x1x16xf32>,
          %get3A_689 = vector.shape_cast %get3A_688 : vector<1x1x16xf32> to vector<16xf32>
          %add3A_690 = arith.addf %get3A_683, %get3A_689 : vector<16xf32>
          %get3A_691 = arith.constant 2 : i32
          %get3A_692 = arith.index_cast %scan3A_84 : i32 to index
          %get3A_693 = arith.index_cast %get3A_691 : i32 to index
          %get3A_694 = arith.constant 80 : index
          %get3A_695 = tpu.vector_load %arg4[%get3A_692, %get3A_693, %get3A_694] {strides = array<i32>} : memref<8x16x256xf32, #tpu.memory_space<vmem>>, vector<1x1x16xf32>,
          %get3A_696 = vector.shape_cast %get3A_695 : vector<1x1x16xf32> to vector<16xf32>
          %add3A_697 = arith.addf %add3A_690, %get3A_696 : vector<16xf32>
          %get3A_698 = arith.constant 3 : i32
          %get3A_699 = arith.index_cast %scan3A_84 : i32 to index
          %get3A_700 = arith.index_cast %get3A_698 : i32 to index
          %get3A_701 = arith.constant 80 : index
          %get3A_702 = tpu.vector_load %arg4[%get3A_699, %get3A_700, %get3A_701] {strides = array<i32>} : memref<8x16x256xf32, #tpu.memory_space<vmem>>, vector<1x1x16xf32>,
          %get3A_703 = vector.shape_cast %get3A_702 : vector<1x1x16xf32> to vector<16xf32>
          %add3A_704 = arith.addf %add3A_697, %get3A_703 : vector<16xf32>
          %get3A_705 = arith.constant 4 : i32
          %get3A_706 = arith.index_cast %scan3A_84 : i32 to index
          %get3A_707 = arith.index_cast %get3A_705 : i32 to index
          %get3A_708 = arith.constant 80 : index
          %get3A_709 = tpu.vector_load %arg4[%get3A_706, %get3A_707, %get3A_708] {strides = array<i32>} : memref<8x16x256xf32, #tpu.memory_space<vmem>>, vector<1x1x16xf32>,
          %get3A_710 = vector.shape_cast %get3A_709 : vector<1x1x16xf32> to vector<16xf32>
          %add3A_711 = arith.addf %add3A_704, %get3A_710 : vector<16xf32>
          %get3A_712 = arith.constant 5 : i32
          %get3A_713 = arith.index_cast %scan3A_84 : i32 to index
          %get3A_714 = arith.index_cast %get3A_712 : i32 to index
          %get3A_715 = arith.constant 80 : index
          %get3A_716 = tpu.vector_load %arg4[%get3A_713, %get3A_714, %get3A_715] {strides = array<i32>} : memref<8x16x256xf32, #tpu.memory_space<vmem>>, vector<1x1x16xf32>,
          %get3A_717 = vector.shape_cast %get3A_716 : vector<1x1x16xf32> to vector<16xf32>
          %add3A_718 = arith.addf %add3A_711, %get3A_717 : vector<16xf32>
          %get3A_719 = arith.constant 6 : i32
          %get3A_720 = arith.index_cast %scan3A_84 : i32 to index
          %get3A_721 = arith.index_cast %get3A_719 : i32 to index
          %get3A_722 = arith.constant 80 : index
          %get3A_723 = tpu.vector_load %arg4[%get3A_720, %get3A_721, %get3A_722] {strides = array<i32>} : memref<8x16x256xf32, #tpu.memory_space<vmem>>, vector<1x1x16xf32>,
          %get3A_724 = vector.shape_cast %get3A_723 : vector<1x1x16xf32> to vector<16xf32>
          %add3A_725 = arith.addf %add3A_718, %get3A_724 : vector<16xf32>
          %get3A_726 = arith.constant 7 : i32
          %get3A_727 = arith.index_cast %scan3A_84 : i32 to index
          %get3A_728 = arith.index_cast %get3A_726 : i32 to index
          %get3A_729 = arith.constant 80 : index
          %get3A_730 = tpu.vector_load %arg4[%get3A_727, %get3A_728, %get3A_729] {strides = array<i32>} : memref<8x16x256xf32, #tpu.memory_space<vmem>>, vector<1x1x16xf32>,
          %get3A_731 = vector.shape_cast %get3A_730 : vector<1x1x16xf32> to vector<16xf32>
          %add3A_732 = arith.addf %add3A_725, %get3A_731 : vector<16xf32>
          %get3A_733 = arith.constant 8 : i32
          %get3A_734 = arith.index_cast %scan3A_84 : i32 to index
          %get3A_735 = arith.index_cast %get3A_733 : i32 to index
          %get3A_736 = arith.constant 80 : index
          %get3A_737 = tpu.vector_load %arg4[%get3A_734, %get3A_735, %get3A_736] {strides = array<i32>} : memref<8x16x256xf32, #tpu.memory_space<vmem>>, vector<1x1x16xf32>,
          %get3A_738 = vector.shape_cast %get3A_737 : vector<1x1x16xf32> to vector<16xf32>
          %add3A_739 = arith.addf %add3A_732, %get3A_738 : vector<16xf32>
          %get3A_740 = arith.constant 9 : i32
          %get3A_741 = arith.index_cast %scan3A_84 : i32 to index
          %get3A_742 = arith.index_cast %get3A_740 : i32 to index
          %get3A_743 = arith.constant 80 : index
          %get3A_744 = tpu.vector_load %arg4[%get3A_741, %get3A_742, %get3A_743] {strides = array<i32>} : memref<8x16x256xf32, #tpu.memory_space<vmem>>, vector<1x1x16xf32>,
          %get3A_745 = vector.shape_cast %get3A_744 : vector<1x1x16xf32> to vector<16xf32>
          %add3A_746 = arith.addf %add3A_739, %get3A_745 : vector<16xf32>
          %get3A_747 = arith.constant 10 : i32
          %get3A_748 = arith.index_cast %scan3A_84 : i32 to index
          %get3A_749 = arith.index_cast %get3A_747 : i32 to index
          %get3A_750 = arith.constant 80 : index
          %get3A_751 = tpu.vector_load %arg4[%get3A_748, %get3A_749, %get3A_750] {strides = array<i32>} : memref<8x16x256xf32, #tpu.memory_space<vmem>>, vector<1x1x16xf32>,
          %get3A_752 = vector.shape_cast %get3A_751 : vector<1x1x16xf32> to vector<16xf32>
          %add3A_753 = arith.addf %add3A_746, %get3A_752 : vector<16xf32>
          %get3A_754 = arith.constant 11 : i32
          %get3A_755 = arith.index_cast %scan3A_84 : i32 to index
          %get3A_756 = arith.index_cast %get3A_754 : i32 to index
          %get3A_757 = arith.constant 80 : index
          %get3A_758 = tpu.vector_load %arg4[%get3A_755, %get3A_756, %get3A_757] {strides = array<i32>} : memref<8x16x256xf32, #tpu.memory_space<vmem>>, vector<1x1x16xf32>,
          %get3A_759 = vector.shape_cast %get3A_758 : vector<1x1x16xf32> to vector<16xf32>
          %add3A_760 = arith.addf %add3A_753, %get3A_759 : vector<16xf32>
          %get3A_761 = arith.constant 12 : i32
          %get3A_762 = arith.index_cast %scan3A_84 : i32 to index
          %get3A_763 = arith.index_cast %get3A_761 : i32 to index
          %get3A_764 = arith.constant 80 : index
          %get3A_765 = tpu.vector_load %arg4[%get3A_762, %get3A_763, %get3A_764] {strides = array<i32>} : memref<8x16x256xf32, #tpu.memory_space<vmem>>, vector<1x1x16xf32>,
          %get3A_766 = vector.shape_cast %get3A_765 : vector<1x1x16xf32> to vector<16xf32>
          %add3A_767 = arith.addf %add3A_760, %get3A_766 : vector<16xf32>
          %get3A_768 = arith.constant 13 : i32
          %get3A_769 = arith.index_cast %scan3A_84 : i32 to index
          %get3A_770 = arith.index_cast %get3A_768 : i32 to index
          %get3A_771 = arith.constant 80 : index
          %get3A_772 = tpu.vector_load %arg4[%get3A_769, %get3A_770, %get3A_771] {strides = array<i32>} : memref<8x16x256xf32, #tpu.memory_space<vmem>>, vector<1x1x16xf32>,
          %get3A_773 = vector.shape_cast %get3A_772 : vector<1x1x16xf32> to vector<16xf32>
          %add3A_774 = arith.addf %add3A_767, %get3A_773 : vector<16xf32>
          %get3A_775 = arith.constant 14 : i32
          %get3A_776 = arith.index_cast %scan3A_84 : i32 to index
          %get3A_777 = arith.index_cast %get3A_775 : i32 to index
          %get3A_778 = arith.constant 80 : index
          %get3A_779 = tpu.vector_load %arg4[%get3A_776, %get3A_777, %get3A_778] {strides = array<i32>} : memref<8x16x256xf32, #tpu.memory_space<vmem>>, vector<1x1x16xf32>,
          %get3A_780 = vector.shape_cast %get3A_779 : vector<1x1x16xf32> to vector<16xf32>
          %add3A_781 = arith.addf %add3A_774, %get3A_780 : vector<16xf32>
          %get3A_782 = arith.constant 15 : i32
          %get3A_783 = arith.index_cast %scan3A_84 : i32 to index
          %get3A_784 = arith.index_cast %get3A_782 : i32 to index
          %get3A_785 = arith.constant 80 : index
          %get3A_786 = tpu.vector_load %arg4[%get3A_783, %get3A_784, %get3A_785] {strides = array<i32>} : memref<8x16x256xf32, #tpu.memory_space<vmem>>, vector<1x1x16xf32>,
          %get3A_787 = vector.shape_cast %get3A_786 : vector<1x1x16xf32> to vector<16xf32>
          %add3A_788 = arith.addf %add3A_781, %get3A_787 : vector<16xf32>
          %mul3A_789 = arith.constant 6.250000e-02 : f32
          %mul3A_790 = vector.broadcast %mul3A_789 : f32 to vector<16xf32>
          %mul3A_791 = arith.mulf %add3A_788, %mul3A_790 : vector<16xf32>
          %swap3A_792 = arith.index_cast %scan3A_84 : i32 to index
          %swap3A_793 = arith.constant 80 : index
          %swap3A_794 = tpu.vector_load %arg6[%swap3A_792, %swap3A_793] {strides = array<i32>} : memref<8x256xf32, #tpu.memory_space<vmem>>, vector<1x16xf32>,
          %swap3A_795 = vector.shape_cast %swap3A_794 : vector<1x16xf32> to vector<16xf32>
          %swap3A_796 = vector.shape_cast %mul3A_791 : vector<16xf32> to vector<1x16xf32>
          tpu.vector_store %arg6[%swap3A_792, %swap3A_793], %swap3A_796 {strides = array<i32>} : memref<8x256xf32, #tpu.memory_space<vmem>>, vector<1x16xf32>,
          %get3A_797 = arith.constant 0 : i32
          %get3A_798 = arith.index_cast %scan3A_84 : i32 to index
          %get3A_799 = arith.index_cast %get3A_797 : i32 to index
          %get3A_800 = arith.constant 96 : index
          %get3A_801 = tpu.vector_load %arg4[%get3A_798, %get3A_799, %get3A_800] {strides = array<i32>} : memref<8x16x256xf32, #tpu.memory_space<vmem>>, vector<1x1x16xf32>,
          %get3A_802 = vector.shape_cast %get3A_801 : vector<1x1x16xf32> to vector<16xf32>
          %get3A_803 = arith.constant 1 : i32
          %get3A_804 = arith.index_cast %scan3A_84 : i32 to index
          %get3A_805 = arith.index_cast %get3A_803 : i32 to index
          %get3A_806 = arith.constant 96 : index
          %get3A_807 = tpu.vector_load %arg4[%get3A_804, %get3A_805, %get3A_806] {strides = array<i32>} : memref<8x16x256xf32, #tpu.memory_space<vmem>>, vector<1x1x16xf32>,
          %get3A_808 = vector.shape_cast %get3A_807 : vector<1x1x16xf32> to vector<16xf32>
          %add3A_809 = arith.addf %get3A_802, %get3A_808 : vector<16xf32>
          %get3A_810 = arith.constant 2 : i32
          %get3A_811 = arith.index_cast %scan3A_84 : i32 to index
          %get3A_812 = arith.index_cast %get3A_810 : i32 to index
          %get3A_813 = arith.constant 96 : index
          %get3A_814 = tpu.vector_load %arg4[%get3A_811, %get3A_812, %get3A_813] {strides = array<i32>} : memref<8x16x256xf32, #tpu.memory_space<vmem>>, vector<1x1x16xf32>,
          %get3A_815 = vector.shape_cast %get3A_814 : vector<1x1x16xf32> to vector<16xf32>
          %add3A_816 = arith.addf %add3A_809, %get3A_815 : vector<16xf32>
          %get3A_817 = arith.constant 3 : i32
          %get3A_818 = arith.index_cast %scan3A_84 : i32 to index
          %get3A_819 = arith.index_cast %get3A_817 : i32 to index
          %get3A_820 = arith.constant 96 : index
          %get3A_821 = tpu.vector_load %arg4[%get3A_818, %get3A_819, %get3A_820] {strides = array<i32>} : memref<8x16x256xf32, #tpu.memory_space<vmem>>, vector<1x1x16xf32>,
          %get3A_822 = vector.shape_cast %get3A_821 : vector<1x1x16xf32> to vector<16xf32>
          %add3A_823 = arith.addf %add3A_816, %get3A_822 : vector<16xf32>
          %get3A_824 = arith.constant 4 : i32
          %get3A_825 = arith.index_cast %scan3A_84 : i32 to index
          %get3A_826 = arith.index_cast %get3A_824 : i32 to index
          %get3A_827 = arith.constant 96 : index
          %get3A_828 = tpu.vector_load %arg4[%get3A_825, %get3A_826, %get3A_827] {strides = array<i32>} : memref<8x16x256xf32, #tpu.memory_space<vmem>>, vector<1x1x16xf32>,
          %get3A_829 = vector.shape_cast %get3A_828 : vector<1x1x16xf32> to vector<16xf32>
          %add3A_830 = arith.addf %add3A_823, %get3A_829 : vector<16xf32>
          %get3A_831 = arith.constant 5 : i32
          %get3A_832 = arith.index_cast %scan3A_84 : i32 to index
          %get3A_833 = arith.index_cast %get3A_831 : i32 to index
          %get3A_834 = arith.constant 96 : index
          %get3A_835 = tpu.vector_load %arg4[%get3A_832, %get3A_833, %get3A_834] {strides = array<i32>} : memref<8x16x256xf32, #tpu.memory_space<vmem>>, vector<1x1x16xf32>,
          %get3A_836 = vector.shape_cast %get3A_835 : vector<1x1x16xf32> to vector<16xf32>
          %add3A_837 = arith.addf %add3A_830, %get3A_836 : vector<16xf32>
          %get3A_838 = arith.constant 6 : i32
          %get3A_839 = arith.index_cast %scan3A_84 : i32 to index
          %get3A_840 = arith.index_cast %get3A_838 : i32 to index
          %get3A_841 = arith.constant 96 : index
          %get3A_842 = tpu.vector_load %arg4[%get3A_839, %get3A_840, %get3A_841] {strides = array<i32>} : memref<8x16x256xf32, #tpu.memory_space<vmem>>, vector<1x1x16xf32>,
          %get3A_843 = vector.shape_cast %get3A_842 : vector<1x1x16xf32> to vector<16xf32>
          %add3A_844 = arith.addf %add3A_837, %get3A_843 : vector<16xf32>
          %get3A_845 = arith.constant 7 : i32
          %get3A_846 = arith.index_cast %scan3A_84 : i32 to index
          %get3A_847 = arith.index_cast %get3A_845 : i32 to index
          %get3A_848 = arith.constant 96 : index
          %get3A_849 = tpu.vector_load %arg4[%get3A_846, %get3A_847, %get3A_848] {strides = array<i32>} : memref<8x16x256xf32, #tpu.memory_space<vmem>>, vector<1x1x16xf32>,
          %get3A_850 = vector.shape_cast %get3A_849 : vector<1x1x16xf32> to vector<16xf32>
          %add3A_851 = arith.addf %add3A_844, %get3A_850 : vector<16xf32>
          %get3A_852 = arith.constant 8 : i32
          %get3A_853 = arith.index_cast %scan3A_84 : i32 to index
          %get3A_854 = arith.index_cast %get3A_852 : i32 to index
          %get3A_855 = arith.constant 96 : index
          %get3A_856 = tpu.vector_load %arg4[%get3A_853, %get3A_854, %get3A_855] {strides = array<i32>} : memref<8x16x256xf32, #tpu.memory_space<vmem>>, vector<1x1x16xf32>,
          %get3A_857 = vector.shape_cast %get3A_856 : vector<1x1x16xf32> to vector<16xf32>
          %add3A_858 = arith.addf %add3A_851, %get3A_857 : vector<16xf32>
          %get3A_859 = arith.constant 9 : i32
          %get3A_860 = arith.index_cast %scan3A_84 : i32 to index
          %get3A_861 = arith.index_cast %get3A_859 : i32 to index
          %get3A_862 = arith.constant 96 : index
          %get3A_863 = tpu.vector_load %arg4[%get3A_860, %get3A_861, %get3A_862] {strides = array<i32>} : memref<8x16x256xf32, #tpu.memory_space<vmem>>, vector<1x1x16xf32>,
          %get3A_864 = vector.shape_cast %get3A_863 : vector<1x1x16xf32> to vector<16xf32>
          %add3A_865 = arith.addf %add3A_858, %get3A_864 : vector<16xf32>
          %get3A_866 = arith.constant 10 : i32
          %get3A_867 = arith.index_cast %scan3A_84 : i32 to index
          %get3A_868 = arith.index_cast %get3A_866 : i32 to index
          %get3A_869 = arith.constant 96 : index
          %get3A_870 = tpu.vector_load %arg4[%get3A_867, %get3A_868, %get3A_869] {strides = array<i32>} : memref<8x16x256xf32, #tpu.memory_space<vmem>>, vector<1x1x16xf32>,
          %get3A_871 = vector.shape_cast %get3A_870 : vector<1x1x16xf32> to vector<16xf32>
          %add3A_872 = arith.addf %add3A_865, %get3A_871 : vector<16xf32>
          %get3A_873 = arith.constant 11 : i32
          %get3A_874 = arith.index_cast %scan3A_84 : i32 to index
          %get3A_875 = arith.index_cast %get3A_873 : i32 to index
          %get3A_876 = arith.constant 96 : index
          %get3A_877 = tpu.vector_load %arg4[%get3A_874, %get3A_875, %get3A_876] {strides = array<i32>} : memref<8x16x256xf32, #tpu.memory_space<vmem>>, vector<1x1x16xf32>,
          %get3A_878 = vector.shape_cast %get3A_877 : vector<1x1x16xf32> to vector<16xf32>
          %add3A_879 = arith.addf %add3A_872, %get3A_878 : vector<16xf32>
          %get3A_880 = arith.constant 12 : i32
          %get3A_881 = arith.index_cast %scan3A_84 : i32 to index
          %get3A_882 = arith.index_cast %get3A_880 : i32 to index
          %get3A_883 = arith.constant 96 : index
          %get3A_884 = tpu.vector_load %arg4[%get3A_881, %get3A_882, %get3A_883] {strides = array<i32>} : memref<8x16x256xf32, #tpu.memory_space<vmem>>, vector<1x1x16xf32>,
          %get3A_885 = vector.shape_cast %get3A_884 : vector<1x1x16xf32> to vector<16xf32>
          %add3A_886 = arith.addf %add3A_879, %get3A_885 : vector<16xf32>
          %get3A_887 = arith.constant 13 : i32
          %get3A_888 = arith.index_cast %scan3A_84 : i32 to index
          %get3A_889 = arith.index_cast %get3A_887 : i32 to index
          %get3A_890 = arith.constant 96 : index
          %get3A_891 = tpu.vector_load %arg4[%get3A_888, %get3A_889, %get3A_890] {strides = array<i32>} : memref<8x16x256xf32, #tpu.memory_space<vmem>>, vector<1x1x16xf32>,
          %get3A_892 = vector.shape_cast %get3A_891 : vector<1x1x16xf32> to vector<16xf32>
          %add3A_893 = arith.addf %add3A_886, %get3A_892 : vector<16xf32>
          %get3A_894 = arith.constant 14 : i32
          %get3A_895 = arith.index_cast %scan3A_84 : i32 to index
          %get3A_896 = arith.index_cast %get3A_894 : i32 to index
          %get3A_897 = arith.constant 96 : index
          %get3A_898 = tpu.vector_load %arg4[%get3A_895, %get3A_896, %get3A_897] {strides = array<i32>} : memref<8x16x256xf32, #tpu.memory_space<vmem>>, vector<1x1x16xf32>,
          %get3A_899 = vector.shape_cast %get3A_898 : vector<1x1x16xf32> to vector<16xf32>
          %add3A_900 = arith.addf %add3A_893, %get3A_899 : vector<16xf32>
          %get3A_901 = arith.constant 15 : i32
          %get3A_902 = arith.index_cast %scan3A_84 : i32 to index
          %get3A_903 = arith.index_cast %get3A_901 : i32 to index
          %get3A_904 = arith.constant 96 : index
          %get3A_905 = tpu.vector_load %arg4[%get3A_902, %get3A_903, %get3A_904] {strides = array<i32>} : memref<8x16x256xf32, #tpu.memory_space<vmem>>, vector<1x1x16xf32>,
          %get3A_906 = vector.shape_cast %get3A_905 : vector<1x1x16xf32> to vector<16xf32>
          %add3A_907 = arith.addf %add3A_900, %get3A_906 : vector<16xf32>
          %mul3A_908 = arith.constant 6.250000e-02 : f32
          %mul3A_909 = vector.broadcast %mul3A_908 : f32 to vector<16xf32>
          %mul3A_910 = arith.mulf %add3A_907, %mul3A_909 : vector<16xf32>
          %swap3A_911 = arith.index_cast %scan3A_84 : i32 to index
          %swap3A_912 = arith.constant 96 : index
          %swap3A_913 = tpu.vector_load %arg6[%swap3A_911, %swap3A_912] {strides = array<i32>} : memref<8x256xf32, #tpu.memory_space<vmem>>, vector<1x16xf32>,
          %swap3A_914 = vector.shape_cast %swap3A_913 : vector<1x16xf32> to vector<16xf32>
          %swap3A_915 = vector.shape_cast %mul3A_910 : vector<16xf32> to vector<1x16xf32>
          tpu.vector_store %arg6[%swap3A_911, %swap3A_912], %swap3A_915 {strides = array<i32>} : memref<8x256xf32, #tpu.memory_space<vmem>>, vector<1x16xf32>,
          %get3A_916 = arith.constant 0 : i32
          %get3A_917 = arith.index_cast %scan3A_84 : i32 to index
          %get3A_918 = arith.index_cast %get3A_916 : i32 to index
          %get3A_919 = arith.constant 112 : index
          %get3A_920 = tpu.vector_load %arg4[%get3A_917, %get3A_918, %get3A_919] {strides = array<i32>} : memref<8x16x256xf32, #tpu.memory_space<vmem>>, vector<1x1x16xf32>,
          %get3A_921 = vector.shape_cast %get3A_920 : vector<1x1x16xf32> to vector<16xf32>
          %get3A_922 = arith.constant 1 : i32
          %get3A_923 = arith.index_cast %scan3A_84 : i32 to index
          %get3A_924 = arith.index_cast %get3A_922 : i32 to index
          %get3A_925 = arith.constant 112 : index
          %get3A_926 = tpu.vector_load %arg4[%get3A_923, %get3A_924, %get3A_925] {strides = array<i32>} : memref<8x16x256xf32, #tpu.memory_space<vmem>>, vector<1x1x16xf32>,
          %get3A_927 = vector.shape_cast %get3A_926 : vector<1x1x16xf32> to vector<16xf32>
          %add3A_928 = arith.addf %get3A_921, %get3A_927 : vector<16xf32>
          %get3A_929 = arith.constant 2 : i32
          %get3A_930 = arith.index_cast %scan3A_84 : i32 to index
          %get3A_931 = arith.index_cast %get3A_929 : i32 to index
          %get3A_932 = arith.constant 112 : index
          %get3A_933 = tpu.vector_load %arg4[%get3A_930, %get3A_931, %get3A_932] {strides = array<i32>} : memref<8x16x256xf32, #tpu.memory_space<vmem>>, vector<1x1x16xf32>,
          %get3A_934 = vector.shape_cast %get3A_933 : vector<1x1x16xf32> to vector<16xf32>
          %add3A_935 = arith.addf %add3A_928, %get3A_934 : vector<16xf32>
          %get3A_936 = arith.constant 3 : i32
          %get3A_937 = arith.index_cast %scan3A_84 : i32 to index
          %get3A_938 = arith.index_cast %get3A_936 : i32 to index
          %get3A_939 = arith.constant 112 : index
          %get3A_940 = tpu.vector_load %arg4[%get3A_937, %get3A_938, %get3A_939] {strides = array<i32>} : memref<8x16x256xf32, #tpu.memory_space<vmem>>, vector<1x1x16xf32>,
          %get3A_941 = vector.shape_cast %get3A_940 : vector<1x1x16xf32> to vector<16xf32>
          %add3A_942 = arith.addf %add3A_935, %get3A_941 : vector<16xf32>
          %get3A_943 = arith.constant 4 : i32
          %get3A_944 = arith.index_cast %scan3A_84 : i32 to index
          %get3A_945 = arith.index_cast %get3A_943 : i32 to index
          %get3A_946 = arith.constant 112 : index
          %get3A_947 = tpu.vector_load %arg4[%get3A_944, %get3A_945, %get3A_946] {strides = array<i32>} : memref<8x16x256xf32, #tpu.memory_space<vmem>>, vector<1x1x16xf32>,
          %get3A_948 = vector.shape_cast %get3A_947 : vector<1x1x16xf32> to vector<16xf32>
          %add3A_949 = arith.addf %add3A_942, %get3A_948 : vector<16xf32>
          %get3A_950 = arith.constant 5 : i32
          %get3A_951 = arith.index_cast %scan3A_84 : i32 to index
          %get3A_952 = arith.index_cast %get3A_950 : i32 to index
          %get3A_953 = arith.constant 112 : index
          %get3A_954 = tpu.vector_load %arg4[%get3A_951, %get3A_952, %get3A_953] {strides = array<i32>} : memref<8x16x256xf32, #tpu.memory_space<vmem>>, vector<1x1x16xf32>,
          %get3A_955 = vector.shape_cast %get3A_954 : vector<1x1x16xf32> to vector<16xf32>
          %add3A_956 = arith.addf %add3A_949, %get3A_955 : vector<16xf32>
          %get3A_957 = arith.constant 6 : i32
          %get3A_958 = arith.index_cast %scan3A_84 : i32 to index
          %get3A_959 = arith.index_cast %get3A_957 : i32 to index
          %get3A_960 = arith.constant 112 : index
          %get3A_961 = tpu.vector_load %arg4[%get3A_958, %get3A_959, %get3A_960] {strides = array<i32>} : memref<8x16x256xf32, #tpu.memory_space<vmem>>, vector<1x1x16xf32>,
          %get3A_962 = vector.shape_cast %get3A_961 : vector<1x1x16xf32> to vector<16xf32>
          %add3A_963 = arith.addf %add3A_956, %get3A_962 : vector<16xf32>
          %get3A_964 = arith.constant 7 : i32
          %get3A_965 = arith.index_cast %scan3A_84 : i32 to index
          %get3A_966 = arith.index_cast %get3A_964 : i32 to index
          %get3A_967 = arith.constant 112 : index
          %get3A_968 = tpu.vector_load %arg4[%get3A_965, %get3A_966, %get3A_967] {strides = array<i32>} : memref<8x16x256xf32, #tpu.memory_space<vmem>>, vector<1x1x16xf32>,
          %get3A_969 = vector.shape_cast %get3A_968 : vector<1x1x16xf32> to vector<16xf32>
          %add3A_970 = arith.addf %add3A_963, %get3A_969 : vector<16xf32>
          %get3A_971 = arith.constant 8 : i32
          %get3A_972 = arith.index_cast %scan3A_84 : i32 to index
          %get3A_973 = arith.index_cast %get3A_971 : i32 to index
          %get3A_974 = arith.constant 112 : index
          %get3A_975 = tpu.vector_load %arg4[%get3A_972, %get3A_973, %get3A_974] {strides = array<i32>} : memref<8x16x256xf32, #tpu.memory_space<vmem>>, vector<1x1x16xf32>,
          %get3A_976 = vector.shape_cast %get3A_975 : vector<1x1x16xf32> to vector<16xf32>
          %add3A_977 = arith.addf %add3A_970, %get3A_976 : vector<16xf32>
          %get3A_978 = arith.constant 9 : i32
          %get3A_979 = arith.index_cast %scan3A_84 : i32 to index
          %get3A_980 = arith.index_cast %get3A_978 : i32 to index
          %get3A_981 = arith.constant 112 : index
          %get3A_982 = tpu.vector_load %arg4[%get3A_979, %get3A_980, %get3A_981] {strides = array<i32>} : memref<8x16x256xf32, #tpu.memory_space<vmem>>, vector<1x1x16xf32>,
          %get3A_983 = vector.shape_cast %get3A_982 : vector<1x1x16xf32> to vector<16xf32>
          %add3A_984 = arith.addf %add3A_977, %get3A_983 : vector<16xf32>
          %get3A_985 = arith.constant 10 : i32
          %get3A_986 = arith.index_cast %scan3A_84 : i32 to index
          %get3A_987 = arith.index_cast %get3A_985 : i32 to index
          %get3A_988 = arith.constant 112 : index
          %get3A_989 = tpu.vector_load %arg4[%get3A_986, %get3A_987, %get3A_988] {strides = array<i32>} : memref<8x16x256xf32, #tpu.memory_space<vmem>>, vector<1x1x16xf32>,
          %get3A_990 = vector.shape_cast %get3A_989 : vector<1x1x16xf32> to vector<16xf32>
          %add3A_991 = arith.addf %add3A_984, %get3A_990 : vector<16xf32>
          %get3A_992 = arith.constant 11 : i32
          %get3A_993 = arith.index_cast %scan3A_84 : i32 to index
          %get3A_994 = arith.index_cast %get3A_992 : i32 to index
          %get3A_995 = arith.constant 112 : index
          %get3A_996 = tpu.vector_load %arg4[%get3A_993, %get3A_994, %get3A_995] {strides = array<i32>} : memref<8x16x256xf32, #tpu.memory_space<vmem>>, vector<1x1x16xf32>,
          %get3A_997 = vector.shape_cast %get3A_996 : vector<1x1x16xf32> to vector<16xf32>
          %add3A_998 = arith.addf %add3A_991, %get3A_997 : vector<16xf32>
          %get3A_999 = arith.constant 12 : i32
          %get3A_1000 = arith.index_cast %scan3A_84 : i32 to index
          %get3A_1001 = arith.index_cast %get3A_999 : i32 to index
          %get3A_1002 = arith.constant 112 : index
          %get3A_1003 = tpu.vector_load %arg4[%get3A_1000, %get3A_1001, %get3A_1002] {strides = array<i32>} : memref<8x16x256xf32, #tpu.memory_space<vmem>>, vector<1x1x16xf32>,
          %get3A_1004 = vector.shape_cast %get3A_1003 : vector<1x1x16xf32> to vector<16xf32>
          %add3A_1005 = arith.addf %add3A_998, %get3A_1004 : vector<16xf32>
          %get3A_1006 = arith.constant 13 : i32
          %get3A_1007 = arith.index_cast %scan3A_84 : i32 to index
          %get3A_1008 = arith.index_cast %get3A_1006 : i32 to index
          %get3A_1009 = arith.constant 112 : index
          %get3A_1010 = tpu.vector_load %arg4[%get3A_1007, %get3A_1008, %get3A_1009] {strides = array<i32>} : memref<8x16x256xf32, #tpu.memory_space<vmem>>, vector<1x1x16xf32>,
          %get3A_1011 = vector.shape_cast %get3A_1010 : vector<1x1x16xf32> to vector<16xf32>
          %add3A_1012 = arith.addf %add3A_1005, %get3A_1011 : vector<16xf32>
          %get3A_1013 = arith.constant 14 : i32
          %get3A_1014 = arith.index_cast %scan3A_84 : i32 to index
          %get3A_1015 = arith.index_cast %get3A_1013 : i32 to index
          %get3A_1016 = arith.constant 112 : index
          %get3A_1017 = tpu.vector_load %arg4[%get3A_1014, %get3A_1015, %get3A_1016] {strides = array<i32>} : memref<8x16x256xf32, #tpu.memory_space<vmem>>, vector<1x1x16xf32>,
          %get3A_1018 = vector.shape_cast %get3A_1017 : vector<1x1x16xf32> to vector<16xf32>
          %add3A_1019 = arith.addf %add3A_1012, %get3A_1018 : vector<16xf32>
          %get3A_1020 = arith.constant 15 : i32
          %get3A_1021 = arith.index_cast %scan3A_84 : i32 to index
          %get3A_1022 = arith.index_cast %get3A_1020 : i32 to index
          %get3A_1023 = arith.constant 112 : index
          %get3A_1024 = tpu.vector_load %arg4[%get3A_1021, %get3A_1022, %get3A_1023] {strides = array<i32>} : memref<8x16x256xf32, #tpu.memory_space<vmem>>, vector<1x1x16xf32>,
          %get3A_1025 = vector.shape_cast %get3A_1024 : vector<1x1x16xf32> to vector<16xf32>
          %add3A_1026 = arith.addf %add3A_1019, %get3A_1025 : vector<16xf32>
          %mul3A_1027 = arith.constant 6.250000e-02 : f32
          %mul3A_1028 = vector.broadcast %mul3A_1027 : f32 to vector<16xf32>
          %mul3A_1029 = arith.mulf %add3A_1026, %mul3A_1028 : vector<16xf32>
          %swap3A_1030 = arith.index_cast %scan3A_84 : i32 to index
          %swap3A_1031 = arith.constant 112 : index
          %swap3A_1032 = tpu.vector_load %arg6[%swap3A_1030, %swap3A_1031] {strides = array<i32>} : memref<8x256xf32, #tpu.memory_space<vmem>>, vector<1x16xf32>,
          %swap3A_1033 = vector.shape_cast %swap3A_1032 : vector<1x16xf32> to vector<16xf32>
          %swap3A_1034 = vector.shape_cast %mul3A_1029 : vector<16xf32> to vector<1x16xf32>
          tpu.vector_store %arg6[%swap3A_1030, %swap3A_1031], %swap3A_1034 {strides = array<i32>} : memref<8x256xf32, #tpu.memory_space<vmem>>, vector<1x16xf32>,
          %get3A_1035 = arith.constant 0 : i32
          %get3A_1036 = arith.index_cast %scan3A_84 : i32 to index
          %get3A_1037 = arith.index_cast %get3A_1035 : i32 to index
          %get3A_1038 = arith.constant 128 : index
          %get3A_1039 = tpu.vector_load %arg4[%get3A_1036, %get3A_1037, %get3A_1038] {strides = array<i32>} : memref<8x16x256xf32, #tpu.memory_space<vmem>>, vector<1x1x16xf32>,
          %get3A_1040 = vector.shape_cast %get3A_1039 : vector<1x1x16xf32> to vector<16xf32>
          %get3A_1041 = arith.constant 1 : i32
          %get3A_1042 = arith.index_cast %scan3A_84 : i32 to index
          %get3A_1043 = arith.index_cast %get3A_1041 : i32 to index
          %get3A_1044 = arith.constant 128 : index
          %get3A_1045 = tpu.vector_load %arg4[%get3A_1042, %get3A_1043, %get3A_1044] {strides = array<i32>} : memref<8x16x256xf32, #tpu.memory_space<vmem>>, vector<1x1x16xf32>,
          %get3A_1046 = vector.shape_cast %get3A_1045 : vector<1x1x16xf32> to vector<16xf32>
          %add3A_1047 = arith.addf %get3A_1040, %get3A_1046 : vector<16xf32>
          %get3A_1048 = arith.constant 2 : i32
          %get3A_1049 = arith.index_cast %scan3A_84 : i32 to index
          %get3A_1050 = arith.index_cast %get3A_1048 : i32 to index
          %get3A_1051 = arith.constant 128 : index
          %get3A_1052 = tpu.vector_load %arg4[%get3A_1049, %get3A_1050, %get3A_1051] {strides = array<i32>} : memref<8x16x256xf32, #tpu.memory_space<vmem>>, vector<1x1x16xf32>,
          %get3A_1053 = vector.shape_cast %get3A_1052 : vector<1x1x16xf32> to vector<16xf32>
          %add3A_1054 = arith.addf %add3A_1047, %get3A_1053 : vector<16xf32>
          %get3A_1055 = arith.constant 3 : i32
          %get3A_1056 = arith.index_cast %scan3A_84 : i32 to index
          %get3A_1057 = arith.index_cast %get3A_1055 : i32 to index
          %get3A_1058 = arith.constant 128 : index
          %get3A_1059 = tpu.vector_load %arg4[%get3A_1056, %get3A_1057, %get3A_1058] {strides = array<i32>} : memref<8x16x256xf32, #tpu.memory_space<vmem>>, vector<1x1x16xf32>,
          %get3A_1060 = vector.shape_cast %get3A_1059 : vector<1x1x16xf32> to vector<16xf32>
          %add3A_1061 = arith.addf %add3A_1054, %get3A_1060 : vector<16xf32>
          %get3A_1062 = arith.constant 4 : i32
          %get3A_1063 = arith.index_cast %scan3A_84 : i32 to index
          %get3A_1064 = arith.index_cast %get3A_1062 : i32 to index
          %get3A_1065 = arith.constant 128 : index
          %get3A_1066 = tpu.vector_load %arg4[%get3A_1063, %get3A_1064, %get3A_1065] {strides = array<i32>} : memref<8x16x256xf32, #tpu.memory_space<vmem>>, vector<1x1x16xf32>,
          %get3A_1067 = vector.shape_cast %get3A_1066 : vector<1x1x16xf32> to vector<16xf32>
          %add3A_1068 = arith.addf %add3A_1061, %get3A_1067 : vector<16xf32>
          %get3A_1069 = arith.constant 5 : i32
          %get3A_1070 = arith.index_cast %scan3A_84 : i32 to index
          %get3A_1071 = arith.index_cast %get3A_1069 : i32 to index
          %get3A_1072 = arith.constant 128 : index
          %get3A_1073 = tpu.vector_load %arg4[%get3A_1070, %get3A_1071, %get3A_1072] {strides = array<i32>} : memref<8x16x256xf32, #tpu.memory_space<vmem>>, vector<1x1x16xf32>,
          %get3A_1074 = vector.shape_cast %get3A_1073 : vector<1x1x16xf32> to vector<16xf32>
          %add3A_1075 = arith.addf %add3A_1068, %get3A_1074 : vector<16xf32>
          %get3A_1076 = arith.constant 6 : i32
          %get3A_1077 = arith.index_cast %scan3A_84 : i32 to index
          %get3A_1078 = arith.index_cast %get3A_1076 : i32 to index
          %get3A_1079 = arith.constant 128 : index
          %get3A_1080 = tpu.vector_load %arg4[%get3A_1077, %get3A_1078, %get3A_1079] {strides = array<i32>} : memref<8x16x256xf32, #tpu.memory_space<vmem>>, vector<1x1x16xf32>,
          %get3A_1081 = vector.shape_cast %get3A_1080 : vector<1x1x16xf32> to vector<16xf32>
          %add3A_1082 = arith.addf %add3A_1075, %get3A_1081 : vector<16xf32>
          %get3A_1083 = arith.constant 7 : i32
          %get3A_1084 = arith.index_cast %scan3A_84 : i32 to index
          %get3A_1085 = arith.index_cast %get3A_1083 : i32 to index
          %get3A_1086 = arith.constant 128 : index
          %get3A_1087 = tpu.vector_load %arg4[%get3A_1084, %get3A_1085, %get3A_1086] {strides = array<i32>} : memref<8x16x256xf32, #tpu.memory_space<vmem>>, vector<1x1x16xf32>,
          %get3A_1088 = vector.shape_cast %get3A_1087 : vector<1x1x16xf32> to vector<16xf32>
          %add3A_1089 = arith.addf %add3A_1082, %get3A_1088 : vector<16xf32>
          %get3A_1090 = arith.constant 8 : i32
          %get3A_1091 = arith.index_cast %scan3A_84 : i32 to index
          %get3A_1092 = arith.index_cast %get3A_1090 : i32 to index
          %get3A_1093 = arith.constant 128 : index
          %get3A_1094 = tpu.vector_load %arg4[%get3A_1091, %get3A_1092, %get3A_1093] {strides = array<i32>} : memref<8x16x256xf32, #tpu.memory_space<vmem>>, vector<1x1x16xf32>,
          %get3A_1095 = vector.shape_cast %get3A_1094 : vector<1x1x16xf32> to vector<16xf32>
          %add3A_1096 = arith.addf %add3A_1089, %get3A_1095 : vector<16xf32>
          %get3A_1097 = arith.constant 9 : i32
          %get3A_1098 = arith.index_cast %scan3A_84 : i32 to index
          %get3A_1099 = arith.index_cast %get3A_1097 : i32 to index
          %get3A_1100 = arith.constant 128 : index
          %get3A_1101 = tpu.vector_load %arg4[%get3A_1098, %get3A_1099, %get3A_1100] {strides = array<i32>} : memref<8x16x256xf32, #tpu.memory_space<vmem>>, vector<1x1x16xf32>,
          %get3A_1102 = vector.shape_cast %get3A_1101 : vector<1x1x16xf32> to vector<16xf32>
          %add3A_1103 = arith.addf %add3A_1096, %get3A_1102 : vector<16xf32>
          %get3A_1104 = arith.constant 10 : i32
          %get3A_1105 = arith.index_cast %scan3A_84 : i32 to index
          %get3A_1106 = arith.index_cast %get3A_1104 : i32 to index
          %get3A_1107 = arith.constant 128 : index
          %get3A_1108 = tpu.vector_load %arg4[%get3A_1105, %get3A_1106, %get3A_1107] {strides = array<i32>} : memref<8x16x256xf32, #tpu.memory_space<vmem>>, vector<1x1x16xf32>,
          %get3A_1109 = vector.shape_cast %get3A_1108 : vector<1x1x16xf32> to vector<16xf32>
          %add3A_1110 = arith.addf %add3A_1103, %get3A_1109 : vector<16xf32>
          %get3A_1111 = arith.constant 11 : i32
          %get3A_1112 = arith.index_cast %scan3A_84 : i32 to index
          %get3A_1113 = arith.index_cast %get3A_1111 : i32 to index
          %get3A_1114 = arith.constant 128 : index
          %get3A_1115 = tpu.vector_load %arg4[%get3A_1112, %get3A_1113, %get3A_1114] {strides = array<i32>} : memref<8x16x256xf32, #tpu.memory_space<vmem>>, vector<1x1x16xf32>,
          %get3A_1116 = vector.shape_cast %get3A_1115 : vector<1x1x16xf32> to vector<16xf32>
          %add3A_1117 = arith.addf %add3A_1110, %get3A_1116 : vector<16xf32>
          %get3A_1118 = arith.constant 12 : i32
          %get3A_1119 = arith.index_cast %scan3A_84 : i32 to index
          %get3A_1120 = arith.index_cast %get3A_1118 : i32 to index
          %get3A_1121 = arith.constant 128 : index
          %get3A_1122 = tpu.vector_load %arg4[%get3A_1119, %get3A_1120, %get3A_1121] {strides = array<i32>} : memref<8x16x256xf32, #tpu.memory_space<vmem>>, vector<1x1x16xf32>,
          %get3A_1123 = vector.shape_cast %get3A_1122 : vector<1x1x16xf32> to vector<16xf32>
          %add3A_1124 = arith.addf %add3A_1117, %get3A_1123 : vector<16xf32>
          %get3A_1125 = arith.constant 13 : i32
          %get3A_1126 = arith.index_cast %scan3A_84 : i32 to index
          %get3A_1127 = arith.index_cast %get3A_1125 : i32 to index
          %get3A_1128 = arith.constant 128 : index
          %get3A_1129 = tpu.vector_load %arg4[%get3A_1126, %get3A_1127, %get3A_1128] {strides = array<i32>} : memref<8x16x256xf32, #tpu.memory_space<vmem>>, vector<1x1x16xf32>,
          %get3A_1130 = vector.shape_cast %get3A_1129 : vector<1x1x16xf32> to vector<16xf32>
          %add3A_1131 = arith.addf %add3A_1124, %get3A_1130 : vector<16xf32>
          %get3A_1132 = arith.constant 14 : i32
          %get3A_1133 = arith.index_cast %scan3A_84 : i32 to index
          %get3A_1134 = arith.index_cast %get3A_1132 : i32 to index
          %get3A_1135 = arith.constant 128 : index
          %get3A_1136 = tpu.vector_load %arg4[%get3A_1133, %get3A_1134, %get3A_1135] {strides = array<i32>} : memref<8x16x256xf32, #tpu.memory_space<vmem>>, vector<1x1x16xf32>,
          %get3A_1137 = vector.shape_cast %get3A_1136 : vector<1x1x16xf32> to vector<16xf32>
          %add3A_1138 = arith.addf %add3A_1131, %get3A_1137 : vector<16xf32>
          %get3A_1139 = arith.constant 15 : i32
          %get3A_1140 = arith.index_cast %scan3A_84 : i32 to index
          %get3A_1141 = arith.index_cast %get3A_1139 : i32 to index
          %get3A_1142 = arith.constant 128 : index
          %get3A_1143 = tpu.vector_load %arg4[%get3A_1140, %get3A_1141, %get3A_1142] {strides = array<i32>} : memref<8x16x256xf32, #tpu.memory_space<vmem>>, vector<1x1x16xf32>,
          %get3A_1144 = vector.shape_cast %get3A_1143 : vector<1x1x16xf32> to vector<16xf32>
          %add3A_1145 = arith.addf %add3A_1138, %get3A_1144 : vector<16xf32>
          %mul3A_1146 = arith.constant 6.250000e-02 : f32
          %mul3A_1147 = vector.broadcast %mul3A_1146 : f32 to vector<16xf32>
          %mul3A_1148 = arith.mulf %add3A_1145, %mul3A_1147 : vector<16xf32>
          %swap3A_1149 = arith.index_cast %scan3A_84 : i32 to index
          %swap3A_1150 = arith.constant 128 : index
          %swap3A_1151 = tpu.vector_load %arg6[%swap3A_1149, %swap3A_1150] {strides = array<i32>} : memref<8x256xf32, #tpu.memory_space<vmem>>, vector<1x16xf32>,
          %swap3A_1152 = vector.shape_cast %swap3A_1151 : vector<1x16xf32> to vector<16xf32>
          %swap3A_1153 = vector.shape_cast %mul3A_1148 : vector<16xf32> to vector<1x16xf32>
          tpu.vector_store %arg6[%swap3A_1149, %swap3A_1150], %swap3A_1153 {strides = array<i32>} : memref<8x256xf32, #tpu.memory_space<vmem>>, vector<1x16xf32>,
          %get3A_1154 = arith.constant 0 : i32
          %get3A_1155 = arith.index_cast %scan3A_84 : i32 to index
          %get3A_1156 = arith.index_cast %get3A_1154 : i32 to index
          %get3A_1157 = arith.constant 144 : index
          %get3A_1158 = tpu.vector_load %arg4[%get3A_1155, %get3A_1156, %get3A_1157] {strides = array<i32>} : memref<8x16x256xf32, #tpu.memory_space<vmem>>, vector<1x1x16xf32>,
          %get3A_1159 = vector.shape_cast %get3A_1158 : vector<1x1x16xf32> to vector<16xf32>
          %get3A_1160 = arith.constant 1 : i32
          %get3A_1161 = arith.index_cast %scan3A_84 : i32 to index
          %get3A_1162 = arith.index_cast %get3A_1160 : i32 to index
          %get3A_1163 = arith.constant 144 : index
          %get3A_1164 = tpu.vector_load %arg4[%get3A_1161, %get3A_1162, %get3A_1163] {strides = array<i32>} : memref<8x16x256xf32, #tpu.memory_space<vmem>>, vector<1x1x16xf32>,
          %get3A_1165 = vector.shape_cast %get3A_1164 : vector<1x1x16xf32> to vector<16xf32>
          %add3A_1166 = arith.addf %get3A_1159, %get3A_1165 : vector<16xf32>
          %get3A_1167 = arith.constant 2 : i32
          %get3A_1168 = arith.index_cast %scan3A_84 : i32 to index
          %get3A_1169 = arith.index_cast %get3A_1167 : i32 to index
          %get3A_1170 = arith.constant 144 : index
          %get3A_1171 = tpu.vector_load %arg4[%get3A_1168, %get3A_1169, %get3A_1170] {strides = array<i32>} : memref<8x16x256xf32, #tpu.memory_space<vmem>>, vector<1x1x16xf32>,
          %get3A_1172 = vector.shape_cast %get3A_1171 : vector<1x1x16xf32> to vector<16xf32>
          %add3A_1173 = arith.addf %add3A_1166, %get3A_1172 : vector<16xf32>
          %get3A_1174 = arith.constant 3 : i32
          %get3A_1175 = arith.index_cast %scan3A_84 : i32 to index
          %get3A_1176 = arith.index_cast %get3A_1174 : i32 to index
          %get3A_1177 = arith.constant 144 : index
          %get3A_1178 = tpu.vector_load %arg4[%get3A_1175, %get3A_1176, %get3A_1177] {strides = array<i32>} : memref<8x16x256xf32, #tpu.memory_space<vmem>>, vector<1x1x16xf32>,
          %get3A_1179 = vector.shape_cast %get3A_1178 : vector<1x1x16xf32> to vector<16xf32>
          %add3A_1180 = arith.addf %add3A_1173, %get3A_1179 : vector<16xf32>
          %get3A_1181 = arith.constant 4 : i32
          %get3A_1182 = arith.index_cast %scan3A_84 : i32 to index
          %get3A_1183 = arith.index_cast %get3A_1181 : i32 to index
          %get3A_1184 = arith.constant 144 : index
          %get3A_1185 = tpu.vector_load %arg4[%get3A_1182, %get3A_1183, %get3A_1184] {strides = array<i32>} : memref<8x16x256xf32, #tpu.memory_space<vmem>>, vector<1x1x16xf32>,
          %get3A_1186 = vector.shape_cast %get3A_1185 : vector<1x1x16xf32> to vector<16xf32>
          %add3A_1187 = arith.addf %add3A_1180, %get3A_1186 : vector<16xf32>
          %get3A_1188 = arith.constant 5 : i32
          %get3A_1189 = arith.index_cast %scan3A_84 : i32 to index
          %get3A_1190 = arith.index_cast %get3A_1188 : i32 to index
          %get3A_1191 = arith.constant 144 : index
          %get3A_1192 = tpu.vector_load %arg4[%get3A_1189, %get3A_1190, %get3A_1191] {strides = array<i32>} : memref<8x16x256xf32, #tpu.memory_space<vmem>>, vector<1x1x16xf32>,
          %get3A_1193 = vector.shape_cast %get3A_1192 : vector<1x1x16xf32> to vector<16xf32>
          %add3A_1194 = arith.addf %add3A_1187, %get3A_1193 : vector<16xf32>
          %get3A_1195 = arith.constant 6 : i32
          %get3A_1196 = arith.index_cast %scan3A_84 : i32 to index
          %get3A_1197 = arith.index_cast %get3A_1195 : i32 to index
          %get3A_1198 = arith.constant 144 : index
          %get3A_1199 = tpu.vector_load %arg4[%get3A_1196, %get3A_1197, %get3A_1198] {strides = array<i32>} : memref<8x16x256xf32, #tpu.memory_space<vmem>>, vector<1x1x16xf32>,
          %get3A_1200 = vector.shape_cast %get3A_1199 : vector<1x1x16xf32> to vector<16xf32>
          %add3A_1201 = arith.addf %add3A_1194, %get3A_1200 : vector<16xf32>
          %get3A_1202 = arith.constant 7 : i32
          %get3A_1203 = arith.index_cast %scan3A_84 : i32 to index
          %get3A_1204 = arith.index_cast %get3A_1202 : i32 to index
          %get3A_1205 = arith.constant 144 : index
          %get3A_1206 = tpu.vector_load %arg4[%get3A_1203, %get3A_1204, %get3A_1205] {strides = array<i32>} : memref<8x16x256xf32, #tpu.memory_space<vmem>>, vector<1x1x16xf32>,
          %get3A_1207 = vector.shape_cast %get3A_1206 : vector<1x1x16xf32> to vector<16xf32>
          %add3A_1208 = arith.addf %add3A_1201, %get3A_1207 : vector<16xf32>
          %get3A_1209 = arith.constant 8 : i32
          %get3A_1210 = arith.index_cast %scan3A_84 : i32 to index
          %get3A_1211 = arith.index_cast %get3A_1209 : i32 to index
          %get3A_1212 = arith.constant 144 : index
          %get3A_1213 = tpu.vector_load %arg4[%get3A_1210, %get3A_1211, %get3A_1212] {strides = array<i32>} : memref<8x16x256xf32, #tpu.memory_space<vmem>>, vector<1x1x16xf32>,
          %get3A_1214 = vector.shape_cast %get3A_1213 : vector<1x1x16xf32> to vector<16xf32>
          %add3A_1215 = arith.addf %add3A_1208, %get3A_1214 : vector<16xf32>
          %get3A_1216 = arith.constant 9 : i32
          %get3A_1217 = arith.index_cast %scan3A_84 : i32 to index
          %get3A_1218 = arith.index_cast %get3A_1216 : i32 to index
          %get3A_1219 = arith.constant 144 : index
          %get3A_1220 = tpu.vector_load %arg4[%get3A_1217, %get3A_1218, %get3A_1219] {strides = array<i32>} : memref<8x16x256xf32, #tpu.memory_space<vmem>>, vector<1x1x16xf32>,
          %get3A_1221 = vector.shape_cast %get3A_1220 : vector<1x1x16xf32> to vector<16xf32>
          %add3A_1222 = arith.addf %add3A_1215, %get3A_1221 : vector<16xf32>
          %get3A_1223 = arith.constant 10 : i32
          %get3A_1224 = arith.index_cast %scan3A_84 : i32 to index
          %get3A_1225 = arith.index_cast %get3A_1223 : i32 to index
          %get3A_1226 = arith.constant 144 : index
          %get3A_1227 = tpu.vector_load %arg4[%get3A_1224, %get3A_1225, %get3A_1226] {strides = array<i32>} : memref<8x16x256xf32, #tpu.memory_space<vmem>>, vector<1x1x16xf32>,
          %get3A_1228 = vector.shape_cast %get3A_1227 : vector<1x1x16xf32> to vector<16xf32>
          %add3A_1229 = arith.addf %add3A_1222, %get3A_1228 : vector<16xf32>
          %get3A_1230 = arith.constant 11 : i32
          %get3A_1231 = arith.index_cast %scan3A_84 : i32 to index
          %get3A_1232 = arith.index_cast %get3A_1230 : i32 to index
          %get3A_1233 = arith.constant 144 : index
          %get3A_1234 = tpu.vector_load %arg4[%get3A_1231, %get3A_1232, %get3A_1233] {strides = array<i32>} : memref<8x16x256xf32, #tpu.memory_space<vmem>>, vector<1x1x16xf32>,
          %get3A_1235 = vector.shape_cast %get3A_1234 : vector<1x1x16xf32> to vector<16xf32>
          %add3A_1236 = arith.addf %add3A_1229, %get3A_1235 : vector<16xf32>
          %get3A_1237 = arith.constant 12 : i32
          %get3A_1238 = arith.index_cast %scan3A_84 : i32 to index
          %get3A_1239 = arith.index_cast %get3A_1237 : i32 to index
          %get3A_1240 = arith.constant 144 : index
          %get3A_1241 = tpu.vector_load %arg4[%get3A_1238, %get3A_1239, %get3A_1240] {strides = array<i32>} : memref<8x16x256xf32, #tpu.memory_space<vmem>>, vector<1x1x16xf32>,
          %get3A_1242 = vector.shape_cast %get3A_1241 : vector<1x1x16xf32> to vector<16xf32>
          %add3A_1243 = arith.addf %add3A_1236, %get3A_1242 : vector<16xf32>
          %get3A_1244 = arith.constant 13 : i32
          %get3A_1245 = arith.index_cast %scan3A_84 : i32 to index
          %get3A_1246 = arith.index_cast %get3A_1244 : i32 to index
          %get3A_1247 = arith.constant 144 : index
          %get3A_1248 = tpu.vector_load %arg4[%get3A_1245, %get3A_1246, %get3A_1247] {strides = array<i32>} : memref<8x16x256xf32, #tpu.memory_space<vmem>>, vector<1x1x16xf32>,
          %get3A_1249 = vector.shape_cast %get3A_1248 : vector<1x1x16xf32> to vector<16xf32>
          %add3A_1250 = arith.addf %add3A_1243, %get3A_1249 : vector<16xf32>
          %get3A_1251 = arith.constant 14 : i32
          %get3A_1252 = arith.index_cast %scan3A_84 : i32 to index
          %get3A_1253 = arith.index_cast %get3A_1251 : i32 to index
          %get3A_1254 = arith.constant 144 : index
          %get3A_1255 = tpu.vector_load %arg4[%get3A_1252, %get3A_1253, %get3A_1254] {strides = array<i32>} : memref<8x16x256xf32, #tpu.memory_space<vmem>>, vector<1x1x16xf32>,
          %get3A_1256 = vector.shape_cast %get3A_1255 : vector<1x1x16xf32> to vector<16xf32>
          %add3A_1257 = arith.addf %add3A_1250, %get3A_1256 : vector<16xf32>
          %get3A_1258 = arith.constant 15 : i32
          %get3A_1259 = arith.index_cast %scan3A_84 : i32 to index
          %get3A_1260 = arith.index_cast %get3A_1258 : i32 to index
          %get3A_1261 = arith.constant 144 : index
          %get3A_1262 = tpu.vector_load %arg4[%get3A_1259, %get3A_1260, %get3A_1261] {strides = array<i32>} : memref<8x16x256xf32, #tpu.memory_space<vmem>>, vector<1x1x16xf32>,
          %get3A_1263 = vector.shape_cast %get3A_1262 : vector<1x1x16xf32> to vector<16xf32>
          %add3A_1264 = arith.addf %add3A_1257, %get3A_1263 : vector<16xf32>
          %mul3A_1265 = arith.constant 6.250000e-02 : f32
          %mul3A_1266 = vector.broadcast %mul3A_1265 : f32 to vector<16xf32>
          %mul3A_1267 = arith.mulf %add3A_1264, %mul3A_1266 : vector<16xf32>
          %swap3A_1268 = arith.index_cast %scan3A_84 : i32 to index
          %swap3A_1269 = arith.constant 144 : index
          %swap3A_1270 = tpu.vector_load %arg6[%swap3A_1268, %swap3A_1269] {strides = array<i32>} : memref<8x256xf32, #tpu.memory_space<vmem>>, vector<1x16xf32>,
          %swap3A_1271 = vector.shape_cast %swap3A_1270 : vector<1x16xf32> to vector<16xf32>
          %swap3A_1272 = vector.shape_cast %mul3A_1267 : vector<16xf32> to vector<1x16xf32>
          tpu.vector_store %arg6[%swap3A_1268, %swap3A_1269], %swap3A_1272 {strides = array<i32>} : memref<8x256xf32, #tpu.memory_space<vmem>>, vector<1x16xf32>,
          %get3A_1273 = arith.constant 0 : i32
          %get3A_1274 = arith.index_cast %scan3A_84 : i32 to index
          %get3A_1275 = arith.index_cast %get3A_1273 : i32 to index
          %get3A_1276 = arith.constant 160 : index
          %get3A_1277 = tpu.vector_load %arg4[%get3A_1274, %get3A_1275, %get3A_1276] {strides = array<i32>} : memref<8x16x256xf32, #tpu.memory_space<vmem>>, vector<1x1x16xf32>,
          %get3A_1278 = vector.shape_cast %get3A_1277 : vector<1x1x16xf32> to vector<16xf32>
          %get3A_1279 = arith.constant 1 : i32
          %get3A_1280 = arith.index_cast %scan3A_84 : i32 to index
          %get3A_1281 = arith.index_cast %get3A_1279 : i32 to index
          %get3A_1282 = arith.constant 160 : index
          %get3A_1283 = tpu.vector_load %arg4[%get3A_1280, %get3A_1281, %get3A_1282] {strides = array<i32>} : memref<8x16x256xf32, #tpu.memory_space<vmem>>, vector<1x1x16xf32>,
          %get3A_1284 = vector.shape_cast %get3A_1283 : vector<1x1x16xf32> to vector<16xf32>
          %add3A_1285 = arith.addf %get3A_1278, %get3A_1284 : vector<16xf32>
          %get3A_1286 = arith.constant 2 : i32
          %get3A_1287 = arith.index_cast %scan3A_84 : i32 to index
          %get3A_1288 = arith.index_cast %get3A_1286 : i32 to index
          %get3A_1289 = arith.constant 160 : index
          %get3A_1290 = tpu.vector_load %arg4[%get3A_1287, %get3A_1288, %get3A_1289] {strides = array<i32>} : memref<8x16x256xf32, #tpu.memory_space<vmem>>, vector<1x1x16xf32>,
          %get3A_1291 = vector.shape_cast %get3A_1290 : vector<1x1x16xf32> to vector<16xf32>
          %add3A_1292 = arith.addf %add3A_1285, %get3A_1291 : vector<16xf32>
          %get3A_1293 = arith.constant 3 : i32
          %get3A_1294 = arith.index_cast %scan3A_84 : i32 to index
          %get3A_1295 = arith.index_cast %get3A_1293 : i32 to index
          %get3A_1296 = arith.constant 160 : index
          %get3A_1297 = tpu.vector_load %arg4[%get3A_1294, %get3A_1295, %get3A_1296] {strides = array<i32>} : memref<8x16x256xf32, #tpu.memory_space<vmem>>, vector<1x1x16xf32>,
          %get3A_1298 = vector.shape_cast %get3A_1297 : vector<1x1x16xf32> to vector<16xf32>
          %add3A_1299 = arith.addf %add3A_1292, %get3A_1298 : vector<16xf32>
          %get3A_1300 = arith.constant 4 : i32
          %get3A_1301 = arith.index_cast %scan3A_84 : i32 to index
          %get3A_1302 = arith.index_cast %get3A_1300 : i32 to index
          %get3A_1303 = arith.constant 160 : index
          %get3A_1304 = tpu.vector_load %arg4[%get3A_1301, %get3A_1302, %get3A_1303] {strides = array<i32>} : memref<8x16x256xf32, #tpu.memory_space<vmem>>, vector<1x1x16xf32>,
          %get3A_1305 = vector.shape_cast %get3A_1304 : vector<1x1x16xf32> to vector<16xf32>
          %add3A_1306 = arith.addf %add3A_1299, %get3A_1305 : vector<16xf32>
          %get3A_1307 = arith.constant 5 : i32
          %get3A_1308 = arith.index_cast %scan3A_84 : i32 to index
          %get3A_1309 = arith.index_cast %get3A_1307 : i32 to index
          %get3A_1310 = arith.constant 160 : index
          %get3A_1311 = tpu.vector_load %arg4[%get3A_1308, %get3A_1309, %get3A_1310] {strides = array<i32>} : memref<8x16x256xf32, #tpu.memory_space<vmem>>, vector<1x1x16xf32>,
          %get3A_1312 = vector.shape_cast %get3A_1311 : vector<1x1x16xf32> to vector<16xf32>
          %add3A_1313 = arith.addf %add3A_1306, %get3A_1312 : vector<16xf32>
          %get3A_1314 = arith.constant 6 : i32
          %get3A_1315 = arith.index_cast %scan3A_84 : i32 to index
          %get3A_1316 = arith.index_cast %get3A_1314 : i32 to index
          %get3A_1317 = arith.constant 160 : index
          %get3A_1318 = tpu.vector_load %arg4[%get3A_1315, %get3A_1316, %get3A_1317] {strides = array<i32>} : memref<8x16x256xf32, #tpu.memory_space<vmem>>, vector<1x1x16xf32>,
          %get3A_1319 = vector.shape_cast %get3A_1318 : vector<1x1x16xf32> to vector<16xf32>
          %add3A_1320 = arith.addf %add3A_1313, %get3A_1319 : vector<16xf32>
          %get3A_1321 = arith.constant 7 : i32
          %get3A_1322 = arith.index_cast %scan3A_84 : i32 to index
          %get3A_1323 = arith.index_cast %get3A_1321 : i32 to index
          %get3A_1324 = arith.constant 160 : index
          %get3A_1325 = tpu.vector_load %arg4[%get3A_1322, %get3A_1323, %get3A_1324] {strides = array<i32>} : memref<8x16x256xf32, #tpu.memory_space<vmem>>, vector<1x1x16xf32>,
          %get3A_1326 = vector.shape_cast %get3A_1325 : vector<1x1x16xf32> to vector<16xf32>
          %add3A_1327 = arith.addf %add3A_1320, %get3A_1326 : vector<16xf32>
          %get3A_1328 = arith.constant 8 : i32
          %get3A_1329 = arith.index_cast %scan3A_84 : i32 to index
          %get3A_1330 = arith.index_cast %get3A_1328 : i32 to index
          %get3A_1331 = arith.constant 160 : index
          %get3A_1332 = tpu.vector_load %arg4[%get3A_1329, %get3A_1330, %get3A_1331] {strides = array<i32>} : memref<8x16x256xf32, #tpu.memory_space<vmem>>, vector<1x1x16xf32>,
          %get3A_1333 = vector.shape_cast %get3A_1332 : vector<1x1x16xf32> to vector<16xf32>
          %add3A_1334 = arith.addf %add3A_1327, %get3A_1333 : vector<16xf32>
          %get3A_1335 = arith.constant 9 : i32
          %get3A_1336 = arith.index_cast %scan3A_84 : i32 to index
          %get3A_1337 = arith.index_cast %get3A_1335 : i32 to index
          %get3A_1338 = arith.constant 160 : index
          %get3A_1339 = tpu.vector_load %arg4[%get3A_1336, %get3A_1337, %get3A_1338] {strides = array<i32>} : memref<8x16x256xf32, #tpu.memory_space<vmem>>, vector<1x1x16xf32>,
          %get3A_1340 = vector.shape_cast %get3A_1339 : vector<1x1x16xf32> to vector<16xf32>
          %add3A_1341 = arith.addf %add3A_1334, %get3A_1340 : vector<16xf32>
          %get3A_1342 = arith.constant 10 : i32
          %get3A_1343 = arith.index_cast %scan3A_84 : i32 to index
          %get3A_1344 = arith.index_cast %get3A_1342 : i32 to index
          %get3A_1345 = arith.constant 160 : index
          %get3A_1346 = tpu.vector_load %arg4[%get3A_1343, %get3A_1344, %get3A_1345] {strides = array<i32>} : memref<8x16x256xf32, #tpu.memory_space<vmem>>, vector<1x1x16xf32>,
          %get3A_1347 = vector.shape_cast %get3A_1346 : vector<1x1x16xf32> to vector<16xf32>
          %add3A_1348 = arith.addf %add3A_1341, %get3A_1347 : vector<16xf32>
          %get3A_1349 = arith.constant 11 : i32
          %get3A_1350 = arith.index_cast %scan3A_84 : i32 to index
          %get3A_1351 = arith.index_cast %get3A_1349 : i32 to index
          %get3A_1352 = arith.constant 160 : index
          %get3A_1353 = tpu.vector_load %arg4[%get3A_1350, %get3A_1351, %get3A_1352] {strides = array<i32>} : memref<8x16x256xf32, #tpu.memory_space<vmem>>, vector<1x1x16xf32>,
          %get3A_1354 = vector.shape_cast %get3A_1353 : vector<1x1x16xf32> to vector<16xf32>
          %add3A_1355 = arith.addf %add3A_1348, %get3A_1354 : vector<16xf32>
          %get3A_1356 = arith.constant 12 : i32
          %get3A_1357 = arith.index_cast %scan3A_84 : i32 to index
          %get3A_1358 = arith.index_cast %get3A_1356 : i32 to index
          %get3A_1359 = arith.constant 160 : index
          %get3A_1360 = tpu.vector_load %arg4[%get3A_1357, %get3A_1358, %get3A_1359] {strides = array<i32>} : memref<8x16x256xf32, #tpu.memory_space<vmem>>, vector<1x1x16xf32>,
          %get3A_1361 = vector.shape_cast %get3A_1360 : vector<1x1x16xf32> to vector<16xf32>
          %add3A_1362 = arith.addf %add3A_1355, %get3A_1361 : vector<16xf32>
          %get3A_1363 = arith.constant 13 : i32
          %get3A_1364 = arith.index_cast %scan3A_84 : i32 to index
          %get3A_1365 = arith.index_cast %get3A_1363 : i32 to index
          %get3A_1366 = arith.constant 160 : index
          %get3A_1367 = tpu.vector_load %arg4[%get3A_1364, %get3A_1365, %get3A_1366] {strides = array<i32>} : memref<8x16x256xf32, #tpu.memory_space<vmem>>, vector<1x1x16xf32>,
          %get3A_1368 = vector.shape_cast %get3A_1367 : vector<1x1x16xf32> to vector<16xf32>
          %add3A_1369 = arith.addf %add3A_1362, %get3A_1368 : vector<16xf32>
          %get3A_1370 = arith.constant 14 : i32
          %get3A_1371 = arith.index_cast %scan3A_84 : i32 to index
          %get3A_1372 = arith.index_cast %get3A_1370 : i32 to index
          %get3A_1373 = arith.constant 160 : index
          %get3A_1374 = tpu.vector_load %arg4[%get3A_1371, %get3A_1372, %get3A_1373] {strides = array<i32>} : memref<8x16x256xf32, #tpu.memory_space<vmem>>, vector<1x1x16xf32>,
          %get3A_1375 = vector.shape_cast %get3A_1374 : vector<1x1x16xf32> to vector<16xf32>
          %add3A_1376 = arith.addf %add3A_1369, %get3A_1375 : vector<16xf32>
          %get3A_1377 = arith.constant 15 : i32
          %get3A_1378 = arith.index_cast %scan3A_84 : i32 to index
          %get3A_1379 = arith.index_cast %get3A_1377 : i32 to index
          %get3A_1380 = arith.constant 160 : index
          %get3A_1381 = tpu.vector_load %arg4[%get3A_1378, %get3A_1379, %get3A_1380] {strides = array<i32>} : memref<8x16x256xf32, #tpu.memory_space<vmem>>, vector<1x1x16xf32>,
          %get3A_1382 = vector.shape_cast %get3A_1381 : vector<1x1x16xf32> to vector<16xf32>
          %add3A_1383 = arith.addf %add3A_1376, %get3A_1382 : vector<16xf32>
          %mul3A_1384 = arith.constant 6.250000e-02 : f32
          %mul3A_1385 = vector.broadcast %mul3A_1384 : f32 to vector<16xf32>
          %mul3A_1386 = arith.mulf %add3A_1383, %mul3A_1385 : vector<16xf32>
          %swap3A_1387 = arith.index_cast %scan3A_84 : i32 to index
          %swap3A_1388 = arith.constant 160 : index
          %swap3A_1389 = tpu.vector_load %arg6[%swap3A_1387, %swap3A_1388] {strides = array<i32>} : memref<8x256xf32, #tpu.memory_space<vmem>>, vector<1x16xf32>,
          %swap3A_1390 = vector.shape_cast %swap3A_1389 : vector<1x16xf32> to vector<16xf32>
          %swap3A_1391 = vector.shape_cast %mul3A_1386 : vector<16xf32> to vector<1x16xf32>
          tpu.vector_store %arg6[%swap3A_1387, %swap3A_1388], %swap3A_1391 {strides = array<i32>} : memref<8x256xf32, #tpu.memory_space<vmem>>, vector<1x16xf32>,
          %get3A_1392 = arith.constant 0 : i32
          %get3A_1393 = arith.index_cast %scan3A_84 : i32 to index
          %get3A_1394 = arith.index_cast %get3A_1392 : i32 to index
          %get3A_1395 = arith.constant 176 : index
          %get3A_1396 = tpu.vector_load %arg4[%get3A_1393, %get3A_1394, %get3A_1395] {strides = array<i32>} : memref<8x16x256xf32, #tpu.memory_space<vmem>>, vector<1x1x16xf32>,
          %get3A_1397 = vector.shape_cast %get3A_1396 : vector<1x1x16xf32> to vector<16xf32>
          %get3A_1398 = arith.constant 1 : i32
          %get3A_1399 = arith.index_cast %scan3A_84 : i32 to index
          %get3A_1400 = arith.index_cast %get3A_1398 : i32 to index
          %get3A_1401 = arith.constant 176 : index
          %get3A_1402 = tpu.vector_load %arg4[%get3A_1399, %get3A_1400, %get3A_1401] {strides = array<i32>} : memref<8x16x256xf32, #tpu.memory_space<vmem>>, vector<1x1x16xf32>,
          %get3A_1403 = vector.shape_cast %get3A_1402 : vector<1x1x16xf32> to vector<16xf32>
          %add3A_1404 = arith.addf %get3A_1397, %get3A_1403 : vector<16xf32>
          %get3A_1405 = arith.constant 2 : i32
          %get3A_1406 = arith.index_cast %scan3A_84 : i32 to index
          %get3A_1407 = arith.index_cast %get3A_1405 : i32 to index
          %get3A_1408 = arith.constant 176 : index
          %get3A_1409 = tpu.vector_load %arg4[%get3A_1406, %get3A_1407, %get3A_1408] {strides = array<i32>} : memref<8x16x256xf32, #tpu.memory_space<vmem>>, vector<1x1x16xf32>,
          %get3A_1410 = vector.shape_cast %get3A_1409 : vector<1x1x16xf32> to vector<16xf32>
          %add3A_1411 = arith.addf %add3A_1404, %get3A_1410 : vector<16xf32>
          %get3A_1412 = arith.constant 3 : i32
          %get3A_1413 = arith.index_cast %scan3A_84 : i32 to index
          %get3A_1414 = arith.index_cast %get3A_1412 : i32 to index
          %get3A_1415 = arith.constant 176 : index
          %get3A_1416 = tpu.vector_load %arg4[%get3A_1413, %get3A_1414, %get3A_1415] {strides = array<i32>} : memref<8x16x256xf32, #tpu.memory_space<vmem>>, vector<1x1x16xf32>,
          %get3A_1417 = vector.shape_cast %get3A_1416 : vector<1x1x16xf32> to vector<16xf32>
          %add3A_1418 = arith.addf %add3A_1411, %get3A_1417 : vector<16xf32>
          %get3A_1419 = arith.constant 4 : i32
          %get3A_1420 = arith.index_cast %scan3A_84 : i32 to index
          %get3A_1421 = arith.index_cast %get3A_1419 : i32 to index
          %get3A_1422 = arith.constant 176 : index
          %get3A_1423 = tpu.vector_load %arg4[%get3A_1420, %get3A_1421, %get3A_1422] {strides = array<i32>} : memref<8x16x256xf32, #tpu.memory_space<vmem>>, vector<1x1x16xf32>,
          %get3A_1424 = vector.shape_cast %get3A_1423 : vector<1x1x16xf32> to vector<16xf32>
          %add3A_1425 = arith.addf %add3A_1418, %get3A_1424 : vector<16xf32>
          %get3A_1426 = arith.constant 5 : i32
          %get3A_1427 = arith.index_cast %scan3A_84 : i32 to index
          %get3A_1428 = arith.index_cast %get3A_1426 : i32 to index
          %get3A_1429 = arith.constant 176 : index
          %get3A_1430 = tpu.vector_load %arg4[%get3A_1427, %get3A_1428, %get3A_1429] {strides = array<i32>} : memref<8x16x256xf32, #tpu.memory_space<vmem>>, vector<1x1x16xf32>,
          %get3A_1431 = vector.shape_cast %get3A_1430 : vector<1x1x16xf32> to vector<16xf32>
          %add3A_1432 = arith.addf %add3A_1425, %get3A_1431 : vector<16xf32>
          %get3A_1433 = arith.constant 6 : i32
          %get3A_1434 = arith.index_cast %scan3A_84 : i32 to index
          %get3A_1435 = arith.index_cast %get3A_1433 : i32 to index
          %get3A_1436 = arith.constant 176 : index
          %get3A_1437 = tpu.vector_load %arg4[%get3A_1434, %get3A_1435, %get3A_1436] {strides = array<i32>} : memref<8x16x256xf32, #tpu.memory_space<vmem>>, vector<1x1x16xf32>,
          %get3A_1438 = vector.shape_cast %get3A_1437 : vector<1x1x16xf32> to vector<16xf32>
          %add3A_1439 = arith.addf %add3A_1432, %get3A_1438 : vector<16xf32>
          %get3A_1440 = arith.constant 7 : i32
          %get3A_1441 = arith.index_cast %scan3A_84 : i32 to index
          %get3A_1442 = arith.index_cast %get3A_1440 : i32 to index
          %get3A_1443 = arith.constant 176 : index
          %get3A_1444 = tpu.vector_load %arg4[%get3A_1441, %get3A_1442, %get3A_1443] {strides = array<i32>} : memref<8x16x256xf32, #tpu.memory_space<vmem>>, vector<1x1x16xf32>,
          %get3A_1445 = vector.shape_cast %get3A_1444 : vector<1x1x16xf32> to vector<16xf32>
          %add3A_1446 = arith.addf %add3A_1439, %get3A_1445 : vector<16xf32>
          %get3A_1447 = arith.constant 8 : i32
          %get3A_1448 = arith.index_cast %scan3A_84 : i32 to index
          %get3A_1449 = arith.index_cast %get3A_1447 : i32 to index
          %get3A_1450 = arith.constant 176 : index
          %get3A_1451 = tpu.vector_load %arg4[%get3A_1448, %get3A_1449, %get3A_1450] {strides = array<i32>} : memref<8x16x256xf32, #tpu.memory_space<vmem>>, vector<1x1x16xf32>,
          %get3A_1452 = vector.shape_cast %get3A_1451 : vector<1x1x16xf32> to vector<16xf32>
          %add3A_1453 = arith.addf %add3A_1446, %get3A_1452 : vector<16xf32>
          %get3A_1454 = arith.constant 9 : i32
          %get3A_1455 = arith.index_cast %scan3A_84 : i32 to index
          %get3A_1456 = arith.index_cast %get3A_1454 : i32 to index
          %get3A_1457 = arith.constant 176 : index
          %get3A_1458 = tpu.vector_load %arg4[%get3A_1455, %get3A_1456, %get3A_1457] {strides = array<i32>} : memref<8x16x256xf32, #tpu.memory_space<vmem>>, vector<1x1x16xf32>,
          %get3A_1459 = vector.shape_cast %get3A_1458 : vector<1x1x16xf32> to vector<16xf32>
          %add3A_1460 = arith.addf %add3A_1453, %get3A_1459 : vector<16xf32>
          %get3A_1461 = arith.constant 10 : i32
          %get3A_1462 = arith.index_cast %scan3A_84 : i32 to index
          %get3A_1463 = arith.index_cast %get3A_1461 : i32 to index
          %get3A_1464 = arith.constant 176 : index
          %get3A_1465 = tpu.vector_load %arg4[%get3A_1462, %get3A_1463, %get3A_1464] {strides = array<i32>} : memref<8x16x256xf32, #tpu.memory_space<vmem>>, vector<1x1x16xf32>,
          %get3A_1466 = vector.shape_cast %get3A_1465 : vector<1x1x16xf32> to vector<16xf32>
          %add3A_1467 = arith.addf %add3A_1460, %get3A_1466 : vector<16xf32>
          %get3A_1468 = arith.constant 11 : i32
          %get3A_1469 = arith.index_cast %scan3A_84 : i32 to index
          %get3A_1470 = arith.index_cast %get3A_1468 : i32 to index
          %get3A_1471 = arith.constant 176 : index
          %get3A_1472 = tpu.vector_load %arg4[%get3A_1469, %get3A_1470, %get3A_1471] {strides = array<i32>} : memref<8x16x256xf32, #tpu.memory_space<vmem>>, vector<1x1x16xf32>,
          %get3A_1473 = vector.shape_cast %get3A_1472 : vector<1x1x16xf32> to vector<16xf32>
          %add3A_1474 = arith.addf %add3A_1467, %get3A_1473 : vector<16xf32>
          %get3A_1475 = arith.constant 12 : i32
          %get3A_1476 = arith.index_cast %scan3A_84 : i32 to index
          %get3A_1477 = arith.index_cast %get3A_1475 : i32 to index
          %get3A_1478 = arith.constant 176 : index
          %get3A_1479 = tpu.vector_load %arg4[%get3A_1476, %get3A_1477, %get3A_1478] {strides = array<i32>} : memref<8x16x256xf32, #tpu.memory_space<vmem>>, vector<1x1x16xf32>,
          %get3A_1480 = vector.shape_cast %get3A_1479 : vector<1x1x16xf32> to vector<16xf32>
          %add3A_1481 = arith.addf %add3A_1474, %get3A_1480 : vector<16xf32>
          %get3A_1482 = arith.constant 13 : i32
          %get3A_1483 = arith.index_cast %scan3A_84 : i32 to index
          %get3A_1484 = arith.index_cast %get3A_1482 : i32 to index
          %get3A_1485 = arith.constant 176 : index
          %get3A_1486 = tpu.vector_load %arg4[%get3A_1483, %get3A_1484, %get3A_1485] {strides = array<i32>} : memref<8x16x256xf32, #tpu.memory_space<vmem>>, vector<1x1x16xf32>,
          %get3A_1487 = vector.shape_cast %get3A_1486 : vector<1x1x16xf32> to vector<16xf32>
          %add3A_1488 = arith.addf %add3A_1481, %get3A_1487 : vector<16xf32>
          %get3A_1489 = arith.constant 14 : i32
          %get3A_1490 = arith.index_cast %scan3A_84 : i32 to index
          %get3A_1491 = arith.index_cast %get3A_1489 : i32 to index
          %get3A_1492 = arith.constant 176 : index
          %get3A_1493 = tpu.vector_load %arg4[%get3A_1490, %get3A_1491, %get3A_1492] {strides = array<i32>} : memref<8x16x256xf32, #tpu.memory_space<vmem>>, vector<1x1x16xf32>,
          %get3A_1494 = vector.shape_cast %get3A_1493 : vector<1x1x16xf32> to vector<16xf32>
          %add3A_1495 = arith.addf %add3A_1488, %get3A_1494 : vector<16xf32>
          %get3A_1496 = arith.constant 15 : i32
          %get3A_1497 = arith.index_cast %scan3A_84 : i32 to index
          %get3A_1498 = arith.index_cast %get3A_1496 : i32 to index
          %get3A_1499 = arith.constant 176 : index
          %get3A_1500 = tpu.vector_load %arg4[%get3A_1497, %get3A_1498, %get3A_1499] {strides = array<i32>} : memref<8x16x256xf32, #tpu.memory_space<vmem>>, vector<1x1x16xf32>,
          %get3A_1501 = vector.shape_cast %get3A_1500 : vector<1x1x16xf32> to vector<16xf32>
          %add3A_1502 = arith.addf %add3A_1495, %get3A_1501 : vector<16xf32>
          %mul3A_1503 = arith.constant 6.250000e-02 : f32
          %mul3A_1504 = vector.broadcast %mul3A_1503 : f32 to vector<16xf32>
          %mul3A_1505 = arith.mulf %add3A_1502, %mul3A_1504 : vector<16xf32>
          %swap3A_1506 = arith.index_cast %scan3A_84 : i32 to index
          %swap3A_1507 = arith.constant 176 : index
          %swap3A_1508 = tpu.vector_load %arg6[%swap3A_1506, %swap3A_1507] {strides = array<i32>} : memref<8x256xf32, #tpu.memory_space<vmem>>, vector<1x16xf32>,
          %swap3A_1509 = vector.shape_cast %swap3A_1508 : vector<1x16xf32> to vector<16xf32>
          %swap3A_1510 = vector.shape_cast %mul3A_1505 : vector<16xf32> to vector<1x16xf32>
          tpu.vector_store %arg6[%swap3A_1506, %swap3A_1507], %swap3A_1510 {strides = array<i32>} : memref<8x256xf32, #tpu.memory_space<vmem>>, vector<1x16xf32>,
          %get3A_1511 = arith.constant 0 : i32
          %get3A_1512 = arith.index_cast %scan3A_84 : i32 to index
          %get3A_1513 = arith.index_cast %get3A_1511 : i32 to index
          %get3A_1514 = arith.constant 192 : index
          %get3A_1515 = tpu.vector_load %arg4[%get3A_1512, %get3A_1513, %get3A_1514] {strides = array<i32>} : memref<8x16x256xf32, #tpu.memory_space<vmem>>, vector<1x1x16xf32>,
          %get3A_1516 = vector.shape_cast %get3A_1515 : vector<1x1x16xf32> to vector<16xf32>
          %get3A_1517 = arith.constant 1 : i32
          %get3A_1518 = arith.index_cast %scan3A_84 : i32 to index
          %get3A_1519 = arith.index_cast %get3A_1517 : i32 to index
          %get3A_1520 = arith.constant 192 : index
          %get3A_1521 = tpu.vector_load %arg4[%get3A_1518, %get3A_1519, %get3A_1520] {strides = array<i32>} : memref<8x16x256xf32, #tpu.memory_space<vmem>>, vector<1x1x16xf32>,
          %get3A_1522 = vector.shape_cast %get3A_1521 : vector<1x1x16xf32> to vector<16xf32>
          %add3A_1523 = arith.addf %get3A_1516, %get3A_1522 : vector<16xf32>
          %get3A_1524 = arith.constant 2 : i32
          %get3A_1525 = arith.index_cast %scan3A_84 : i32 to index
          %get3A_1526 = arith.index_cast %get3A_1524 : i32 to index
          %get3A_1527 = arith.constant 192 : index
          %get3A_1528 = tpu.vector_load %arg4[%get3A_1525, %get3A_1526, %get3A_1527] {strides = array<i32>} : memref<8x16x256xf32, #tpu.memory_space<vmem>>, vector<1x1x16xf32>,
          %get3A_1529 = vector.shape_cast %get3A_1528 : vector<1x1x16xf32> to vector<16xf32>
          %add3A_1530 = arith.addf %add3A_1523, %get3A_1529 : vector<16xf32>
          %get3A_1531 = arith.constant 3 : i32
          %get3A_1532 = arith.index_cast %scan3A_84 : i32 to index
          %get3A_1533 = arith.index_cast %get3A_1531 : i32 to index
          %get3A_1534 = arith.constant 192 : index
          %get3A_1535 = tpu.vector_load %arg4[%get3A_1532, %get3A_1533, %get3A_1534] {strides = array<i32>} : memref<8x16x256xf32, #tpu.memory_space<vmem>>, vector<1x1x16xf32>,
          %get3A_1536 = vector.shape_cast %get3A_1535 : vector<1x1x16xf32> to vector<16xf32>
          %add3A_1537 = arith.addf %add3A_1530, %get3A_1536 : vector<16xf32>
          %get3A_1538 = arith.constant 4 : i32
          %get3A_1539 = arith.index_cast %scan3A_84 : i32 to index
          %get3A_1540 = arith.index_cast %get3A_1538 : i32 to index
          %get3A_1541 = arith.constant 192 : index
          %get3A_1542 = tpu.vector_load %arg4[%get3A_1539, %get3A_1540, %get3A_1541] {strides = array<i32>} : memref<8x16x256xf32, #tpu.memory_space<vmem>>, vector<1x1x16xf32>,
          %get3A_1543 = vector.shape_cast %get3A_1542 : vector<1x1x16xf32> to vector<16xf32>
          %add3A_1544 = arith.addf %add3A_1537, %get3A_1543 : vector<16xf32>
          %get3A_1545 = arith.constant 5 : i32
          %get3A_1546 = arith.index_cast %scan3A_84 : i32 to index
          %get3A_1547 = arith.index_cast %get3A_1545 : i32 to index
          %get3A_1548 = arith.constant 192 : index
          %get3A_1549 = tpu.vector_load %arg4[%get3A_1546, %get3A_1547, %get3A_1548] {strides = array<i32>} : memref<8x16x256xf32, #tpu.memory_space<vmem>>, vector<1x1x16xf32>,
          %get3A_1550 = vector.shape_cast %get3A_1549 : vector<1x1x16xf32> to vector<16xf32>
          %add3A_1551 = arith.addf %add3A_1544, %get3A_1550 : vector<16xf32>
          %get3A_1552 = arith.constant 6 : i32
          %get3A_1553 = arith.index_cast %scan3A_84 : i32 to index
          %get3A_1554 = arith.index_cast %get3A_1552 : i32 to index
          %get3A_1555 = arith.constant 192 : index
          %get3A_1556 = tpu.vector_load %arg4[%get3A_1553, %get3A_1554, %get3A_1555] {strides = array<i32>} : memref<8x16x256xf32, #tpu.memory_space<vmem>>, vector<1x1x16xf32>,
          %get3A_1557 = vector.shape_cast %get3A_1556 : vector<1x1x16xf32> to vector<16xf32>
          %add3A_1558 = arith.addf %add3A_1551, %get3A_1557 : vector<16xf32>
          %get3A_1559 = arith.constant 7 : i32
          %get3A_1560 = arith.index_cast %scan3A_84 : i32 to index
          %get3A_1561 = arith.index_cast %get3A_1559 : i32 to index
          %get3A_1562 = arith.constant 192 : index
          %get3A_1563 = tpu.vector_load %arg4[%get3A_1560, %get3A_1561, %get3A_1562] {strides = array<i32>} : memref<8x16x256xf32, #tpu.memory_space<vmem>>, vector<1x1x16xf32>,
          %get3A_1564 = vector.shape_cast %get3A_1563 : vector<1x1x16xf32> to vector<16xf32>
          %add3A_1565 = arith.addf %add3A_1558, %get3A_1564 : vector<16xf32>
          %get3A_1566 = arith.constant 8 : i32
          %get3A_1567 = arith.index_cast %scan3A_84 : i32 to index
          %get3A_1568 = arith.index_cast %get3A_1566 : i32 to index
          %get3A_1569 = arith.constant 192 : index
          %get3A_1570 = tpu.vector_load %arg4[%get3A_1567, %get3A_1568, %get3A_1569] {strides = array<i32>} : memref<8x16x256xf32, #tpu.memory_space<vmem>>, vector<1x1x16xf32>,
          %get3A_1571 = vector.shape_cast %get3A_1570 : vector<1x1x16xf32> to vector<16xf32>
          %add3A_1572 = arith.addf %add3A_1565, %get3A_1571 : vector<16xf32>
          %get3A_1573 = arith.constant 9 : i32
          %get3A_1574 = arith.index_cast %scan3A_84 : i32 to index
          %get3A_1575 = arith.index_cast %get3A_1573 : i32 to index
          %get3A_1576 = arith.constant 192 : index
          %get3A_1577 = tpu.vector_load %arg4[%get3A_1574, %get3A_1575, %get3A_1576] {strides = array<i32>} : memref<8x16x256xf32, #tpu.memory_space<vmem>>, vector<1x1x16xf32>,
          %get3A_1578 = vector.shape_cast %get3A_1577 : vector<1x1x16xf32> to vector<16xf32>
          %add3A_1579 = arith.addf %add3A_1572, %get3A_1578 : vector<16xf32>
          %get3A_1580 = arith.constant 10 : i32
          %get3A_1581 = arith.index_cast %scan3A_84 : i32 to index
          %get3A_1582 = arith.index_cast %get3A_1580 : i32 to index
          %get3A_1583 = arith.constant 192 : index
          %get3A_1584 = tpu.vector_load %arg4[%get3A_1581, %get3A_1582, %get3A_1583] {strides = array<i32>} : memref<8x16x256xf32, #tpu.memory_space<vmem>>, vector<1x1x16xf32>,
          %get3A_1585 = vector.shape_cast %get3A_1584 : vector<1x1x16xf32> to vector<16xf32>
          %add3A_1586 = arith.addf %add3A_1579, %get3A_1585 : vector<16xf32>
          %get3A_1587 = arith.constant 11 : i32
          %get3A_1588 = arith.index_cast %scan3A_84 : i32 to index
          %get3A_1589 = arith.index_cast %get3A_1587 : i32 to index
          %get3A_1590 = arith.constant 192 : index
          %get3A_1591 = tpu.vector_load %arg4[%get3A_1588, %get3A_1589, %get3A_1590] {strides = array<i32>} : memref<8x16x256xf32, #tpu.memory_space<vmem>>, vector<1x1x16xf32>,
          %get3A_1592 = vector.shape_cast %get3A_1591 : vector<1x1x16xf32> to vector<16xf32>
          %add3A_1593 = arith.addf %add3A_1586, %get3A_1592 : vector<16xf32>
          %get3A_1594 = arith.constant 12 : i32
          %get3A_1595 = arith.index_cast %scan3A_84 : i32 to index
          %get3A_1596 = arith.index_cast %get3A_1594 : i32 to index
          %get3A_1597 = arith.constant 192 : index
          %get3A_1598 = tpu.vector_load %arg4[%get3A_1595, %get3A_1596, %get3A_1597] {strides = array<i32>} : memref<8x16x256xf32, #tpu.memory_space<vmem>>, vector<1x1x16xf32>,
          %get3A_1599 = vector.shape_cast %get3A_1598 : vector<1x1x16xf32> to vector<16xf32>
          %add3A_1600 = arith.addf %add3A_1593, %get3A_1599 : vector<16xf32>
          %get3A_1601 = arith.constant 13 : i32
          %get3A_1602 = arith.index_cast %scan3A_84 : i32 to index
          %get3A_1603 = arith.index_cast %get3A_1601 : i32 to index
          %get3A_1604 = arith.constant 192 : index
          %get3A_1605 = tpu.vector_load %arg4[%get3A_1602, %get3A_1603, %get3A_1604] {strides = array<i32>} : memref<8x16x256xf32, #tpu.memory_space<vmem>>, vector<1x1x16xf32>,
          %get3A_1606 = vector.shape_cast %get3A_1605 : vector<1x1x16xf32> to vector<16xf32>
          %add3A_1607 = arith.addf %add3A_1600, %get3A_1606 : vector<16xf32>
          %get3A_1608 = arith.constant 14 : i32
          %get3A_1609 = arith.index_cast %scan3A_84 : i32 to index
          %get3A_1610 = arith.index_cast %get3A_1608 : i32 to index
          %get3A_1611 = arith.constant 192 : index
          %get3A_1612 = tpu.vector_load %arg4[%get3A_1609, %get3A_1610, %get3A_1611] {strides = array<i32>} : memref<8x16x256xf32, #tpu.memory_space<vmem>>, vector<1x1x16xf32>,
          %get3A_1613 = vector.shape_cast %get3A_1612 : vector<1x1x16xf32> to vector<16xf32>
          %add3A_1614 = arith.addf %add3A_1607, %get3A_1613 : vector<16xf32>
          %get3A_1615 = arith.constant 15 : i32
          %get3A_1616 = arith.index_cast %scan3A_84 : i32 to index
          %get3A_1617 = arith.index_cast %get3A_1615 : i32 to index
          %get3A_1618 = arith.constant 192 : index
          %get3A_1619 = tpu.vector_load %arg4[%get3A_1616, %get3A_1617, %get3A_1618] {strides = array<i32>} : memref<8x16x256xf32, #tpu.memory_space<vmem>>, vector<1x1x16xf32>,
          %get3A_1620 = vector.shape_cast %get3A_1619 : vector<1x1x16xf32> to vector<16xf32>
          %add3A_1621 = arith.addf %add3A_1614, %get3A_1620 : vector<16xf32>
          %mul3A_1622 = arith.constant 6.250000e-02 : f32
          %mul3A_1623 = vector.broadcast %mul3A_1622 : f32 to vector<16xf32>
          %mul3A_1624 = arith.mulf %add3A_1621, %mul3A_1623 : vector<16xf32>
          %swap3A_1625 = arith.index_cast %scan3A_84 : i32 to index
          %swap3A_1626 = arith.constant 192 : index
          %swap3A_1627 = tpu.vector_load %arg6[%swap3A_1625, %swap3A_1626] {strides = array<i32>} : memref<8x256xf32, #tpu.memory_space<vmem>>, vector<1x16xf32>,
          %swap3A_1628 = vector.shape_cast %swap3A_1627 : vector<1x16xf32> to vector<16xf32>
          %swap3A_1629 = vector.shape_cast %mul3A_1624 : vector<16xf32> to vector<1x16xf32>
          tpu.vector_store %arg6[%swap3A_1625, %swap3A_1626], %swap3A_1629 {strides = array<i32>} : memref<8x256xf32, #tpu.memory_space<vmem>>, vector<1x16xf32>,
          %get3A_1630 = arith.constant 0 : i32
          %get3A_1631 = arith.index_cast %scan3A_84 : i32 to index
          %get3A_1632 = arith.index_cast %get3A_1630 : i32 to index
          %get3A_1633 = arith.constant 208 : index
          %get3A_1634 = tpu.vector_load %arg4[%get3A_1631, %get3A_1632, %get3A_1633] {strides = array<i32>} : memref<8x16x256xf32, #tpu.memory_space<vmem>>, vector<1x1x16xf32>,
          %get3A_1635 = vector.shape_cast %get3A_1634 : vector<1x1x16xf32> to vector<16xf32>
          %get3A_1636 = arith.constant 1 : i32
          %get3A_1637 = arith.index_cast %scan3A_84 : i32 to index
          %get3A_1638 = arith.index_cast %get3A_1636 : i32 to index
          %get3A_1639 = arith.constant 208 : index
          %get3A_1640 = tpu.vector_load %arg4[%get3A_1637, %get3A_1638, %get3A_1639] {strides = array<i32>} : memref<8x16x256xf32, #tpu.memory_space<vmem>>, vector<1x1x16xf32>,
          %get3A_1641 = vector.shape_cast %get3A_1640 : vector<1x1x16xf32> to vector<16xf32>
          %add3A_1642 = arith.addf %get3A_1635, %get3A_1641 : vector<16xf32>
          %get3A_1643 = arith.constant 2 : i32
          %get3A_1644 = arith.index_cast %scan3A_84 : i32 to index
          %get3A_1645 = arith.index_cast %get3A_1643 : i32 to index
          %get3A_1646 = arith.constant 208 : index
          %get3A_1647 = tpu.vector_load %arg4[%get3A_1644, %get3A_1645, %get3A_1646] {strides = array<i32>} : memref<8x16x256xf32, #tpu.memory_space<vmem>>, vector<1x1x16xf32>,
          %get3A_1648 = vector.shape_cast %get3A_1647 : vector<1x1x16xf32> to vector<16xf32>
          %add3A_1649 = arith.addf %add3A_1642, %get3A_1648 : vector<16xf32>
          %get3A_1650 = arith.constant 3 : i32
          %get3A_1651 = arith.index_cast %scan3A_84 : i32 to index
          %get3A_1652 = arith.index_cast %get3A_1650 : i32 to index
          %get3A_1653 = arith.constant 208 : index
          %get3A_1654 = tpu.vector_load %arg4[%get3A_1651, %get3A_1652, %get3A_1653] {strides = array<i32>} : memref<8x16x256xf32, #tpu.memory_space<vmem>>, vector<1x1x16xf32>,
          %get3A_1655 = vector.shape_cast %get3A_1654 : vector<1x1x16xf32> to vector<16xf32>
          %add3A_1656 = arith.addf %add3A_1649, %get3A_1655 : vector<16xf32>
          %get3A_1657 = arith.constant 4 : i32
          %get3A_1658 = arith.index_cast %scan3A_84 : i32 to index
          %get3A_1659 = arith.index_cast %get3A_1657 : i32 to index
          %get3A_1660 = arith.constant 208 : index
          %get3A_1661 = tpu.vector_load %arg4[%get3A_1658, %get3A_1659, %get3A_1660] {strides = array<i32>} : memref<8x16x256xf32, #tpu.memory_space<vmem>>, vector<1x1x16xf32>,
          %get3A_1662 = vector.shape_cast %get3A_1661 : vector<1x1x16xf32> to vector<16xf32>
          %add3A_1663 = arith.addf %add3A_1656, %get3A_1662 : vector<16xf32>
          %get3A_1664 = arith.constant 5 : i32
          %get3A_1665 = arith.index_cast %scan3A_84 : i32 to index
          %get3A_1666 = arith.index_cast %get3A_1664 : i32 to index
          %get3A_1667 = arith.constant 208 : index
          %get3A_1668 = tpu.vector_load %arg4[%get3A_1665, %get3A_1666, %get3A_1667] {strides = array<i32>} : memref<8x16x256xf32, #tpu.memory_space<vmem>>, vector<1x1x16xf32>,
          %get3A_1669 = vector.shape_cast %get3A_1668 : vector<1x1x16xf32> to vector<16xf32>
          %add3A_1670 = arith.addf %add3A_1663, %get3A_1669 : vector<16xf32>
          %get3A_1671 = arith.constant 6 : i32
          %get3A_1672 = arith.index_cast %scan3A_84 : i32 to index
          %get3A_1673 = arith.index_cast %get3A_1671 : i32 to index
          %get3A_1674 = arith.constant 208 : index
          %get3A_1675 = tpu.vector_load %arg4[%get3A_1672, %get3A_1673, %get3A_1674] {strides = array<i32>} : memref<8x16x256xf32, #tpu.memory_space<vmem>>, vector<1x1x16xf32>,
          %get3A_1676 = vector.shape_cast %get3A_1675 : vector<1x1x16xf32> to vector<16xf32>
          %add3A_1677 = arith.addf %add3A_1670, %get3A_1676 : vector<16xf32>
          %get3A_1678 = arith.constant 7 : i32
          %get3A_1679 = arith.index_cast %scan3A_84 : i32 to index
          %get3A_1680 = arith.index_cast %get3A_1678 : i32 to index
          %get3A_1681 = arith.constant 208 : index
          %get3A_1682 = tpu.vector_load %arg4[%get3A_1679, %get3A_1680, %get3A_1681] {strides = array<i32>} : memref<8x16x256xf32, #tpu.memory_space<vmem>>, vector<1x1x16xf32>,
          %get3A_1683 = vector.shape_cast %get3A_1682 : vector<1x1x16xf32> to vector<16xf32>
          %add3A_1684 = arith.addf %add3A_1677, %get3A_1683 : vector<16xf32>
          %get3A_1685 = arith.constant 8 : i32
          %get3A_1686 = arith.index_cast %scan3A_84 : i32 to index
          %get3A_1687 = arith.index_cast %get3A_1685 : i32 to index
          %get3A_1688 = arith.constant 208 : index
          %get3A_1689 = tpu.vector_load %arg4[%get3A_1686, %get3A_1687, %get3A_1688] {strides = array<i32>} : memref<8x16x256xf32, #tpu.memory_space<vmem>>, vector<1x1x16xf32>,
          %get3A_1690 = vector.shape_cast %get3A_1689 : vector<1x1x16xf32> to vector<16xf32>
          %add3A_1691 = arith.addf %add3A_1684, %get3A_1690 : vector<16xf32>
          %get3A_1692 = arith.constant 9 : i32
          %get3A_1693 = arith.index_cast %scan3A_84 : i32 to index
          %get3A_1694 = arith.index_cast %get3A_1692 : i32 to index
          %get3A_1695 = arith.constant 208 : index
          %get3A_1696 = tpu.vector_load %arg4[%get3A_1693, %get3A_1694, %get3A_1695] {strides = array<i32>} : memref<8x16x256xf32, #tpu.memory_space<vmem>>, vector<1x1x16xf32>,
          %get3A_1697 = vector.shape_cast %get3A_1696 : vector<1x1x16xf32> to vector<16xf32>
          %add3A_1698 = arith.addf %add3A_1691, %get3A_1697 : vector<16xf32>
          %get3A_1699 = arith.constant 10 : i32
          %get3A_1700 = arith.index_cast %scan3A_84 : i32 to index
          %get3A_1701 = arith.index_cast %get3A_1699 : i32 to index
          %get3A_1702 = arith.constant 208 : index
          %get3A_1703 = tpu.vector_load %arg4[%get3A_1700, %get3A_1701, %get3A_1702] {strides = array<i32>} : memref<8x16x256xf32, #tpu.memory_space<vmem>>, vector<1x1x16xf32>,
          %get3A_1704 = vector.shape_cast %get3A_1703 : vector<1x1x16xf32> to vector<16xf32>
          %add3A_1705 = arith.addf %add3A_1698, %get3A_1704 : vector<16xf32>
          %get3A_1706 = arith.constant 11 : i32
          %get3A_1707 = arith.index_cast %scan3A_84 : i32 to index
          %get3A_1708 = arith.index_cast %get3A_1706 : i32 to index
          %get3A_1709 = arith.constant 208 : index
          %get3A_1710 = tpu.vector_load %arg4[%get3A_1707, %get3A_1708, %get3A_1709] {strides = array<i32>} : memref<8x16x256xf32, #tpu.memory_space<vmem>>, vector<1x1x16xf32>,
          %get3A_1711 = vector.shape_cast %get3A_1710 : vector<1x1x16xf32> to vector<16xf32>
          %add3A_1712 = arith.addf %add3A_1705, %get3A_1711 : vector<16xf32>
          %get3A_1713 = arith.constant 12 : i32
          %get3A_1714 = arith.index_cast %scan3A_84 : i32 to index
          %get3A_1715 = arith.index_cast %get3A_1713 : i32 to index
          %get3A_1716 = arith.constant 208 : index
          %get3A_1717 = tpu.vector_load %arg4[%get3A_1714, %get3A_1715, %get3A_1716] {strides = array<i32>} : memref<8x16x256xf32, #tpu.memory_space<vmem>>, vector<1x1x16xf32>,
          %get3A_1718 = vector.shape_cast %get3A_1717 : vector<1x1x16xf32> to vector<16xf32>
          %add3A_1719 = arith.addf %add3A_1712, %get3A_1718 : vector<16xf32>
          %get3A_1720 = arith.constant 13 : i32
          %get3A_1721 = arith.index_cast %scan3A_84 : i32 to index
          %get3A_1722 = arith.index_cast %get3A_1720 : i32 to index
          %get3A_1723 = arith.constant 208 : index
          %get3A_1724 = tpu.vector_load %arg4[%get3A_1721, %get3A_1722, %get3A_1723] {strides = array<i32>} : memref<8x16x256xf32, #tpu.memory_space<vmem>>, vector<1x1x16xf32>,
          %get3A_1725 = vector.shape_cast %get3A_1724 : vector<1x1x16xf32> to vector<16xf32>
          %add3A_1726 = arith.addf %add3A_1719, %get3A_1725 : vector<16xf32>
          %get3A_1727 = arith.constant 14 : i32
          %get3A_1728 = arith.index_cast %scan3A_84 : i32 to index
          %get3A_1729 = arith.index_cast %get3A_1727 : i32 to index
          %get3A_1730 = arith.constant 208 : index
          %get3A_1731 = tpu.vector_load %arg4[%get3A_1728, %get3A_1729, %get3A_1730] {strides = array<i32>} : memref<8x16x256xf32, #tpu.memory_space<vmem>>, vector<1x1x16xf32>,
          %get3A_1732 = vector.shape_cast %get3A_1731 : vector<1x1x16xf32> to vector<16xf32>
          %add3A_1733 = arith.addf %add3A_1726, %get3A_1732 : vector<16xf32>
          %get3A_1734 = arith.constant 15 : i32
          %get3A_1735 = arith.index_cast %scan3A_84 : i32 to index
          %get3A_1736 = arith.index_cast %get3A_1734 : i32 to index
          %get3A_1737 = arith.constant 208 : index
          %get3A_1738 = tpu.vector_load %arg4[%get3A_1735, %get3A_1736, %get3A_1737] {strides = array<i32>} : memref<8x16x256xf32, #tpu.memory_space<vmem>>, vector<1x1x16xf32>,
          %get3A_1739 = vector.shape_cast %get3A_1738 : vector<1x1x16xf32> to vector<16xf32>
          %add3A_1740 = arith.addf %add3A_1733, %get3A_1739 : vector<16xf32>
          %mul3A_1741 = arith.constant 6.250000e-02 : f32
          %mul3A_1742 = vector.broadcast %mul3A_1741 : f32 to vector<16xf32>
          %mul3A_1743 = arith.mulf %add3A_1740, %mul3A_1742 : vector<16xf32>
          %swap3A_1744 = arith.index_cast %scan3A_84 : i32 to index
          %swap3A_1745 = arith.constant 208 : index
          %swap3A_1746 = tpu.vector_load %arg6[%swap3A_1744, %swap3A_1745] {strides = array<i32>} : memref<8x256xf32, #tpu.memory_space<vmem>>, vector<1x16xf32>,
          %swap3A_1747 = vector.shape_cast %swap3A_1746 : vector<1x16xf32> to vector<16xf32>
          %swap3A_1748 = vector.shape_cast %mul3A_1743 : vector<16xf32> to vector<1x16xf32>
          tpu.vector_store %arg6[%swap3A_1744, %swap3A_1745], %swap3A_1748 {strides = array<i32>} : memref<8x256xf32, #tpu.memory_space<vmem>>, vector<1x16xf32>,
          %get3A_1749 = arith.constant 0 : i32
          %get3A_1750 = arith.index_cast %scan3A_84 : i32 to index
          %get3A_1751 = arith.index_cast %get3A_1749 : i32 to index
          %get3A_1752 = arith.constant 224 : index
          %get3A_1753 = tpu.vector_load %arg4[%get3A_1750, %get3A_1751, %get3A_1752] {strides = array<i32>} : memref<8x16x256xf32, #tpu.memory_space<vmem>>, vector<1x1x16xf32>,
          %get3A_1754 = vector.shape_cast %get3A_1753 : vector<1x1x16xf32> to vector<16xf32>
          %get3A_1755 = arith.constant 1 : i32
          %get3A_1756 = arith.index_cast %scan3A_84 : i32 to index
          %get3A_1757 = arith.index_cast %get3A_1755 : i32 to index
          %get3A_1758 = arith.constant 224 : index
          %get3A_1759 = tpu.vector_load %arg4[%get3A_1756, %get3A_1757, %get3A_1758] {strides = array<i32>} : memref<8x16x256xf32, #tpu.memory_space<vmem>>, vector<1x1x16xf32>,
          %get3A_1760 = vector.shape_cast %get3A_1759 : vector<1x1x16xf32> to vector<16xf32>
          %add3A_1761 = arith.addf %get3A_1754, %get3A_1760 : vector<16xf32>
          %get3A_1762 = arith.constant 2 : i32
          %get3A_1763 = arith.index_cast %scan3A_84 : i32 to index
          %get3A_1764 = arith.index_cast %get3A_1762 : i32 to index
          %get3A_1765 = arith.constant 224 : index
          %get3A_1766 = tpu.vector_load %arg4[%get3A_1763, %get3A_1764, %get3A_1765] {strides = array<i32>} : memref<8x16x256xf32, #tpu.memory_space<vmem>>, vector<1x1x16xf32>,
          %get3A_1767 = vector.shape_cast %get3A_1766 : vector<1x1x16xf32> to vector<16xf32>
          %add3A_1768 = arith.addf %add3A_1761, %get3A_1767 : vector<16xf32>
          %get3A_1769 = arith.constant 3 : i32
          %get3A_1770 = arith.index_cast %scan3A_84 : i32 to index
          %get3A_1771 = arith.index_cast %get3A_1769 : i32 to index
          %get3A_1772 = arith.constant 224 : index
          %get3A_1773 = tpu.vector_load %arg4[%get3A_1770, %get3A_1771, %get3A_1772] {strides = array<i32>} : memref<8x16x256xf32, #tpu.memory_space<vmem>>, vector<1x1x16xf32>,
          %get3A_1774 = vector.shape_cast %get3A_1773 : vector<1x1x16xf32> to vector<16xf32>
          %add3A_1775 = arith.addf %add3A_1768, %get3A_1774 : vector<16xf32>
          %get3A_1776 = arith.constant 4 : i32
          %get3A_1777 = arith.index_cast %scan3A_84 : i32 to index
          %get3A_1778 = arith.index_cast %get3A_1776 : i32 to index
          %get3A_1779 = arith.constant 224 : index
          %get3A_1780 = tpu.vector_load %arg4[%get3A_1777, %get3A_1778, %get3A_1779] {strides = array<i32>} : memref<8x16x256xf32, #tpu.memory_space<vmem>>, vector<1x1x16xf32>,
          %get3A_1781 = vector.shape_cast %get3A_1780 : vector<1x1x16xf32> to vector<16xf32>
          %add3A_1782 = arith.addf %add3A_1775, %get3A_1781 : vector<16xf32>
          %get3A_1783 = arith.constant 5 : i32
          %get3A_1784 = arith.index_cast %scan3A_84 : i32 to index
          %get3A_1785 = arith.index_cast %get3A_1783 : i32 to index
          %get3A_1786 = arith.constant 224 : index
          %get3A_1787 = tpu.vector_load %arg4[%get3A_1784, %get3A_1785, %get3A_1786] {strides = array<i32>} : memref<8x16x256xf32, #tpu.memory_space<vmem>>, vector<1x1x16xf32>,
          %get3A_1788 = vector.shape_cast %get3A_1787 : vector<1x1x16xf32> to vector<16xf32>
          %add3A_1789 = arith.addf %add3A_1782, %get3A_1788 : vector<16xf32>
          %get3A_1790 = arith.constant 6 : i32
          %get3A_1791 = arith.index_cast %scan3A_84 : i32 to index
          %get3A_1792 = arith.index_cast %get3A_1790 : i32 to index
          %get3A_1793 = arith.constant 224 : index
          %get3A_1794 = tpu.vector_load %arg4[%get3A_1791, %get3A_1792, %get3A_1793] {strides = array<i32>} : memref<8x16x256xf32, #tpu.memory_space<vmem>>, vector<1x1x16xf32>,
          %get3A_1795 = vector.shape_cast %get3A_1794 : vector<1x1x16xf32> to vector<16xf32>
          %add3A_1796 = arith.addf %add3A_1789, %get3A_1795 : vector<16xf32>
          %get3A_1797 = arith.constant 7 : i32
          %get3A_1798 = arith.index_cast %scan3A_84 : i32 to index
          %get3A_1799 = arith.index_cast %get3A_1797 : i32 to index
          %get3A_1800 = arith.constant 224 : index
          %get3A_1801 = tpu.vector_load %arg4[%get3A_1798, %get3A_1799, %get3A_1800] {strides = array<i32>} : memref<8x16x256xf32, #tpu.memory_space<vmem>>, vector<1x1x16xf32>,
          %get3A_1802 = vector.shape_cast %get3A_1801 : vector<1x1x16xf32> to vector<16xf32>
          %add3A_1803 = arith.addf %add3A_1796, %get3A_1802 : vector<16xf32>
          %get3A_1804 = arith.constant 8 : i32
          %get3A_1805 = arith.index_cast %scan3A_84 : i32 to index
          %get3A_1806 = arith.index_cast %get3A_1804 : i32 to index
          %get3A_1807 = arith.constant 224 : index
          %get3A_1808 = tpu.vector_load %arg4[%get3A_1805, %get3A_1806, %get3A_1807] {strides = array<i32>} : memref<8x16x256xf32, #tpu.memory_space<vmem>>, vector<1x1x16xf32>,
          %get3A_1809 = vector.shape_cast %get3A_1808 : vector<1x1x16xf32> to vector<16xf32>
          %add3A_1810 = arith.addf %add3A_1803, %get3A_1809 : vector<16xf32>
          %get3A_1811 = arith.constant 9 : i32
          %get3A_1812 = arith.index_cast %scan3A_84 : i32 to index
          %get3A_1813 = arith.index_cast %get3A_1811 : i32 to index
          %get3A_1814 = arith.constant 224 : index
          %get3A_1815 = tpu.vector_load %arg4[%get3A_1812, %get3A_1813, %get3A_1814] {strides = array<i32>} : memref<8x16x256xf32, #tpu.memory_space<vmem>>, vector<1x1x16xf32>,
          %get3A_1816 = vector.shape_cast %get3A_1815 : vector<1x1x16xf32> to vector<16xf32>
          %add3A_1817 = arith.addf %add3A_1810, %get3A_1816 : vector<16xf32>
          %get3A_1818 = arith.constant 10 : i32
          %get3A_1819 = arith.index_cast %scan3A_84 : i32 to index
          %get3A_1820 = arith.index_cast %get3A_1818 : i32 to index
          %get3A_1821 = arith.constant 224 : index
          %get3A_1822 = tpu.vector_load %arg4[%get3A_1819, %get3A_1820, %get3A_1821] {strides = array<i32>} : memref<8x16x256xf32, #tpu.memory_space<vmem>>, vector<1x1x16xf32>,
          %get3A_1823 = vector.shape_cast %get3A_1822 : vector<1x1x16xf32> to vector<16xf32>
          %add3A_1824 = arith.addf %add3A_1817, %get3A_1823 : vector<16xf32>
          %get3A_1825 = arith.constant 11 : i32
          %get3A_1826 = arith.index_cast %scan3A_84 : i32 to index
          %get3A_1827 = arith.index_cast %get3A_1825 : i32 to index
          %get3A_1828 = arith.constant 224 : index
          %get3A_1829 = tpu.vector_load %arg4[%get3A_1826, %get3A_1827, %get3A_1828] {strides = array<i32>} : memref<8x16x256xf32, #tpu.memory_space<vmem>>, vector<1x1x16xf32>,
          %get3A_1830 = vector.shape_cast %get3A_1829 : vector<1x1x16xf32> to vector<16xf32>
          %add3A_1831 = arith.addf %add3A_1824, %get3A_1830 : vector<16xf32>
          %get3A_1832 = arith.constant 12 : i32
          %get3A_1833 = arith.index_cast %scan3A_84 : i32 to index
          %get3A_1834 = arith.index_cast %get3A_1832 : i32 to index
          %get3A_1835 = arith.constant 224 : index
          %get3A_1836 = tpu.vector_load %arg4[%get3A_1833, %get3A_1834, %get3A_1835] {strides = array<i32>} : memref<8x16x256xf32, #tpu.memory_space<vmem>>, vector<1x1x16xf32>,
          %get3A_1837 = vector.shape_cast %get3A_1836 : vector<1x1x16xf32> to vector<16xf32>
          %add3A_1838 = arith.addf %add3A_1831, %get3A_1837 : vector<16xf32>
          %get3A_1839 = arith.constant 13 : i32
          %get3A_1840 = arith.index_cast %scan3A_84 : i32 to index
          %get3A_1841 = arith.index_cast %get3A_1839 : i32 to index
          %get3A_1842 = arith.constant 224 : index
          %get3A_1843 = tpu.vector_load %arg4[%get3A_1840, %get3A_1841, %get3A_1842] {strides = array<i32>} : memref<8x16x256xf32, #tpu.memory_space<vmem>>, vector<1x1x16xf32>,
          %get3A_1844 = vector.shape_cast %get3A_1843 : vector<1x1x16xf32> to vector<16xf32>
          %add3A_1845 = arith.addf %add3A_1838, %get3A_1844 : vector<16xf32>
          %get3A_1846 = arith.constant 14 : i32
          %get3A_1847 = arith.index_cast %scan3A_84 : i32 to index
          %get3A_1848 = arith.index_cast %get3A_1846 : i32 to index
          %get3A_1849 = arith.constant 224 : index
          %get3A_1850 = tpu.vector_load %arg4[%get3A_1847, %get3A_1848, %get3A_1849] {strides = array<i32>} : memref<8x16x256xf32, #tpu.memory_space<vmem>>, vector<1x1x16xf32>,
          %get3A_1851 = vector.shape_cast %get3A_1850 : vector<1x1x16xf32> to vector<16xf32>
          %add3A_1852 = arith.addf %add3A_1845, %get3A_1851 : vector<16xf32>
          %get3A_1853 = arith.constant 15 : i32
          %get3A_1854 = arith.index_cast %scan3A_84 : i32 to index
          %get3A_1855 = arith.index_cast %get3A_1853 : i32 to index
          %get3A_1856 = arith.constant 224 : index
          %get3A_1857 = tpu.vector_load %arg4[%get3A_1854, %get3A_1855, %get3A_1856] {strides = array<i32>} : memref<8x16x256xf32, #tpu.memory_space<vmem>>, vector<1x1x16xf32>,
          %get3A_1858 = vector.shape_cast %get3A_1857 : vector<1x1x16xf32> to vector<16xf32>
          %add3A_1859 = arith.addf %add3A_1852, %get3A_1858 : vector<16xf32>
          %mul3A_1860 = arith.constant 6.250000e-02 : f32
          %mul3A_1861 = vector.broadcast %mul3A_1860 : f32 to vector<16xf32>
          %mul3A_1862 = arith.mulf %add3A_1859, %mul3A_1861 : vector<16xf32>
          %swap3A_1863 = arith.index_cast %scan3A_84 : i32 to index
          %swap3A_1864 = arith.constant 224 : index
          %swap3A_1865 = tpu.vector_load %arg6[%swap3A_1863, %swap3A_1864] {strides = array<i32>} : memref<8x256xf32, #tpu.memory_space<vmem>>, vector<1x16xf32>,
          %swap3A_1866 = vector.shape_cast %swap3A_1865 : vector<1x16xf32> to vector<16xf32>
          %swap3A_1867 = vector.shape_cast %mul3A_1862 : vector<16xf32> to vector<1x16xf32>
          tpu.vector_store %arg6[%swap3A_1863, %swap3A_1864], %swap3A_1867 {strides = array<i32>} : memref<8x256xf32, #tpu.memory_space<vmem>>, vector<1x16xf32>,
          %get3A_1868 = arith.constant 0 : i32
          %get3A_1869 = arith.index_cast %scan3A_84 : i32 to index
          %get3A_1870 = arith.index_cast %get3A_1868 : i32 to index
          %get3A_1871 = arith.constant 240 : index
          %get3A_1872 = tpu.vector_load %arg4[%get3A_1869, %get3A_1870, %get3A_1871] {strides = array<i32>} : memref<8x16x256xf32, #tpu.memory_space<vmem>>, vector<1x1x16xf32>,
          %get3A_1873 = vector.shape_cast %get3A_1872 : vector<1x1x16xf32> to vector<16xf32>
          %get3A_1874 = arith.constant 1 : i32
          %get3A_1875 = arith.index_cast %scan3A_84 : i32 to index
          %get3A_1876 = arith.index_cast %get3A_1874 : i32 to index
          %get3A_1877 = arith.constant 240 : index
          %get3A_1878 = tpu.vector_load %arg4[%get3A_1875, %get3A_1876, %get3A_1877] {strides = array<i32>} : memref<8x16x256xf32, #tpu.memory_space<vmem>>, vector<1x1x16xf32>,
          %get3A_1879 = vector.shape_cast %get3A_1878 : vector<1x1x16xf32> to vector<16xf32>
          %add3A_1880 = arith.addf %get3A_1873, %get3A_1879 : vector<16xf32>
          %get3A_1881 = arith.constant 2 : i32
          %get3A_1882 = arith.index_cast %scan3A_84 : i32 to index
          %get3A_1883 = arith.index_cast %get3A_1881 : i32 to index
          %get3A_1884 = arith.constant 240 : index
          %get3A_1885 = tpu.vector_load %arg4[%get3A_1882, %get3A_1883, %get3A_1884] {strides = array<i32>} : memref<8x16x256xf32, #tpu.memory_space<vmem>>, vector<1x1x16xf32>,
          %get3A_1886 = vector.shape_cast %get3A_1885 : vector<1x1x16xf32> to vector<16xf32>
          %add3A_1887 = arith.addf %add3A_1880, %get3A_1886 : vector<16xf32>
          %get3A_1888 = arith.constant 3 : i32
          %get3A_1889 = arith.index_cast %scan3A_84 : i32 to index
          %get3A_1890 = arith.index_cast %get3A_1888 : i32 to index
          %get3A_1891 = arith.constant 240 : index
          %get3A_1892 = tpu.vector_load %arg4[%get3A_1889, %get3A_1890, %get3A_1891] {strides = array<i32>} : memref<8x16x256xf32, #tpu.memory_space<vmem>>, vector<1x1x16xf32>,
          %get3A_1893 = vector.shape_cast %get3A_1892 : vector<1x1x16xf32> to vector<16xf32>
          %add3A_1894 = arith.addf %add3A_1887, %get3A_1893 : vector<16xf32>
          %get3A_1895 = arith.constant 4 : i32
          %get3A_1896 = arith.index_cast %scan3A_84 : i32 to index
          %get3A_1897 = arith.index_cast %get3A_1895 : i32 to index
          %get3A_1898 = arith.constant 240 : index
          %get3A_1899 = tpu.vector_load %arg4[%get3A_1896, %get3A_1897, %get3A_1898] {strides = array<i32>} : memref<8x16x256xf32, #tpu.memory_space<vmem>>, vector<1x1x16xf32>,
          %get3A_1900 = vector.shape_cast %get3A_1899 : vector<1x1x16xf32> to vector<16xf32>
          %add3A_1901 = arith.addf %add3A_1894, %get3A_1900 : vector<16xf32>
          %get3A_1902 = arith.constant 5 : i32
          %get3A_1903 = arith.index_cast %scan3A_84 : i32 to index
          %get3A_1904 = arith.index_cast %get3A_1902 : i32 to index
          %get3A_1905 = arith.constant 240 : index
          %get3A_1906 = tpu.vector_load %arg4[%get3A_1903, %get3A_1904, %get3A_1905] {strides = array<i32>} : memref<8x16x256xf32, #tpu.memory_space<vmem>>, vector<1x1x16xf32>,
          %get3A_1907 = vector.shape_cast %get3A_1906 : vector<1x1x16xf32> to vector<16xf32>
          %add3A_1908 = arith.addf %add3A_1901, %get3A_1907 : vector<16xf32>
          %get3A_1909 = arith.constant 6 : i32
          %get3A_1910 = arith.index_cast %scan3A_84 : i32 to index
          %get3A_1911 = arith.index_cast %get3A_1909 : i32 to index
          %get3A_1912 = arith.constant 240 : index
          %get3A_1913 = tpu.vector_load %arg4[%get3A_1910, %get3A_1911, %get3A_1912] {strides = array<i32>} : memref<8x16x256xf32, #tpu.memory_space<vmem>>, vector<1x1x16xf32>,
          %get3A_1914 = vector.shape_cast %get3A_1913 : vector<1x1x16xf32> to vector<16xf32>
          %add3A_1915 = arith.addf %add3A_1908, %get3A_1914 : vector<16xf32>
          %get3A_1916 = arith.constant 7 : i32
          %get3A_1917 = arith.index_cast %scan3A_84 : i32 to index
          %get3A_1918 = arith.index_cast %get3A_1916 : i32 to index
          %get3A_1919 = arith.constant 240 : index
          %get3A_1920 = tpu.vector_load %arg4[%get3A_1917, %get3A_1918, %get3A_1919] {strides = array<i32>} : memref<8x16x256xf32, #tpu.memory_space<vmem>>, vector<1x1x16xf32>,
          %get3A_1921 = vector.shape_cast %get3A_1920 : vector<1x1x16xf32> to vector<16xf32>
          %add3A_1922 = arith.addf %add3A_1915, %get3A_1921 : vector<16xf32>
          %get3A_1923 = arith.constant 8 : i32
          %get3A_1924 = arith.index_cast %scan3A_84 : i32 to index
          %get3A_1925 = arith.index_cast %get3A_1923 : i32 to index
          %get3A_1926 = arith.constant 240 : index
          %get3A_1927 = tpu.vector_load %arg4[%get3A_1924, %get3A_1925, %get3A_1926] {strides = array<i32>} : memref<8x16x256xf32, #tpu.memory_space<vmem>>, vector<1x1x16xf32>,
          %get3A_1928 = vector.shape_cast %get3A_1927 : vector<1x1x16xf32> to vector<16xf32>
          %add3A_1929 = arith.addf %add3A_1922, %get3A_1928 : vector<16xf32>
          %get3A_1930 = arith.constant 9 : i32
          %get3A_1931 = arith.index_cast %scan3A_84 : i32 to index
          %get3A_1932 = arith.index_cast %get3A_1930 : i32 to index
          %get3A_1933 = arith.constant 240 : index
          %get3A_1934 = tpu.vector_load %arg4[%get3A_1931, %get3A_1932, %get3A_1933] {strides = array<i32>} : memref<8x16x256xf32, #tpu.memory_space<vmem>>, vector<1x1x16xf32>,
          %get3A_1935 = vector.shape_cast %get3A_1934 : vector<1x1x16xf32> to vector<16xf32>
          %add3A_1936 = arith.addf %add3A_1929, %get3A_1935 : vector<16xf32>
          %get3A_1937 = arith.constant 10 : i32
          %get3A_1938 = arith.index_cast %scan3A_84 : i32 to index
          %get3A_1939 = arith.index_cast %get3A_1937 : i32 to index
          %get3A_1940 = arith.constant 240 : index
          %get3A_1941 = tpu.vector_load %arg4[%get3A_1938, %get3A_1939, %get3A_1940] {strides = array<i32>} : memref<8x16x256xf32, #tpu.memory_space<vmem>>, vector<1x1x16xf32>,
          %get3A_1942 = vector.shape_cast %get3A_1941 : vector<1x1x16xf32> to vector<16xf32>
          %add3A_1943 = arith.addf %add3A_1936, %get3A_1942 : vector<16xf32>
          %get3A_1944 = arith.constant 11 : i32
          %get3A_1945 = arith.index_cast %scan3A_84 : i32 to index
          %get3A_1946 = arith.index_cast %get3A_1944 : i32 to index
          %get3A_1947 = arith.constant 240 : index
          %get3A_1948 = tpu.vector_load %arg4[%get3A_1945, %get3A_1946, %get3A_1947] {strides = array<i32>} : memref<8x16x256xf32, #tpu.memory_space<vmem>>, vector<1x1x16xf32>,
          %get3A_1949 = vector.shape_cast %get3A_1948 : vector<1x1x16xf32> to vector<16xf32>
          %add3A_1950 = arith.addf %add3A_1943, %get3A_1949 : vector<16xf32>
          %get3A_1951 = arith.constant 12 : i32
          %get3A_1952 = arith.index_cast %scan3A_84 : i32 to index
          %get3A_1953 = arith.index_cast %get3A_1951 : i32 to index
          %get3A_1954 = arith.constant 240 : index
          %get3A_1955 = tpu.vector_load %arg4[%get3A_1952, %get3A_1953, %get3A_1954] {strides = array<i32>} : memref<8x16x256xf32, #tpu.memory_space<vmem>>, vector<1x1x16xf32>,
          %get3A_1956 = vector.shape_cast %get3A_1955 : vector<1x1x16xf32> to vector<16xf32>
          %add3A_1957 = arith.addf %add3A_1950, %get3A_1956 : vector<16xf32>
          %get3A_1958 = arith.constant 13 : i32
          %get3A_1959 = arith.index_cast %scan3A_84 : i32 to index
          %get3A_1960 = arith.index_cast %get3A_1958 : i32 to index
          %get3A_1961 = arith.constant 240 : index
          %get3A_1962 = tpu.vector_load %arg4[%get3A_1959, %get3A_1960, %get3A_1961] {strides = array<i32>} : memref<8x16x256xf32, #tpu.memory_space<vmem>>, vector<1x1x16xf32>,
          %get3A_1963 = vector.shape_cast %get3A_1962 : vector<1x1x16xf32> to vector<16xf32>
          %add3A_1964 = arith.addf %add3A_1957, %get3A_1963 : vector<16xf32>
          %get3A_1965 = arith.constant 14 : i32
          %get3A_1966 = arith.index_cast %scan3A_84 : i32 to index
          %get3A_1967 = arith.index_cast %get3A_1965 : i32 to index
          %get3A_1968 = arith.constant 240 : index
          %get3A_1969 = tpu.vector_load %arg4[%get3A_1966, %get3A_1967, %get3A_1968] {strides = array<i32>} : memref<8x16x256xf32, #tpu.memory_space<vmem>>, vector<1x1x16xf32>,
          %get3A_1970 = vector.shape_cast %get3A_1969 : vector<1x1x16xf32> to vector<16xf32>
          %add3A_1971 = arith.addf %add3A_1964, %get3A_1970 : vector<16xf32>
          %get3A_1972 = arith.constant 15 : i32
          %get3A_1973 = arith.index_cast %scan3A_84 : i32 to index
          %get3A_1974 = arith.index_cast %get3A_1972 : i32 to index
          %get3A_1975 = arith.constant 240 : index
          %get3A_1976 = tpu.vector_load %arg4[%get3A_1973, %get3A_1974, %get3A_1975] {strides = array<i32>} : memref<8x16x256xf32, #tpu.memory_space<vmem>>, vector<1x1x16xf32>,
          %get3A_1977 = vector.shape_cast %get3A_1976 : vector<1x1x16xf32> to vector<16xf32>
          %add3A_1978 = arith.addf %add3A_1971, %get3A_1977 : vector<16xf32>
          %mul3A_1979 = arith.constant 6.250000e-02 : f32
          %mul3A_1980 = vector.broadcast %mul3A_1979 : f32 to vector<16xf32>
          %mul3A_1981 = arith.mulf %add3A_1978, %mul3A_1980 : vector<16xf32>
          %swap3A_1982 = arith.index_cast %scan3A_84 : i32 to index
          %swap3A_1983 = arith.constant 240 : index
          %swap3A_1984 = tpu.vector_load %arg6[%swap3A_1982, %swap3A_1983] {strides = array<i32>} : memref<8x256xf32, #tpu.memory_space<vmem>>, vector<1x16xf32>,
          %swap3A_1985 = vector.shape_cast %swap3A_1984 : vector<1x16xf32> to vector<16xf32>
          %swap3A_1986 = vector.shape_cast %mul3A_1981 : vector<16xf32> to vector<1x16xf32>
          tpu.vector_store %arg6[%swap3A_1982, %swap3A_1983], %swap3A_1986 {strides = array<i32>} : memref<8x256xf32, #tpu.memory_space<vmem>>, vector<1x16xf32>,
        }
        %scan3A_76 = arith.constant 8 : i32
        %add3A_77 = arith.addi %add3A_4, %mul3A_39 : i32
        %mul3A_78 = arith.constant 8 : i32
        %mul3A_79 = arith.muli %add3A_77, %mul3A_78 : i32
        %dma_start3A_80 = arith.constant 0 : i32
        %dma_start3A_81 = tpu.memref_slice %arg3[%mul3A_79, %dma_start3A_80] : memref<3200x256xf32, #tpu.memory_space<hbm>> -> memref<8x256xf32, #tpu.memory_space<hbm>>
        %dma_start3A_82 = arith.constant 0 : i32
        %dma_start3A_83 = tpu.memref_slice %arg3[%mul3A_79, %dma_start3A_82] : memref<3200x256xf32, #tpu.memory_space<hbm>> -> memref<8x256xf32, #tpu.memory_space<hbm>>
        tpu.enqueue_dma source(%arg6 : memref<8x256xf32, #tpu.memory_space<vmem>>) target(%dma_start3A_83 : memref<8x256xf32, #tpu.memory_space<hbm>>) target_semaphore(%arg10 : memref<!tpu.dma_semaphore, #tpu.memory_space<semaphore_mem>>)
      } else {
      }
      %lt3A_55 = arith.cmpi slt, %add3A_41, %add3A_7 : i32
      %convert_element_type3A_56 = arith.extui %lt3A_55 : i1 to i32
      %cond3A_57 = arith.constant 0 : i32
      %cond3A_58 = arith.cmpi ne, %convert_element_type3A_56, %cond3A_57 : i32
      scf.if %cond3A_58 {
        %add3A_67 = arith.addi %add3A_4, %add3A_41 : i32
        %mul3A_68 = arith.constant 8 : i32
        %mul3A_69 = arith.muli %add3A_67, %mul3A_68 : i32
        %dma_wait3A_70 = arith.constant 0 : i32
        %dma_wait3A_71 = arith.constant 0 : i32
        %dma_wait3A_72 = tpu.memref_slice %arg2[%mul3A_69, %dma_wait3A_70, %dma_wait3A_71] : memref<10000x16x256xf32, #tpu.memory_space<hbm>> -> memref<8x16x256xf32, #tpu.memory_space<hbm>>
        %dma_wait3A_73 = arith.constant 0 : i32
        %dma_wait3A_74 = arith.constant 0 : i32
        %dma_wait3A_75 = tpu.memref_slice %arg2[%mul3A_69, %dma_wait3A_73, %dma_wait3A_74] : memref<10000x16x256xf32, #tpu.memory_space<hbm>> -> memref<8x16x256xf32, #tpu.memory_space<hbm>>
        tpu.wait_dma2 semaphore(%arg9 : memref<!tpu.dma_semaphore, #tpu.memory_space<semaphore_mem>>) src(%dma_wait3A_75 : memref<8x16x256xf32, #tpu.memory_space<hbm>>) dst(%arg5 : memref<8x16x256xf32, #tpu.memory_space<vmem>>)
      } else {
      }
      %lt3A_59 = arith.cmpi slt, %add3A_43, %add3A_7 : i32
      %convert_element_type3A_60 = arith.extui %lt3A_59 : i1 to i32
      %cond3A_61 = arith.constant 0 : i32
      %cond3A_62 = arith.cmpi ne, %convert_element_type3A_60, %cond3A_61 : i32
      scf.if %cond3A_62 {
        %add3A_67 = arith.addi %add3A_4, %add3A_43 : i32
        %mul3A_68 = arith.constant 8 : i32
        %mul3A_69 = arith.muli %add3A_67, %mul3A_68 : i32
        %dma_start3A_70 = arith.constant 0 : i32
        %dma_start3A_71 = arith.constant 0 : i32
        %dma_start3A_72 = tpu.memref_slice %arg2[%mul3A_69, %dma_start3A_70, %dma_start3A_71] : memref<10000x16x256xf32, #tpu.memory_space<hbm>> -> memref<8x16x256xf32, #tpu.memory_space<hbm>>
        %dma_start3A_73 = arith.constant 0 : i32
        %dma_start3A_74 = arith.constant 0 : i32
        %dma_start3A_75 = tpu.memref_slice %arg2[%mul3A_69, %dma_start3A_73, %dma_start3A_74] : memref<10000x16x256xf32, #tpu.memory_space<hbm>> -> memref<8x16x256xf32, #tpu.memory_space<hbm>>
        tpu.enqueue_dma source(%dma_start3A_75 : memref<8x16x256xf32, #tpu.memory_space<hbm>>) target(%arg4 : memref<8x16x256xf32, #tpu.memory_space<vmem>>) target_semaphore(%arg8 : memref<!tpu.dma_semaphore, #tpu.memory_space<semaphore_mem>>)
      } else {
      }
      %lt3A_63 = arith.cmpi slt, %add3A_41, %add3A_7 : i32
      %convert_element_type3A_64 = arith.extui %lt3A_63 : i1 to i32
      %cond3A_65 = arith.constant 0 : i32
      %cond3A_66 = arith.cmpi ne, %convert_element_type3A_64, %cond3A_65 : i32
      scf.if %cond3A_66 {
        %ge3A = arith.constant 2 : i32
        %ge3A_67 = arith.cmpi sge, %add3A_41, %ge3A : i32
        %convert_element_type3A_68 = arith.extui %ge3A_67 : i1 to i32
        %cond3A_69 = arith.constant 0 : i32
        %cond3A_70 = arith.cmpi ne, %convert_element_type3A_68, %cond3A_69 : i32
        scf.if %cond3A_70 {
          %add3A_84 = arith.addi %add3A_4, %add3A_41 : i32
          %mul3A_85 = arith.constant 8 : i32
          %mul3A_86 = arith.muli %add3A_84, %mul3A_85 : i32
          %dma_wait3A_87 = arith.constant 0 : i32
          %dma_wait3A_88 = tpu.memref_slice %arg3[%mul3A_86, %dma_wait3A_87] : memref<3200x256xf32, #tpu.memory_space<hbm>> -> memref<8x256xf32, #tpu.memory_space<hbm>>
          %dma_wait3A_89 = arith.constant 0 : i32
          %dma_wait3A_90 = tpu.memref_slice %arg3[%mul3A_86, %dma_wait3A_89] : memref<3200x256xf32, #tpu.memory_space<hbm>> -> memref<8x256xf32, #tpu.memory_space<hbm>>
          tpu.wait_dma2 semaphore(%arg11 : memref<!tpu.dma_semaphore, #tpu.memory_space<semaphore_mem>>) src(%arg7 : memref<8x256xf32, #tpu.memory_space<vmem>>) dst(%dma_wait3A_90 : memref<8x256xf32, #tpu.memory_space<hbm>>)
        } else {
        }
        %scan3A_71 = arith.constant 0 : i32
        %scan3A_72 = arith.constant 0 : i32
        %scan3A_73 = arith.constant 8 : i32
        %scan3A_74 = arith.addi %scan3A_72, %scan3A_73 : i32
        %scan3A_75 = arith.constant 1 : i32
        scf.for %scan3A_84 = %scan3A_72 to %scan3A_74 step %scan3A_75  : i32 {
          %get3A = arith.constant 0 : i32
          %get3A_85 = arith.index_cast %scan3A_84 : i32 to index
          %get3A_86 = arith.index_cast %get3A : i32 to index
          %get3A_87 = arith.constant 0 : index
          %get3A_88 = tpu.vector_load %arg5[%get3A_85, %get3A_86, %get3A_87] {strides = array<i32>} : memref<8x16x256xf32, #tpu.memory_space<vmem>>, vector<1x1x16xf32>,
          %get3A_89 = vector.shape_cast %get3A_88 : vector<1x1x16xf32> to vector<16xf32>
          %get3A_90 = arith.constant 1 : i32
          %get3A_91 = arith.index_cast %scan3A_84 : i32 to index
          %get3A_92 = arith.index_cast %get3A_90 : i32 to index
          %get3A_93 = arith.constant 0 : index
          %get3A_94 = tpu.vector_load %arg5[%get3A_91, %get3A_92, %get3A_93] {strides = array<i32>} : memref<8x16x256xf32, #tpu.memory_space<vmem>>, vector<1x1x16xf32>,
          %get3A_95 = vector.shape_cast %get3A_94 : vector<1x1x16xf32> to vector<16xf32>
          %add3A_96 = arith.addf %get3A_89, %get3A_95 : vector<16xf32>
          %get3A_97 = arith.constant 2 : i32
          %get3A_98 = arith.index_cast %scan3A_84 : i32 to index
          %get3A_99 = arith.index_cast %get3A_97 : i32 to index
          %get3A_100 = arith.constant 0 : index
          %get3A_101 = tpu.vector_load %arg5[%get3A_98, %get3A_99, %get3A_100] {strides = array<i32>} : memref<8x16x256xf32, #tpu.memory_space<vmem>>, vector<1x1x16xf32>,
          %get3A_102 = vector.shape_cast %get3A_101 : vector<1x1x16xf32> to vector<16xf32>
          %add3A_103 = arith.addf %add3A_96, %get3A_102 : vector<16xf32>
          %get3A_104 = arith.constant 3 : i32
          %get3A_105 = arith.index_cast %scan3A_84 : i32 to index
          %get3A_106 = arith.index_cast %get3A_104 : i32 to index
          %get3A_107 = arith.constant 0 : index
          %get3A_108 = tpu.vector_load %arg5[%get3A_105, %get3A_106, %get3A_107] {strides = array<i32>} : memref<8x16x256xf32, #tpu.memory_space<vmem>>, vector<1x1x16xf32>,
          %get3A_109 = vector.shape_cast %get3A_108 : vector<1x1x16xf32> to vector<16xf32>
          %add3A_110 = arith.addf %add3A_103, %get3A_109 : vector<16xf32>
          %get3A_111 = arith.constant 4 : i32
          %get3A_112 = arith.index_cast %scan3A_84 : i32 to index
          %get3A_113 = arith.index_cast %get3A_111 : i32 to index
          %get3A_114 = arith.constant 0 : index
          %get3A_115 = tpu.vector_load %arg5[%get3A_112, %get3A_113, %get3A_114] {strides = array<i32>} : memref<8x16x256xf32, #tpu.memory_space<vmem>>, vector<1x1x16xf32>,
          %get3A_116 = vector.shape_cast %get3A_115 : vector<1x1x16xf32> to vector<16xf32>
          %add3A_117 = arith.addf %add3A_110, %get3A_116 : vector<16xf32>
          %get3A_118 = arith.constant 5 : i32
          %get3A_119 = arith.index_cast %scan3A_84 : i32 to index
          %get3A_120 = arith.index_cast %get3A_118 : i32 to index
          %get3A_121 = arith.constant 0 : index
          %get3A_122 = tpu.vector_load %arg5[%get3A_119, %get3A_120, %get3A_121] {strides = array<i32>} : memref<8x16x256xf32, #tpu.memory_space<vmem>>, vector<1x1x16xf32>,
          %get3A_123 = vector.shape_cast %get3A_122 : vector<1x1x16xf32> to vector<16xf32>
          %add3A_124 = arith.addf %add3A_117, %get3A_123 : vector<16xf32>
          %get3A_125 = arith.constant 6 : i32
          %get3A_126 = arith.index_cast %scan3A_84 : i32 to index
          %get3A_127 = arith.index_cast %get3A_125 : i32 to index
          %get3A_128 = arith.constant 0 : index
          %get3A_129 = tpu.vector_load %arg5[%get3A_126, %get3A_127, %get3A_128] {strides = array<i32>} : memref<8x16x256xf32, #tpu.memory_space<vmem>>, vector<1x1x16xf32>,
          %get3A_130 = vector.shape_cast %get3A_129 : vector<1x1x16xf32> to vector<16xf32>
          %add3A_131 = arith.addf %add3A_124, %get3A_130 : vector<16xf32>
          %get3A_132 = arith.constant 7 : i32
          %get3A_133 = arith.index_cast %scan3A_84 : i32 to index
          %get3A_134 = arith.index_cast %get3A_132 : i32 to index
          %get3A_135 = arith.constant 0 : index
          %get3A_136 = tpu.vector_load %arg5[%get3A_133, %get3A_134, %get3A_135] {strides = array<i32>} : memref<8x16x256xf32, #tpu.memory_space<vmem>>, vector<1x1x16xf32>,
          %get3A_137 = vector.shape_cast %get3A_136 : vector<1x1x16xf32> to vector<16xf32>
          %add3A_138 = arith.addf %add3A_131, %get3A_137 : vector<16xf32>
          %get3A_139 = arith.constant 8 : i32
          %get3A_140 = arith.index_cast %scan3A_84 : i32 to index
          %get3A_141 = arith.index_cast %get3A_139 : i32 to index
          %get3A_142 = arith.constant 0 : index
          %get3A_143 = tpu.vector_load %arg5[%get3A_140, %get3A_141, %get3A_142] {strides = array<i32>} : memref<8x16x256xf32, #tpu.memory_space<vmem>>, vector<1x1x16xf32>,
          %get3A_144 = vector.shape_cast %get3A_143 : vector<1x1x16xf32> to vector<16xf32>
          %add3A_145 = arith.addf %add3A_138, %get3A_144 : vector<16xf32>
          %get3A_146 = arith.constant 9 : i32
          %get3A_147 = arith.index_cast %scan3A_84 : i32 to index
          %get3A_148 = arith.index_cast %get3A_146 : i32 to index
          %get3A_149 = arith.constant 0 : index
          %get3A_150 = tpu.vector_load %arg5[%get3A_147, %get3A_148, %get3A_149] {strides = array<i32>} : memref<8x16x256xf32, #tpu.memory_space<vmem>>, vector<1x1x16xf32>,
          %get3A_151 = vector.shape_cast %get3A_150 : vector<1x1x16xf32> to vector<16xf32>
          %add3A_152 = arith.addf %add3A_145, %get3A_151 : vector<16xf32>
          %get3A_153 = arith.constant 10 : i32
          %get3A_154 = arith.index_cast %scan3A_84 : i32 to index
          %get3A_155 = arith.index_cast %get3A_153 : i32 to index
          %get3A_156 = arith.constant 0 : index
          %get3A_157 = tpu.vector_load %arg5[%get3A_154, %get3A_155, %get3A_156] {strides = array<i32>} : memref<8x16x256xf32, #tpu.memory_space<vmem>>, vector<1x1x16xf32>,
          %get3A_158 = vector.shape_cast %get3A_157 : vector<1x1x16xf32> to vector<16xf32>
          %add3A_159 = arith.addf %add3A_152, %get3A_158 : vector<16xf32>
          %get3A_160 = arith.constant 11 : i32
          %get3A_161 = arith.index_cast %scan3A_84 : i32 to index
          %get3A_162 = arith.index_cast %get3A_160 : i32 to index
          %get3A_163 = arith.constant 0 : index
          %get3A_164 = tpu.vector_load %arg5[%get3A_161, %get3A_162, %get3A_163] {strides = array<i32>} : memref<8x16x256xf32, #tpu.memory_space<vmem>>, vector<1x1x16xf32>,
          %get3A_165 = vector.shape_cast %get3A_164 : vector<1x1x16xf32> to vector<16xf32>
          %add3A_166 = arith.addf %add3A_159, %get3A_165 : vector<16xf32>
          %get3A_167 = arith.constant 12 : i32
          %get3A_168 = arith.index_cast %scan3A_84 : i32 to index
          %get3A_169 = arith.index_cast %get3A_167 : i32 to index
          %get3A_170 = arith.constant 0 : index
          %get3A_171 = tpu.vector_load %arg5[%get3A_168, %get3A_169, %get3A_170] {strides = array<i32>} : memref<8x16x256xf32, #tpu.memory_space<vmem>>, vector<1x1x16xf32>,
          %get3A_172 = vector.shape_cast %get3A_171 : vector<1x1x16xf32> to vector<16xf32>
          %add3A_173 = arith.addf %add3A_166, %get3A_172 : vector<16xf32>
          %get3A_174 = arith.constant 13 : i32
          %get3A_175 = arith.index_cast %scan3A_84 : i32 to index
          %get3A_176 = arith.index_cast %get3A_174 : i32 to index
          %get3A_177 = arith.constant 0 : index
          %get3A_178 = tpu.vector_load %arg5[%get3A_175, %get3A_176, %get3A_177] {strides = array<i32>} : memref<8x16x256xf32, #tpu.memory_space<vmem>>, vector<1x1x16xf32>,
          %get3A_179 = vector.shape_cast %get3A_178 : vector<1x1x16xf32> to vector<16xf32>
          %add3A_180 = arith.addf %add3A_173, %get3A_179 : vector<16xf32>
          %get3A_181 = arith.constant 14 : i32
          %get3A_182 = arith.index_cast %scan3A_84 : i32 to index
          %get3A_183 = arith.index_cast %get3A_181 : i32 to index
          %get3A_184 = arith.constant 0 : index
          %get3A_185 = tpu.vector_load %arg5[%get3A_182, %get3A_183, %get3A_184] {strides = array<i32>} : memref<8x16x256xf32, #tpu.memory_space<vmem>>, vector<1x1x16xf32>,
          %get3A_186 = vector.shape_cast %get3A_185 : vector<1x1x16xf32> to vector<16xf32>
          %add3A_187 = arith.addf %add3A_180, %get3A_186 : vector<16xf32>
          %get3A_188 = arith.constant 15 : i32
          %get3A_189 = arith.index_cast %scan3A_84 : i32 to index
          %get3A_190 = arith.index_cast %get3A_188 : i32 to index
          %get3A_191 = arith.constant 0 : index
          %get3A_192 = tpu.vector_load %arg5[%get3A_189, %get3A_190, %get3A_191] {strides = array<i32>} : memref<8x16x256xf32, #tpu.memory_space<vmem>>, vector<1x1x16xf32>,
          %get3A_193 = vector.shape_cast %get3A_192 : vector<1x1x16xf32> to vector<16xf32>
          %add3A_194 = arith.addf %add3A_187, %get3A_193 : vector<16xf32>
          %mul3A_195 = arith.constant 6.250000e-02 : f32
          %mul3A_196 = vector.broadcast %mul3A_195 : f32 to vector<16xf32>
          %mul3A_197 = arith.mulf %add3A_194, %mul3A_196 : vector<16xf32>
          %swap3A = arith.index_cast %scan3A_84 : i32 to index
          %swap3A_198 = arith.constant 0 : index
          %swap3A_199 = tpu.vector_load %arg7[%swap3A, %swap3A_198] {strides = array<i32>} : memref<8x256xf32, #tpu.memory_space<vmem>>, vector<1x16xf32>,
          %swap3A_200 = vector.shape_cast %swap3A_199 : vector<1x16xf32> to vector<16xf32>
          %swap3A_201 = vector.shape_cast %mul3A_197 : vector<16xf32> to vector<1x16xf32>
          tpu.vector_store %arg7[%swap3A, %swap3A_198], %swap3A_201 {strides = array<i32>} : memref<8x256xf32, #tpu.memory_space<vmem>>, vector<1x16xf32>,
          %get3A_202 = arith.constant 0 : i32
          %get3A_203 = arith.index_cast %scan3A_84 : i32 to index
          %get3A_204 = arith.index_cast %get3A_202 : i32 to index
          %get3A_205 = arith.constant 16 : index
          %get3A_206 = tpu.vector_load %arg5[%get3A_203, %get3A_204, %get3A_205] {strides = array<i32>} : memref<8x16x256xf32, #tpu.memory_space<vmem>>, vector<1x1x16xf32>,
          %get3A_207 = vector.shape_cast %get3A_206 : vector<1x1x16xf32> to vector<16xf32>
          %get3A_208 = arith.constant 1 : i32
          %get3A_209 = arith.index_cast %scan3A_84 : i32 to index
          %get3A_210 = arith.index_cast %get3A_208 : i32 to index
          %get3A_211 = arith.constant 16 : index
          %get3A_212 = tpu.vector_load %arg5[%get3A_209, %get3A_210, %get3A_211] {strides = array<i32>} : memref<8x16x256xf32, #tpu.memory_space<vmem>>, vector<1x1x16xf32>,
          %get3A_213 = vector.shape_cast %get3A_212 : vector<1x1x16xf32> to vector<16xf32>
          %add3A_214 = arith.addf %get3A_207, %get3A_213 : vector<16xf32>
          %get3A_215 = arith.constant 2 : i32
          %get3A_216 = arith.index_cast %scan3A_84 : i32 to index
          %get3A_217 = arith.index_cast %get3A_215 : i32 to index
          %get3A_218 = arith.constant 16 : index
          %get3A_219 = tpu.vector_load %arg5[%get3A_216, %get3A_217, %get3A_218] {strides = array<i32>} : memref<8x16x256xf32, #tpu.memory_space<vmem>>, vector<1x1x16xf32>,
          %get3A_220 = vector.shape_cast %get3A_219 : vector<1x1x16xf32> to vector<16xf32>
          %add3A_221 = arith.addf %add3A_214, %get3A_220 : vector<16xf32>
          %get3A_222 = arith.constant 3 : i32
          %get3A_223 = arith.index_cast %scan3A_84 : i32 to index
          %get3A_224 = arith.index_cast %get3A_222 : i32 to index
          %get3A_225 = arith.constant 16 : index
          %get3A_226 = tpu.vector_load %arg5[%get3A_223, %get3A_224, %get3A_225] {strides = array<i32>} : memref<8x16x256xf32, #tpu.memory_space<vmem>>, vector<1x1x16xf32>,
          %get3A_227 = vector.shape_cast %get3A_226 : vector<1x1x16xf32> to vector<16xf32>
          %add3A_228 = arith.addf %add3A_221, %get3A_227 : vector<16xf32>
          %get3A_229 = arith.constant 4 : i32
          %get3A_230 = arith.index_cast %scan3A_84 : i32 to index
          %get3A_231 = arith.index_cast %get3A_229 : i32 to index
          %get3A_232 = arith.constant 16 : index
          %get3A_233 = tpu.vector_load %arg5[%get3A_230, %get3A_231, %get3A_232] {strides = array<i32>} : memref<8x16x256xf32, #tpu.memory_space<vmem>>, vector<1x1x16xf32>,
          %get3A_234 = vector.shape_cast %get3A_233 : vector<1x1x16xf32> to vector<16xf32>
          %add3A_235 = arith.addf %add3A_228, %get3A_234 : vector<16xf32>
          %get3A_236 = arith.constant 5 : i32
          %get3A_237 = arith.index_cast %scan3A_84 : i32 to index
          %get3A_238 = arith.index_cast %get3A_236 : i32 to index
          %get3A_239 = arith.constant 16 : index
          %get3A_240 = tpu.vector_load %arg5[%get3A_237, %get3A_238, %get3A_239] {strides = array<i32>} : memref<8x16x256xf32, #tpu.memory_space<vmem>>, vector<1x1x16xf32>,
          %get3A_241 = vector.shape_cast %get3A_240 : vector<1x1x16xf32> to vector<16xf32>
          %add3A_242 = arith.addf %add3A_235, %get3A_241 : vector<16xf32>
          %get3A_243 = arith.constant 6 : i32
          %get3A_244 = arith.index_cast %scan3A_84 : i32 to index
          %get3A_245 = arith.index_cast %get3A_243 : i32 to index
          %get3A_246 = arith.constant 16 : index
          %get3A_247 = tpu.vector_load %arg5[%get3A_244, %get3A_245, %get3A_246] {strides = array<i32>} : memref<8x16x256xf32, #tpu.memory_space<vmem>>, vector<1x1x16xf32>,
          %get3A_248 = vector.shape_cast %get3A_247 : vector<1x1x16xf32> to vector<16xf32>
          %add3A_249 = arith.addf %add3A_242, %get3A_248 : vector<16xf32>
          %get3A_250 = arith.constant 7 : i32
          %get3A_251 = arith.index_cast %scan3A_84 : i32 to index
          %get3A_252 = arith.index_cast %get3A_250 : i32 to index
          %get3A_253 = arith.constant 16 : index
          %get3A_254 = tpu.vector_load %arg5[%get3A_251, %get3A_252, %get3A_253] {strides = array<i32>} : memref<8x16x256xf32, #tpu.memory_space<vmem>>, vector<1x1x16xf32>,
          %get3A_255 = vector.shape_cast %get3A_254 : vector<1x1x16xf32> to vector<16xf32>
          %add3A_256 = arith.addf %add3A_249, %get3A_255 : vector<16xf32>
          %get3A_257 = arith.constant 8 : i32
          %get3A_258 = arith.index_cast %scan3A_84 : i32 to index
          %get3A_259 = arith.index_cast %get3A_257 : i32 to index
          %get3A_260 = arith.constant 16 : index
          %get3A_261 = tpu.vector_load %arg5[%get3A_258, %get3A_259, %get3A_260] {strides = array<i32>} : memref<8x16x256xf32, #tpu.memory_space<vmem>>, vector<1x1x16xf32>,
          %get3A_262 = vector.shape_cast %get3A_261 : vector<1x1x16xf32> to vector<16xf32>
          %add3A_263 = arith.addf %add3A_256, %get3A_262 : vector<16xf32>
          %get3A_264 = arith.constant 9 : i32
          %get3A_265 = arith.index_cast %scan3A_84 : i32 to index
          %get3A_266 = arith.index_cast %get3A_264 : i32 to index
          %get3A_267 = arith.constant 16 : index
          %get3A_268 = tpu.vector_load %arg5[%get3A_265, %get3A_266, %get3A_267] {strides = array<i32>} : memref<8x16x256xf32, #tpu.memory_space<vmem>>, vector<1x1x16xf32>,
          %get3A_269 = vector.shape_cast %get3A_268 : vector<1x1x16xf32> to vector<16xf32>
          %add3A_270 = arith.addf %add3A_263, %get3A_269 : vector<16xf32>
          %get3A_271 = arith.constant 10 : i32
          %get3A_272 = arith.index_cast %scan3A_84 : i32 to index
          %get3A_273 = arith.index_cast %get3A_271 : i32 to index
          %get3A_274 = arith.constant 16 : index
          %get3A_275 = tpu.vector_load %arg5[%get3A_272, %get3A_273, %get3A_274] {strides = array<i32>} : memref<8x16x256xf32, #tpu.memory_space<vmem>>, vector<1x1x16xf32>,
          %get3A_276 = vector.shape_cast %get3A_275 : vector<1x1x16xf32> to vector<16xf32>
          %add3A_277 = arith.addf %add3A_270, %get3A_276 : vector<16xf32>
          %get3A_278 = arith.constant 11 : i32
          %get3A_279 = arith.index_cast %scan3A_84 : i32 to index
          %get3A_280 = arith.index_cast %get3A_278 : i32 to index
          %get3A_281 = arith.constant 16 : index
          %get3A_282 = tpu.vector_load %arg5[%get3A_279, %get3A_280, %get3A_281] {strides = array<i32>} : memref<8x16x256xf32, #tpu.memory_space<vmem>>, vector<1x1x16xf32>,
          %get3A_283 = vector.shape_cast %get3A_282 : vector<1x1x16xf32> to vector<16xf32>
          %add3A_284 = arith.addf %add3A_277, %get3A_283 : vector<16xf32>
          %get3A_285 = arith.constant 12 : i32
          %get3A_286 = arith.index_cast %scan3A_84 : i32 to index
          %get3A_287 = arith.index_cast %get3A_285 : i32 to index
          %get3A_288 = arith.constant 16 : index
          %get3A_289 = tpu.vector_load %arg5[%get3A_286, %get3A_287, %get3A_288] {strides = array<i32>} : memref<8x16x256xf32, #tpu.memory_space<vmem>>, vector<1x1x16xf32>,
          %get3A_290 = vector.shape_cast %get3A_289 : vector<1x1x16xf32> to vector<16xf32>
          %add3A_291 = arith.addf %add3A_284, %get3A_290 : vector<16xf32>
          %get3A_292 = arith.constant 13 : i32
          %get3A_293 = arith.index_cast %scan3A_84 : i32 to index
          %get3A_294 = arith.index_cast %get3A_292 : i32 to index
          %get3A_295 = arith.constant 16 : index
          %get3A_296 = tpu.vector_load %arg5[%get3A_293, %get3A_294, %get3A_295] {strides = array<i32>} : memref<8x16x256xf32, #tpu.memory_space<vmem>>, vector<1x1x16xf32>,
          %get3A_297 = vector.shape_cast %get3A_296 : vector<1x1x16xf32> to vector<16xf32>
          %add3A_298 = arith.addf %add3A_291, %get3A_297 : vector<16xf32>
          %get3A_299 = arith.constant 14 : i32
          %get3A_300 = arith.index_cast %scan3A_84 : i32 to index
          %get3A_301 = arith.index_cast %get3A_299 : i32 to index
          %get3A_302 = arith.constant 16 : index
          %get3A_303 = tpu.vector_load %arg5[%get3A_300, %get3A_301, %get3A_302] {strides = array<i32>} : memref<8x16x256xf32, #tpu.memory_space<vmem>>, vector<1x1x16xf32>,
          %get3A_304 = vector.shape_cast %get3A_303 : vector<1x1x16xf32> to vector<16xf32>
          %add3A_305 = arith.addf %add3A_298, %get3A_304 : vector<16xf32>
          %get3A_306 = arith.constant 15 : i32
          %get3A_307 = arith.index_cast %scan3A_84 : i32 to index
          %get3A_308 = arith.index_cast %get3A_306 : i32 to index
          %get3A_309 = arith.constant 16 : index
          %get3A_310 = tpu.vector_load %arg5[%get3A_307, %get3A_308, %get3A_309] {strides = array<i32>} : memref<8x16x256xf32, #tpu.memory_space<vmem>>, vector<1x1x16xf32>,
          %get3A_311 = vector.shape_cast %get3A_310 : vector<1x1x16xf32> to vector<16xf32>
          %add3A_312 = arith.addf %add3A_305, %get3A_311 : vector<16xf32>
          %mul3A_313 = arith.constant 6.250000e-02 : f32
          %mul3A_314 = vector.broadcast %mul3A_313 : f32 to vector<16xf32>
          %mul3A_315 = arith.mulf %add3A_312, %mul3A_314 : vector<16xf32>
          %swap3A_316 = arith.index_cast %scan3A_84 : i32 to index
          %swap3A_317 = arith.constant 16 : index
          %swap3A_318 = tpu.vector_load %arg7[%swap3A_316, %swap3A_317] {strides = array<i32>} : memref<8x256xf32, #tpu.memory_space<vmem>>, vector<1x16xf32>,
          %swap3A_319 = vector.shape_cast %swap3A_318 : vector<1x16xf32> to vector<16xf32>
          %swap3A_320 = vector.shape_cast %mul3A_315 : vector<16xf32> to vector<1x16xf32>
          tpu.vector_store %arg7[%swap3A_316, %swap3A_317], %swap3A_320 {strides = array<i32>} : memref<8x256xf32, #tpu.memory_space<vmem>>, vector<1x16xf32>,
          %get3A_321 = arith.constant 0 : i32
          %get3A_322 = arith.index_cast %scan3A_84 : i32 to index
          %get3A_323 = arith.index_cast %get3A_321 : i32 to index
          %get3A_324 = arith.constant 32 : index
          %get3A_325 = tpu.vector_load %arg5[%get3A_322, %get3A_323, %get3A_324] {strides = array<i32>} : memref<8x16x256xf32, #tpu.memory_space<vmem>>, vector<1x1x16xf32>,
          %get3A_326 = vector.shape_cast %get3A_325 : vector<1x1x16xf32> to vector<16xf32>
          %get3A_327 = arith.constant 1 : i32
          %get3A_328 = arith.index_cast %scan3A_84 : i32 to index
          %get3A_329 = arith.index_cast %get3A_327 : i32 to index
          %get3A_330 = arith.constant 32 : index
          %get3A_331 = tpu.vector_load %arg5[%get3A_328, %get3A_329, %get3A_330] {strides = array<i32>} : memref<8x16x256xf32, #tpu.memory_space<vmem>>, vector<1x1x16xf32>,
          %get3A_332 = vector.shape_cast %get3A_331 : vector<1x1x16xf32> to vector<16xf32>
          %add3A_333 = arith.addf %get3A_326, %get3A_332 : vector<16xf32>
          %get3A_334 = arith.constant 2 : i32
          %get3A_335 = arith.index_cast %scan3A_84 : i32 to index
          %get3A_336 = arith.index_cast %get3A_334 : i32 to index
          %get3A_337 = arith.constant 32 : index
          %get3A_338 = tpu.vector_load %arg5[%get3A_335, %get3A_336, %get3A_337] {strides = array<i32>} : memref<8x16x256xf32, #tpu.memory_space<vmem>>, vector<1x1x16xf32>,
          %get3A_339 = vector.shape_cast %get3A_338 : vector<1x1x16xf32> to vector<16xf32>
          %add3A_340 = arith.addf %add3A_333, %get3A_339 : vector<16xf32>
          %get3A_341 = arith.constant 3 : i32
          %get3A_342 = arith.index_cast %scan3A_84 : i32 to index
          %get3A_343 = arith.index_cast %get3A_341 : i32 to index
          %get3A_344 = arith.constant 32 : index
          %get3A_345 = tpu.vector_load %arg5[%get3A_342, %get3A_343, %get3A_344] {strides = array<i32>} : memref<8x16x256xf32, #tpu.memory_space<vmem>>, vector<1x1x16xf32>,
          %get3A_346 = vector.shape_cast %get3A_345 : vector<1x1x16xf32> to vector<16xf32>
          %add3A_347 = arith.addf %add3A_340, %get3A_346 : vector<16xf32>
          %get3A_348 = arith.constant 4 : i32
          %get3A_349 = arith.index_cast %scan3A_84 : i32 to index
          %get3A_350 = arith.index_cast %get3A_348 : i32 to index
          %get3A_351 = arith.constant 32 : index
          %get3A_352 = tpu.vector_load %arg5[%get3A_349, %get3A_350, %get3A_351] {strides = array<i32>} : memref<8x16x256xf32, #tpu.memory_space<vmem>>, vector<1x1x16xf32>,
          %get3A_353 = vector.shape_cast %get3A_352 : vector<1x1x16xf32> to vector<16xf32>
          %add3A_354 = arith.addf %add3A_347, %get3A_353 : vector<16xf32>
          %get3A_355 = arith.constant 5 : i32
          %get3A_356 = arith.index_cast %scan3A_84 : i32 to index
          %get3A_357 = arith.index_cast %get3A_355 : i32 to index
          %get3A_358 = arith.constant 32 : index
          %get3A_359 = tpu.vector_load %arg5[%get3A_356, %get3A_357, %get3A_358] {strides = array<i32>} : memref<8x16x256xf32, #tpu.memory_space<vmem>>, vector<1x1x16xf32>,
          %get3A_360 = vector.shape_cast %get3A_359 : vector<1x1x16xf32> to vector<16xf32>
          %add3A_361 = arith.addf %add3A_354, %get3A_360 : vector<16xf32>
          %get3A_362 = arith.constant 6 : i32
          %get3A_363 = arith.index_cast %scan3A_84 : i32 to index
          %get3A_364 = arith.index_cast %get3A_362 : i32 to index
          %get3A_365 = arith.constant 32 : index
          %get3A_366 = tpu.vector_load %arg5[%get3A_363, %get3A_364, %get3A_365] {strides = array<i32>} : memref<8x16x256xf32, #tpu.memory_space<vmem>>, vector<1x1x16xf32>,
          %get3A_367 = vector.shape_cast %get3A_366 : vector<1x1x16xf32> to vector<16xf32>
          %add3A_368 = arith.addf %add3A_361, %get3A_367 : vector<16xf32>
          %get3A_369 = arith.constant 7 : i32
          %get3A_370 = arith.index_cast %scan3A_84 : i32 to index
          %get3A_371 = arith.index_cast %get3A_369 : i32 to index
          %get3A_372 = arith.constant 32 : index
          %get3A_373 = tpu.vector_load %arg5[%get3A_370, %get3A_371, %get3A_372] {strides = array<i32>} : memref<8x16x256xf32, #tpu.memory_space<vmem>>, vector<1x1x16xf32>,
          %get3A_374 = vector.shape_cast %get3A_373 : vector<1x1x16xf32> to vector<16xf32>
          %add3A_375 = arith.addf %add3A_368, %get3A_374 : vector<16xf32>
          %get3A_376 = arith.constant 8 : i32
          %get3A_377 = arith.index_cast %scan3A_84 : i32 to index
          %get3A_378 = arith.index_cast %get3A_376 : i32 to index
          %get3A_379 = arith.constant 32 : index
          %get3A_380 = tpu.vector_load %arg5[%get3A_377, %get3A_378, %get3A_379] {strides = array<i32>} : memref<8x16x256xf32, #tpu.memory_space<vmem>>, vector<1x1x16xf32>,
          %get3A_381 = vector.shape_cast %get3A_380 : vector<1x1x16xf32> to vector<16xf32>
          %add3A_382 = arith.addf %add3A_375, %get3A_381 : vector<16xf32>
          %get3A_383 = arith.constant 9 : i32
          %get3A_384 = arith.index_cast %scan3A_84 : i32 to index
          %get3A_385 = arith.index_cast %get3A_383 : i32 to index
          %get3A_386 = arith.constant 32 : index
          %get3A_387 = tpu.vector_load %arg5[%get3A_384, %get3A_385, %get3A_386] {strides = array<i32>} : memref<8x16x256xf32, #tpu.memory_space<vmem>>, vector<1x1x16xf32>,
          %get3A_388 = vector.shape_cast %get3A_387 : vector<1x1x16xf32> to vector<16xf32>
          %add3A_389 = arith.addf %add3A_382, %get3A_388 : vector<16xf32>
          %get3A_390 = arith.constant 10 : i32
          %get3A_391 = arith.index_cast %scan3A_84 : i32 to index
          %get3A_392 = arith.index_cast %get3A_390 : i32 to index
          %get3A_393 = arith.constant 32 : index
          %get3A_394 = tpu.vector_load %arg5[%get3A_391, %get3A_392, %get3A_393] {strides = array<i32>} : memref<8x16x256xf32, #tpu.memory_space<vmem>>, vector<1x1x16xf32>,
          %get3A_395 = vector.shape_cast %get3A_394 : vector<1x1x16xf32> to vector<16xf32>
          %add3A_396 = arith.addf %add3A_389, %get3A_395 : vector<16xf32>
          %get3A_397 = arith.constant 11 : i32
          %get3A_398 = arith.index_cast %scan3A_84 : i32 to index
          %get3A_399 = arith.index_cast %get3A_397 : i32 to index
          %get3A_400 = arith.constant 32 : index
          %get3A_401 = tpu.vector_load %arg5[%get3A_398, %get3A_399, %get3A_400] {strides = array<i32>} : memref<8x16x256xf32, #tpu.memory_space<vmem>>, vector<1x1x16xf32>,
          %get3A_402 = vector.shape_cast %get3A_401 : vector<1x1x16xf32> to vector<16xf32>
          %add3A_403 = arith.addf %add3A_396, %get3A_402 : vector<16xf32>
          %get3A_404 = arith.constant 12 : i32
          %get3A_405 = arith.index_cast %scan3A_84 : i32 to index
          %get3A_406 = arith.index_cast %get3A_404 : i32 to index
          %get3A_407 = arith.constant 32 : index
          %get3A_408 = tpu.vector_load %arg5[%get3A_405, %get3A_406, %get3A_407] {strides = array<i32>} : memref<8x16x256xf32, #tpu.memory_space<vmem>>, vector<1x1x16xf32>,
          %get3A_409 = vector.shape_cast %get3A_408 : vector<1x1x16xf32> to vector<16xf32>
          %add3A_410 = arith.addf %add3A_403, %get3A_409 : vector<16xf32>
          %get3A_411 = arith.constant 13 : i32
          %get3A_412 = arith.index_cast %scan3A_84 : i32 to index
          %get3A_413 = arith.index_cast %get3A_411 : i32 to index
          %get3A_414 = arith.constant 32 : index
          %get3A_415 = tpu.vector_load %arg5[%get3A_412, %get3A_413, %get3A_414] {strides = array<i32>} : memref<8x16x256xf32, #tpu.memory_space<vmem>>, vector<1x1x16xf32>,
          %get3A_416 = vector.shape_cast %get3A_415 : vector<1x1x16xf32> to vector<16xf32>
          %add3A_417 = arith.addf %add3A_410, %get3A_416 : vector<16xf32>
          %get3A_418 = arith.constant 14 : i32
          %get3A_419 = arith.index_cast %scan3A_84 : i32 to index
          %get3A_420 = arith.index_cast %get3A_418 : i32 to index
          %get3A_421 = arith.constant 32 : index
          %get3A_422 = tpu.vector_load %arg5[%get3A_419, %get3A_420, %get3A_421] {strides = array<i32>} : memref<8x16x256xf32, #tpu.memory_space<vmem>>, vector<1x1x16xf32>,
          %get3A_423 = vector.shape_cast %get3A_422 : vector<1x1x16xf32> to vector<16xf32>
          %add3A_424 = arith.addf %add3A_417, %get3A_423 : vector<16xf32>
          %get3A_425 = arith.constant 15 : i32
          %get3A_426 = arith.index_cast %scan3A_84 : i32 to index
          %get3A_427 = arith.index_cast %get3A_425 : i32 to index
          %get3A_428 = arith.constant 32 : index
          %get3A_429 = tpu.vector_load %arg5[%get3A_426, %get3A_427, %get3A_428] {strides = array<i32>} : memref<8x16x256xf32, #tpu.memory_space<vmem>>, vector<1x1x16xf32>,
          %get3A_430 = vector.shape_cast %get3A_429 : vector<1x1x16xf32> to vector<16xf32>
          %add3A_431 = arith.addf %add3A_424, %get3A_430 : vector<16xf32>
          %mul3A_432 = arith.constant 6.250000e-02 : f32
          %mul3A_433 = vector.broadcast %mul3A_432 : f32 to vector<16xf32>
          %mul3A_434 = arith.mulf %add3A_431, %mul3A_433 : vector<16xf32>
          %swap3A_435 = arith.index_cast %scan3A_84 : i32 to index
          %swap3A_436 = arith.constant 32 : index
          %swap3A_437 = tpu.vector_load %arg7[%swap3A_435, %swap3A_436] {strides = array<i32>} : memref<8x256xf32, #tpu.memory_space<vmem>>, vector<1x16xf32>,
          %swap3A_438 = vector.shape_cast %swap3A_437 : vector<1x16xf32> to vector<16xf32>
          %swap3A_439 = vector.shape_cast %mul3A_434 : vector<16xf32> to vector<1x16xf32>
          tpu.vector_store %arg7[%swap3A_435, %swap3A_436], %swap3A_439 {strides = array<i32>} : memref<8x256xf32, #tpu.memory_space<vmem>>, vector<1x16xf32>,
          %get3A_440 = arith.constant 0 : i32
          %get3A_441 = arith.index_cast %scan3A_84 : i32 to index
          %get3A_442 = arith.index_cast %get3A_440 : i32 to index
          %get3A_443 = arith.constant 48 : index
          %get3A_444 = tpu.vector_load %arg5[%get3A_441, %get3A_442, %get3A_443] {strides = array<i32>} : memref<8x16x256xf32, #tpu.memory_space<vmem>>, vector<1x1x16xf32>,
          %get3A_445 = vector.shape_cast %get3A_444 : vector<1x1x16xf32> to vector<16xf32>
          %get3A_446 = arith.constant 1 : i32
          %get3A_447 = arith.index_cast %scan3A_84 : i32 to index
          %get3A_448 = arith.index_cast %get3A_446 : i32 to index
          %get3A_449 = arith.constant 48 : index
          %get3A_450 = tpu.vector_load %arg5[%get3A_447, %get3A_448, %get3A_449] {strides = array<i32>} : memref<8x16x256xf32, #tpu.memory_space<vmem>>, vector<1x1x16xf32>,
          %get3A_451 = vector.shape_cast %get3A_450 : vector<1x1x16xf32> to vector<16xf32>
          %add3A_452 = arith.addf %get3A_445, %get3A_451 : vector<16xf32>
          %get3A_453 = arith.constant 2 : i32
          %get3A_454 = arith.index_cast %scan3A_84 : i32 to index
          %get3A_455 = arith.index_cast %get3A_453 : i32 to index
          %get3A_456 = arith.constant 48 : index
          %get3A_457 = tpu.vector_load %arg5[%get3A_454, %get3A_455, %get3A_456] {strides = array<i32>} : memref<8x16x256xf32, #tpu.memory_space<vmem>>, vector<1x1x16xf32>,
          %get3A_458 = vector.shape_cast %get3A_457 : vector<1x1x16xf32> to vector<16xf32>
          %add3A_459 = arith.addf %add3A_452, %get3A_458 : vector<16xf32>
          %get3A_460 = arith.constant 3 : i32
          %get3A_461 = arith.index_cast %scan3A_84 : i32 to index
          %get3A_462 = arith.index_cast %get3A_460 : i32 to index
          %get3A_463 = arith.constant 48 : index
          %get3A_464 = tpu.vector_load %arg5[%get3A_461, %get3A_462, %get3A_463] {strides = array<i32>} : memref<8x16x256xf32, #tpu.memory_space<vmem>>, vector<1x1x16xf32>,
          %get3A_465 = vector.shape_cast %get3A_464 : vector<1x1x16xf32> to vector<16xf32>
          %add3A_466 = arith.addf %add3A_459, %get3A_465 : vector<16xf32>
          %get3A_467 = arith.constant 4 : i32
          %get3A_468 = arith.index_cast %scan3A_84 : i32 to index
          %get3A_469 = arith.index_cast %get3A_467 : i32 to index
          %get3A_470 = arith.constant 48 : index
          %get3A_471 = tpu.vector_load %arg5[%get3A_468, %get3A_469, %get3A_470] {strides = array<i32>} : memref<8x16x256xf32, #tpu.memory_space<vmem>>, vector<1x1x16xf32>,
          %get3A_472 = vector.shape_cast %get3A_471 : vector<1x1x16xf32> to vector<16xf32>
          %add3A_473 = arith.addf %add3A_466, %get3A_472 : vector<16xf32>
          %get3A_474 = arith.constant 5 : i32
          %get3A_475 = arith.index_cast %scan3A_84 : i32 to index
          %get3A_476 = arith.index_cast %get3A_474 : i32 to index
          %get3A_477 = arith.constant 48 : index
          %get3A_478 = tpu.vector_load %arg5[%get3A_475, %get3A_476, %get3A_477] {strides = array<i32>} : memref<8x16x256xf32, #tpu.memory_space<vmem>>, vector<1x1x16xf32>,
          %get3A_479 = vector.shape_cast %get3A_478 : vector<1x1x16xf32> to vector<16xf32>
          %add3A_480 = arith.addf %add3A_473, %get3A_479 : vector<16xf32>
          %get3A_481 = arith.constant 6 : i32
          %get3A_482 = arith.index_cast %scan3A_84 : i32 to index
          %get3A_483 = arith.index_cast %get3A_481 : i32 to index
          %get3A_484 = arith.constant 48 : index
          %get3A_485 = tpu.vector_load %arg5[%get3A_482, %get3A_483, %get3A_484] {strides = array<i32>} : memref<8x16x256xf32, #tpu.memory_space<vmem>>, vector<1x1x16xf32>,
          %get3A_486 = vector.shape_cast %get3A_485 : vector<1x1x16xf32> to vector<16xf32>
          %add3A_487 = arith.addf %add3A_480, %get3A_486 : vector<16xf32>
          %get3A_488 = arith.constant 7 : i32
          %get3A_489 = arith.index_cast %scan3A_84 : i32 to index
          %get3A_490 = arith.index_cast %get3A_488 : i32 to index
          %get3A_491 = arith.constant 48 : index
          %get3A_492 = tpu.vector_load %arg5[%get3A_489, %get3A_490, %get3A_491] {strides = array<i32>} : memref<8x16x256xf32, #tpu.memory_space<vmem>>, vector<1x1x16xf32>,
          %get3A_493 = vector.shape_cast %get3A_492 : vector<1x1x16xf32> to vector<16xf32>
          %add3A_494 = arith.addf %add3A_487, %get3A_493 : vector<16xf32>
          %get3A_495 = arith.constant 8 : i32
          %get3A_496 = arith.index_cast %scan3A_84 : i32 to index
          %get3A_497 = arith.index_cast %get3A_495 : i32 to index
          %get3A_498 = arith.constant 48 : index
          %get3A_499 = tpu.vector_load %arg5[%get3A_496, %get3A_497, %get3A_498] {strides = array<i32>} : memref<8x16x256xf32, #tpu.memory_space<vmem>>, vector<1x1x16xf32>,
          %get3A_500 = vector.shape_cast %get3A_499 : vector<1x1x16xf32> to vector<16xf32>
          %add3A_501 = arith.addf %add3A_494, %get3A_500 : vector<16xf32>
          %get3A_502 = arith.constant 9 : i32
          %get3A_503 = arith.index_cast %scan3A_84 : i32 to index
          %get3A_504 = arith.index_cast %get3A_502 : i32 to index
          %get3A_505 = arith.constant 48 : index
          %get3A_506 = tpu.vector_load %arg5[%get3A_503, %get3A_504, %get3A_505] {strides = array<i32>} : memref<8x16x256xf32, #tpu.memory_space<vmem>>, vector<1x1x16xf32>,
          %get3A_507 = vector.shape_cast %get3A_506 : vector<1x1x16xf32> to vector<16xf32>
          %add3A_508 = arith.addf %add3A_501, %get3A_507 : vector<16xf32>
          %get3A_509 = arith.constant 10 : i32
          %get3A_510 = arith.index_cast %scan3A_84 : i32 to index
          %get3A_511 = arith.index_cast %get3A_509 : i32 to index
          %get3A_512 = arith.constant 48 : index
          %get3A_513 = tpu.vector_load %arg5[%get3A_510, %get3A_511, %get3A_512] {strides = array<i32>} : memref<8x16x256xf32, #tpu.memory_space<vmem>>, vector<1x1x16xf32>,
          %get3A_514 = vector.shape_cast %get3A_513 : vector<1x1x16xf32> to vector<16xf32>
          %add3A_515 = arith.addf %add3A_508, %get3A_514 : vector<16xf32>
          %get3A_516 = arith.constant 11 : i32
          %get3A_517 = arith.index_cast %scan3A_84 : i32 to index
          %get3A_518 = arith.index_cast %get3A_516 : i32 to index
          %get3A_519 = arith.constant 48 : index
          %get3A_520 = tpu.vector_load %arg5[%get3A_517, %get3A_518, %get3A_519] {strides = array<i32>} : memref<8x16x256xf32, #tpu.memory_space<vmem>>, vector<1x1x16xf32>,
          %get3A_521 = vector.shape_cast %get3A_520 : vector<1x1x16xf32> to vector<16xf32>
          %add3A_522 = arith.addf %add3A_515, %get3A_521 : vector<16xf32>
          %get3A_523 = arith.constant 12 : i32
          %get3A_524 = arith.index_cast %scan3A_84 : i32 to index
          %get3A_525 = arith.index_cast %get3A_523 : i32 to index
          %get3A_526 = arith.constant 48 : index
          %get3A_527 = tpu.vector_load %arg5[%get3A_524, %get3A_525, %get3A_526] {strides = array<i32>} : memref<8x16x256xf32, #tpu.memory_space<vmem>>, vector<1x1x16xf32>,
          %get3A_528 = vector.shape_cast %get3A_527 : vector<1x1x16xf32> to vector<16xf32>
          %add3A_529 = arith.addf %add3A_522, %get3A_528 : vector<16xf32>
          %get3A_530 = arith.constant 13 : i32
          %get3A_531 = arith.index_cast %scan3A_84 : i32 to index
          %get3A_532 = arith.index_cast %get3A_530 : i32 to index
          %get3A_533 = arith.constant 48 : index
          %get3A_534 = tpu.vector_load %arg5[%get3A_531, %get3A_532, %get3A_533] {strides = array<i32>} : memref<8x16x256xf32, #tpu.memory_space<vmem>>, vector<1x1x16xf32>,
          %get3A_535 = vector.shape_cast %get3A_534 : vector<1x1x16xf32> to vector<16xf32>
          %add3A_536 = arith.addf %add3A_529, %get3A_535 : vector<16xf32>
          %get3A_537 = arith.constant 14 : i32
          %get3A_538 = arith.index_cast %scan3A_84 : i32 to index
          %get3A_539 = arith.index_cast %get3A_537 : i32 to index
          %get3A_540 = arith.constant 48 : index
          %get3A_541 = tpu.vector_load %arg5[%get3A_538, %get3A_539, %get3A_540] {strides = array<i32>} : memref<8x16x256xf32, #tpu.memory_space<vmem>>, vector<1x1x16xf32>,
          %get3A_542 = vector.shape_cast %get3A_541 : vector<1x1x16xf32> to vector<16xf32>
          %add3A_543 = arith.addf %add3A_536, %get3A_542 : vector<16xf32>
          %get3A_544 = arith.constant 15 : i32
          %get3A_545 = arith.index_cast %scan3A_84 : i32 to index
          %get3A_546 = arith.index_cast %get3A_544 : i32 to index
          %get3A_547 = arith.constant 48 : index
          %get3A_548 = tpu.vector_load %arg5[%get3A_545, %get3A_546, %get3A_547] {strides = array<i32>} : memref<8x16x256xf32, #tpu.memory_space<vmem>>, vector<1x1x16xf32>,
          %get3A_549 = vector.shape_cast %get3A_548 : vector<1x1x16xf32> to vector<16xf32>
          %add3A_550 = arith.addf %add3A_543, %get3A_549 : vector<16xf32>
          %mul3A_551 = arith.constant 6.250000e-02 : f32
          %mul3A_552 = vector.broadcast %mul3A_551 : f32 to vector<16xf32>
          %mul3A_553 = arith.mulf %add3A_550, %mul3A_552 : vector<16xf32>
          %swap3A_554 = arith.index_cast %scan3A_84 : i32 to index
          %swap3A_555 = arith.constant 48 : index
          %swap3A_556 = tpu.vector_load %arg7[%swap3A_554, %swap3A_555] {strides = array<i32>} : memref<8x256xf32, #tpu.memory_space<vmem>>, vector<1x16xf32>,
          %swap3A_557 = vector.shape_cast %swap3A_556 : vector<1x16xf32> to vector<16xf32>
          %swap3A_558 = vector.shape_cast %mul3A_553 : vector<16xf32> to vector<1x16xf32>
          tpu.vector_store %arg7[%swap3A_554, %swap3A_555], %swap3A_558 {strides = array<i32>} : memref<8x256xf32, #tpu.memory_space<vmem>>, vector<1x16xf32>,
          %get3A_559 = arith.constant 0 : i32
          %get3A_560 = arith.index_cast %scan3A_84 : i32 to index
          %get3A_561 = arith.index_cast %get3A_559 : i32 to index
          %get3A_562 = arith.constant 64 : index
          %get3A_563 = tpu.vector_load %arg5[%get3A_560, %get3A_561, %get3A_562] {strides = array<i32>} : memref<8x16x256xf32, #tpu.memory_space<vmem>>, vector<1x1x16xf32>,
          %get3A_564 = vector.shape_cast %get3A_563 : vector<1x1x16xf32> to vector<16xf32>
          %get3A_565 = arith.constant 1 : i32
          %get3A_566 = arith.index_cast %scan3A_84 : i32 to index
          %get3A_567 = arith.index_cast %get3A_565 : i32 to index
          %get3A_568 = arith.constant 64 : index
          %get3A_569 = tpu.vector_load %arg5[%get3A_566, %get3A_567, %get3A_568] {strides = array<i32>} : memref<8x16x256xf32, #tpu.memory_space<vmem>>, vector<1x1x16xf32>,
          %get3A_570 = vector.shape_cast %get3A_569 : vector<1x1x16xf32> to vector<16xf32>
          %add3A_571 = arith.addf %get3A_564, %get3A_570 : vector<16xf32>
          %get3A_572 = arith.constant 2 : i32
          %get3A_573 = arith.index_cast %scan3A_84 : i32 to index
          %get3A_574 = arith.index_cast %get3A_572 : i32 to index
          %get3A_575 = arith.constant 64 : index
          %get3A_576 = tpu.vector_load %arg5[%get3A_573, %get3A_574, %get3A_575] {strides = array<i32>} : memref<8x16x256xf32, #tpu.memory_space<vmem>>, vector<1x1x16xf32>,
          %get3A_577 = vector.shape_cast %get3A_576 : vector<1x1x16xf32> to vector<16xf32>
          %add3A_578 = arith.addf %add3A_571, %get3A_577 : vector<16xf32>
          %get3A_579 = arith.constant 3 : i32
          %get3A_580 = arith.index_cast %scan3A_84 : i32 to index
          %get3A_581 = arith.index_cast %get3A_579 : i32 to index
          %get3A_582 = arith.constant 64 : index
          %get3A_583 = tpu.vector_load %arg5[%get3A_580, %get3A_581, %get3A_582] {strides = array<i32>} : memref<8x16x256xf32, #tpu.memory_space<vmem>>, vector<1x1x16xf32>,
          %get3A_584 = vector.shape_cast %get3A_583 : vector<1x1x16xf32> to vector<16xf32>
          %add3A_585 = arith.addf %add3A_578, %get3A_584 : vector<16xf32>
          %get3A_586 = arith.constant 4 : i32
          %get3A_587 = arith.index_cast %scan3A_84 : i32 to index
          %get3A_588 = arith.index_cast %get3A_586 : i32 to index
          %get3A_589 = arith.constant 64 : index
          %get3A_590 = tpu.vector_load %arg5[%get3A_587, %get3A_588, %get3A_589] {strides = array<i32>} : memref<8x16x256xf32, #tpu.memory_space<vmem>>, vector<1x1x16xf32>,
          %get3A_591 = vector.shape_cast %get3A_590 : vector<1x1x16xf32> to vector<16xf32>
          %add3A_592 = arith.addf %add3A_585, %get3A_591 : vector<16xf32>
          %get3A_593 = arith.constant 5 : i32
          %get3A_594 = arith.index_cast %scan3A_84 : i32 to index
          %get3A_595 = arith.index_cast %get3A_593 : i32 to index
          %get3A_596 = arith.constant 64 : index
          %get3A_597 = tpu.vector_load %arg5[%get3A_594, %get3A_595, %get3A_596] {strides = array<i32>} : memref<8x16x256xf32, #tpu.memory_space<vmem>>, vector<1x1x16xf32>,
          %get3A_598 = vector.shape_cast %get3A_597 : vector<1x1x16xf32> to vector<16xf32>
          %add3A_599 = arith.addf %add3A_592, %get3A_598 : vector<16xf32>
          %get3A_600 = arith.constant 6 : i32
          %get3A_601 = arith.index_cast %scan3A_84 : i32 to index
          %get3A_602 = arith.index_cast %get3A_600 : i32 to index
          %get3A_603 = arith.constant 64 : index
          %get3A_604 = tpu.vector_load %arg5[%get3A_601, %get3A_602, %get3A_603] {strides = array<i32>} : memref<8x16x256xf32, #tpu.memory_space<vmem>>, vector<1x1x16xf32>,
          %get3A_605 = vector.shape_cast %get3A_604 : vector<1x1x16xf32> to vector<16xf32>
          %add3A_606 = arith.addf %add3A_599, %get3A_605 : vector<16xf32>
          %get3A_607 = arith.constant 7 : i32
          %get3A_608 = arith.index_cast %scan3A_84 : i32 to index
          %get3A_609 = arith.index_cast %get3A_607 : i32 to index
          %get3A_610 = arith.constant 64 : index
          %get3A_611 = tpu.vector_load %arg5[%get3A_608, %get3A_609, %get3A_610] {strides = array<i32>} : memref<8x16x256xf32, #tpu.memory_space<vmem>>, vector<1x1x16xf32>,
          %get3A_612 = vector.shape_cast %get3A_611 : vector<1x1x16xf32> to vector<16xf32>
          %add3A_613 = arith.addf %add3A_606, %get3A_612 : vector<16xf32>
          %get3A_614 = arith.constant 8 : i32
          %get3A_615 = arith.index_cast %scan3A_84 : i32 to index
          %get3A_616 = arith.index_cast %get3A_614 : i32 to index
          %get3A_617 = arith.constant 64 : index
          %get3A_618 = tpu.vector_load %arg5[%get3A_615, %get3A_616, %get3A_617] {strides = array<i32>} : memref<8x16x256xf32, #tpu.memory_space<vmem>>, vector<1x1x16xf32>,
          %get3A_619 = vector.shape_cast %get3A_618 : vector<1x1x16xf32> to vector<16xf32>
          %add3A_620 = arith.addf %add3A_613, %get3A_619 : vector<16xf32>
          %get3A_621 = arith.constant 9 : i32
          %get3A_622 = arith.index_cast %scan3A_84 : i32 to index
          %get3A_623 = arith.index_cast %get3A_621 : i32 to index
          %get3A_624 = arith.constant 64 : index
          %get3A_625 = tpu.vector_load %arg5[%get3A_622, %get3A_623, %get3A_624] {strides = array<i32>} : memref<8x16x256xf32, #tpu.memory_space<vmem>>, vector<1x1x16xf32>,
          %get3A_626 = vector.shape_cast %get3A_625 : vector<1x1x16xf32> to vector<16xf32>
          %add3A_627 = arith.addf %add3A_620, %get3A_626 : vector<16xf32>
          %get3A_628 = arith.constant 10 : i32
          %get3A_629 = arith.index_cast %scan3A_84 : i32 to index
          %get3A_630 = arith.index_cast %get3A_628 : i32 to index
          %get3A_631 = arith.constant 64 : index
          %get3A_632 = tpu.vector_load %arg5[%get3A_629, %get3A_630, %get3A_631] {strides = array<i32>} : memref<8x16x256xf32, #tpu.memory_space<vmem>>, vector<1x1x16xf32>,
          %get3A_633 = vector.shape_cast %get3A_632 : vector<1x1x16xf32> to vector<16xf32>
          %add3A_634 = arith.addf %add3A_627, %get3A_633 : vector<16xf32>
          %get3A_635 = arith.constant 11 : i32
          %get3A_636 = arith.index_cast %scan3A_84 : i32 to index
          %get3A_637 = arith.index_cast %get3A_635 : i32 to index
          %get3A_638 = arith.constant 64 : index
          %get3A_639 = tpu.vector_load %arg5[%get3A_636, %get3A_637, %get3A_638] {strides = array<i32>} : memref<8x16x256xf32, #tpu.memory_space<vmem>>, vector<1x1x16xf32>,
          %get3A_640 = vector.shape_cast %get3A_639 : vector<1x1x16xf32> to vector<16xf32>
          %add3A_641 = arith.addf %add3A_634, %get3A_640 : vector<16xf32>
          %get3A_642 = arith.constant 12 : i32
          %get3A_643 = arith.index_cast %scan3A_84 : i32 to index
          %get3A_644 = arith.index_cast %get3A_642 : i32 to index
          %get3A_645 = arith.constant 64 : index
          %get3A_646 = tpu.vector_load %arg5[%get3A_643, %get3A_644, %get3A_645] {strides = array<i32>} : memref<8x16x256xf32, #tpu.memory_space<vmem>>, vector<1x1x16xf32>,
          %get3A_647 = vector.shape_cast %get3A_646 : vector<1x1x16xf32> to vector<16xf32>
          %add3A_648 = arith.addf %add3A_641, %get3A_647 : vector<16xf32>
          %get3A_649 = arith.constant 13 : i32
          %get3A_650 = arith.index_cast %scan3A_84 : i32 to index
          %get3A_651 = arith.index_cast %get3A_649 : i32 to index
          %get3A_652 = arith.constant 64 : index
          %get3A_653 = tpu.vector_load %arg5[%get3A_650, %get3A_651, %get3A_652] {strides = array<i32>} : memref<8x16x256xf32, #tpu.memory_space<vmem>>, vector<1x1x16xf32>,
          %get3A_654 = vector.shape_cast %get3A_653 : vector<1x1x16xf32> to vector<16xf32>
          %add3A_655 = arith.addf %add3A_648, %get3A_654 : vector<16xf32>
          %get3A_656 = arith.constant 14 : i32
          %get3A_657 = arith.index_cast %scan3A_84 : i32 to index
          %get3A_658 = arith.index_cast %get3A_656 : i32 to index
          %get3A_659 = arith.constant 64 : index
          %get3A_660 = tpu.vector_load %arg5[%get3A_657, %get3A_658, %get3A_659] {strides = array<i32>} : memref<8x16x256xf32, #tpu.memory_space<vmem>>, vector<1x1x16xf32>,
          %get3A_661 = vector.shape_cast %get3A_660 : vector<1x1x16xf32> to vector<16xf32>
          %add3A_662 = arith.addf %add3A_655, %get3A_661 : vector<16xf32>
          %get3A_663 = arith.constant 15 : i32
          %get3A_664 = arith.index_cast %scan3A_84 : i32 to index
          %get3A_665 = arith.index_cast %get3A_663 : i32 to index
          %get3A_666 = arith.constant 64 : index
          %get3A_667 = tpu.vector_load %arg5[%get3A_664, %get3A_665, %get3A_666] {strides = array<i32>} : memref<8x16x256xf32, #tpu.memory_space<vmem>>, vector<1x1x16xf32>,
          %get3A_668 = vector.shape_cast %get3A_667 : vector<1x1x16xf32> to vector<16xf32>
          %add3A_669 = arith.addf %add3A_662, %get3A_668 : vector<16xf32>
          %mul3A_670 = arith.constant 6.250000e-02 : f32
          %mul3A_671 = vector.broadcast %mul3A_670 : f32 to vector<16xf32>
          %mul3A_672 = arith.mulf %add3A_669, %mul3A_671 : vector<16xf32>
          %swap3A_673 = arith.index_cast %scan3A_84 : i32 to index
          %swap3A_674 = arith.constant 64 : index
          %swap3A_675 = tpu.vector_load %arg7[%swap3A_673, %swap3A_674] {strides = array<i32>} : memref<8x256xf32, #tpu.memory_space<vmem>>, vector<1x16xf32>,
          %swap3A_676 = vector.shape_cast %swap3A_675 : vector<1x16xf32> to vector<16xf32>
          %swap3A_677 = vector.shape_cast %mul3A_672 : vector<16xf32> to vector<1x16xf32>
          tpu.vector_store %arg7[%swap3A_673, %swap3A_674], %swap3A_677 {strides = array<i32>} : memref<8x256xf32, #tpu.memory_space<vmem>>, vector<1x16xf32>,
          %get3A_678 = arith.constant 0 : i32
          %get3A_679 = arith.index_cast %scan3A_84 : i32 to index
          %get3A_680 = arith.index_cast %get3A_678 : i32 to index
          %get3A_681 = arith.constant 80 : index
          %get3A_682 = tpu.vector_load %arg5[%get3A_679, %get3A_680, %get3A_681] {strides = array<i32>} : memref<8x16x256xf32, #tpu.memory_space<vmem>>, vector<1x1x16xf32>,
          %get3A_683 = vector.shape_cast %get3A_682 : vector<1x1x16xf32> to vector<16xf32>
          %get3A_684 = arith.constant 1 : i32
          %get3A_685 = arith.index_cast %scan3A_84 : i32 to index
          %get3A_686 = arith.index_cast %get3A_684 : i32 to index
          %get3A_687 = arith.constant 80 : index
          %get3A_688 = tpu.vector_load %arg5[%get3A_685, %get3A_686, %get3A_687] {strides = array<i32>} : memref<8x16x256xf32, #tpu.memory_space<vmem>>, vector<1x1x16xf32>,
          %get3A_689 = vector.shape_cast %get3A_688 : vector<1x1x16xf32> to vector<16xf32>
          %add3A_690 = arith.addf %get3A_683, %get3A_689 : vector<16xf32>
          %get3A_691 = arith.constant 2 : i32
          %get3A_692 = arith.index_cast %scan3A_84 : i32 to index
          %get3A_693 = arith.index_cast %get3A_691 : i32 to index
          %get3A_694 = arith.constant 80 : index
          %get3A_695 = tpu.vector_load %arg5[%get3A_692, %get3A_693, %get3A_694] {strides = array<i32>} : memref<8x16x256xf32, #tpu.memory_space<vmem>>, vector<1x1x16xf32>,
          %get3A_696 = vector.shape_cast %get3A_695 : vector<1x1x16xf32> to vector<16xf32>
          %add3A_697 = arith.addf %add3A_690, %get3A_696 : vector<16xf32>
          %get3A_698 = arith.constant 3 : i32
          %get3A_699 = arith.index_cast %scan3A_84 : i32 to index
          %get3A_700 = arith.index_cast %get3A_698 : i32 to index
          %get3A_701 = arith.constant 80 : index
          %get3A_702 = tpu.vector_load %arg5[%get3A_699, %get3A_700, %get3A_701] {strides = array<i32>} : memref<8x16x256xf32, #tpu.memory_space<vmem>>, vector<1x1x16xf32>,
          %get3A_703 = vector.shape_cast %get3A_702 : vector<1x1x16xf32> to vector<16xf32>
          %add3A_704 = arith.addf %add3A_697, %get3A_703 : vector<16xf32>
          %get3A_705 = arith.constant 4 : i32
          %get3A_706 = arith.index_cast %scan3A_84 : i32 to index
          %get3A_707 = arith.index_cast %get3A_705 : i32 to index
          %get3A_708 = arith.constant 80 : index
          %get3A_709 = tpu.vector_load %arg5[%get3A_706, %get3A_707, %get3A_708] {strides = array<i32>} : memref<8x16x256xf32, #tpu.memory_space<vmem>>, vector<1x1x16xf32>,
          %get3A_710 = vector.shape_cast %get3A_709 : vector<1x1x16xf32> to vector<16xf32>
          %add3A_711 = arith.addf %add3A_704, %get3A_710 : vector<16xf32>
          %get3A_712 = arith.constant 5 : i32
          %get3A_713 = arith.index_cast %scan3A_84 : i32 to index
          %get3A_714 = arith.index_cast %get3A_712 : i32 to index
          %get3A_715 = arith.constant 80 : index
          %get3A_716 = tpu.vector_load %arg5[%get3A_713, %get3A_714, %get3A_715] {strides = array<i32>} : memref<8x16x256xf32, #tpu.memory_space<vmem>>, vector<1x1x16xf32>,
          %get3A_717 = vector.shape_cast %get3A_716 : vector<1x1x16xf32> to vector<16xf32>
          %add3A_718 = arith.addf %add3A_711, %get3A_717 : vector<16xf32>
          %get3A_719 = arith.constant 6 : i32
          %get3A_720 = arith.index_cast %scan3A_84 : i32 to index
          %get3A_721 = arith.index_cast %get3A_719 : i32 to index
          %get3A_722 = arith.constant 80 : index
          %get3A_723 = tpu.vector_load %arg5[%get3A_720, %get3A_721, %get3A_722] {strides = array<i32>} : memref<8x16x256xf32, #tpu.memory_space<vmem>>, vector<1x1x16xf32>,
          %get3A_724 = vector.shape_cast %get3A_723 : vector<1x1x16xf32> to vector<16xf32>
          %add3A_725 = arith.addf %add3A_718, %get3A_724 : vector<16xf32>
          %get3A_726 = arith.constant 7 : i32
          %get3A_727 = arith.index_cast %scan3A_84 : i32 to index
          %get3A_728 = arith.index_cast %get3A_726 : i32 to index
          %get3A_729 = arith.constant 80 : index
          %get3A_730 = tpu.vector_load %arg5[%get3A_727, %get3A_728, %get3A_729] {strides = array<i32>} : memref<8x16x256xf32, #tpu.memory_space<vmem>>, vector<1x1x16xf32>,
          %get3A_731 = vector.shape_cast %get3A_730 : vector<1x1x16xf32> to vector<16xf32>
          %add3A_732 = arith.addf %add3A_725, %get3A_731 : vector<16xf32>
          %get3A_733 = arith.constant 8 : i32
          %get3A_734 = arith.index_cast %scan3A_84 : i32 to index
          %get3A_735 = arith.index_cast %get3A_733 : i32 to index
          %get3A_736 = arith.constant 80 : index
          %get3A_737 = tpu.vector_load %arg5[%get3A_734, %get3A_735, %get3A_736] {strides = array<i32>} : memref<8x16x256xf32, #tpu.memory_space<vmem>>, vector<1x1x16xf32>,
          %get3A_738 = vector.shape_cast %get3A_737 : vector<1x1x16xf32> to vector<16xf32>
          %add3A_739 = arith.addf %add3A_732, %get3A_738 : vector<16xf32>
          %get3A_740 = arith.constant 9 : i32
          %get3A_741 = arith.index_cast %scan3A_84 : i32 to index
          %get3A_742 = arith.index_cast %get3A_740 : i32 to index
          %get3A_743 = arith.constant 80 : index
          %get3A_744 = tpu.vector_load %arg5[%get3A_741, %get3A_742, %get3A_743] {strides = array<i32>} : memref<8x16x256xf32, #tpu.memory_space<vmem>>, vector<1x1x16xf32>,
          %get3A_745 = vector.shape_cast %get3A_744 : vector<1x1x16xf32> to vector<16xf32>
          %add3A_746 = arith.addf %add3A_739, %get3A_745 : vector<16xf32>
          %get3A_747 = arith.constant 10 : i32
          %get3A_748 = arith.index_cast %scan3A_84 : i32 to index
          %get3A_749 = arith.index_cast %get3A_747 : i32 to index
          %get3A_750 = arith.constant 80 : index
          %get3A_751 = tpu.vector_load %arg5[%get3A_748, %get3A_749, %get3A_750] {strides = array<i32>} : memref<8x16x256xf32, #tpu.memory_space<vmem>>, vector<1x1x16xf32>,
          %get3A_752 = vector.shape_cast %get3A_751 : vector<1x1x16xf32> to vector<16xf32>
          %add3A_753 = arith.addf %add3A_746, %get3A_752 : vector<16xf32>
          %get3A_754 = arith.constant 11 : i32
          %get3A_755 = arith.index_cast %scan3A_84 : i32 to index
          %get3A_756 = arith.index_cast %get3A_754 : i32 to index
          %get3A_757 = arith.constant 80 : index
          %get3A_758 = tpu.vector_load %arg5[%get3A_755, %get3A_756, %get3A_757] {strides = array<i32>} : memref<8x16x256xf32, #tpu.memory_space<vmem>>, vector<1x1x16xf32>,
          %get3A_759 = vector.shape_cast %get3A_758 : vector<1x1x16xf32> to vector<16xf32>
          %add3A_760 = arith.addf %add3A_753, %get3A_759 : vector<16xf32>
          %get3A_761 = arith.constant 12 : i32
          %get3A_762 = arith.index_cast %scan3A_84 : i32 to index
          %get3A_763 = arith.index_cast %get3A_761 : i32 to index
          %get3A_764 = arith.constant 80 : index
          %get3A_765 = tpu.vector_load %arg5[%get3A_762, %get3A_763, %get3A_764] {strides = array<i32>} : memref<8x16x256xf32, #tpu.memory_space<vmem>>, vector<1x1x16xf32>,
          %get3A_766 = vector.shape_cast %get3A_765 : vector<1x1x16xf32> to vector<16xf32>
          %add3A_767 = arith.addf %add3A_760, %get3A_766 : vector<16xf32>
          %get3A_768 = arith.constant 13 : i32
          %get3A_769 = arith.index_cast %scan3A_84 : i32 to index
          %get3A_770 = arith.index_cast %get3A_768 : i32 to index
          %get3A_771 = arith.constant 80 : index
          %get3A_772 = tpu.vector_load %arg5[%get3A_769, %get3A_770, %get3A_771] {strides = array<i32>} : memref<8x16x256xf32, #tpu.memory_space<vmem>>, vector<1x1x16xf32>,
          %get3A_773 = vector.shape_cast %get3A_772 : vector<1x1x16xf32> to vector<16xf32>
          %add3A_774 = arith.addf %add3A_767, %get3A_773 : vector<16xf32>
          %get3A_775 = arith.constant 14 : i32
          %get3A_776 = arith.index_cast %scan3A_84 : i32 to index
          %get3A_777 = arith.index_cast %get3A_775 : i32 to index
          %get3A_778 = arith.constant 80 : index
          %get3A_779 = tpu.vector_load %arg5[%get3A_776, %get3A_777, %get3A_778] {strides = array<i32>} : memref<8x16x256xf32, #tpu.memory_space<vmem>>, vector<1x1x16xf32>,
          %get3A_780 = vector.shape_cast %get3A_779 : vector<1x1x16xf32> to vector<16xf32>
          %add3A_781 = arith.addf %add3A_774, %get3A_780 : vector<16xf32>
          %get3A_782 = arith.constant 15 : i32
          %get3A_783 = arith.index_cast %scan3A_84 : i32 to index
          %get3A_784 = arith.index_cast %get3A_782 : i32 to index
          %get3A_785 = arith.constant 80 : index
          %get3A_786 = tpu.vector_load %arg5[%get3A_783, %get3A_784, %get3A_785] {strides = array<i32>} : memref<8x16x256xf32, #tpu.memory_space<vmem>>, vector<1x1x16xf32>,
          %get3A_787 = vector.shape_cast %get3A_786 : vector<1x1x16xf32> to vector<16xf32>
          %add3A_788 = arith.addf %add3A_781, %get3A_787 : vector<16xf32>
          %mul3A_789 = arith.constant 6.250000e-02 : f32
          %mul3A_790 = vector.broadcast %mul3A_789 : f32 to vector<16xf32>
          %mul3A_791 = arith.mulf %add3A_788, %mul3A_790 : vector<16xf32>
          %swap3A_792 = arith.index_cast %scan3A_84 : i32 to index
          %swap3A_793 = arith.constant 80 : index
          %swap3A_794 = tpu.vector_load %arg7[%swap3A_792, %swap3A_793] {strides = array<i32>} : memref<8x256xf32, #tpu.memory_space<vmem>>, vector<1x16xf32>,
          %swap3A_795 = vector.shape_cast %swap3A_794 : vector<1x16xf32> to vector<16xf32>
          %swap3A_796 = vector.shape_cast %mul3A_791 : vector<16xf32> to vector<1x16xf32>
          tpu.vector_store %arg7[%swap3A_792, %swap3A_793], %swap3A_796 {strides = array<i32>} : memref<8x256xf32, #tpu.memory_space<vmem>>, vector<1x16xf32>,
          %get3A_797 = arith.constant 0 : i32
          %get3A_798 = arith.index_cast %scan3A_84 : i32 to index
          %get3A_799 = arith.index_cast %get3A_797 : i32 to index
          %get3A_800 = arith.constant 96 : index
          %get3A_801 = tpu.vector_load %arg5[%get3A_798, %get3A_799, %get3A_800] {strides = array<i32>} : memref<8x16x256xf32, #tpu.memory_space<vmem>>, vector<1x1x16xf32>,
          %get3A_802 = vector.shape_cast %get3A_801 : vector<1x1x16xf32> to vector<16xf32>
          %get3A_803 = arith.constant 1 : i32
          %get3A_804 = arith.index_cast %scan3A_84 : i32 to index
          %get3A_805 = arith.index_cast %get3A_803 : i32 to index
          %get3A_806 = arith.constant 96 : index
          %get3A_807 = tpu.vector_load %arg5[%get3A_804, %get3A_805, %get3A_806] {strides = array<i32>} : memref<8x16x256xf32, #tpu.memory_space<vmem>>, vector<1x1x16xf32>,
          %get3A_808 = vector.shape_cast %get3A_807 : vector<1x1x16xf32> to vector<16xf32>
          %add3A_809 = arith.addf %get3A_802, %get3A_808 : vector<16xf32>
          %get3A_810 = arith.constant 2 : i32
          %get3A_811 = arith.index_cast %scan3A_84 : i32 to index
          %get3A_812 = arith.index_cast %get3A_810 : i32 to index
          %get3A_813 = arith.constant 96 : index
          %get3A_814 = tpu.vector_load %arg5[%get3A_811, %get3A_812, %get3A_813] {strides = array<i32>} : memref<8x16x256xf32, #tpu.memory_space<vmem>>, vector<1x1x16xf32>,
          %get3A_815 = vector.shape_cast %get3A_814 : vector<1x1x16xf32> to vector<16xf32>
          %add3A_816 = arith.addf %add3A_809, %get3A_815 : vector<16xf32>
          %get3A_817 = arith.constant 3 : i32
          %get3A_818 = arith.index_cast %scan3A_84 : i32 to index
          %get3A_819 = arith.index_cast %get3A_817 : i32 to index
          %get3A_820 = arith.constant 96 : index
          %get3A_821 = tpu.vector_load %arg5[%get3A_818, %get3A_819, %get3A_820] {strides = array<i32>} : memref<8x16x256xf32, #tpu.memory_space<vmem>>, vector<1x1x16xf32>,
          %get3A_822 = vector.shape_cast %get3A_821 : vector<1x1x16xf32> to vector<16xf32>
          %add3A_823 = arith.addf %add3A_816, %get3A_822 : vector<16xf32>
          %get3A_824 = arith.constant 4 : i32
          %get3A_825 = arith.index_cast %scan3A_84 : i32 to index
          %get3A_826 = arith.index_cast %get3A_824 : i32 to index
          %get3A_827 = arith.constant 96 : index
          %get3A_828 = tpu.vector_load %arg5[%get3A_825, %get3A_826, %get3A_827] {strides = array<i32>} : memref<8x16x256xf32, #tpu.memory_space<vmem>>, vector<1x1x16xf32>,
          %get3A_829 = vector.shape_cast %get3A_828 : vector<1x1x16xf32> to vector<16xf32>
          %add3A_830 = arith.addf %add3A_823, %get3A_829 : vector<16xf32>
          %get3A_831 = arith.constant 5 : i32
          %get3A_832 = arith.index_cast %scan3A_84 : i32 to index
          %get3A_833 = arith.index_cast %get3A_831 : i32 to index
          %get3A_834 = arith.constant 96 : index
          %get3A_835 = tpu.vector_load %arg5[%get3A_832, %get3A_833, %get3A_834] {strides = array<i32>} : memref<8x16x256xf32, #tpu.memory_space<vmem>>, vector<1x1x16xf32>,
          %get3A_836 = vector.shape_cast %get3A_835 : vector<1x1x16xf32> to vector<16xf32>
          %add3A_837 = arith.addf %add3A_830, %get3A_836 : vector<16xf32>
          %get3A_838 = arith.constant 6 : i32
          %get3A_839 = arith.index_cast %scan3A_84 : i32 to index
          %get3A_840 = arith.index_cast %get3A_838 : i32 to index
          %get3A_841 = arith.constant 96 : index
          %get3A_842 = tpu.vector_load %arg5[%get3A_839, %get3A_840, %get3A_841] {strides = array<i32>} : memref<8x16x256xf32, #tpu.memory_space<vmem>>, vector<1x1x16xf32>,
          %get3A_843 = vector.shape_cast %get3A_842 : vector<1x1x16xf32> to vector<16xf32>
          %add3A_844 = arith.addf %add3A_837, %get3A_843 : vector<16xf32>
          %get3A_845 = arith.constant 7 : i32
          %get3A_846 = arith.index_cast %scan3A_84 : i32 to index
          %get3A_847 = arith.index_cast %get3A_845 : i32 to index
          %get3A_848 = arith.constant 96 : index
          %get3A_849 = tpu.vector_load %arg5[%get3A_846, %get3A_847, %get3A_848] {strides = array<i32>} : memref<8x16x256xf32, #tpu.memory_space<vmem>>, vector<1x1x16xf32>,
          %get3A_850 = vector.shape_cast %get3A_849 : vector<1x1x16xf32> to vector<16xf32>
          %add3A_851 = arith.addf %add3A_844, %get3A_850 : vector<16xf32>
          %get3A_852 = arith.constant 8 : i32
          %get3A_853 = arith.index_cast %scan3A_84 : i32 to index
          %get3A_854 = arith.index_cast %get3A_852 : i32 to index
          %get3A_855 = arith.constant 96 : index
          %get3A_856 = tpu.vector_load %arg5[%get3A_853, %get3A_854, %get3A_855] {strides = array<i32>} : memref<8x16x256xf32, #tpu.memory_space<vmem>>, vector<1x1x16xf32>,
          %get3A_857 = vector.shape_cast %get3A_856 : vector<1x1x16xf32> to vector<16xf32>
          %add3A_858 = arith.addf %add3A_851, %get3A_857 : vector<16xf32>
          %get3A_859 = arith.constant 9 : i32
          %get3A_860 = arith.index_cast %scan3A_84 : i32 to index
          %get3A_861 = arith.index_cast %get3A_859 : i32 to index
          %get3A_862 = arith.constant 96 : index
          %get3A_863 = tpu.vector_load %arg5[%get3A_860, %get3A_861, %get3A_862] {strides = array<i32>} : memref<8x16x256xf32, #tpu.memory_space<vmem>>, vector<1x1x16xf32>,
          %get3A_864 = vector.shape_cast %get3A_863 : vector<1x1x16xf32> to vector<16xf32>
          %add3A_865 = arith.addf %add3A_858, %get3A_864 : vector<16xf32>
          %get3A_866 = arith.constant 10 : i32
          %get3A_867 = arith.index_cast %scan3A_84 : i32 to index
          %get3A_868 = arith.index_cast %get3A_866 : i32 to index
          %get3A_869 = arith.constant 96 : index
          %get3A_870 = tpu.vector_load %arg5[%get3A_867, %get3A_868, %get3A_869] {strides = array<i32>} : memref<8x16x256xf32, #tpu.memory_space<vmem>>, vector<1x1x16xf32>,
          %get3A_871 = vector.shape_cast %get3A_870 : vector<1x1x16xf32> to vector<16xf32>
          %add3A_872 = arith.addf %add3A_865, %get3A_871 : vector<16xf32>
          %get3A_873 = arith.constant 11 : i32
          %get3A_874 = arith.index_cast %scan3A_84 : i32 to index
          %get3A_875 = arith.index_cast %get3A_873 : i32 to index
          %get3A_876 = arith.constant 96 : index
          %get3A_877 = tpu.vector_load %arg5[%get3A_874, %get3A_875, %get3A_876] {strides = array<i32>} : memref<8x16x256xf32, #tpu.memory_space<vmem>>, vector<1x1x16xf32>,
          %get3A_878 = vector.shape_cast %get3A_877 : vector<1x1x16xf32> to vector<16xf32>
          %add3A_879 = arith.addf %add3A_872, %get3A_878 : vector<16xf32>
          %get3A_880 = arith.constant 12 : i32
          %get3A_881 = arith.index_cast %scan3A_84 : i32 to index
          %get3A_882 = arith.index_cast %get3A_880 : i32 to index
          %get3A_883 = arith.constant 96 : index
          %get3A_884 = tpu.vector_load %arg5[%get3A_881, %get3A_882, %get3A_883] {strides = array<i32>} : memref<8x16x256xf32, #tpu.memory_space<vmem>>, vector<1x1x16xf32>,
          %get3A_885 = vector.shape_cast %get3A_884 : vector<1x1x16xf32> to vector<16xf32>
          %add3A_886 = arith.addf %add3A_879, %get3A_885 : vector<16xf32>
          %get3A_887 = arith.constant 13 : i32
          %get3A_888 = arith.index_cast %scan3A_84 : i32 to index
          %get3A_889 = arith.index_cast %get3A_887 : i32 to index
          %get3A_890 = arith.constant 96 : index
          %get3A_891 = tpu.vector_load %arg5[%get3A_888, %get3A_889, %get3A_890] {strides = array<i32>} : memref<8x16x256xf32, #tpu.memory_space<vmem>>, vector<1x1x16xf32>,
          %get3A_892 = vector.shape_cast %get3A_891 : vector<1x1x16xf32> to vector<16xf32>
          %add3A_893 = arith.addf %add3A_886, %get3A_892 : vector<16xf32>
          %get3A_894 = arith.constant 14 : i32
          %get3A_895 = arith.index_cast %scan3A_84 : i32 to index
          %get3A_896 = arith.index_cast %get3A_894 : i32 to index
          %get3A_897 = arith.constant 96 : index
          %get3A_898 = tpu.vector_load %arg5[%get3A_895, %get3A_896, %get3A_897] {strides = array<i32>} : memref<8x16x256xf32, #tpu.memory_space<vmem>>, vector<1x1x16xf32>,
          %get3A_899 = vector.shape_cast %get3A_898 : vector<1x1x16xf32> to vector<16xf32>
          %add3A_900 = arith.addf %add3A_893, %get3A_899 : vector<16xf32>
          %get3A_901 = arith.constant 15 : i32
          %get3A_902 = arith.index_cast %scan3A_84 : i32 to index
          %get3A_903 = arith.index_cast %get3A_901 : i32 to index
          %get3A_904 = arith.constant 96 : index
          %get3A_905 = tpu.vector_load %arg5[%get3A_902, %get3A_903, %get3A_904] {strides = array<i32>} : memref<8x16x256xf32, #tpu.memory_space<vmem>>, vector<1x1x16xf32>,
          %get3A_906 = vector.shape_cast %get3A_905 : vector<1x1x16xf32> to vector<16xf32>
          %add3A_907 = arith.addf %add3A_900, %get3A_906 : vector<16xf32>
          %mul3A_908 = arith.constant 6.250000e-02 : f32
          %mul3A_909 = vector.broadcast %mul3A_908 : f32 to vector<16xf32>
          %mul3A_910 = arith.mulf %add3A_907, %mul3A_909 : vector<16xf32>
          %swap3A_911 = arith.index_cast %scan3A_84 : i32 to index
          %swap3A_912 = arith.constant 96 : index
          %swap3A_913 = tpu.vector_load %arg7[%swap3A_911, %swap3A_912] {strides = array<i32>} : memref<8x256xf32, #tpu.memory_space<vmem>>, vector<1x16xf32>,
          %swap3A_914 = vector.shape_cast %swap3A_913 : vector<1x16xf32> to vector<16xf32>
          %swap3A_915 = vector.shape_cast %mul3A_910 : vector<16xf32> to vector<1x16xf32>
          tpu.vector_store %arg7[%swap3A_911, %swap3A_912], %swap3A_915 {strides = array<i32>} : memref<8x256xf32, #tpu.memory_space<vmem>>, vector<1x16xf32>,
          %get3A_916 = arith.constant 0 : i32
          %get3A_917 = arith.index_cast %scan3A_84 : i32 to index
          %get3A_918 = arith.index_cast %get3A_916 : i32 to index
          %get3A_919 = arith.constant 112 : index
          %get3A_920 = tpu.vector_load %arg5[%get3A_917, %get3A_918, %get3A_919] {strides = array<i32>} : memref<8x16x256xf32, #tpu.memory_space<vmem>>, vector<1x1x16xf32>,
          %get3A_921 = vector.shape_cast %get3A_920 : vector<1x1x16xf32> to vector<16xf32>
          %get3A_922 = arith.constant 1 : i32
          %get3A_923 = arith.index_cast %scan3A_84 : i32 to index
          %get3A_924 = arith.index_cast %get3A_922 : i32 to index
          %get3A_925 = arith.constant 112 : index
          %get3A_926 = tpu.vector_load %arg5[%get3A_923, %get3A_924, %get3A_925] {strides = array<i32>} : memref<8x16x256xf32, #tpu.memory_space<vmem>>, vector<1x1x16xf32>,
          %get3A_927 = vector.shape_cast %get3A_926 : vector<1x1x16xf32> to vector<16xf32>
          %add3A_928 = arith.addf %get3A_921, %get3A_927 : vector<16xf32>
          %get3A_929 = arith.constant 2 : i32
          %get3A_930 = arith.index_cast %scan3A_84 : i32 to index
          %get3A_931 = arith.index_cast %get3A_929 : i32 to index
          %get3A_932 = arith.constant 112 : index
          %get3A_933 = tpu.vector_load %arg5[%get3A_930, %get3A_931, %get3A_932] {strides = array<i32>} : memref<8x16x256xf32, #tpu.memory_space<vmem>>, vector<1x1x16xf32>,
          %get3A_934 = vector.shape_cast %get3A_933 : vector<1x1x16xf32> to vector<16xf32>
          %add3A_935 = arith.addf %add3A_928, %get3A_934 : vector<16xf32>
          %get3A_936 = arith.constant 3 : i32
          %get3A_937 = arith.index_cast %scan3A_84 : i32 to index
          %get3A_938 = arith.index_cast %get3A_936 : i32 to index
          %get3A_939 = arith.constant 112 : index
          %get3A_940 = tpu.vector_load %arg5[%get3A_937, %get3A_938, %get3A_939] {strides = array<i32>} : memref<8x16x256xf32, #tpu.memory_space<vmem>>, vector<1x1x16xf32>,
          %get3A_941 = vector.shape_cast %get3A_940 : vector<1x1x16xf32> to vector<16xf32>
          %add3A_942 = arith.addf %add3A_935, %get3A_941 : vector<16xf32>
          %get3A_943 = arith.constant 4 : i32
          %get3A_944 = arith.index_cast %scan3A_84 : i32 to index
          %get3A_945 = arith.index_cast %get3A_943 : i32 to index
          %get3A_946 = arith.constant 112 : index
          %get3A_947 = tpu.vector_load %arg5[%get3A_944, %get3A_945, %get3A_946] {strides = array<i32>} : memref<8x16x256xf32, #tpu.memory_space<vmem>>, vector<1x1x16xf32>,
          %get3A_948 = vector.shape_cast %get3A_947 : vector<1x1x16xf32> to vector<16xf32>
          %add3A_949 = arith.addf %add3A_942, %get3A_948 : vector<16xf32>
          %get3A_950 = arith.constant 5 : i32
          %get3A_951 = arith.index_cast %scan3A_84 : i32 to index
          %get3A_952 = arith.index_cast %get3A_950 : i32 to index
          %get3A_953 = arith.constant 112 : index
          %get3A_954 = tpu.vector_load %arg5[%get3A_951, %get3A_952, %get3A_953] {strides = array<i32>} : memref<8x16x256xf32, #tpu.memory_space<vmem>>, vector<1x1x16xf32>,
          %get3A_955 = vector.shape_cast %get3A_954 : vector<1x1x16xf32> to vector<16xf32>
          %add3A_956 = arith.addf %add3A_949, %get3A_955 : vector<16xf32>
          %get3A_957 = arith.constant 6 : i32
          %get3A_958 = arith.index_cast %scan3A_84 : i32 to index
          %get3A_959 = arith.index_cast %get3A_957 : i32 to index
          %get3A_960 = arith.constant 112 : index
          %get3A_961 = tpu.vector_load %arg5[%get3A_958, %get3A_959, %get3A_960] {strides = array<i32>} : memref<8x16x256xf32, #tpu.memory_space<vmem>>, vector<1x1x16xf32>,
          %get3A_962 = vector.shape_cast %get3A_961 : vector<1x1x16xf32> to vector<16xf32>
          %add3A_963 = arith.addf %add3A_956, %get3A_962 : vector<16xf32>
          %get3A_964 = arith.constant 7 : i32
          %get3A_965 = arith.index_cast %scan3A_84 : i32 to index
          %get3A_966 = arith.index_cast %get3A_964 : i32 to index
          %get3A_967 = arith.constant 112 : index
          %get3A_968 = tpu.vector_load %arg5[%get3A_965, %get3A_966, %get3A_967] {strides = array<i32>} : memref<8x16x256xf32, #tpu.memory_space<vmem>>, vector<1x1x16xf32>,
          %get3A_969 = vector.shape_cast %get3A_968 : vector<1x1x16xf32> to vector<16xf32>
          %add3A_970 = arith.addf %add3A_963, %get3A_969 : vector<16xf32>
          %get3A_971 = arith.constant 8 : i32
          %get3A_972 = arith.index_cast %scan3A_84 : i32 to index
          %get3A_973 = arith.index_cast %get3A_971 : i32 to index
          %get3A_974 = arith.constant 112 : index
          %get3A_975 = tpu.vector_load %arg5[%get3A_972, %get3A_973, %get3A_974] {strides = array<i32>} : memref<8x16x256xf32, #tpu.memory_space<vmem>>, vector<1x1x16xf32>,
          %get3A_976 = vector.shape_cast %get3A_975 : vector<1x1x16xf32> to vector<16xf32>
          %add3A_977 = arith.addf %add3A_970, %get3A_976 : vector<16xf32>
          %get3A_978 = arith.constant 9 : i32
          %get3A_979 = arith.index_cast %scan3A_84 : i32 to index
          %get3A_980 = arith.index_cast %get3A_978 : i32 to index
          %get3A_981 = arith.constant 112 : index
          %get3A_982 = tpu.vector_load %arg5[%get3A_979, %get3A_980, %get3A_981] {strides = array<i32>} : memref<8x16x256xf32, #tpu.memory_space<vmem>>, vector<1x1x16xf32>,
          %get3A_983 = vector.shape_cast %get3A_982 : vector<1x1x16xf32> to vector<16xf32>
          %add3A_984 = arith.addf %add3A_977, %get3A_983 : vector<16xf32>
          %get3A_985 = arith.constant 10 : i32
          %get3A_986 = arith.index_cast %scan3A_84 : i32 to index
          %get3A_987 = arith.index_cast %get3A_985 : i32 to index
          %get3A_988 = arith.constant 112 : index
          %get3A_989 = tpu.vector_load %arg5[%get3A_986, %get3A_987, %get3A_988] {strides = array<i32>} : memref<8x16x256xf32, #tpu.memory_space<vmem>>, vector<1x1x16xf32>,
          %get3A_990 = vector.shape_cast %get3A_989 : vector<1x1x16xf32> to vector<16xf32>
          %add3A_991 = arith.addf %add3A_984, %get3A_990 : vector<16xf32>
          %get3A_992 = arith.constant 11 : i32
          %get3A_993 = arith.index_cast %scan3A_84 : i32 to index
          %get3A_994 = arith.index_cast %get3A_992 : i32 to index
          %get3A_995 = arith.constant 112 : index
          %get3A_996 = tpu.vector_load %arg5[%get3A_993, %get3A_994, %get3A_995] {strides = array<i32>} : memref<8x16x256xf32, #tpu.memory_space<vmem>>, vector<1x1x16xf32>,
          %get3A_997 = vector.shape_cast %get3A_996 : vector<1x1x16xf32> to vector<16xf32>
          %add3A_998 = arith.addf %add3A_991, %get3A_997 : vector<16xf32>
          %get3A_999 = arith.constant 12 : i32
          %get3A_1000 = arith.index_cast %scan3A_84 : i32 to index
          %get3A_1001 = arith.index_cast %get3A_999 : i32 to index
          %get3A_1002 = arith.constant 112 : index
          %get3A_1003 = tpu.vector_load %arg5[%get3A_1000, %get3A_1001, %get3A_1002] {strides = array<i32>} : memref<8x16x256xf32, #tpu.memory_space<vmem>>, vector<1x1x16xf32>,
          %get3A_1004 = vector.shape_cast %get3A_1003 : vector<1x1x16xf32> to vector<16xf32>
          %add3A_1005 = arith.addf %add3A_998, %get3A_1004 : vector<16xf32>
          %get3A_1006 = arith.constant 13 : i32
          %get3A_1007 = arith.index_cast %scan3A_84 : i32 to index
          %get3A_1008 = arith.index_cast %get3A_1006 : i32 to index
          %get3A_1009 = arith.constant 112 : index
          %get3A_1010 = tpu.vector_load %arg5[%get3A_1007, %get3A_1008, %get3A_1009] {strides = array<i32>} : memref<8x16x256xf32, #tpu.memory_space<vmem>>, vector<1x1x16xf32>,
          %get3A_1011 = vector.shape_cast %get3A_1010 : vector<1x1x16xf32> to vector<16xf32>
          %add3A_1012 = arith.addf %add3A_1005, %get3A_1011 : vector<16xf32>
          %get3A_1013 = arith.constant 14 : i32
          %get3A_1014 = arith.index_cast %scan3A_84 : i32 to index
          %get3A_1015 = arith.index_cast %get3A_1013 : i32 to index
          %get3A_1016 = arith.constant 112 : index
          %get3A_1017 = tpu.vector_load %arg5[%get3A_1014, %get3A_1015, %get3A_1016] {strides = array<i32>} : memref<8x16x256xf32, #tpu.memory_space<vmem>>, vector<1x1x16xf32>,
          %get3A_1018 = vector.shape_cast %get3A_1017 : vector<1x1x16xf32> to vector<16xf32>
          %add3A_1019 = arith.addf %add3A_1012, %get3A_1018 : vector<16xf32>
          %get3A_1020 = arith.constant 15 : i32
          %get3A_1021 = arith.index_cast %scan3A_84 : i32 to index
          %get3A_1022 = arith.index_cast %get3A_1020 : i32 to index
          %get3A_1023 = arith.constant 112 : index
          %get3A_1024 = tpu.vector_load %arg5[%get3A_1021, %get3A_1022, %get3A_1023] {strides = array<i32>} : memref<8x16x256xf32, #tpu.memory_space<vmem>>, vector<1x1x16xf32>,
          %get3A_1025 = vector.shape_cast %get3A_1024 : vector<1x1x16xf32> to vector<16xf32>
          %add3A_1026 = arith.addf %add3A_1019, %get3A_1025 : vector<16xf32>
          %mul3A_1027 = arith.constant 6.250000e-02 : f32
          %mul3A_1028 = vector.broadcast %mul3A_1027 : f32 to vector<16xf32>
          %mul3A_1029 = arith.mulf %add3A_1026, %mul3A_1028 : vector<16xf32>
          %swap3A_1030 = arith.index_cast %scan3A_84 : i32 to index
          %swap3A_1031 = arith.constant 112 : index
          %swap3A_1032 = tpu.vector_load %arg7[%swap3A_1030, %swap3A_1031] {strides = array<i32>} : memref<8x256xf32, #tpu.memory_space<vmem>>, vector<1x16xf32>,
          %swap3A_1033 = vector.shape_cast %swap3A_1032 : vector<1x16xf32> to vector<16xf32>
          %swap3A_1034 = vector.shape_cast %mul3A_1029 : vector<16xf32> to vector<1x16xf32>
          tpu.vector_store %arg7[%swap3A_1030, %swap3A_1031], %swap3A_1034 {strides = array<i32>} : memref<8x256xf32, #tpu.memory_space<vmem>>, vector<1x16xf32>,
          %get3A_1035 = arith.constant 0 : i32
          %get3A_1036 = arith.index_cast %scan3A_84 : i32 to index
          %get3A_1037 = arith.index_cast %get3A_1035 : i32 to index
          %get3A_1038 = arith.constant 128 : index
          %get3A_1039 = tpu.vector_load %arg5[%get3A_1036, %get3A_1037, %get3A_1038] {strides = array<i32>} : memref<8x16x256xf32, #tpu.memory_space<vmem>>, vector<1x1x16xf32>,
          %get3A_1040 = vector.shape_cast %get3A_1039 : vector<1x1x16xf32> to vector<16xf32>
          %get3A_1041 = arith.constant 1 : i32
          %get3A_1042 = arith.index_cast %scan3A_84 : i32 to index
          %get3A_1043 = arith.index_cast %get3A_1041 : i32 to index
          %get3A_1044 = arith.constant 128 : index
          %get3A_1045 = tpu.vector_load %arg5[%get3A_1042, %get3A_1043, %get3A_1044] {strides = array<i32>} : memref<8x16x256xf32, #tpu.memory_space<vmem>>, vector<1x1x16xf32>,
          %get3A_1046 = vector.shape_cast %get3A_1045 : vector<1x1x16xf32> to vector<16xf32>
          %add3A_1047 = arith.addf %get3A_1040, %get3A_1046 : vector<16xf32>
          %get3A_1048 = arith.constant 2 : i32
          %get3A_1049 = arith.index_cast %scan3A_84 : i32 to index
          %get3A_1050 = arith.index_cast %get3A_1048 : i32 to index
          %get3A_1051 = arith.constant 128 : index
          %get3A_1052 = tpu.vector_load %arg5[%get3A_1049, %get3A_1050, %get3A_1051] {strides = array<i32>} : memref<8x16x256xf32, #tpu.memory_space<vmem>>, vector<1x1x16xf32>,
          %get3A_1053 = vector.shape_cast %get3A_1052 : vector<1x1x16xf32> to vector<16xf32>
          %add3A_1054 = arith.addf %add3A_1047, %get3A_1053 : vector<16xf32>
          %get3A_1055 = arith.constant 3 : i32
          %get3A_1056 = arith.index_cast %scan3A_84 : i32 to index
          %get3A_1057 = arith.index_cast %get3A_1055 : i32 to index
          %get3A_1058 = arith.constant 128 : index
          %get3A_1059 = tpu.vector_load %arg5[%get3A_1056, %get3A_1057, %get3A_1058] {strides = array<i32>} : memref<8x16x256xf32, #tpu.memory_space<vmem>>, vector<1x1x16xf32>,
          %get3A_1060 = vector.shape_cast %get3A_1059 : vector<1x1x16xf32> to vector<16xf32>
          %add3A_1061 = arith.addf %add3A_1054, %get3A_1060 : vector<16xf32>
          %get3A_1062 = arith.constant 4 : i32
          %get3A_1063 = arith.index_cast %scan3A_84 : i32 to index
          %get3A_1064 = arith.index_cast %get3A_1062 : i32 to index
          %get3A_1065 = arith.constant 128 : index
          %get3A_1066 = tpu.vector_load %arg5[%get3A_1063, %get3A_1064, %get3A_1065] {strides = array<i32>} : memref<8x16x256xf32, #tpu.memory_space<vmem>>, vector<1x1x16xf32>,
          %get3A_1067 = vector.shape_cast %get3A_1066 : vector<1x1x16xf32> to vector<16xf32>
          %add3A_1068 = arith.addf %add3A_1061, %get3A_1067 : vector<16xf32>
          %get3A_1069 = arith.constant 5 : i32
          %get3A_1070 = arith.index_cast %scan3A_84 : i32 to index
          %get3A_1071 = arith.index_cast %get3A_1069 : i32 to index
          %get3A_1072 = arith.constant 128 : index
          %get3A_1073 = tpu.vector_load %arg5[%get3A_1070, %get3A_1071, %get3A_1072] {strides = array<i32>} : memref<8x16x256xf32, #tpu.memory_space<vmem>>, vector<1x1x16xf32>,
          %get3A_1074 = vector.shape_cast %get3A_1073 : vector<1x1x16xf32> to vector<16xf32>
          %add3A_1075 = arith.addf %add3A_1068, %get3A_1074 : vector<16xf32>
          %get3A_1076 = arith.constant 6 : i32
          %get3A_1077 = arith.index_cast %scan3A_84 : i32 to index
          %get3A_1078 = arith.index_cast %get3A_1076 : i32 to index
          %get3A_1079 = arith.constant 128 : index
          %get3A_1080 = tpu.vector_load %arg5[%get3A_1077, %get3A_1078, %get3A_1079] {strides = array<i32>} : memref<8x16x256xf32, #tpu.memory_space<vmem>>, vector<1x1x16xf32>,
          %get3A_1081 = vector.shape_cast %get3A_1080 : vector<1x1x16xf32> to vector<16xf32>
          %add3A_1082 = arith.addf %add3A_1075, %get3A_1081 : vector<16xf32>
          %get3A_1083 = arith.constant 7 : i32
          %get3A_1084 = arith.index_cast %scan3A_84 : i32 to index
          %get3A_1085 = arith.index_cast %get3A_1083 : i32 to index
          %get3A_1086 = arith.constant 128 : index
          %get3A_1087 = tpu.vector_load %arg5[%get3A_1084, %get3A_1085, %get3A_1086] {strides = array<i32>} : memref<8x16x256xf32, #tpu.memory_space<vmem>>, vector<1x1x16xf32>,
          %get3A_1088 = vector.shape_cast %get3A_1087 : vector<1x1x16xf32> to vector<16xf32>
          %add3A_1089 = arith.addf %add3A_1082, %get3A_1088 : vector<16xf32>
          %get3A_1090 = arith.constant 8 : i32
          %get3A_1091 = arith.index_cast %scan3A_84 : i32 to index
          %get3A_1092 = arith.index_cast %get3A_1090 : i32 to index
          %get3A_1093 = arith.constant 128 : index
          %get3A_1094 = tpu.vector_load %arg5[%get3A_1091, %get3A_1092, %get3A_1093] {strides = array<i32>} : memref<8x16x256xf32, #tpu.memory_space<vmem>>, vector<1x1x16xf32>,
          %get3A_1095 = vector.shape_cast %get3A_1094 : vector<1x1x16xf32> to vector<16xf32>
          %add3A_1096 = arith.addf %add3A_1089, %get3A_1095 : vector<16xf32>
          %get3A_1097 = arith.constant 9 : i32
          %get3A_1098 = arith.index_cast %scan3A_84 : i32 to index
          %get3A_1099 = arith.index_cast %get3A_1097 : i32 to index
          %get3A_1100 = arith.constant 128 : index
          %get3A_1101 = tpu.vector_load %arg5[%get3A_1098, %get3A_1099, %get3A_1100] {strides = array<i32>} : memref<8x16x256xf32, #tpu.memory_space<vmem>>, vector<1x1x16xf32>,
          %get3A_1102 = vector.shape_cast %get3A_1101 : vector<1x1x16xf32> to vector<16xf32>
          %add3A_1103 = arith.addf %add3A_1096, %get3A_1102 : vector<16xf32>
          %get3A_1104 = arith.constant 10 : i32
          %get3A_1105 = arith.index_cast %scan3A_84 : i32 to index
          %get3A_1106 = arith.index_cast %get3A_1104 : i32 to index
          %get3A_1107 = arith.constant 128 : index
          %get3A_1108 = tpu.vector_load %arg5[%get3A_1105, %get3A_1106, %get3A_1107] {strides = array<i32>} : memref<8x16x256xf32, #tpu.memory_space<vmem>>, vector<1x1x16xf32>,
          %get3A_1109 = vector.shape_cast %get3A_1108 : vector<1x1x16xf32> to vector<16xf32>
          %add3A_1110 = arith.addf %add3A_1103, %get3A_1109 : vector<16xf32>
          %get3A_1111 = arith.constant 11 : i32
          %get3A_1112 = arith.index_cast %scan3A_84 : i32 to index
          %get3A_1113 = arith.index_cast %get3A_1111 : i32 to index
          %get3A_1114 = arith.constant 128 : index
          %get3A_1115 = tpu.vector_load %arg5[%get3A_1112, %get3A_1113, %get3A_1114] {strides = array<i32>} : memref<8x16x256xf32, #tpu.memory_space<vmem>>, vector<1x1x16xf32>,
          %get3A_1116 = vector.shape_cast %get3A_1115 : vector<1x1x16xf32> to vector<16xf32>
          %add3A_1117 = arith.addf %add3A_1110, %get3A_1116 : vector<16xf32>
          %get3A_1118 = arith.constant 12 : i32
          %get3A_1119 = arith.index_cast %scan3A_84 : i32 to index
          %get3A_1120 = arith.index_cast %get3A_1118 : i32 to index
          %get3A_1121 = arith.constant 128 : index
          %get3A_1122 = tpu.vector_load %arg5[%get3A_1119, %get3A_1120, %get3A_1121] {strides = array<i32>} : memref<8x16x256xf32, #tpu.memory_space<vmem>>, vector<1x1x16xf32>,
          %get3A_1123 = vector.shape_cast %get3A_1122 : vector<1x1x16xf32> to vector<16xf32>
          %add3A_1124 = arith.addf %add3A_1117, %get3A_1123 : vector<16xf32>
          %get3A_1125 = arith.constant 13 : i32
          %get3A_1126 = arith.index_cast %scan3A_84 : i32 to index
          %get3A_1127 = arith.index_cast %get3A_1125 : i32 to index
          %get3A_1128 = arith.constant 128 : index
          %get3A_1129 = tpu.vector_load %arg5[%get3A_1126, %get3A_1127, %get3A_1128] {strides = array<i32>} : memref<8x16x256xf32, #tpu.memory_space<vmem>>, vector<1x1x16xf32>,
          %get3A_1130 = vector.shape_cast %get3A_1129 : vector<1x1x16xf32> to vector<16xf32>
          %add3A_1131 = arith.addf %add3A_1124, %get3A_1130 : vector<16xf32>
          %get3A_1132 = arith.constant 14 : i32
          %get3A_1133 = arith.index_cast %scan3A_84 : i32 to index
          %get3A_1134 = arith.index_cast %get3A_1132 : i32 to index
          %get3A_1135 = arith.constant 128 : index
          %get3A_1136 = tpu.vector_load %arg5[%get3A_1133, %get3A_1134, %get3A_1135] {strides = array<i32>} : memref<8x16x256xf32, #tpu.memory_space<vmem>>, vector<1x1x16xf32>,
          %get3A_1137 = vector.shape_cast %get3A_1136 : vector<1x1x16xf32> to vector<16xf32>
          %add3A_1138 = arith.addf %add3A_1131, %get3A_1137 : vector<16xf32>
          %get3A_1139 = arith.constant 15 : i32
          %get3A_1140 = arith.index_cast %scan3A_84 : i32 to index
          %get3A_1141 = arith.index_cast %get3A_1139 : i32 to index
          %get3A_1142 = arith.constant 128 : index
          %get3A_1143 = tpu.vector_load %arg5[%get3A_1140, %get3A_1141, %get3A_1142] {strides = array<i32>} : memref<8x16x256xf32, #tpu.memory_space<vmem>>, vector<1x1x16xf32>,
          %get3A_1144 = vector.shape_cast %get3A_1143 : vector<1x1x16xf32> to vector<16xf32>
          %add3A_1145 = arith.addf %add3A_1138, %get3A_1144 : vector<16xf32>
          %mul3A_1146 = arith.constant 6.250000e-02 : f32
          %mul3A_1147 = vector.broadcast %mul3A_1146 : f32 to vector<16xf32>
          %mul3A_1148 = arith.mulf %add3A_1145, %mul3A_1147 : vector<16xf32>
          %swap3A_1149 = arith.index_cast %scan3A_84 : i32 to index
          %swap3A_1150 = arith.constant 128 : index
          %swap3A_1151 = tpu.vector_load %arg7[%swap3A_1149, %swap3A_1150] {strides = array<i32>} : memref<8x256xf32, #tpu.memory_space<vmem>>, vector<1x16xf32>,
          %swap3A_1152 = vector.shape_cast %swap3A_1151 : vector<1x16xf32> to vector<16xf32>
          %swap3A_1153 = vector.shape_cast %mul3A_1148 : vector<16xf32> to vector<1x16xf32>
          tpu.vector_store %arg7[%swap3A_1149, %swap3A_1150], %swap3A_1153 {strides = array<i32>} : memref<8x256xf32, #tpu.memory_space<vmem>>, vector<1x16xf32>,
          %get3A_1154 = arith.constant 0 : i32
          %get3A_1155 = arith.index_cast %scan3A_84 : i32 to index
          %get3A_1156 = arith.index_cast %get3A_1154 : i32 to index
          %get3A_1157 = arith.constant 144 : index
          %get3A_1158 = tpu.vector_load %arg5[%get3A_1155, %get3A_1156, %get3A_1157] {strides = array<i32>} : memref<8x16x256xf32, #tpu.memory_space<vmem>>, vector<1x1x16xf32>,
          %get3A_1159 = vector.shape_cast %get3A_1158 : vector<1x1x16xf32> to vector<16xf32>
          %get3A_1160 = arith.constant 1 : i32
          %get3A_1161 = arith.index_cast %scan3A_84 : i32 to index
          %get3A_1162 = arith.index_cast %get3A_1160 : i32 to index
          %get3A_1163 = arith.constant 144 : index
          %get3A_1164 = tpu.vector_load %arg5[%get3A_1161, %get3A_1162, %get3A_1163] {strides = array<i32>} : memref<8x16x256xf32, #tpu.memory_space<vmem>>, vector<1x1x16xf32>,
          %get3A_1165 = vector.shape_cast %get3A_1164 : vector<1x1x16xf32> to vector<16xf32>
          %add3A_1166 = arith.addf %get3A_1159, %get3A_1165 : vector<16xf32>
          %get3A_1167 = arith.constant 2 : i32
          %get3A_1168 = arith.index_cast %scan3A_84 : i32 to index
          %get3A_1169 = arith.index_cast %get3A_1167 : i32 to index
          %get3A_1170 = arith.constant 144 : index
          %get3A_1171 = tpu.vector_load %arg5[%get3A_1168, %get3A_1169, %get3A_1170] {strides = array<i32>} : memref<8x16x256xf32, #tpu.memory_space<vmem>>, vector<1x1x16xf32>,
          %get3A_1172 = vector.shape_cast %get3A_1171 : vector<1x1x16xf32> to vector<16xf32>
          %add3A_1173 = arith.addf %add3A_1166, %get3A_1172 : vector<16xf32>
          %get3A_1174 = arith.constant 3 : i32
          %get3A_1175 = arith.index_cast %scan3A_84 : i32 to index
          %get3A_1176 = arith.index_cast %get3A_1174 : i32 to index
          %get3A_1177 = arith.constant 144 : index
          %get3A_1178 = tpu.vector_load %arg5[%get3A_1175, %get3A_1176, %get3A_1177] {strides = array<i32>} : memref<8x16x256xf32, #tpu.memory_space<vmem>>, vector<1x1x16xf32>,
          %get3A_1179 = vector.shape_cast %get3A_1178 : vector<1x1x16xf32> to vector<16xf32>
          %add3A_1180 = arith.addf %add3A_1173, %get3A_1179 : vector<16xf32>
          %get3A_1181 = arith.constant 4 : i32
          %get3A_1182 = arith.index_cast %scan3A_84 : i32 to index
          %get3A_1183 = arith.index_cast %get3A_1181 : i32 to index
          %get3A_1184 = arith.constant 144 : index
          %get3A_1185 = tpu.vector_load %arg5[%get3A_1182, %get3A_1183, %get3A_1184] {strides = array<i32>} : memref<8x16x256xf32, #tpu.memory_space<vmem>>, vector<1x1x16xf32>,
          %get3A_1186 = vector.shape_cast %get3A_1185 : vector<1x1x16xf32> to vector<16xf32>
          %add3A_1187 = arith.addf %add3A_1180, %get3A_1186 : vector<16xf32>
          %get3A_1188 = arith.constant 5 : i32
          %get3A_1189 = arith.index_cast %scan3A_84 : i32 to index
          %get3A_1190 = arith.index_cast %get3A_1188 : i32 to index
          %get3A_1191 = arith.constant 144 : index
          %get3A_1192 = tpu.vector_load %arg5[%get3A_1189, %get3A_1190, %get3A_1191] {strides = array<i32>} : memref<8x16x256xf32, #tpu.memory_space<vmem>>, vector<1x1x16xf32>,
          %get3A_1193 = vector.shape_cast %get3A_1192 : vector<1x1x16xf32> to vector<16xf32>
          %add3A_1194 = arith.addf %add3A_1187, %get3A_1193 : vector<16xf32>
          %get3A_1195 = arith.constant 6 : i32
          %get3A_1196 = arith.index_cast %scan3A_84 : i32 to index
          %get3A_1197 = arith.index_cast %get3A_1195 : i32 to index
          %get3A_1198 = arith.constant 144 : index
          %get3A_1199 = tpu.vector_load %arg5[%get3A_1196, %get3A_1197, %get3A_1198] {strides = array<i32>} : memref<8x16x256xf32, #tpu.memory_space<vmem>>, vector<1x1x16xf32>,
          %get3A_1200 = vector.shape_cast %get3A_1199 : vector<1x1x16xf32> to vector<16xf32>
          %add3A_1201 = arith.addf %add3A_1194, %get3A_1200 : vector<16xf32>
          %get3A_1202 = arith.constant 7 : i32
          %get3A_1203 = arith.index_cast %scan3A_84 : i32 to index
          %get3A_1204 = arith.index_cast %get3A_1202 : i32 to index
          %get3A_1205 = arith.constant 144 : index
          %get3A_1206 = tpu.vector_load %arg5[%get3A_1203, %get3A_1204, %get3A_1205] {strides = array<i32>} : memref<8x16x256xf32, #tpu.memory_space<vmem>>, vector<1x1x16xf32>,
          %get3A_1207 = vector.shape_cast %get3A_1206 : vector<1x1x16xf32> to vector<16xf32>
          %add3A_1208 = arith.addf %add3A_1201, %get3A_1207 : vector<16xf32>
          %get3A_1209 = arith.constant 8 : i32
          %get3A_1210 = arith.index_cast %scan3A_84 : i32 to index
          %get3A_1211 = arith.index_cast %get3A_1209 : i32 to index
          %get3A_1212 = arith.constant 144 : index
          %get3A_1213 = tpu.vector_load %arg5[%get3A_1210, %get3A_1211, %get3A_1212] {strides = array<i32>} : memref<8x16x256xf32, #tpu.memory_space<vmem>>, vector<1x1x16xf32>,
          %get3A_1214 = vector.shape_cast %get3A_1213 : vector<1x1x16xf32> to vector<16xf32>
          %add3A_1215 = arith.addf %add3A_1208, %get3A_1214 : vector<16xf32>
          %get3A_1216 = arith.constant 9 : i32
          %get3A_1217 = arith.index_cast %scan3A_84 : i32 to index
          %get3A_1218 = arith.index_cast %get3A_1216 : i32 to index
          %get3A_1219 = arith.constant 144 : index
          %get3A_1220 = tpu.vector_load %arg5[%get3A_1217, %get3A_1218, %get3A_1219] {strides = array<i32>} : memref<8x16x256xf32, #tpu.memory_space<vmem>>, vector<1x1x16xf32>,
          %get3A_1221 = vector.shape_cast %get3A_1220 : vector<1x1x16xf32> to vector<16xf32>
          %add3A_1222 = arith.addf %add3A_1215, %get3A_1221 : vector<16xf32>
          %get3A_1223 = arith.constant 10 : i32
          %get3A_1224 = arith.index_cast %scan3A_84 : i32 to index
          %get3A_1225 = arith.index_cast %get3A_1223 : i32 to index
          %get3A_1226 = arith.constant 144 : index
          %get3A_1227 = tpu.vector_load %arg5[%get3A_1224, %get3A_1225, %get3A_1226] {strides = array<i32>} : memref<8x16x256xf32, #tpu.memory_space<vmem>>, vector<1x1x16xf32>,
          %get3A_1228 = vector.shape_cast %get3A_1227 : vector<1x1x16xf32> to vector<16xf32>
          %add3A_1229 = arith.addf %add3A_1222, %get3A_1228 : vector<16xf32>
          %get3A_1230 = arith.constant 11 : i32
          %get3A_1231 = arith.index_cast %scan3A_84 : i32 to index
          %get3A_1232 = arith.index_cast %get3A_1230 : i32 to index
          %get3A_1233 = arith.constant 144 : index
          %get3A_1234 = tpu.vector_load %arg5[%get3A_1231, %get3A_1232, %get3A_1233] {strides = array<i32>} : memref<8x16x256xf32, #tpu.memory_space<vmem>>, vector<1x1x16xf32>,
          %get3A_1235 = vector.shape_cast %get3A_1234 : vector<1x1x16xf32> to vector<16xf32>
          %add3A_1236 = arith.addf %add3A_1229, %get3A_1235 : vector<16xf32>
          %get3A_1237 = arith.constant 12 : i32
          %get3A_1238 = arith.index_cast %scan3A_84 : i32 to index
          %get3A_1239 = arith.index_cast %get3A_1237 : i32 to index
          %get3A_1240 = arith.constant 144 : index
          %get3A_1241 = tpu.vector_load %arg5[%get3A_1238, %get3A_1239, %get3A_1240] {strides = array<i32>} : memref<8x16x256xf32, #tpu.memory_space<vmem>>, vector<1x1x16xf32>,
          %get3A_1242 = vector.shape_cast %get3A_1241 : vector<1x1x16xf32> to vector<16xf32>
          %add3A_1243 = arith.addf %add3A_1236, %get3A_1242 : vector<16xf32>
          %get3A_1244 = arith.constant 13 : i32
          %get3A_1245 = arith.index_cast %scan3A_84 : i32 to index
          %get3A_1246 = arith.index_cast %get3A_1244 : i32 to index
          %get3A_1247 = arith.constant 144 : index
          %get3A_1248 = tpu.vector_load %arg5[%get3A_1245, %get3A_1246, %get3A_1247] {strides = array<i32>} : memref<8x16x256xf32, #tpu.memory_space<vmem>>, vector<1x1x16xf32>,
          %get3A_1249 = vector.shape_cast %get3A_1248 : vector<1x1x16xf32> to vector<16xf32>
          %add3A_1250 = arith.addf %add3A_1243, %get3A_1249 : vector<16xf32>
          %get3A_1251 = arith.constant 14 : i32
          %get3A_1252 = arith.index_cast %scan3A_84 : i32 to index
          %get3A_1253 = arith.index_cast %get3A_1251 : i32 to index
          %get3A_1254 = arith.constant 144 : index
          %get3A_1255 = tpu.vector_load %arg5[%get3A_1252, %get3A_1253, %get3A_1254] {strides = array<i32>} : memref<8x16x256xf32, #tpu.memory_space<vmem>>, vector<1x1x16xf32>,
          %get3A_1256 = vector.shape_cast %get3A_1255 : vector<1x1x16xf32> to vector<16xf32>
          %add3A_1257 = arith.addf %add3A_1250, %get3A_1256 : vector<16xf32>
          %get3A_1258 = arith.constant 15 : i32
          %get3A_1259 = arith.index_cast %scan3A_84 : i32 to index
          %get3A_1260 = arith.index_cast %get3A_1258 : i32 to index
          %get3A_1261 = arith.constant 144 : index
          %get3A_1262 = tpu.vector_load %arg5[%get3A_1259, %get3A_1260, %get3A_1261] {strides = array<i32>} : memref<8x16x256xf32, #tpu.memory_space<vmem>>, vector<1x1x16xf32>,
          %get3A_1263 = vector.shape_cast %get3A_1262 : vector<1x1x16xf32> to vector<16xf32>
          %add3A_1264 = arith.addf %add3A_1257, %get3A_1263 : vector<16xf32>
          %mul3A_1265 = arith.constant 6.250000e-02 : f32
          %mul3A_1266 = vector.broadcast %mul3A_1265 : f32 to vector<16xf32>
          %mul3A_1267 = arith.mulf %add3A_1264, %mul3A_1266 : vector<16xf32>
          %swap3A_1268 = arith.index_cast %scan3A_84 : i32 to index
          %swap3A_1269 = arith.constant 144 : index
          %swap3A_1270 = tpu.vector_load %arg7[%swap3A_1268, %swap3A_1269] {strides = array<i32>} : memref<8x256xf32, #tpu.memory_space<vmem>>, vector<1x16xf32>,
          %swap3A_1271 = vector.shape_cast %swap3A_1270 : vector<1x16xf32> to vector<16xf32>
          %swap3A_1272 = vector.shape_cast %mul3A_1267 : vector<16xf32> to vector<1x16xf32>
          tpu.vector_store %arg7[%swap3A_1268, %swap3A_1269], %swap3A_1272 {strides = array<i32>} : memref<8x256xf32, #tpu.memory_space<vmem>>, vector<1x16xf32>,
          %get3A_1273 = arith.constant 0 : i32
          %get3A_1274 = arith.index_cast %scan3A_84 : i32 to index
          %get3A_1275 = arith.index_cast %get3A_1273 : i32 to index
          %get3A_1276 = arith.constant 160 : index
          %get3A_1277 = tpu.vector_load %arg5[%get3A_1274, %get3A_1275, %get3A_1276] {strides = array<i32>} : memref<8x16x256xf32, #tpu.memory_space<vmem>>, vector<1x1x16xf32>,
          %get3A_1278 = vector.shape_cast %get3A_1277 : vector<1x1x16xf32> to vector<16xf32>
          %get3A_1279 = arith.constant 1 : i32
          %get3A_1280 = arith.index_cast %scan3A_84 : i32 to index
          %get3A_1281 = arith.index_cast %get3A_1279 : i32 to index
          %get3A_1282 = arith.constant 160 : index
          %get3A_1283 = tpu.vector_load %arg5[%get3A_1280, %get3A_1281, %get3A_1282] {strides = array<i32>} : memref<8x16x256xf32, #tpu.memory_space<vmem>>, vector<1x1x16xf32>,
          %get3A_1284 = vector.shape_cast %get3A_1283 : vector<1x1x16xf32> to vector<16xf32>
          %add3A_1285 = arith.addf %get3A_1278, %get3A_1284 : vector<16xf32>
          %get3A_1286 = arith.constant 2 : i32
          %get3A_1287 = arith.index_cast %scan3A_84 : i32 to index
          %get3A_1288 = arith.index_cast %get3A_1286 : i32 to index
          %get3A_1289 = arith.constant 160 : index
          %get3A_1290 = tpu.vector_load %arg5[%get3A_1287, %get3A_1288, %get3A_1289] {strides = array<i32>} : memref<8x16x256xf32, #tpu.memory_space<vmem>>, vector<1x1x16xf32>,
          %get3A_1291 = vector.shape_cast %get3A_1290 : vector<1x1x16xf32> to vector<16xf32>
          %add3A_1292 = arith.addf %add3A_1285, %get3A_1291 : vector<16xf32>
          %get3A_1293 = arith.constant 3 : i32
          %get3A_1294 = arith.index_cast %scan3A_84 : i32 to index
          %get3A_1295 = arith.index_cast %get3A_1293 : i32 to index
          %get3A_1296 = arith.constant 160 : index
          %get3A_1297 = tpu.vector_load %arg5[%get3A_1294, %get3A_1295, %get3A_1296] {strides = array<i32>} : memref<8x16x256xf32, #tpu.memory_space<vmem>>, vector<1x1x16xf32>,
          %get3A_1298 = vector.shape_cast %get3A_1297 : vector<1x1x16xf32> to vector<16xf32>
          %add3A_1299 = arith.addf %add3A_1292, %get3A_1298 : vector<16xf32>
          %get3A_1300 = arith.constant 4 : i32
          %get3A_1301 = arith.index_cast %scan3A_84 : i32 to index
          %get3A_1302 = arith.index_cast %get3A_1300 : i32 to index
          %get3A_1303 = arith.constant 160 : index
          %get3A_1304 = tpu.vector_load %arg5[%get3A_1301, %get3A_1302, %get3A_1303] {strides = array<i32>} : memref<8x16x256xf32, #tpu.memory_space<vmem>>, vector<1x1x16xf32>,
          %get3A_1305 = vector.shape_cast %get3A_1304 : vector<1x1x16xf32> to vector<16xf32>
          %add3A_1306 = arith.addf %add3A_1299, %get3A_1305 : vector<16xf32>
          %get3A_1307 = arith.constant 5 : i32
          %get3A_1308 = arith.index_cast %scan3A_84 : i32 to index
          %get3A_1309 = arith.index_cast %get3A_1307 : i32 to index
          %get3A_1310 = arith.constant 160 : index
          %get3A_1311 = tpu.vector_load %arg5[%get3A_1308, %get3A_1309, %get3A_1310] {strides = array<i32>} : memref<8x16x256xf32, #tpu.memory_space<vmem>>, vector<1x1x16xf32>,
          %get3A_1312 = vector.shape_cast %get3A_1311 : vector<1x1x16xf32> to vector<16xf32>
          %add3A_1313 = arith.addf %add3A_1306, %get3A_1312 : vector<16xf32>
          %get3A_1314 = arith.constant 6 : i32
          %get3A_1315 = arith.index_cast %scan3A_84 : i32 to index
          %get3A_1316 = arith.index_cast %get3A_1314 : i32 to index
          %get3A_1317 = arith.constant 160 : index
          %get3A_1318 = tpu.vector_load %arg5[%get3A_1315, %get3A_1316, %get3A_1317] {strides = array<i32>} : memref<8x16x256xf32, #tpu.memory_space<vmem>>, vector<1x1x16xf32>,
          %get3A_1319 = vector.shape_cast %get3A_1318 : vector<1x1x16xf32> to vector<16xf32>
          %add3A_1320 = arith.addf %add3A_1313, %get3A_1319 : vector<16xf32>
          %get3A_1321 = arith.constant 7 : i32
          %get3A_1322 = arith.index_cast %scan3A_84 : i32 to index
          %get3A_1323 = arith.index_cast %get3A_1321 : i32 to index
          %get3A_1324 = arith.constant 160 : index
          %get3A_1325 = tpu.vector_load %arg5[%get3A_1322, %get3A_1323, %get3A_1324] {strides = array<i32>} : memref<8x16x256xf32, #tpu.memory_space<vmem>>, vector<1x1x16xf32>,
          %get3A_1326 = vector.shape_cast %get3A_1325 : vector<1x1x16xf32> to vector<16xf32>
          %add3A_1327 = arith.addf %add3A_1320, %get3A_1326 : vector<16xf32>
          %get3A_1328 = arith.constant 8 : i32
          %get3A_1329 = arith.index_cast %scan3A_84 : i32 to index
          %get3A_1330 = arith.index_cast %get3A_1328 : i32 to index
          %get3A_1331 = arith.constant 160 : index
          %get3A_1332 = tpu.vector_load %arg5[%get3A_1329, %get3A_1330, %get3A_1331] {strides = array<i32>} : memref<8x16x256xf32, #tpu.memory_space<vmem>>, vector<1x1x16xf32>,
          %get3A_1333 = vector.shape_cast %get3A_1332 : vector<1x1x16xf32> to vector<16xf32>
          %add3A_1334 = arith.addf %add3A_1327, %get3A_1333 : vector<16xf32>
          %get3A_1335 = arith.constant 9 : i32
          %get3A_1336 = arith.index_cast %scan3A_84 : i32 to index
          %get3A_1337 = arith.index_cast %get3A_1335 : i32 to index
          %get3A_1338 = arith.constant 160 : index
          %get3A_1339 = tpu.vector_load %arg5[%get3A_1336, %get3A_1337, %get3A_1338] {strides = array<i32>} : memref<8x16x256xf32, #tpu.memory_space<vmem>>, vector<1x1x16xf32>,
          %get3A_1340 = vector.shape_cast %get3A_1339 : vector<1x1x16xf32> to vector<16xf32>
          %add3A_1341 = arith.addf %add3A_1334, %get3A_1340 : vector<16xf32>
          %get3A_1342 = arith.constant 10 : i32
          %get3A_1343 = arith.index_cast %scan3A_84 : i32 to index
          %get3A_1344 = arith.index_cast %get3A_1342 : i32 to index
          %get3A_1345 = arith.constant 160 : index
          %get3A_1346 = tpu.vector_load %arg5[%get3A_1343, %get3A_1344, %get3A_1345] {strides = array<i32>} : memref<8x16x256xf32, #tpu.memory_space<vmem>>, vector<1x1x16xf32>,
          %get3A_1347 = vector.shape_cast %get3A_1346 : vector<1x1x16xf32> to vector<16xf32>
          %add3A_1348 = arith.addf %add3A_1341, %get3A_1347 : vector<16xf32>
          %get3A_1349 = arith.constant 11 : i32
          %get3A_1350 = arith.index_cast %scan3A_84 : i32 to index
          %get3A_1351 = arith.index_cast %get3A_1349 : i32 to index
          %get3A_1352 = arith.constant 160 : index
          %get3A_1353 = tpu.vector_load %arg5[%get3A_1350, %get3A_1351, %get3A_1352] {strides = array<i32>} : memref<8x16x256xf32, #tpu.memory_space<vmem>>, vector<1x1x16xf32>,
          %get3A_1354 = vector.shape_cast %get3A_1353 : vector<1x1x16xf32> to vector<16xf32>
          %add3A_1355 = arith.addf %add3A_1348, %get3A_1354 : vector<16xf32>
          %get3A_1356 = arith.constant 12 : i32
          %get3A_1357 = arith.index_cast %scan3A_84 : i32 to index
          %get3A_1358 = arith.index_cast %get3A_1356 : i32 to index
          %get3A_1359 = arith.constant 160 : index
          %get3A_1360 = tpu.vector_load %arg5[%get3A_1357, %get3A_1358, %get3A_1359] {strides = array<i32>} : memref<8x16x256xf32, #tpu.memory_space<vmem>>, vector<1x1x16xf32>,
          %get3A_1361 = vector.shape_cast %get3A_1360 : vector<1x1x16xf32> to vector<16xf32>
          %add3A_1362 = arith.addf %add3A_1355, %get3A_1361 : vector<16xf32>
          %get3A_1363 = arith.constant 13 : i32
          %get3A_1364 = arith.index_cast %scan3A_84 : i32 to index
          %get3A_1365 = arith.index_cast %get3A_1363 : i32 to index
          %get3A_1366 = arith.constant 160 : index
          %get3A_1367 = tpu.vector_load %arg5[%get3A_1364, %get3A_1365, %get3A_1366] {strides = array<i32>} : memref<8x16x256xf32, #tpu.memory_space<vmem>>, vector<1x1x16xf32>,
          %get3A_1368 = vector.shape_cast %get3A_1367 : vector<1x1x16xf32> to vector<16xf32>
          %add3A_1369 = arith.addf %add3A_1362, %get3A_1368 : vector<16xf32>
          %get3A_1370 = arith.constant 14 : i32
          %get3A_1371 = arith.index_cast %scan3A_84 : i32 to index
          %get3A_1372 = arith.index_cast %get3A_1370 : i32 to index
          %get3A_1373 = arith.constant 160 : index
          %get3A_1374 = tpu.vector_load %arg5[%get3A_1371, %get3A_1372, %get3A_1373] {strides = array<i32>} : memref<8x16x256xf32, #tpu.memory_space<vmem>>, vector<1x1x16xf32>,
          %get3A_1375 = vector.shape_cast %get3A_1374 : vector<1x1x16xf32> to vector<16xf32>
          %add3A_1376 = arith.addf %add3A_1369, %get3A_1375 : vector<16xf32>
          %get3A_1377 = arith.constant 15 : i32
          %get3A_1378 = arith.index_cast %scan3A_84 : i32 to index
          %get3A_1379 = arith.index_cast %get3A_1377 : i32 to index
          %get3A_1380 = arith.constant 160 : index
          %get3A_1381 = tpu.vector_load %arg5[%get3A_1378, %get3A_1379, %get3A_1380] {strides = array<i32>} : memref<8x16x256xf32, #tpu.memory_space<vmem>>, vector<1x1x16xf32>,
          %get3A_1382 = vector.shape_cast %get3A_1381 : vector<1x1x16xf32> to vector<16xf32>
          %add3A_1383 = arith.addf %add3A_1376, %get3A_1382 : vector<16xf32>
          %mul3A_1384 = arith.constant 6.250000e-02 : f32
          %mul3A_1385 = vector.broadcast %mul3A_1384 : f32 to vector<16xf32>
          %mul3A_1386 = arith.mulf %add3A_1383, %mul3A_1385 : vector<16xf32>
          %swap3A_1387 = arith.index_cast %scan3A_84 : i32 to index
          %swap3A_1388 = arith.constant 160 : index
          %swap3A_1389 = tpu.vector_load %arg7[%swap3A_1387, %swap3A_1388] {strides = array<i32>} : memref<8x256xf32, #tpu.memory_space<vmem>>, vector<1x16xf32>,
          %swap3A_1390 = vector.shape_cast %swap3A_1389 : vector<1x16xf32> to vector<16xf32>
          %swap3A_1391 = vector.shape_cast %mul3A_1386 : vector<16xf32> to vector<1x16xf32>
          tpu.vector_store %arg7[%swap3A_1387, %swap3A_1388], %swap3A_1391 {strides = array<i32>} : memref<8x256xf32, #tpu.memory_space<vmem>>, vector<1x16xf32>,
          %get3A_1392 = arith.constant 0 : i32
          %get3A_1393 = arith.index_cast %scan3A_84 : i32 to index
          %get3A_1394 = arith.index_cast %get3A_1392 : i32 to index
          %get3A_1395 = arith.constant 176 : index
          %get3A_1396 = tpu.vector_load %arg5[%get3A_1393, %get3A_1394, %get3A_1395] {strides = array<i32>} : memref<8x16x256xf32, #tpu.memory_space<vmem>>, vector<1x1x16xf32>,
          %get3A_1397 = vector.shape_cast %get3A_1396 : vector<1x1x16xf32> to vector<16xf32>
          %get3A_1398 = arith.constant 1 : i32
          %get3A_1399 = arith.index_cast %scan3A_84 : i32 to index
          %get3A_1400 = arith.index_cast %get3A_1398 : i32 to index
          %get3A_1401 = arith.constant 176 : index
          %get3A_1402 = tpu.vector_load %arg5[%get3A_1399, %get3A_1400, %get3A_1401] {strides = array<i32>} : memref<8x16x256xf32, #tpu.memory_space<vmem>>, vector<1x1x16xf32>,
          %get3A_1403 = vector.shape_cast %get3A_1402 : vector<1x1x16xf32> to vector<16xf32>
          %add3A_1404 = arith.addf %get3A_1397, %get3A_1403 : vector<16xf32>
          %get3A_1405 = arith.constant 2 : i32
          %get3A_1406 = arith.index_cast %scan3A_84 : i32 to index
          %get3A_1407 = arith.index_cast %get3A_1405 : i32 to index
          %get3A_1408 = arith.constant 176 : index
          %get3A_1409 = tpu.vector_load %arg5[%get3A_1406, %get3A_1407, %get3A_1408] {strides = array<i32>} : memref<8x16x256xf32, #tpu.memory_space<vmem>>, vector<1x1x16xf32>,
          %get3A_1410 = vector.shape_cast %get3A_1409 : vector<1x1x16xf32> to vector<16xf32>
          %add3A_1411 = arith.addf %add3A_1404, %get3A_1410 : vector<16xf32>
          %get3A_1412 = arith.constant 3 : i32
          %get3A_1413 = arith.index_cast %scan3A_84 : i32 to index
          %get3A_1414 = arith.index_cast %get3A_1412 : i32 to index
          %get3A_1415 = arith.constant 176 : index
          %get3A_1416 = tpu.vector_load %arg5[%get3A_1413, %get3A_1414, %get3A_1415] {strides = array<i32>} : memref<8x16x256xf32, #tpu.memory_space<vmem>>, vector<1x1x16xf32>,
          %get3A_1417 = vector.shape_cast %get3A_1416 : vector<1x1x16xf32> to vector<16xf32>
          %add3A_1418 = arith.addf %add3A_1411, %get3A_1417 : vector<16xf32>
          %get3A_1419 = arith.constant 4 : i32
          %get3A_1420 = arith.index_cast %scan3A_84 : i32 to index
          %get3A_1421 = arith.index_cast %get3A_1419 : i32 to index
          %get3A_1422 = arith.constant 176 : index
          %get3A_1423 = tpu.vector_load %arg5[%get3A_1420, %get3A_1421, %get3A_1422] {strides = array<i32>} : memref<8x16x256xf32, #tpu.memory_space<vmem>>, vector<1x1x16xf32>,
          %get3A_1424 = vector.shape_cast %get3A_1423 : vector<1x1x16xf32> to vector<16xf32>
          %add3A_1425 = arith.addf %add3A_1418, %get3A_1424 : vector<16xf32>
          %get3A_1426 = arith.constant 5 : i32
          %get3A_1427 = arith.index_cast %scan3A_84 : i32 to index
          %get3A_1428 = arith.index_cast %get3A_1426 : i32 to index
          %get3A_1429 = arith.constant 176 : index
          %get3A_1430 = tpu.vector_load %arg5[%get3A_1427, %get3A_1428, %get3A_1429] {strides = array<i32>} : memref<8x16x256xf32, #tpu.memory_space<vmem>>, vector<1x1x16xf32>,
          %get3A_1431 = vector.shape_cast %get3A_1430 : vector<1x1x16xf32> to vector<16xf32>
          %add3A_1432 = arith.addf %add3A_1425, %get3A_1431 : vector<16xf32>
          %get3A_1433 = arith.constant 6 : i32
          %get3A_1434 = arith.index_cast %scan3A_84 : i32 to index
          %get3A_1435 = arith.index_cast %get3A_1433 : i32 to index
          %get3A_1436 = arith.constant 176 : index
          %get3A_1437 = tpu.vector_load %arg5[%get3A_1434, %get3A_1435, %get3A_1436] {strides = array<i32>} : memref<8x16x256xf32, #tpu.memory_space<vmem>>, vector<1x1x16xf32>,
          %get3A_1438 = vector.shape_cast %get3A_1437 : vector<1x1x16xf32> to vector<16xf32>
          %add3A_1439 = arith.addf %add3A_1432, %get3A_1438 : vector<16xf32>
          %get3A_1440 = arith.constant 7 : i32
          %get3A_1441 = arith.index_cast %scan3A_84 : i32 to index
          %get3A_1442 = arith.index_cast %get3A_1440 : i32 to index
          %get3A_1443 = arith.constant 176 : index
          %get3A_1444 = tpu.vector_load %arg5[%get3A_1441, %get3A_1442, %get3A_1443] {strides = array<i32>} : memref<8x16x256xf32, #tpu.memory_space<vmem>>, vector<1x1x16xf32>,
          %get3A_1445 = vector.shape_cast %get3A_1444 : vector<1x1x16xf32> to vector<16xf32>
          %add3A_1446 = arith.addf %add3A_1439, %get3A_1445 : vector<16xf32>
          %get3A_1447 = arith.constant 8 : i32
          %get3A_1448 = arith.index_cast %scan3A_84 : i32 to index
          %get3A_1449 = arith.index_cast %get3A_1447 : i32 to index
          %get3A_1450 = arith.constant 176 : index
          %get3A_1451 = tpu.vector_load %arg5[%get3A_1448, %get3A_1449, %get3A_1450] {strides = array<i32>} : memref<8x16x256xf32, #tpu.memory_space<vmem>>, vector<1x1x16xf32>,
          %get3A_1452 = vector.shape_cast %get3A_1451 : vector<1x1x16xf32> to vector<16xf32>
          %add3A_1453 = arith.addf %add3A_1446, %get3A_1452 : vector<16xf32>
          %get3A_1454 = arith.constant 9 : i32
          %get3A_1455 = arith.index_cast %scan3A_84 : i32 to index
          %get3A_1456 = arith.index_cast %get3A_1454 : i32 to index
          %get3A_1457 = arith.constant 176 : index
          %get3A_1458 = tpu.vector_load %arg5[%get3A_1455, %get3A_1456, %get3A_1457] {strides = array<i32>} : memref<8x16x256xf32, #tpu.memory_space<vmem>>, vector<1x1x16xf32>,
          %get3A_1459 = vector.shape_cast %get3A_1458 : vector<1x1x16xf32> to vector<16xf32>
          %add3A_1460 = arith.addf %add3A_1453, %get3A_1459 : vector<16xf32>
          %get3A_1461 = arith.constant 10 : i32
          %get3A_1462 = arith.index_cast %scan3A_84 : i32 to index
          %get3A_1463 = arith.index_cast %get3A_1461 : i32 to index
          %get3A_1464 = arith.constant 176 : index
          %get3A_1465 = tpu.vector_load %arg5[%get3A_1462, %get3A_1463, %get3A_1464] {strides = array<i32>} : memref<8x16x256xf32, #tpu.memory_space<vmem>>, vector<1x1x16xf32>,
          %get3A_1466 = vector.shape_cast %get3A_1465 : vector<1x1x16xf32> to vector<16xf32>
          %add3A_1467 = arith.addf %add3A_1460, %get3A_1466 : vector<16xf32>
          %get3A_1468 = arith.constant 11 : i32
          %get3A_1469 = arith.index_cast %scan3A_84 : i32 to index
          %get3A_1470 = arith.index_cast %get3A_1468 : i32 to index
          %get3A_1471 = arith.constant 176 : index
          %get3A_1472 = tpu.vector_load %arg5[%get3A_1469, %get3A_1470, %get3A_1471] {strides = array<i32>} : memref<8x16x256xf32, #tpu.memory_space<vmem>>, vector<1x1x16xf32>,
          %get3A_1473 = vector.shape_cast %get3A_1472 : vector<1x1x16xf32> to vector<16xf32>
          %add3A_1474 = arith.addf %add3A_1467, %get3A_1473 : vector<16xf32>
          %get3A_1475 = arith.constant 12 : i32
          %get3A_1476 = arith.index_cast %scan3A_84 : i32 to index
          %get3A_1477 = arith.index_cast %get3A_1475 : i32 to index
          %get3A_1478 = arith.constant 176 : index
          %get3A_1479 = tpu.vector_load %arg5[%get3A_1476, %get3A_1477, %get3A_1478] {strides = array<i32>} : memref<8x16x256xf32, #tpu.memory_space<vmem>>, vector<1x1x16xf32>,
          %get3A_1480 = vector.shape_cast %get3A_1479 : vector<1x1x16xf32> to vector<16xf32>
          %add3A_1481 = arith.addf %add3A_1474, %get3A_1480 : vector<16xf32>
          %get3A_1482 = arith.constant 13 : i32
          %get3A_1483 = arith.index_cast %scan3A_84 : i32 to index
          %get3A_1484 = arith.index_cast %get3A_1482 : i32 to index
          %get3A_1485 = arith.constant 176 : index
          %get3A_1486 = tpu.vector_load %arg5[%get3A_1483, %get3A_1484, %get3A_1485] {strides = array<i32>} : memref<8x16x256xf32, #tpu.memory_space<vmem>>, vector<1x1x16xf32>,
          %get3A_1487 = vector.shape_cast %get3A_1486 : vector<1x1x16xf32> to vector<16xf32>
          %add3A_1488 = arith.addf %add3A_1481, %get3A_1487 : vector<16xf32>
          %get3A_1489 = arith.constant 14 : i32
          %get3A_1490 = arith.index_cast %scan3A_84 : i32 to index
          %get3A_1491 = arith.index_cast %get3A_1489 : i32 to index
          %get3A_1492 = arith.constant 176 : index
          %get3A_1493 = tpu.vector_load %arg5[%get3A_1490, %get3A_1491, %get3A_1492] {strides = array<i32>} : memref<8x16x256xf32, #tpu.memory_space<vmem>>, vector<1x1x16xf32>,
          %get3A_1494 = vector.shape_cast %get3A_1493 : vector<1x1x16xf32> to vector<16xf32>
          %add3A_1495 = arith.addf %add3A_1488, %get3A_1494 : vector<16xf32>
          %get3A_1496 = arith.constant 15 : i32
          %get3A_1497 = arith.index_cast %scan3A_84 : i32 to index
          %get3A_1498 = arith.index_cast %get3A_1496 : i32 to index
          %get3A_1499 = arith.constant 176 : index
          %get3A_1500 = tpu.vector_load %arg5[%get3A_1497, %get3A_1498, %get3A_1499] {strides = array<i32>} : memref<8x16x256xf32, #tpu.memory_space<vmem>>, vector<1x1x16xf32>,
          %get3A_1501 = vector.shape_cast %get3A_1500 : vector<1x1x16xf32> to vector<16xf32>
          %add3A_1502 = arith.addf %add3A_1495, %get3A_1501 : vector<16xf32>
          %mul3A_1503 = arith.constant 6.250000e-02 : f32
          %mul3A_1504 = vector.broadcast %mul3A_1503 : f32 to vector<16xf32>
          %mul3A_1505 = arith.mulf %add3A_1502, %mul3A_1504 : vector<16xf32>
          %swap3A_1506 = arith.index_cast %scan3A_84 : i32 to index
          %swap3A_1507 = arith.constant 176 : index
          %swap3A_1508 = tpu.vector_load %arg7[%swap3A_1506, %swap3A_1507] {strides = array<i32>} : memref<8x256xf32, #tpu.memory_space<vmem>>, vector<1x16xf32>,
          %swap3A_1509 = vector.shape_cast %swap3A_1508 : vector<1x16xf32> to vector<16xf32>
          %swap3A_1510 = vector.shape_cast %mul3A_1505 : vector<16xf32> to vector<1x16xf32>
          tpu.vector_store %arg7[%swap3A_1506, %swap3A_1507], %swap3A_1510 {strides = array<i32>} : memref<8x256xf32, #tpu.memory_space<vmem>>, vector<1x16xf32>,
          %get3A_1511 = arith.constant 0 : i32
          %get3A_1512 = arith.index_cast %scan3A_84 : i32 to index
          %get3A_1513 = arith.index_cast %get3A_1511 : i32 to index
          %get3A_1514 = arith.constant 192 : index
          %get3A_1515 = tpu.vector_load %arg5[%get3A_1512, %get3A_1513, %get3A_1514] {strides = array<i32>} : memref<8x16x256xf32, #tpu.memory_space<vmem>>, vector<1x1x16xf32>,
          %get3A_1516 = vector.shape_cast %get3A_1515 : vector<1x1x16xf32> to vector<16xf32>
          %get3A_1517 = arith.constant 1 : i32
          %get3A_1518 = arith.index_cast %scan3A_84 : i32 to index
          %get3A_1519 = arith.index_cast %get3A_1517 : i32 to index
          %get3A_1520 = arith.constant 192 : index
          %get3A_1521 = tpu.vector_load %arg5[%get3A_1518, %get3A_1519, %get3A_1520] {strides = array<i32>} : memref<8x16x256xf32, #tpu.memory_space<vmem>>, vector<1x1x16xf32>,
          %get3A_1522 = vector.shape_cast %get3A_1521 : vector<1x1x16xf32> to vector<16xf32>
          %add3A_1523 = arith.addf %get3A_1516, %get3A_1522 : vector<16xf32>
          %get3A_1524 = arith.constant 2 : i32
          %get3A_1525 = arith.index_cast %scan3A_84 : i32 to index
          %get3A_1526 = arith.index_cast %get3A_1524 : i32 to index
          %get3A_1527 = arith.constant 192 : index
          %get3A_1528 = tpu.vector_load %arg5[%get3A_1525, %get3A_1526, %get3A_1527] {strides = array<i32>} : memref<8x16x256xf32, #tpu.memory_space<vmem>>, vector<1x1x16xf32>,
          %get3A_1529 = vector.shape_cast %get3A_1528 : vector<1x1x16xf32> to vector<16xf32>
          %add3A_1530 = arith.addf %add3A_1523, %get3A_1529 : vector<16xf32>
          %get3A_1531 = arith.constant 3 : i32
          %get3A_1532 = arith.index_cast %scan3A_84 : i32 to index
          %get3A_1533 = arith.index_cast %get3A_1531 : i32 to index
          %get3A_1534 = arith.constant 192 : index
          %get3A_1535 = tpu.vector_load %arg5[%get3A_1532, %get3A_1533, %get3A_1534] {strides = array<i32>} : memref<8x16x256xf32, #tpu.memory_space<vmem>>, vector<1x1x16xf32>,
          %get3A_1536 = vector.shape_cast %get3A_1535 : vector<1x1x16xf32> to vector<16xf32>
          %add3A_1537 = arith.addf %add3A_1530, %get3A_1536 : vector<16xf32>
          %get3A_1538 = arith.constant 4 : i32
          %get3A_1539 = arith.index_cast %scan3A_84 : i32 to index
          %get3A_1540 = arith.index_cast %get3A_1538 : i32 to index
          %get3A_1541 = arith.constant 192 : index
          %get3A_1542 = tpu.vector_load %arg5[%get3A_1539, %get3A_1540, %get3A_1541] {strides = array<i32>} : memref<8x16x256xf32, #tpu.memory_space<vmem>>, vector<1x1x16xf32>,
          %get3A_1543 = vector.shape_cast %get3A_1542 : vector<1x1x16xf32> to vector<16xf32>
          %add3A_1544 = arith.addf %add3A_1537, %get3A_1543 : vector<16xf32>
          %get3A_1545 = arith.constant 5 : i32
          %get3A_1546 = arith.index_cast %scan3A_84 : i32 to index
          %get3A_1547 = arith.index_cast %get3A_1545 : i32 to index
          %get3A_1548 = arith.constant 192 : index
          %get3A_1549 = tpu.vector_load %arg5[%get3A_1546, %get3A_1547, %get3A_1548] {strides = array<i32>} : memref<8x16x256xf32, #tpu.memory_space<vmem>>, vector<1x1x16xf32>,
          %get3A_1550 = vector.shape_cast %get3A_1549 : vector<1x1x16xf32> to vector<16xf32>
          %add3A_1551 = arith.addf %add3A_1544, %get3A_1550 : vector<16xf32>
          %get3A_1552 = arith.constant 6 : i32
          %get3A_1553 = arith.index_cast %scan3A_84 : i32 to index
          %get3A_1554 = arith.index_cast %get3A_1552 : i32 to index
          %get3A_1555 = arith.constant 192 : index
          %get3A_1556 = tpu.vector_load %arg5[%get3A_1553, %get3A_1554, %get3A_1555] {strides = array<i32>} : memref<8x16x256xf32, #tpu.memory_space<vmem>>, vector<1x1x16xf32>,
          %get3A_1557 = vector.shape_cast %get3A_1556 : vector<1x1x16xf32> to vector<16xf32>
          %add3A_1558 = arith.addf %add3A_1551, %get3A_1557 : vector<16xf32>
          %get3A_1559 = arith.constant 7 : i32
          %get3A_1560 = arith.index_cast %scan3A_84 : i32 to index
          %get3A_1561 = arith.index_cast %get3A_1559 : i32 to index
          %get3A_1562 = arith.constant 192 : index
          %get3A_1563 = tpu.vector_load %arg5[%get3A_1560, %get3A_1561, %get3A_1562] {strides = array<i32>} : memref<8x16x256xf32, #tpu.memory_space<vmem>>, vector<1x1x16xf32>,
          %get3A_1564 = vector.shape_cast %get3A_1563 : vector<1x1x16xf32> to vector<16xf32>
          %add3A_1565 = arith.addf %add3A_1558, %get3A_1564 : vector<16xf32>
          %get3A_1566 = arith.constant 8 : i32
          %get3A_1567 = arith.index_cast %scan3A_84 : i32 to index
          %get3A_1568 = arith.index_cast %get3A_1566 : i32 to index
          %get3A_1569 = arith.constant 192 : index
          %get3A_1570 = tpu.vector_load %arg5[%get3A_1567, %get3A_1568, %get3A_1569] {strides = array<i32>} : memref<8x16x256xf32, #tpu.memory_space<vmem>>, vector<1x1x16xf32>,
          %get3A_1571 = vector.shape_cast %get3A_1570 : vector<1x1x16xf32> to vector<16xf32>
          %add3A_1572 = arith.addf %add3A_1565, %get3A_1571 : vector<16xf32>
          %get3A_1573 = arith.constant 9 : i32
          %get3A_1574 = arith.index_cast %scan3A_84 : i32 to index
          %get3A_1575 = arith.index_cast %get3A_1573 : i32 to index
          %get3A_1576 = arith.constant 192 : index
          %get3A_1577 = tpu.vector_load %arg5[%get3A_1574, %get3A_1575, %get3A_1576] {strides = array<i32>} : memref<8x16x256xf32, #tpu.memory_space<vmem>>, vector<1x1x16xf32>,
          %get3A_1578 = vector.shape_cast %get3A_1577 : vector<1x1x16xf32> to vector<16xf32>
          %add3A_1579 = arith.addf %add3A_1572, %get3A_1578 : vector<16xf32>
          %get3A_1580 = arith.constant 10 : i32
          %get3A_1581 = arith.index_cast %scan3A_84 : i32 to index
          %get3A_1582 = arith.index_cast %get3A_1580 : i32 to index
          %get3A_1583 = arith.constant 192 : index
          %get3A_1584 = tpu.vector_load %arg5[%get3A_1581, %get3A_1582, %get3A_1583] {strides = array<i32>} : memref<8x16x256xf32, #tpu.memory_space<vmem>>, vector<1x1x16xf32>,
          %get3A_1585 = vector.shape_cast %get3A_1584 : vector<1x1x16xf32> to vector<16xf32>
          %add3A_1586 = arith.addf %add3A_1579, %get3A_1585 : vector<16xf32>
          %get3A_1587 = arith.constant 11 : i32
          %get3A_1588 = arith.index_cast %scan3A_84 : i32 to index
          %get3A_1589 = arith.index_cast %get3A_1587 : i32 to index
          %get3A_1590 = arith.constant 192 : index
          %get3A_1591 = tpu.vector_load %arg5[%get3A_1588, %get3A_1589, %get3A_1590] {strides = array<i32>} : memref<8x16x256xf32, #tpu.memory_space<vmem>>, vector<1x1x16xf32>,
          %get3A_1592 = vector.shape_cast %get3A_1591 : vector<1x1x16xf32> to vector<16xf32>
          %add3A_1593 = arith.addf %add3A_1586, %get3A_1592 : vector<16xf32>
          %get3A_1594 = arith.constant 12 : i32
          %get3A_1595 = arith.index_cast %scan3A_84 : i32 to index
          %get3A_1596 = arith.index_cast %get3A_1594 : i32 to index
          %get3A_1597 = arith.constant 192 : index
          %get3A_1598 = tpu.vector_load %arg5[%get3A_1595, %get3A_1596, %get3A_1597] {strides = array<i32>} : memref<8x16x256xf32, #tpu.memory_space<vmem>>, vector<1x1x16xf32>,
          %get3A_1599 = vector.shape_cast %get3A_1598 : vector<1x1x16xf32> to vector<16xf32>
          %add3A_1600 = arith.addf %add3A_1593, %get3A_1599 : vector<16xf32>
          %get3A_1601 = arith.constant 13 : i32
          %get3A_1602 = arith.index_cast %scan3A_84 : i32 to index
          %get3A_1603 = arith.index_cast %get3A_1601 : i32 to index
          %get3A_1604 = arith.constant 192 : index
          %get3A_1605 = tpu.vector_load %arg5[%get3A_1602, %get3A_1603, %get3A_1604] {strides = array<i32>} : memref<8x16x256xf32, #tpu.memory_space<vmem>>, vector<1x1x16xf32>,
          %get3A_1606 = vector.shape_cast %get3A_1605 : vector<1x1x16xf32> to vector<16xf32>
          %add3A_1607 = arith.addf %add3A_1600, %get3A_1606 : vector<16xf32>
          %get3A_1608 = arith.constant 14 : i32
          %get3A_1609 = arith.index_cast %scan3A_84 : i32 to index
          %get3A_1610 = arith.index_cast %get3A_1608 : i32 to index
          %get3A_1611 = arith.constant 192 : index
          %get3A_1612 = tpu.vector_load %arg5[%get3A_1609, %get3A_1610, %get3A_1611] {strides = array<i32>} : memref<8x16x256xf32, #tpu.memory_space<vmem>>, vector<1x1x16xf32>,
          %get3A_1613 = vector.shape_cast %get3A_1612 : vector<1x1x16xf32> to vector<16xf32>
          %add3A_1614 = arith.addf %add3A_1607, %get3A_1613 : vector<16xf32>
          %get3A_1615 = arith.constant 15 : i32
          %get3A_1616 = arith.index_cast %scan3A_84 : i32 to index
          %get3A_1617 = arith.index_cast %get3A_1615 : i32 to index
          %get3A_1618 = arith.constant 192 : index
          %get3A_1619 = tpu.vector_load %arg5[%get3A_1616, %get3A_1617, %get3A_1618] {strides = array<i32>} : memref<8x16x256xf32, #tpu.memory_space<vmem>>, vector<1x1x16xf32>,
          %get3A_1620 = vector.shape_cast %get3A_1619 : vector<1x1x16xf32> to vector<16xf32>
          %add3A_1621 = arith.addf %add3A_1614, %get3A_1620 : vector<16xf32>
          %mul3A_1622 = arith.constant 6.250000e-02 : f32
          %mul3A_1623 = vector.broadcast %mul3A_1622 : f32 to vector<16xf32>
          %mul3A_1624 = arith.mulf %add3A_1621, %mul3A_1623 : vector<16xf32>
          %swap3A_1625 = arith.index_cast %scan3A_84 : i32 to index
          %swap3A_1626 = arith.constant 192 : index
          %swap3A_1627 = tpu.vector_load %arg7[%swap3A_1625, %swap3A_1626] {strides = array<i32>} : memref<8x256xf32, #tpu.memory_space<vmem>>, vector<1x16xf32>,
          %swap3A_1628 = vector.shape_cast %swap3A_1627 : vector<1x16xf32> to vector<16xf32>
          %swap3A_1629 = vector.shape_cast %mul3A_1624 : vector<16xf32> to vector<1x16xf32>
          tpu.vector_store %arg7[%swap3A_1625, %swap3A_1626], %swap3A_1629 {strides = array<i32>} : memref<8x256xf32, #tpu.memory_space<vmem>>, vector<1x16xf32>,
          %get3A_1630 = arith.constant 0 : i32
          %get3A_1631 = arith.index_cast %scan3A_84 : i32 to index
          %get3A_1632 = arith.index_cast %get3A_1630 : i32 to index
          %get3A_1633 = arith.constant 208 : index
          %get3A_1634 = tpu.vector_load %arg5[%get3A_1631, %get3A_1632, %get3A_1633] {strides = array<i32>} : memref<8x16x256xf32, #tpu.memory_space<vmem>>, vector<1x1x16xf32>,
          %get3A_1635 = vector.shape_cast %get3A_1634 : vector<1x1x16xf32> to vector<16xf32>
          %get3A_1636 = arith.constant 1 : i32
          %get3A_1637 = arith.index_cast %scan3A_84 : i32 to index
          %get3A_1638 = arith.index_cast %get3A_1636 : i32 to index
          %get3A_1639 = arith.constant 208 : index
          %get3A_1640 = tpu.vector_load %arg5[%get3A_1637, %get3A_1638, %get3A_1639] {strides = array<i32>} : memref<8x16x256xf32, #tpu.memory_space<vmem>>, vector<1x1x16xf32>,
          %get3A_1641 = vector.shape_cast %get3A_1640 : vector<1x1x16xf32> to vector<16xf32>
          %add3A_1642 = arith.addf %get3A_1635, %get3A_1641 : vector<16xf32>
          %get3A_1643 = arith.constant 2 : i32
          %get3A_1644 = arith.index_cast %scan3A_84 : i32 to index
          %get3A_1645 = arith.index_cast %get3A_1643 : i32 to index
          %get3A_1646 = arith.constant 208 : index
          %get3A_1647 = tpu.vector_load %arg5[%get3A_1644, %get3A_1645, %get3A_1646] {strides = array<i32>} : memref<8x16x256xf32, #tpu.memory_space<vmem>>, vector<1x1x16xf32>,
          %get3A_1648 = vector.shape_cast %get3A_1647 : vector<1x1x16xf32> to vector<16xf32>
          %add3A_1649 = arith.addf %add3A_1642, %get3A_1648 : vector<16xf32>
          %get3A_1650 = arith.constant 3 : i32
          %get3A_1651 = arith.index_cast %scan3A_84 : i32 to index
          %get3A_1652 = arith.index_cast %get3A_1650 : i32 to index
          %get3A_1653 = arith.constant 208 : index
          %get3A_1654 = tpu.vector_load %arg5[%get3A_1651, %get3A_1652, %get3A_1653] {strides = array<i32>} : memref<8x16x256xf32, #tpu.memory_space<vmem>>, vector<1x1x16xf32>,
          %get3A_1655 = vector.shape_cast %get3A_1654 : vector<1x1x16xf32> to vector<16xf32>
          %add3A_1656 = arith.addf %add3A_1649, %get3A_1655 : vector<16xf32>
          %get3A_1657 = arith.constant 4 : i32
          %get3A_1658 = arith.index_cast %scan3A_84 : i32 to index
          %get3A_1659 = arith.index_cast %get3A_1657 : i32 to index
          %get3A_1660 = arith.constant 208 : index
          %get3A_1661 = tpu.vector_load %arg5[%get3A_1658, %get3A_1659, %get3A_1660] {strides = array<i32>} : memref<8x16x256xf32, #tpu.memory_space<vmem>>, vector<1x1x16xf32>,
          %get3A_1662 = vector.shape_cast %get3A_1661 : vector<1x1x16xf32> to vector<16xf32>
          %add3A_1663 = arith.addf %add3A_1656, %get3A_1662 : vector<16xf32>
          %get3A_1664 = arith.constant 5 : i32
          %get3A_1665 = arith.index_cast %scan3A_84 : i32 to index
          %get3A_1666 = arith.index_cast %get3A_1664 : i32 to index
          %get3A_1667 = arith.constant 208 : index
          %get3A_1668 = tpu.vector_load %arg5[%get3A_1665, %get3A_1666, %get3A_1667] {strides = array<i32>} : memref<8x16x256xf32, #tpu.memory_space<vmem>>, vector<1x1x16xf32>,
          %get3A_1669 = vector.shape_cast %get3A_1668 : vector<1x1x16xf32> to vector<16xf32>
          %add3A_1670 = arith.addf %add3A_1663, %get3A_1669 : vector<16xf32>
          %get3A_1671 = arith.constant 6 : i32
          %get3A_1672 = arith.index_cast %scan3A_84 : i32 to index
          %get3A_1673 = arith.index_cast %get3A_1671 : i32 to index
          %get3A_1674 = arith.constant 208 : index
          %get3A_1675 = tpu.vector_load %arg5[%get3A_1672, %get3A_1673, %get3A_1674] {strides = array<i32>} : memref<8x16x256xf32, #tpu.memory_space<vmem>>, vector<1x1x16xf32>,
          %get3A_1676 = vector.shape_cast %get3A_1675 : vector<1x1x16xf32> to vector<16xf32>
          %add3A_1677 = arith.addf %add3A_1670, %get3A_1676 : vector<16xf32>
          %get3A_1678 = arith.constant 7 : i32
          %get3A_1679 = arith.index_cast %scan3A_84 : i32 to index
          %get3A_1680 = arith.index_cast %get3A_1678 : i32 to index
          %get3A_1681 = arith.constant 208 : index
          %get3A_1682 = tpu.vector_load %arg5[%get3A_1679, %get3A_1680, %get3A_1681] {strides = array<i32>} : memref<8x16x256xf32, #tpu.memory_space<vmem>>, vector<1x1x16xf32>,
          %get3A_1683 = vector.shape_cast %get3A_1682 : vector<1x1x16xf32> to vector<16xf32>
          %add3A_1684 = arith.addf %add3A_1677, %get3A_1683 : vector<16xf32>
          %get3A_1685 = arith.constant 8 : i32
          %get3A_1686 = arith.index_cast %scan3A_84 : i32 to index
          %get3A_1687 = arith.index_cast %get3A_1685 : i32 to index
          %get3A_1688 = arith.constant 208 : index
          %get3A_1689 = tpu.vector_load %arg5[%get3A_1686, %get3A_1687, %get3A_1688] {strides = array<i32>} : memref<8x16x256xf32, #tpu.memory_space<vmem>>, vector<1x1x16xf32>,
          %get3A_1690 = vector.shape_cast %get3A_1689 : vector<1x1x16xf32> to vector<16xf32>
          %add3A_1691 = arith.addf %add3A_1684, %get3A_1690 : vector<16xf32>
          %get3A_1692 = arith.constant 9 : i32
          %get3A_1693 = arith.index_cast %scan3A_84 : i32 to index
          %get3A_1694 = arith.index_cast %get3A_1692 : i32 to index
          %get3A_1695 = arith.constant 208 : index
          %get3A_1696 = tpu.vector_load %arg5[%get3A_1693, %get3A_1694, %get3A_1695] {strides = array<i32>} : memref<8x16x256xf32, #tpu.memory_space<vmem>>, vector<1x1x16xf32>,
          %get3A_1697 = vector.shape_cast %get3A_1696 : vector<1x1x16xf32> to vector<16xf32>
          %add3A_1698 = arith.addf %add3A_1691, %get3A_1697 : vector<16xf32>
          %get3A_1699 = arith.constant 10 : i32
          %get3A_1700 = arith.index_cast %scan3A_84 : i32 to index
          %get3A_1701 = arith.index_cast %get3A_1699 : i32 to index
          %get3A_1702 = arith.constant 208 : index
          %get3A_1703 = tpu.vector_load %arg5[%get3A_1700, %get3A_1701, %get3A_1702] {strides = array<i32>} : memref<8x16x256xf32, #tpu.memory_space<vmem>>, vector<1x1x16xf32>,
          %get3A_1704 = vector.shape_cast %get3A_1703 : vector<1x1x16xf32> to vector<16xf32>
          %add3A_1705 = arith.addf %add3A_1698, %get3A_1704 : vector<16xf32>
          %get3A_1706 = arith.constant 11 : i32
          %get3A_1707 = arith.index_cast %scan3A_84 : i32 to index
          %get3A_1708 = arith.index_cast %get3A_1706 : i32 to index
          %get3A_1709 = arith.constant 208 : index
          %get3A_1710 = tpu.vector_load %arg5[%get3A_1707, %get3A_1708, %get3A_1709] {strides = array<i32>} : memref<8x16x256xf32, #tpu.memory_space<vmem>>, vector<1x1x16xf32>,
          %get3A_1711 = vector.shape_cast %get3A_1710 : vector<1x1x16xf32> to vector<16xf32>
          %add3A_1712 = arith.addf %add3A_1705, %get3A_1711 : vector<16xf32>
          %get3A_1713 = arith.constant 12 : i32
          %get3A_1714 = arith.index_cast %scan3A_84 : i32 to index
          %get3A_1715 = arith.index_cast %get3A_1713 : i32 to index
          %get3A_1716 = arith.constant 208 : index
          %get3A_1717 = tpu.vector_load %arg5[%get3A_1714, %get3A_1715, %get3A_1716] {strides = array<i32>} : memref<8x16x256xf32, #tpu.memory_space<vmem>>, vector<1x1x16xf32>,
          %get3A_1718 = vector.shape_cast %get3A_1717 : vector<1x1x16xf32> to vector<16xf32>
          %add3A_1719 = arith.addf %add3A_1712, %get3A_1718 : vector<16xf32>
          %get3A_1720 = arith.constant 13 : i32
          %get3A_1721 = arith.index_cast %scan3A_84 : i32 to index
          %get3A_1722 = arith.index_cast %get3A_1720 : i32 to index
          %get3A_1723 = arith.constant 208 : index
          %get3A_1724 = tpu.vector_load %arg5[%get3A_1721, %get3A_1722, %get3A_1723] {strides = array<i32>} : memref<8x16x256xf32, #tpu.memory_space<vmem>>, vector<1x1x16xf32>,
          %get3A_1725 = vector.shape_cast %get3A_1724 : vector<1x1x16xf32> to vector<16xf32>
          %add3A_1726 = arith.addf %add3A_1719, %get3A_1725 : vector<16xf32>
          %get3A_1727 = arith.constant 14 : i32
          %get3A_1728 = arith.index_cast %scan3A_84 : i32 to index
          %get3A_1729 = arith.index_cast %get3A_1727 : i32 to index
          %get3A_1730 = arith.constant 208 : index
          %get3A_1731 = tpu.vector_load %arg5[%get3A_1728, %get3A_1729, %get3A_1730] {strides = array<i32>} : memref<8x16x256xf32, #tpu.memory_space<vmem>>, vector<1x1x16xf32>,
          %get3A_1732 = vector.shape_cast %get3A_1731 : vector<1x1x16xf32> to vector<16xf32>
          %add3A_1733 = arith.addf %add3A_1726, %get3A_1732 : vector<16xf32>
          %get3A_1734 = arith.constant 15 : i32
          %get3A_1735 = arith.index_cast %scan3A_84 : i32 to index
          %get3A_1736 = arith.index_cast %get3A_1734 : i32 to index
          %get3A_1737 = arith.constant 208 : index
          %get3A_1738 = tpu.vector_load %arg5[%get3A_1735, %get3A_1736, %get3A_1737] {strides = array<i32>} : memref<8x16x256xf32, #tpu.memory_space<vmem>>, vector<1x1x16xf32>,
          %get3A_1739 = vector.shape_cast %get3A_1738 : vector<1x1x16xf32> to vector<16xf32>
          %add3A_1740 = arith.addf %add3A_1733, %get3A_1739 : vector<16xf32>
          %mul3A_1741 = arith.constant 6.250000e-02 : f32
          %mul3A_1742 = vector.broadcast %mul3A_1741 : f32 to vector<16xf32>
          %mul3A_1743 = arith.mulf %add3A_1740, %mul3A_1742 : vector<16xf32>
          %swap3A_1744 = arith.index_cast %scan3A_84 : i32 to index
          %swap3A_1745 = arith.constant 208 : index
          %swap3A_1746 = tpu.vector_load %arg7[%swap3A_1744, %swap3A_1745] {strides = array<i32>} : memref<8x256xf32, #tpu.memory_space<vmem>>, vector<1x16xf32>,
          %swap3A_1747 = vector.shape_cast %swap3A_1746 : vector<1x16xf32> to vector<16xf32>
          %swap3A_1748 = vector.shape_cast %mul3A_1743 : vector<16xf32> to vector<1x16xf32>
          tpu.vector_store %arg7[%swap3A_1744, %swap3A_1745], %swap3A_1748 {strides = array<i32>} : memref<8x256xf32, #tpu.memory_space<vmem>>, vector<1x16xf32>,
          %get3A_1749 = arith.constant 0 : i32
          %get3A_1750 = arith.index_cast %scan3A_84 : i32 to index
          %get3A_1751 = arith.index_cast %get3A_1749 : i32 to index
          %get3A_1752 = arith.constant 224 : index
          %get3A_1753 = tpu.vector_load %arg5[%get3A_1750, %get3A_1751, %get3A_1752] {strides = array<i32>} : memref<8x16x256xf32, #tpu.memory_space<vmem>>, vector<1x1x16xf32>,
          %get3A_1754 = vector.shape_cast %get3A_1753 : vector<1x1x16xf32> to vector<16xf32>
          %get3A_1755 = arith.constant 1 : i32
          %get3A_1756 = arith.index_cast %scan3A_84 : i32 to index
          %get3A_1757 = arith.index_cast %get3A_1755 : i32 to index
          %get3A_1758 = arith.constant 224 : index
          %get3A_1759 = tpu.vector_load %arg5[%get3A_1756, %get3A_1757, %get3A_1758] {strides = array<i32>} : memref<8x16x256xf32, #tpu.memory_space<vmem>>, vector<1x1x16xf32>,
          %get3A_1760 = vector.shape_cast %get3A_1759 : vector<1x1x16xf32> to vector<16xf32>
          %add3A_1761 = arith.addf %get3A_1754, %get3A_1760 : vector<16xf32>
          %get3A_1762 = arith.constant 2 : i32
          %get3A_1763 = arith.index_cast %scan3A_84 : i32 to index
          %get3A_1764 = arith.index_cast %get3A_1762 : i32 to index
          %get3A_1765 = arith.constant 224 : index
          %get3A_1766 = tpu.vector_load %arg5[%get3A_1763, %get3A_1764, %get3A_1765] {strides = array<i32>} : memref<8x16x256xf32, #tpu.memory_space<vmem>>, vector<1x1x16xf32>,
          %get3A_1767 = vector.shape_cast %get3A_1766 : vector<1x1x16xf32> to vector<16xf32>
          %add3A_1768 = arith.addf %add3A_1761, %get3A_1767 : vector<16xf32>
          %get3A_1769 = arith.constant 3 : i32
          %get3A_1770 = arith.index_cast %scan3A_84 : i32 to index
          %get3A_1771 = arith.index_cast %get3A_1769 : i32 to index
          %get3A_1772 = arith.constant 224 : index
          %get3A_1773 = tpu.vector_load %arg5[%get3A_1770, %get3A_1771, %get3A_1772] {strides = array<i32>} : memref<8x16x256xf32, #tpu.memory_space<vmem>>, vector<1x1x16xf32>,
          %get3A_1774 = vector.shape_cast %get3A_1773 : vector<1x1x16xf32> to vector<16xf32>
          %add3A_1775 = arith.addf %add3A_1768, %get3A_1774 : vector<16xf32>
          %get3A_1776 = arith.constant 4 : i32
          %get3A_1777 = arith.index_cast %scan3A_84 : i32 to index
          %get3A_1778 = arith.index_cast %get3A_1776 : i32 to index
          %get3A_1779 = arith.constant 224 : index
          %get3A_1780 = tpu.vector_load %arg5[%get3A_1777, %get3A_1778, %get3A_1779] {strides = array<i32>} : memref<8x16x256xf32, #tpu.memory_space<vmem>>, vector<1x1x16xf32>,
          %get3A_1781 = vector.shape_cast %get3A_1780 : vector<1x1x16xf32> to vector<16xf32>
          %add3A_1782 = arith.addf %add3A_1775, %get3A_1781 : vector<16xf32>
          %get3A_1783 = arith.constant 5 : i32
          %get3A_1784 = arith.index_cast %scan3A_84 : i32 to index
          %get3A_1785 = arith.index_cast %get3A_1783 : i32 to index
          %get3A_1786 = arith.constant 224 : index
          %get3A_1787 = tpu.vector_load %arg5[%get3A_1784, %get3A_1785, %get3A_1786] {strides = array<i32>} : memref<8x16x256xf32, #tpu.memory_space<vmem>>, vector<1x1x16xf32>,
          %get3A_1788 = vector.shape_cast %get3A_1787 : vector<1x1x16xf32> to vector<16xf32>
          %add3A_1789 = arith.addf %add3A_1782, %get3A_1788 : vector<16xf32>
          %get3A_1790 = arith.constant 6 : i32
          %get3A_1791 = arith.index_cast %scan3A_84 : i32 to index
          %get3A_1792 = arith.index_cast %get3A_1790 : i32 to index
          %get3A_1793 = arith.constant 224 : index
          %get3A_1794 = tpu.vector_load %arg5[%get3A_1791, %get3A_1792, %get3A_1793] {strides = array<i32>} : memref<8x16x256xf32, #tpu.memory_space<vmem>>, vector<1x1x16xf32>,
          %get3A_1795 = vector.shape_cast %get3A_1794 : vector<1x1x16xf32> to vector<16xf32>
          %add3A_1796 = arith.addf %add3A_1789, %get3A_1795 : vector<16xf32>
          %get3A_1797 = arith.constant 7 : i32
          %get3A_1798 = arith.index_cast %scan3A_84 : i32 to index
          %get3A_1799 = arith.index_cast %get3A_1797 : i32 to index
          %get3A_1800 = arith.constant 224 : index
          %get3A_1801 = tpu.vector_load %arg5[%get3A_1798, %get3A_1799, %get3A_1800] {strides = array<i32>} : memref<8x16x256xf32, #tpu.memory_space<vmem>>, vector<1x1x16xf32>,
          %get3A_1802 = vector.shape_cast %get3A_1801 : vector<1x1x16xf32> to vector<16xf32>
          %add3A_1803 = arith.addf %add3A_1796, %get3A_1802 : vector<16xf32>
          %get3A_1804 = arith.constant 8 : i32
          %get3A_1805 = arith.index_cast %scan3A_84 : i32 to index
          %get3A_1806 = arith.index_cast %get3A_1804 : i32 to index
          %get3A_1807 = arith.constant 224 : index
          %get3A_1808 = tpu.vector_load %arg5[%get3A_1805, %get3A_1806, %get3A_1807] {strides = array<i32>} : memref<8x16x256xf32, #tpu.memory_space<vmem>>, vector<1x1x16xf32>,
          %get3A_1809 = vector.shape_cast %get3A_1808 : vector<1x1x16xf32> to vector<16xf32>
          %add3A_1810 = arith.addf %add3A_1803, %get3A_1809 : vector<16xf32>
          %get3A_1811 = arith.constant 9 : i32
          %get3A_1812 = arith.index_cast %scan3A_84 : i32 to index
          %get3A_1813 = arith.index_cast %get3A_1811 : i32 to index
          %get3A_1814 = arith.constant 224 : index
          %get3A_1815 = tpu.vector_load %arg5[%get3A_1812, %get3A_1813, %get3A_1814] {strides = array<i32>} : memref<8x16x256xf32, #tpu.memory_space<vmem>>, vector<1x1x16xf32>,
          %get3A_1816 = vector.shape_cast %get3A_1815 : vector<1x1x16xf32> to vector<16xf32>
          %add3A_1817 = arith.addf %add3A_1810, %get3A_1816 : vector<16xf32>
          %get3A_1818 = arith.constant 10 : i32
          %get3A_1819 = arith.index_cast %scan3A_84 : i32 to index
          %get3A_1820 = arith.index_cast %get3A_1818 : i32 to index
          %get3A_1821 = arith.constant 224 : index
          %get3A_1822 = tpu.vector_load %arg5[%get3A_1819, %get3A_1820, %get3A_1821] {strides = array<i32>} : memref<8x16x256xf32, #tpu.memory_space<vmem>>, vector<1x1x16xf32>,
          %get3A_1823 = vector.shape_cast %get3A_1822 : vector<1x1x16xf32> to vector<16xf32>
          %add3A_1824 = arith.addf %add3A_1817, %get3A_1823 : vector<16xf32>
          %get3A_1825 = arith.constant 11 : i32
          %get3A_1826 = arith.index_cast %scan3A_84 : i32 to index
          %get3A_1827 = arith.index_cast %get3A_1825 : i32 to index
          %get3A_1828 = arith.constant 224 : index
          %get3A_1829 = tpu.vector_load %arg5[%get3A_1826, %get3A_1827, %get3A_1828] {strides = array<i32>} : memref<8x16x256xf32, #tpu.memory_space<vmem>>, vector<1x1x16xf32>,
          %get3A_1830 = vector.shape_cast %get3A_1829 : vector<1x1x16xf32> to vector<16xf32>
          %add3A_1831 = arith.addf %add3A_1824, %get3A_1830 : vector<16xf32>
          %get3A_1832 = arith.constant 12 : i32
          %get3A_1833 = arith.index_cast %scan3A_84 : i32 to index
          %get3A_1834 = arith.index_cast %get3A_1832 : i32 to index
          %get3A_1835 = arith.constant 224 : index
          %get3A_1836 = tpu.vector_load %arg5[%get3A_1833, %get3A_1834, %get3A_1835] {strides = array<i32>} : memref<8x16x256xf32, #tpu.memory_space<vmem>>, vector<1x1x16xf32>,
          %get3A_1837 = vector.shape_cast %get3A_1836 : vector<1x1x16xf32> to vector<16xf32>
          %add3A_1838 = arith.addf %add3A_1831, %get3A_1837 : vector<16xf32>
          %get3A_1839 = arith.constant 13 : i32
          %get3A_1840 = arith.index_cast %scan3A_84 : i32 to index
          %get3A_1841 = arith.index_cast %get3A_1839 : i32 to index
          %get3A_1842 = arith.constant 224 : index
          %get3A_1843 = tpu.vector_load %arg5[%get3A_1840, %get3A_1841, %get3A_1842] {strides = array<i32>} : memref<8x16x256xf32, #tpu.memory_space<vmem>>, vector<1x1x16xf32>,
          %get3A_1844 = vector.shape_cast %get3A_1843 : vector<1x1x16xf32> to vector<16xf32>
          %add3A_1845 = arith.addf %add3A_1838, %get3A_1844 : vector<16xf32>
          %get3A_1846 = arith.constant 14 : i32
          %get3A_1847 = arith.index_cast %scan3A_84 : i32 to index
          %get3A_1848 = arith.index_cast %get3A_1846 : i32 to index
          %get3A_1849 = arith.constant 224 : index
          %get3A_1850 = tpu.vector_load %arg5[%get3A_1847, %get3A_1848, %get3A_1849] {strides = array<i32>} : memref<8x16x256xf32, #tpu.memory_space<vmem>>, vector<1x1x16xf32>,
          %get3A_1851 = vector.shape_cast %get3A_1850 : vector<1x1x16xf32> to vector<16xf32>
          %add3A_1852 = arith.addf %add3A_1845, %get3A_1851 : vector<16xf32>
          %get3A_1853 = arith.constant 15 : i32
          %get3A_1854 = arith.index_cast %scan3A_84 : i32 to index
          %get3A_1855 = arith.index_cast %get3A_1853 : i32 to index
          %get3A_1856 = arith.constant 224 : index
          %get3A_1857 = tpu.vector_load %arg5[%get3A_1854, %get3A_1855, %get3A_1856] {strides = array<i32>} : memref<8x16x256xf32, #tpu.memory_space<vmem>>, vector<1x1x16xf32>,
          %get3A_1858 = vector.shape_cast %get3A_1857 : vector<1x1x16xf32> to vector<16xf32>
          %add3A_1859 = arith.addf %add3A_1852, %get3A_1858 : vector<16xf32>
          %mul3A_1860 = arith.constant 6.250000e-02 : f32
          %mul3A_1861 = vector.broadcast %mul3A_1860 : f32 to vector<16xf32>
          %mul3A_1862 = arith.mulf %add3A_1859, %mul3A_1861 : vector<16xf32>
          %swap3A_1863 = arith.index_cast %scan3A_84 : i32 to index
          %swap3A_1864 = arith.constant 224 : index
          %swap3A_1865 = tpu.vector_load %arg7[%swap3A_1863, %swap3A_1864] {strides = array<i32>} : memref<8x256xf32, #tpu.memory_space<vmem>>, vector<1x16xf32>,
          %swap3A_1866 = vector.shape_cast %swap3A_1865 : vector<1x16xf32> to vector<16xf32>
          %swap3A_1867 = vector.shape_cast %mul3A_1862 : vector<16xf32> to vector<1x16xf32>
          tpu.vector_store %arg7[%swap3A_1863, %swap3A_1864], %swap3A_1867 {strides = array<i32>} : memref<8x256xf32, #tpu.memory_space<vmem>>, vector<1x16xf32>,
          %get3A_1868 = arith.constant 0 : i32
          %get3A_1869 = arith.index_cast %scan3A_84 : i32 to index
          %get3A_1870 = arith.index_cast %get3A_1868 : i32 to index
          %get3A_1871 = arith.constant 240 : index
          %get3A_1872 = tpu.vector_load %arg5[%get3A_1869, %get3A_1870, %get3A_1871] {strides = array<i32>} : memref<8x16x256xf32, #tpu.memory_space<vmem>>, vector<1x1x16xf32>,
          %get3A_1873 = vector.shape_cast %get3A_1872 : vector<1x1x16xf32> to vector<16xf32>
          %get3A_1874 = arith.constant 1 : i32
          %get3A_1875 = arith.index_cast %scan3A_84 : i32 to index
          %get3A_1876 = arith.index_cast %get3A_1874 : i32 to index
          %get3A_1877 = arith.constant 240 : index
          %get3A_1878 = tpu.vector_load %arg5[%get3A_1875, %get3A_1876, %get3A_1877] {strides = array<i32>} : memref<8x16x256xf32, #tpu.memory_space<vmem>>, vector<1x1x16xf32>,
          %get3A_1879 = vector.shape_cast %get3A_1878 : vector<1x1x16xf32> to vector<16xf32>
          %add3A_1880 = arith.addf %get3A_1873, %get3A_1879 : vector<16xf32>
          %get3A_1881 = arith.constant 2 : i32
          %get3A_1882 = arith.index_cast %scan3A_84 : i32 to index
          %get3A_1883 = arith.index_cast %get3A_1881 : i32 to index
          %get3A_1884 = arith.constant 240 : index
          %get3A_1885 = tpu.vector_load %arg5[%get3A_1882, %get3A_1883, %get3A_1884] {strides = array<i32>} : memref<8x16x256xf32, #tpu.memory_space<vmem>>, vector<1x1x16xf32>,
          %get3A_1886 = vector.shape_cast %get3A_1885 : vector<1x1x16xf32> to vector<16xf32>
          %add3A_1887 = arith.addf %add3A_1880, %get3A_1886 : vector<16xf32>
          %get3A_1888 = arith.constant 3 : i32
          %get3A_1889 = arith.index_cast %scan3A_84 : i32 to index
          %get3A_1890 = arith.index_cast %get3A_1888 : i32 to index
          %get3A_1891 = arith.constant 240 : index
          %get3A_1892 = tpu.vector_load %arg5[%get3A_1889, %get3A_1890, %get3A_1891] {strides = array<i32>} : memref<8x16x256xf32, #tpu.memory_space<vmem>>, vector<1x1x16xf32>,
          %get3A_1893 = vector.shape_cast %get3A_1892 : vector<1x1x16xf32> to vector<16xf32>
          %add3A_1894 = arith.addf %add3A_1887, %get3A_1893 : vector<16xf32>
          %get3A_1895 = arith.constant 4 : i32
          %get3A_1896 = arith.index_cast %scan3A_84 : i32 to index
          %get3A_1897 = arith.index_cast %get3A_1895 : i32 to index
          %get3A_1898 = arith.constant 240 : index
          %get3A_1899 = tpu.vector_load %arg5[%get3A_1896, %get3A_1897, %get3A_1898] {strides = array<i32>} : memref<8x16x256xf32, #tpu.memory_space<vmem>>, vector<1x1x16xf32>,
          %get3A_1900 = vector.shape_cast %get3A_1899 : vector<1x1x16xf32> to vector<16xf32>
          %add3A_1901 = arith.addf %add3A_1894, %get3A_1900 : vector<16xf32>
          %get3A_1902 = arith.constant 5 : i32
          %get3A_1903 = arith.index_cast %scan3A_84 : i32 to index
          %get3A_1904 = arith.index_cast %get3A_1902 : i32 to index
          %get3A_1905 = arith.constant 240 : index
          %get3A_1906 = tpu.vector_load %arg5[%get3A_1903, %get3A_1904, %get3A_1905] {strides = array<i32>} : memref<8x16x256xf32, #tpu.memory_space<vmem>>, vector<1x1x16xf32>,
          %get3A_1907 = vector.shape_cast %get3A_1906 : vector<1x1x16xf32> to vector<16xf32>
          %add3A_1908 = arith.addf %add3A_1901, %get3A_1907 : vector<16xf32>
          %get3A_1909 = arith.constant 6 : i32
          %get3A_1910 = arith.index_cast %scan3A_84 : i32 to index
          %get3A_1911 = arith.index_cast %get3A_1909 : i32 to index
          %get3A_1912 = arith.constant 240 : index
          %get3A_1913 = tpu.vector_load %arg5[%get3A_1910, %get3A_1911, %get3A_1912] {strides = array<i32>} : memref<8x16x256xf32, #tpu.memory_space<vmem>>, vector<1x1x16xf32>,
          %get3A_1914 = vector.shape_cast %get3A_1913 : vector<1x1x16xf32> to vector<16xf32>
          %add3A_1915 = arith.addf %add3A_1908, %get3A_1914 : vector<16xf32>
          %get3A_1916 = arith.constant 7 : i32
          %get3A_1917 = arith.index_cast %scan3A_84 : i32 to index
          %get3A_1918 = arith.index_cast %get3A_1916 : i32 to index
          %get3A_1919 = arith.constant 240 : index
          %get3A_1920 = tpu.vector_load %arg5[%get3A_1917, %get3A_1918, %get3A_1919] {strides = array<i32>} : memref<8x16x256xf32, #tpu.memory_space<vmem>>, vector<1x1x16xf32>,
          %get3A_1921 = vector.shape_cast %get3A_1920 : vector<1x1x16xf32> to vector<16xf32>
          %add3A_1922 = arith.addf %add3A_1915, %get3A_1921 : vector<16xf32>
          %get3A_1923 = arith.constant 8 : i32
          %get3A_1924 = arith.index_cast %scan3A_84 : i32 to index
          %get3A_1925 = arith.index_cast %get3A_1923 : i32 to index
          %get3A_1926 = arith.constant 240 : index
          %get3A_1927 = tpu.vector_load %arg5[%get3A_1924, %get3A_1925, %get3A_1926] {strides = array<i32>} : memref<8x16x256xf32, #tpu.memory_space<vmem>>, vector<1x1x16xf32>,
          %get3A_1928 = vector.shape_cast %get3A_1927 : vector<1x1x16xf32> to vector<16xf32>
          %add3A_1929 = arith.addf %add3A_1922, %get3A_1928 : vector<16xf32>
          %get3A_1930 = arith.constant 9 : i32
          %get3A_1931 = arith.index_cast %scan3A_84 : i32 to index
          %get3A_1932 = arith.index_cast %get3A_1930 : i32 to index
          %get3A_1933 = arith.constant 240 : index
          %get3A_1934 = tpu.vector_load %arg5[%get3A_1931, %get3A_1932, %get3A_1933] {strides = array<i32>} : memref<8x16x256xf32, #tpu.memory_space<vmem>>, vector<1x1x16xf32>,
          %get3A_1935 = vector.shape_cast %get3A_1934 : vector<1x1x16xf32> to vector<16xf32>
          %add3A_1936 = arith.addf %add3A_1929, %get3A_1935 : vector<16xf32>
          %get3A_1937 = arith.constant 10 : i32
          %get3A_1938 = arith.index_cast %scan3A_84 : i32 to index
          %get3A_1939 = arith.index_cast %get3A_1937 : i32 to index
          %get3A_1940 = arith.constant 240 : index
          %get3A_1941 = tpu.vector_load %arg5[%get3A_1938, %get3A_1939, %get3A_1940] {strides = array<i32>} : memref<8x16x256xf32, #tpu.memory_space<vmem>>, vector<1x1x16xf32>,
          %get3A_1942 = vector.shape_cast %get3A_1941 : vector<1x1x16xf32> to vector<16xf32>
          %add3A_1943 = arith.addf %add3A_1936, %get3A_1942 : vector<16xf32>
          %get3A_1944 = arith.constant 11 : i32
          %get3A_1945 = arith.index_cast %scan3A_84 : i32 to index
          %get3A_1946 = arith.index_cast %get3A_1944 : i32 to index
          %get3A_1947 = arith.constant 240 : index
          %get3A_1948 = tpu.vector_load %arg5[%get3A_1945, %get3A_1946, %get3A_1947] {strides = array<i32>} : memref<8x16x256xf32, #tpu.memory_space<vmem>>, vector<1x1x16xf32>,
          %get3A_1949 = vector.shape_cast %get3A_1948 : vector<1x1x16xf32> to vector<16xf32>
          %add3A_1950 = arith.addf %add3A_1943, %get3A_1949 : vector<16xf32>
          %get3A_1951 = arith.constant 12 : i32
          %get3A_1952 = arith.index_cast %scan3A_84 : i32 to index
          %get3A_1953 = arith.index_cast %get3A_1951 : i32 to index
          %get3A_1954 = arith.constant 240 : index
          %get3A_1955 = tpu.vector_load %arg5[%get3A_1952, %get3A_1953, %get3A_1954] {strides = array<i32>} : memref<8x16x256xf32, #tpu.memory_space<vmem>>, vector<1x1x16xf32>,
          %get3A_1956 = vector.shape_cast %get3A_1955 : vector<1x1x16xf32> to vector<16xf32>
          %add3A_1957 = arith.addf %add3A_1950, %get3A_1956 : vector<16xf32>
          %get3A_1958 = arith.constant 13 : i32
          %get3A_1959 = arith.index_cast %scan3A_84 : i32 to index
          %get3A_1960 = arith.index_cast %get3A_1958 : i32 to index
          %get3A_1961 = arith.constant 240 : index
          %get3A_1962 = tpu.vector_load %arg5[%get3A_1959, %get3A_1960, %get3A_1961] {strides = array<i32>} : memref<8x16x256xf32, #tpu.memory_space<vmem>>, vector<1x1x16xf32>,
          %get3A_1963 = vector.shape_cast %get3A_1962 : vector<1x1x16xf32> to vector<16xf32>
          %add3A_1964 = arith.addf %add3A_1957, %get3A_1963 : vector<16xf32>
          %get3A_1965 = arith.constant 14 : i32
          %get3A_1966 = arith.index_cast %scan3A_84 : i32 to index
          %get3A_1967 = arith.index_cast %get3A_1965 : i32 to index
          %get3A_1968 = arith.constant 240 : index
          %get3A_1969 = tpu.vector_load %arg5[%get3A_1966, %get3A_1967, %get3A_1968] {strides = array<i32>} : memref<8x16x256xf32, #tpu.memory_space<vmem>>, vector<1x1x16xf32>,
          %get3A_1970 = vector.shape_cast %get3A_1969 : vector<1x1x16xf32> to vector<16xf32>
          %add3A_1971 = arith.addf %add3A_1964, %get3A_1970 : vector<16xf32>
          %get3A_1972 = arith.constant 15 : i32
          %get3A_1973 = arith.index_cast %scan3A_84 : i32 to index
          %get3A_1974 = arith.index_cast %get3A_1972 : i32 to index
          %get3A_1975 = arith.constant 240 : index
          %get3A_1976 = tpu.vector_load %arg5[%get3A_1973, %get3A_1974, %get3A_1975] {strides = array<i32>} : memref<8x16x256xf32, #tpu.memory_space<vmem>>, vector<1x1x16xf32>,
          %get3A_1977 = vector.shape_cast %get3A_1976 : vector<1x1x16xf32> to vector<16xf32>
          %add3A_1978 = arith.addf %add3A_1971, %get3A_1977 : vector<16xf32>
          %mul3A_1979 = arith.constant 6.250000e-02 : f32
          %mul3A_1980 = vector.broadcast %mul3A_1979 : f32 to vector<16xf32>
          %mul3A_1981 = arith.mulf %add3A_1978, %mul3A_1980 : vector<16xf32>
          %swap3A_1982 = arith.index_cast %scan3A_84 : i32 to index
          %swap3A_1983 = arith.constant 240 : index
          %swap3A_1984 = tpu.vector_load %arg7[%swap3A_1982, %swap3A_1983] {strides = array<i32>} : memref<8x256xf32, #tpu.memory_space<vmem>>, vector<1x16xf32>,
          %swap3A_1985 = vector.shape_cast %swap3A_1984 : vector<1x16xf32> to vector<16xf32>
          %swap3A_1986 = vector.shape_cast %mul3A_1981 : vector<16xf32> to vector<1x16xf32>
          tpu.vector_store %arg7[%swap3A_1982, %swap3A_1983], %swap3A_1986 {strides = array<i32>} : memref<8x256xf32, #tpu.memory_space<vmem>>, vector<1x16xf32>,
        }
        %scan3A_76 = arith.constant 8 : i32
        %add3A_77 = arith.addi %add3A_4, %add3A_41 : i32
        %mul3A_78 = arith.constant 8 : i32
        %mul3A_79 = arith.muli %add3A_77, %mul3A_78 : i32
        %dma_start3A_80 = arith.constant 0 : i32
        %dma_start3A_81 = tpu.memref_slice %arg3[%mul3A_79, %dma_start3A_80] : memref<3200x256xf32, #tpu.memory_space<hbm>> -> memref<8x256xf32, #tpu.memory_space<hbm>>
        %dma_start3A_82 = arith.constant 0 : i32
        %dma_start3A_83 = tpu.memref_slice %arg3[%mul3A_79, %dma_start3A_82] : memref<3200x256xf32, #tpu.memory_space<hbm>> -> memref<8x256xf32, #tpu.memory_space<hbm>>
        tpu.enqueue_dma source(%arg7 : memref<8x256xf32, #tpu.memory_space<vmem>>) target(%dma_start3A_83 : memref<8x256xf32, #tpu.memory_space<hbm>>) target_semaphore(%arg11 : memref<!tpu.dma_semaphore, #tpu.memory_space<semaphore_mem>>)
      } else {
      }
    }
    %scan3A_21 = arith.constant 7 : i32
    %add3A_22 = arith.constant 0 : i32
    %add3A_23 = arith.addi %add3A_4, %add3A_22 : i32
    %mul3A_24 = arith.constant 8 : i32
    %mul3A_25 = arith.muli %add3A_23, %mul3A_24 : i32
    %dma_wait3A = arith.constant 0 : i32
    %dma_wait3A_26 = tpu.memref_slice %arg3[%mul3A_25, %dma_wait3A] : memref<3200x256xf32, #tpu.memory_space<hbm>> -> memref<8x256xf32, #tpu.memory_space<hbm>>
    %dma_wait3A_27 = arith.constant 0 : i32
    %dma_wait3A_28 = tpu.memref_slice %arg3[%mul3A_25, %dma_wait3A_27] : memref<3200x256xf32, #tpu.memory_space<hbm>> -> memref<8x256xf32, #tpu.memory_space<hbm>>
    tpu.wait_dma2 semaphore(%arg10 : memref<!tpu.dma_semaphore, #tpu.memory_space<semaphore_mem>>) src(%arg6 : memref<8x256xf32, #tpu.memory_space<vmem>>) dst(%dma_wait3A_28 : memref<8x256xf32, #tpu.memory_space<hbm>>)
    %add3A_29 = arith.constant 0 : i32
    %add3A_30 = arith.addi %add3A_4, %add3A_29 : i32
    %mul3A_31 = arith.constant 8 : i32
    %mul3A_32 = arith.muli %add3A_30, %mul3A_31 : i32
    %dma_wait3A_33 = arith.constant 0 : i32
    %dma_wait3A_34 = tpu.memref_slice %arg3[%mul3A_32, %dma_wait3A_33] : memref<3200x256xf32, #tpu.memory_space<hbm>> -> memref<8x256xf32, #tpu.memory_space<hbm>>
    %dma_wait3A_35 = arith.constant 0 : i32
    %dma_wait3A_36 = tpu.memref_slice %arg3[%mul3A_32, %dma_wait3A_35] : memref<3200x256xf32, #tpu.memory_space<hbm>> -> memref<8x256xf32, #tpu.memory_space<hbm>>
    tpu.wait_dma2 semaphore(%arg11 : memref<!tpu.dma_semaphore, #tpu.memory_space<semaphore_mem>>) src(%arg7 : memref<8x256xf32, #tpu.memory_space<vmem>>) dst(%dma_wait3A_36 : memref<8x256xf32, #tpu.memory_space<hbm>>)
    return
  }
}

module attributes {stable_mosaic.version = 14 : i64} {
  func.func @_finish_body(%arg0: i32, %arg1: memref<400x256xf32, #tpu.memory_space<vmem>>, %arg2: memref<400x256xf32, #tpu.memory_space<vmem>>, %arg3: memref<256x256xf32, #tpu.memory_space<vmem>>, %arg4: memref<256x256xf32, #tpu.memory_space<vmem>>, %arg5: memref<10000x256xf32, #tpu.memory_space<any>>, %arg6: memref<400x256xf32, #tpu.memory_space<vmem>>) attributes {dimension_semantics = [#tpu.dimension_semantics<arbitrary>], iteration_bounds = array<i64: 8>, scalar_prefetch = 0 : i64, scratch_operands = 0 : i64, tpu.core_type = #tpu.core_type<tc>, window_params = [{transform_indices = @transform_0, window_bounds = array<i64: 400, 256>}, {transform_indices = @transform_1, window_bounds = array<i64: 400, 256>}, {pipeline_mode = #tpu.pipeline_mode<synchronous>, transform_indices = @transform_2, window_bounds = array<i64: 256, 256>}, {pipeline_mode = #tpu.pipeline_mode<synchronous>, transform_indices = @transform_3, window_bounds = array<i64: 256, 256>}, {}, {transform_indices = @transform_5, window_bounds = array<i64: 400, 256>}]} {
    %get3A = arith.constant 0 : index
    %get3A_0 = arith.constant 0 : index
    %get3A_1 = vector.load %arg1[%get3A, %get3A_0] : memref<400x256xf32, #tpu.memory_space<vmem>>, vector<400x256xf32>
    %get3A_2 = arith.constant 0 : index
    %get3A_3 = arith.constant 0 : index
    %get3A_4 = vector.load %arg3[%get3A_2, %get3A_3] : memref<256x256xf32, #tpu.memory_space<vmem>>, vector<256x256xf32>
    %dot_general3A = arith.constant dense<0.000000e+00> : vector<400x256xf32>
    %dot_general3A_5 = tpu.matmul %get3A_1, %get3A_4, %dot_general3A {dimension_numbers = #tpu.dot_dimension_numbers<[1], [0], [0], [1], [0, 0, 1, 1], [], []>, transpose_lhs_hint = false} : vector<400x256xf32>, vector<256x256xf32>, vector<400x256xf32> -> vector<400x256xf32>
    %get3A_6 = arith.constant 0 : index
    %get3A_7 = arith.constant 0 : index
    %get3A_8 = vector.load %arg2[%get3A_6, %get3A_7] : memref<400x256xf32, #tpu.memory_space<vmem>>, vector<400x256xf32>
    %add3A = arith.addf %dot_general3A_5, %get3A_8 : vector<400x256xf32>
    %get3A_9 = arith.constant 0 : index
    %get3A_10 = arith.constant 0 : index
    %get3A_11 = vector.load %arg4[%get3A_9, %get3A_10] : memref<256x256xf32, #tpu.memory_space<vmem>>, vector<256x256xf32>
    %dot_general3A_12 = arith.constant dense<0.000000e+00> : vector<400x256xf32>
    %dot_general3A_13 = tpu.matmul %add3A, %get3A_11, %dot_general3A_12 {dimension_numbers = #tpu.dot_dimension_numbers<[1], [0], [0], [1], [0, 0, 1, 1], [], []>, transpose_lhs_hint = false} : vector<400x256xf32>, vector<256x256xf32>, vector<400x256xf32> -> vector<400x256xf32>
    %max3A = arith.constant 0.000000e+00 : f32
    %max3A_14 = vector.broadcast %max3A : f32 to vector<400x256xf32>
    %max3A_15 = arith.maximumf %dot_general3A_13, %max3A_14 : vector<400x256xf32>
    %swap3A = arith.constant 0 : index
    %swap3A_16 = arith.constant 0 : index
    %swap3A_17 = vector.load %arg6[%swap3A, %swap3A_16] : memref<400x256xf32, #tpu.memory_space<vmem>>, vector<400x256xf32>
    tpu.vector_store %arg6[%swap3A, %swap3A_16], %max3A_15 {strides = array<i32>} : memref<400x256xf32, #tpu.memory_space<vmem>>, vector<400x256xf32>,
    return
  }
  func.func @transform_0(%arg0: i32) -> (i32, i32) {
    %c0_i32 = arith.constant 0 : i32
    %c0_i32_0 = arith.constant 0 : i32
    return %arg0, %c0_i32 : i32, i32
  }
  func.func @transform_1(%arg0: i32) -> (i32, i32) {
    %c0_i32 = arith.constant 0 : i32
    %c0_i32_0 = arith.constant 0 : i32
    return %arg0, %c0_i32 : i32, i32
  }
  func.func @transform_2(%arg0: i32) -> (i32, i32) {
    %c0_i32 = arith.constant 0 : i32
    %c0_i32_0 = arith.constant 0 : i32
    %c0_i32_1 = arith.constant 0 : i32
    return %c0_i32, %c0_i32_0 : i32, i32
  }
  func.func @transform_3(%arg0: i32) -> (i32, i32) {
    %c0_i32 = arith.constant 0 : i32
    %c0_i32_0 = arith.constant 0 : i32
    %c0_i32_1 = arith.constant 0 : i32
    return %c0_i32, %c0_i32_0 : i32, i32
  }
  func.func @transform_5(%arg0: i32) -> (i32, i32) {
    %c0_i32 = arith.constant 0 : i32
    %c0_i32_0 = arith.constant 0 : i32
    return %arg0, %c0_i32 : i32, i32
  }
}

module attributes {stable_mosaic.version = 14 : i64} {
  func.func @_fused_body(%arg0: i32, %arg1: memref<400x256xf32, #tpu.memory_space<vmem>>, %arg2: memref<400x16x256xf32, #tpu.memory_space<vmem>>, %arg3: memref<256x256xf32, #tpu.memory_space<vmem>>, %arg4: memref<256x256xf32, #tpu.memory_space<vmem>>, %arg5: memref<400x256xf32, #tpu.memory_space<vmem>>) attributes {dimension_semantics = [#tpu.dimension_semantics<arbitrary>], iteration_bounds = array<i64: 17>, scalar_prefetch = 0 : i64, scratch_operands = 0 : i64, tpu.core_type = #tpu.core_type<tc>, window_params = [{transform_indices = @transform_0, window_bounds = array<i64: 400, 256>}, {transform_indices = @transform_1, window_bounds = array<i64: 400, 16, 256>}, {pipeline_mode = #tpu.pipeline_mode<synchronous>, transform_indices = @transform_2, window_bounds = array<i64: 256, 256>}, {pipeline_mode = #tpu.pipeline_mode<synchronous>, transform_indices = @transform_3, window_bounds = array<i64: 256, 256>}, {transform_indices = @transform_4, window_bounds = array<i64: 400, 256>}]} {
    %get3A = arith.constant 0 : index
    %get3A_0 = arith.constant 0 : index
    %get3A_1 = arith.constant 0 : index
    %get3A_2 = vector.load %arg2[%get3A, %get3A_0, %get3A_1] : memref<400x16x256xf32, #tpu.memory_space<vmem>>, vector<400x16x256xf32>
    %reduce_sum3A = arith.constant dense<0.000000e+00> : vector<400x256xf32>
    %reduce_sum3A_3 = vector.multi_reduction <add>, %get3A_2, %reduce_sum3A [1] : vector<400x16x256xf32> to vector<400x256xf32>
    %mul3A = arith.constant 6.250000e-02 : f32
    %mul3A_4 = vector.broadcast %mul3A : f32 to vector<400x256xf32>
    %mul3A_5 = arith.mulf %reduce_sum3A_3, %mul3A_4 : vector<400x256xf32>
    %get3A_6 = arith.constant 0 : index
    %get3A_7 = arith.constant 0 : index
    %get3A_8 = vector.load %arg3[%get3A_6, %get3A_7] : memref<256x256xf32, #tpu.memory_space<vmem>>, vector<256x256xf32>
    %dot_general3A = arith.constant dense<0.000000e+00> : vector<400x256xf32>
    %dot_general3A_9 = tpu.matmul %mul3A_5, %get3A_8, %dot_general3A {dimension_numbers = #tpu.dot_dimension_numbers<[1], [0], [0], [1], [0, 0, 1, 1], [], []>, transpose_lhs_hint = false} : vector<400x256xf32>, vector<256x256xf32>, vector<400x256xf32> -> vector<400x256xf32>
    %get3A_10 = arith.constant 0 : index
    %get3A_11 = arith.constant 0 : index
    %get3A_12 = vector.load %arg1[%get3A_10, %get3A_11] : memref<400x256xf32, #tpu.memory_space<vmem>>, vector<400x256xf32>
    %add3A = arith.addf %dot_general3A_9, %get3A_12 : vector<400x256xf32>
    %get3A_13 = arith.constant 0 : index
    %get3A_14 = arith.constant 0 : index
    %get3A_15 = vector.load %arg4[%get3A_13, %get3A_14] : memref<256x256xf32, #tpu.memory_space<vmem>>, vector<256x256xf32>
    %dot_general3A_16 = arith.constant dense<0.000000e+00> : vector<400x256xf32>
    %dot_general3A_17 = tpu.matmul %add3A, %get3A_15, %dot_general3A_16 {dimension_numbers = #tpu.dot_dimension_numbers<[1], [0], [0], [1], [0, 0, 1, 1], [], []>, transpose_lhs_hint = false} : vector<400x256xf32>, vector<256x256xf32>, vector<400x256xf32> -> vector<400x256xf32>
    %max3A = arith.constant 0.000000e+00 : f32
    %max3A_18 = vector.broadcast %max3A : f32 to vector<400x256xf32>
    %max3A_19 = arith.maximumf %dot_general3A_17, %max3A_18 : vector<400x256xf32>
    %swap3A = arith.constant 0 : index
    %swap3A_20 = arith.constant 0 : index
    %swap3A_21 = vector.load %arg5[%swap3A, %swap3A_20] : memref<400x256xf32, #tpu.memory_space<vmem>>, vector<400x256xf32>
    tpu.vector_store %arg5[%swap3A, %swap3A_20], %max3A_19 {strides = array<i32>} : memref<400x256xf32, #tpu.memory_space<vmem>>, vector<400x256xf32>,
    return
  }
  func.func @transform_0(%arg0: i32) -> (i32, i32) {
    %add3A = arith.constant 8 : i32
    %add3A_0 = arith.addi %arg0, %add3A : i32
    %c0_i32 = arith.constant 0 : i32
    %c0_i32_1 = arith.constant 0 : i32
    return %add3A_0, %c0_i32 : i32, i32
  }
  func.func @transform_1(%arg0: i32) -> (i32, i32, i32) {
    %add3A = arith.constant 8 : i32
    %add3A_0 = arith.addi %arg0, %add3A : i32
    %c0_i32 = arith.constant 0 : i32
    %c0_i32_1 = arith.constant 0 : i32
    %c0_i32_2 = arith.constant 0 : i32
    return %add3A_0, %c0_i32, %c0_i32_1 : i32, i32, i32
  }
  func.func @transform_2(%arg0: i32) -> (i32, i32) {
    %c0_i32 = arith.constant 0 : i32
    %c0_i32_0 = arith.constant 0 : i32
    %c0_i32_1 = arith.constant 0 : i32
    return %c0_i32, %c0_i32_0 : i32, i32
  }
  func.func @transform_3(%arg0: i32) -> (i32, i32) {
    %c0_i32 = arith.constant 0 : i32
    %c0_i32_0 = arith.constant 0 : i32
    %c0_i32_1 = arith.constant 0 : i32
    return %c0_i32, %c0_i32_0 : i32, i32
  }
  func.func @transform_4(%arg0: i32) -> (i32, i32) {
    %add3A = arith.constant 8 : i32
    %add3A_0 = arith.addi %arg0, %add3A : i32
    %c0_i32 = arith.constant 0 : i32
    %c0_i32_1 = arith.constant 0 : i32
    return %add3A_0, %c0_i32 : i32, i32
  }
}

</mosaic_0001>

<sc_bundles>
// kernel: kernel.5.cloned.1.call-start
scs
__scs_entry_jumppad:
0x0: {  	(pc) =	sbr.rel $0x88, $3  }
0x1: {  	(tag) =	ssettag $0x0;
	lr =	simm.s32 $0x1  }
0x2: {  	[smem:$0x3F9D] =	sst lr;
	_ =	strace $0xD0000000  }
0x3: {  	_ = 	snop  }
0x4: {  	_ = 	snop  }
0x5: {  	_ = 	snop  }
0x6: {  	_ = 	snop  }
0x7: {  	_ = 	snop  }
__scs_overlays_trampoline_lowered:
0x8: {  	[smem:$0x3FAC] =	sst s0  }
0x9: {  	[smem:$0x3FAD] =	sst s1  }
0xa: {  	[smem:$0x3FAE] =	sst s2  }
0xb: {  	[smem:$0x3FAF] =	sst s3  }
0xc: {  	[smem:$0x3FB0] =	sst s4  }
0xd: {  	[smem:$0x3FB1] =	sst s5  }
0xe: {  	[smem:$0x3FB2] =	sst s6  }
0xf: {  	[smem:$0x3FB3] =	sst s7  }
0x10: {  	[smem:$0x3FB4] =	sst s8  }
0x11: {  	[smem:$0x3FB5] =	sst s9;
	s0 =	simm.s32 @!p0 $0x0  }
0x12: {  	s1 =	sld [smem:$0x3F9B];
	s0 =	simm.s32 @p0 $0x1  }
0x13: {  	[smem:$0x3FB6] =	sst s0;
	s0 =	simm.s32 @!p1 $0x0  }
0x14: {  	s2 =	sld [smem:$0x3F9A];
	s0 =	simm.s32 @p1 $0x1  }
0x15: {  	[smem:$0x3FB7] =	sst s0;
	s0 =	simm.s32 @!p2 $0x0  }
0x16: {  	s3 =	sld [smem:$0x3FDB];
	s0 =	simm.s32 @p2 $0x1  }
0x17: {  	s4 =	simm.s32 $0x1BF5;
	[smem:$0x3FB9] =	sst s0  }
0x18: {  	s0 =	sld [smem:$0x3F9C];
	_ =	swait.ge [sflag:s4], $0x0  }
0x19: {  	s7 =	sld [smem:$0x3F9D]  }
0x1a: {  	s8 =	sadd.s32 $0xFFFFE003, lr  }
0x1b: {  	s9 =	sadd.s32 $0xFFFFFEF7, lr;
	s5 =	simm.s32 $0xFFFFFFFF;
	p2 =	slt.u32 s8, $0xFFFFF086  }
0x1c: {  	p1 =	slt.u32 s9, $0xF7A;
	s5 =	simm.s32 @!p2 $0x0  }
0x1d: {  	s5 =	simm.s32 @p1 $0x1;
	p0 =	seq.s32 s7, s2  }
0x1e: {  	s7 =	smul.u32 @!p0 $0xF7A, s2;
	p2 =	seq.s32 @!p0 s5, $0x0  }
0x1f: {  	s9 =	smul.u32 $0xF7A, s1;
	s8 =	simm.s32 @!p0 $0x1BF5;
	p2 =	por !p2, p0  }
0x20: {  	[sflag:s8] =	ssyncset.s32 @!p0 $0xFFFFF086;
	s6 =	sadd.s32 @!p0 s3, s7;
	s7 =	simm.s32 @!p0 $0x108  }
0x21: {  	s3 =	sadd.s32 s3, s9;
	s6 =	sadd.s32 @!p0 $0x88, s6;
	s7 =	simm.s32 @p2 $0x1082  }
0x22: {  	[simem:s7], [sflag:s8] =	dma.local @!p0 [hbm:s6], $0xF7A  }
0x23: {  	s9 =	sor.u32 $0xD0000000, s2;
	s6 =	simm.s32 $0x108;
	_ =	swait.ge @!p0 [sflag:s8], $0x0  }
0x24: {  	s3 =	sadd.s32 $0x88, s3;
	s6 =	simm.s32 @!p1 $0x1082;
	[sflag:s4] =	ssyncset.s32 $0xFFFFF086  }
0x25: {  	[simem:s6], [sflag:s4] =	dma.local [hbm:s3], $0xF7A  }
0x26: {  	[smem:$0x3F9D] =	sst s1;
	(tag) =	ssettag s2;
	_ =	strace s9  }
0x27: {  	s1 =	sld [smem:$0x3FAD]  }
0x28: {  	s2 =	sld [smem:$0x3FAE]  }
0x29: {  	s4 =	sld [smem:$0x3FB0]  }
0x2a: {  	p0 =	seq.s32 s5, $0x0;
	s5 =	sld [smem:$0x3FB1]  }
0x2b: {  	s6 =	sld [smem:$0x3FB2]  }
0x2c: {  	s7 =	sld [smem:$0x3FB3]  }
0x2d: {  	s3 =	simm.s32 $0x108;
	s8 =	sld [smem:$0x3FB4]  }
0x2e: {  	s3 =	simm.s32 @!p0 $0x1082;
	s9 =	sld [smem:$0x3FB5]  }
0x2f: {  	lr =	sadd.s32 s0, s3;
	s0 =	sld [smem:$0x3FAC]  }
0x30: {  	s3 =	sld [smem:$0x3FAF]  }
0x31: {  	[smem:$0x3FB8] =	sst s10  }
0x32: {  	s10 =	sld [smem:$0x3FB6];
	_ =	sdelay $0x3  }
0x33: {  	p0 =	seq.s32 s10, $0x1;
	s10 =	sld [smem:$0x3FB8];
	_ =	sdelay $0x3  }
0x34: {  	[smem:$0x3FB8] =	sst s10  }
0x35: {  	s10 =	sld [smem:$0x3FB7];
	_ =	sdelay $0x3  }
0x36: {  	p1 =	seq.s32 s10, $0x1;
	s10 =	sld [smem:$0x3FB8];
	_ =	sdelay $0x3  }
0x37: {  	[smem:$0x3FB8] =	sst s10  }
0x38: {  	s10 =	sld [smem:$0x3FB9]  }
0x39: {  	_ = 	snop;
	(pc) =	sbr.ind lr, $3  }
0x3a: {  	_ = 	snop  }
0x3b: {  	_ = 	snop  }
0x3c: {  	p2 =	seq.s32 s10, $0x1;
	s10 =	sld [smem:$0x3FB8]  }
0x3d: {  	_ =	shalt  }
0x3e: {  	_ =	shalt  }
0x3f: {  	_ =	shalt  }
0x40: {  	_ =	shalt  }
0x41: {  	_ =	shalt  }
0x42: {  	_ =	shalt  }
0x43: {  	_ =	shalt  }
0x44: {  	_ =	shalt  }
0x45: {  	_ =	shalt  }
0x46: {  	_ =	shalt  }
0x47: {  	_ =	shalt  }
0x48: {  	_ =	shalt  }
0x49: {  	_ =	shalt  }
0x4a: {  	_ =	shalt  }
0x4b: {  	_ =	shalt  }
0x4c: {  	_ =	shalt  }
0x4d: {  	_ =	shalt  }
0x4e: {  	_ =	shalt  }
0x4f: {  	_ =	shalt  }
0x50: {  	_ =	shalt  }
0x51: {  	_ =	shalt  }
0x52: {  	_ =	shalt  }
0x53: {  	_ =	shalt  }
0x54: {  	_ =	shalt  }
0x55: {  	_ =	shalt  }
0x56: {  	_ =	shalt  }
0x57: {  	_ =	shalt  }
0x58: {  	_ =	shalt  }
0x59: {  	_ =	shalt  }
0x5a: {  	_ =	shalt  }
0x5b: {  	_ =	shalt  }
0x5c: {  	_ =	shalt  }
0x5d: {  	_ =	shalt  }
0x5e: {  	_ =	shalt  }
0x5f: {  	_ =	shalt  }
0x60: {  	_ =	shalt  }
0x61: {  	_ =	shalt  }
0x62: {  	_ =	shalt  }
0x63: {  	_ =	shalt  }
0x64: {  	_ =	shalt  }
0x65: {  	_ =	shalt  }
0x66: {  	_ =	shalt  }
0x67: {  	_ =	shalt  }
0x68: {  	_ =	shalt  }
0x69: {  	_ =	shalt  }
0x6a: {  	_ =	shalt  }
0x6b: {  	_ =	shalt  }
0x6c: {  	_ =	shalt  }
0x6d: {  	_ =	shalt  }
0x6e: {  	_ =	shalt  }
0x6f: {  	_ =	shalt  }
0x70: {  	_ =	shalt  }
0x71: {  	_ =	shalt  }
0x72: {  	_ =	shalt  }
0x73: {  	_ =	shalt  }
0x74: {  	_ =	shalt  }
0x75: {  	_ =	shalt  }
0x76: {  	_ =	shalt  }
0x77: {  	_ =	shalt  }
0x78: {  	_ =	shalt  }
0x79: {  	_ =	shalt  }
0x7a: {  	_ =	shalt  }
0x7b: {  	_ =	shalt  }
0x7c: {  	_ =	shalt  }
0x7d: {  	_ =	shalt  }
0x7e: {  	_ =	shalt  }
0x7f: {  	_ =	shalt  }
0x80: {  	_ =	shalt  }
0x81: {  	_ =	shalt  }
0x82: {  	_ =	shalt  }
0x83: {  	_ =	shalt  }
0x84: {  	_ =	shalt  }
0x85: {  	_ =	shalt  }
0x86: {  	_ =	shalt  }
0x87: {  	_ =	shalt  }
.Lfunc_end0:
.L_simem_size_0:
called_computation_lowered:
.L_overlay_start_0:
0x88: {  	s2 =	sld [smem:$0x3FD9]  }
0x89: {  	s3 =	sld [smem:$0x3FFE];
	_ =	sdelay $0x1  }
0x8a: {  	s1 =	srdreg.scid  }
0x8b: {  	s0 =	sand.u32 $0x1, s1  }
0x8c: {  	s17 =	sshll.u32 s0, $0xA;
	s2 =	sadd.s32 s3, s2  }
0x8d: {  	s2 =	sadd.s32 s2, s17  }
0x8e: {  	[smem:$0x3FC4] =	sst s2  }
0x8f: {  	_ = 	snop  }
0x90: {  	s2 =	sld [smem:$0x3FC8];
	(tm) =	ssettm $0x1  }
0x91: {  	s18 =	sld [smem:$0x3FFB];
	_ =	sdelay $0x3  }
0x92: {  	_ =	strace s18  }
0x93: {  	s3 =	sld [smem:$0x3FFC];
	_ =	sdelay $0x3  }
0x94: {  	_ =	strace s3  }
0x95: {  	s3 =	sld [smem:$0x3FFD];
	_ =	sdelay $0x3  }
0x96: {  	_ =	strace s3  }
0x97: {  	_ =	strace $0x8FFFFFFF  }
0x98: {  	s19 =	sld [smem:$0x3FDB];
	_ =	sdelay $0x1  }
0x99: {  	s4 =	simm.s32 $_scs_section_size  }
0x9a: {  	s5 =	simm.s32 $_size__tile_overlayer_lowered;
	s6 =	simm.s32 $_tile_overlayer_lowered  }
0x9b: {  	s22 =	simm.s32 $0x1BFF;
	s21 =	sshll.u32 s6, $0x1;
	s3 =	sadd.s32 s4, s19  }
0x9c: {  	s7 =	simm.s32 $0x0;
	s20 =	sshll.u32 s5, $0x1;
	s5 =	sadd.s32 s21, s3  }
0x9d: {  	[timem:s7], [sflag:s22] =	dma.local [hbm:s5], s20  }
0x9e: {  	_ =	swait.ge [sflag:s22], s20  }
0x9f: {  	s4 =	ssub.s32 $0x0, s20;
	[sflag:s22] =	ssyncset.done $0x0  }
0xa0: {  	[sflag:s22] =	ssyncadd.s32 s4;
	_ =	sdelay $0x1  }
0xa1: {  	s23 =	simm.s32 $0x1B8B  }
0xa2: {  	_ =	swait.ge [sflag:s23], $0x1  }
0xa3: {  	[sflag:s23] =	ssyncset.done $0x0  }
0xa4: {  	s25 =	simm.s32 $0x1B8E;
	s24 =	sld [smem:$0x3FFE];
	[sflag:s23] =	ssyncadd.s32 $0xFFFFFFFF  }
0xa5: {  	s26 =	simm.s32 $execute0_lowered;
	[smem:$0x3FD2] =	sst s25  }
0xa6: {  	s5 =	sshll.u32 s26, $0x1;
	_ =	strace $0x80000046;
	[dreg:$0x1] =	wrdreg $0xFFFFFFFF  }
0xa7: {  	s28 =	simm.s32 $_size_execute0_lowered;
	s3 =	sadd.s32 s3, s5;
	[dreg:$0x0] =	wrdreg $0x0  }
0xa8: {  	s5 =	sshll.u32 s28, $0x1;
	[dreg:$0x2] =	wrdreg s3  }
0xa9: {  	[dreg:$0x3] =	wrdreg s5  }
0xaa: {  	[dreg:$0x4] =	wrdreg $0xC0  }
0xab: {  	_ =	task [dreg:s7], $0x5FFFF  }
0xac: {  	[dreg:$0x1] =	wrdreg $0xFFFFFFFF  }
0xad: {  	[dreg:$0x0] =	wrdreg $0x60  }
0xae: {  	[dreg:$0x2] =	wrdreg s2  }
0xaf: {  	[dreg:$0x3] =	wrdreg s24  }
0xb0: {  	[dreg:$0x4] =	wrdreg $0x9  }
0xb1: {  	_ =	task.clear_ibuf [dreg:s7], $0x5FFFF;
	_ =	strace $0x90000046  }
0xb2: {  	s29 =	simm.s32 $0x9;
	_ =	strace $0x80000048  }
0xb3: {  	_ =	swait.ge [sflag:s29], $0x1  }
0xb4: {  	[sflag:s29] =	ssyncadd.s32 $0xFFFFFFFF  }
0xb5: {  	_ =	strace $0x90000048  }
0xb6: {  	_ =	sfence  }
0xb7: {  	s30 =	sld [smem:$0x0];
	_ =	sdelay $0x2  }
0xb8: {  	s31 =	sshll.u32 s1, $0xD;
	s1 =	sshrl.u32 s1, $0x2  }
0xb9: {  	s3 =	sand.u32 $0x4000, s31;
	s1 =	sadd.s32 s1, s30  }
0xba: {  	s0 =	sor.u32 s3, s0;
	s1 =	sshll.u32 s1, $0x11  }
0xbb: {  	s0 =	sor.u32 s1, s0  }
0xbc: {  	s0 =	sadd.s32 $0x8F2B, s0  }
0xbd: {  	[sflag:s0] =	ssyncadd.remote.s32 $0x1  }
0xbe: {  	_ =	sfence.sel $0xFFFF  }
0xbf: {  	[dreg:$0x0] =	wrdreg $0xFFFFFFFF;
	(pc) =	sbr.abs _section_cstart, $3  }
0xc0: {  	[dreg:$0x1] =	wrdreg $0xFFFFFFFF  }
0xc1: {  	_ =	task.clear_ibuf [dreg:s7], $0x2FFFF;
	_ =	strace $0x9FFFFFFF  }
0xc2: {  	(tm) =	ssettm $0x7FFFFFFF  }
0xc3: {  	_ =	shalt  }
tec
execute0_lowered:
.L_overlay_start_1:
0x0: {  	(tag) =	ssettag $0x1  }
0x1: {  	s2 =	rddreg [dreg:$0x0]  }
0x2: {  	s1 =	srdreg.scid;
	s0 =	stileid.u32  }
0x3: {  	s4 =	rddreg [dreg:$0x1];
	s3 =	simm.s32 $0x0;
	s10 =	simm.s32 $0x10800  }
0x4: {  	s11 =	simm.s32 $0x3;
	s5 =	sand.u32 $0x1, s1;
	s6 =	sshll.u32 s0, $0x1  }
0x5: {  	s12 =	simm.s32 $0x4;
	s1 =	rddreg [dreg:$0x2];
	s6 =	sor.u32 s5, s6  }
0x6: {  	s13 =	simm.s32 $0x0;
	[smem:$0x7FF] =	sst s3;
	s7 =	smul.u32 $0xC, s6  }
.Ltmp0:
0x7: {  	s4 =	sadd.s32 $0xC00, s4;
	p0 =	slt.u32 s0, $0x8;
	(pc) =	sbr.rel .LBB2_1-.Ltmp0, $4  }
0x8: {  	_ =	strace $0x80000047;
	s8 =	ssub.s32 $0x2, s5;
	s31 =	smin.u32 s6, $0x10  }
0x9: {  	s9 =	sshrl.u32 s8, $0x1;
	s6 =	simm.s32 $0xD;
	s5 =	sadd.s32 s31, s7  }
0xa: {  	s8 =	ssub.s32 s8, s9;
	s6 =	simm.s32 @!p0 $0xC;
	s7 =	sshll.u32 s5, $0xC  }
0xb: {  	s9 =	simm.s32 $0x10000;
	s8 =	smax.u32 s8, $0x1;
	s7 =	sadd.s32 s2, s7  }
.LBB2_11:
0xc: {  	s13 =	sadd.s32 $0x1, s13  }
0xd: {  	_ =	swait.ge [sflag:s11], $0x800;
	p0 =	sne.s32 s13, s8  }
.Ltmp1:
0xe: {  	[sflag:s11] =	ssyncset.done $0x0;
	(pc) =	sbr.rel @!p0 .LBB2_12-.Ltmp1, $4  }
0xf: {  	[sflag:s11] =	ssyncadd.s32 $0xFFFFF800  }
0x10: {  	_ =	swait.ge [sflag:s12], $0x800  }
0x11: {  	[sflag:s12] =	ssyncset.done $0x0  }
0x12: {  	[sflag:s12] =	ssyncadd.s32 $0xFFFFF800  }
.LBB2_1:
.Ltmp2:
0x13: {  	(pc) =	sbr.rel .LBB2_2-.Ltmp2, $3  }
0x14: {  	_ =	sdelay $0x1  }
0x15: {  	[tilespmem:s3], [sflag:$0x1] =	stream.linear.gather [hbm4b:s7+s3], $0x8000, $0x38;
	[tilespmem:$0x11000] =	vst v63  }
0x16: {  	s14 =	simm.s32 $0x0  }
.LBB2_10:
0x17: {  	s14 =	sadd.s32 $0x1, s14  }
0x18: {  	p0 =	sne.s32 s14, $0x7  }
.Ltmp3:
0x19: {  	_ = 	snop;
	(pc) =	sbr.rel @!p0 .LBB2_11-.Ltmp3, $1  }
0x1a: {  	_ =	sdelay $0x3  }
.LBB2_2:
0x1b: {  	s16 =	sshll.u32 s14, $0x1  }
0x1c: {  	s15 =	sshllo.u32 s14, $0x1;
	p2 =	sge.u32 s16, s6  }
0x1d: {  	p0 =	sge.u32 s15, s6;
	s17 =	simm.s32 @!p2 $0x1  }
.Ltmp4:
0x1e: {  	s18 =	sadd.s32 @!p0 s5, s15;
	_ =	swait.ge @!p2 [sflag:s17], $0x8000;
	(pc) =	sbr.rel @p2 .LBB2_6-.Ltmp4, $4  }
0x1f: {  	s18 =	sshll.u32 @!p0 s18, $0xC;
	[sflag:s17] =	ssyncset.done @!p2 $0x0  }
0x20: {  	p1 =	seq.s32 s14, $0x0;
	[sflag:s17] =	ssyncadd.s32 @!p2 $0xFFFF8000;
	s17 =	sand.u32 @!p0 $0x1FFFF000, s18  }
0x21: {  	s19 =	simm.s32 @!p0 $0x8000;
	s18 =	simm.s32 @!p0 $0x0;
	s17 =	sadd.s32 @!p0 s2, s17  }
0x22: {  	[tilespmem:s19], [sflag:$0x2] =	stream.linear.gather @!p0 [hbm4b:s17+s18], $0x8000, $0x38;
	[tilespmem:$0x11000] =	vst v63  }
0x23: {  	s17 =	simm.s32 @!p1 $0x3  }
0x24: {  	_ =	swait.ge @!p1 [sflag:s17], $0x800  }
0x25: {  	[sflag:s17] =	ssyncset.done @!p1 $0x0  }
0x26: {  	[sflag:s17] =	ssyncadd.s32 @!p1 $0xFFFFF800;
	s17 =	simm.s32 $0x0  }
.LBB2_4:
0x27: {  	s18 =	sshll.u32 s17, $0xC  }
0x28: {  	s18 =	sand.u32 $0x3FFFF000, s18  }
0x29: {  	v0 =	vld [tilespmem:s18+$0x0]  }
0x2a: {  	v1 =	vld [tilespmem:s18+$0x80];
	_ =	sdelay $0x1  }
0x2b: {  	v2 =	vld [tilespmem:s18+$0x100];
	_ =	sdelay $0x1  }
0x2c: {  	v3 =	vld [tilespmem:s18+$0x180]  }
0x2d: {  	v0 =	vadd.f32 v1, v0  }
0x2e: {  	v59 =	vld [tilespmem:s18+$0x200]  }
0x2f: {  	v0 =	vadd.f32 v2, v0  }
0x30: {  	v60 =	vld [tilespmem:s18+$0x280]  }
0x31: {  	v0 =	vadd.f32 v3, v0  }
0x32: {  	v61 =	vld [tilespmem:s18+$0x300]  }
0x33: {  	v0 =	vadd.f32 v59, v0  }
0x34: {  	v62 =	vld [tilespmem:s18+$0x380]  }
0x35: {  	v0 =	vadd.f32 v60, v0  }
0x36: {  	v63 =	vld [tilespmem:s18+$0x800]  }
0x37: {  	v0 =	vadd.f32 v61, v0  }
0x38: {  	v6 =	vld [tilespmem:s18+$0x880]  }
0x39: {  	v0 =	vadd.f32 v62, v0  }
0x3a: {  	v7 =	vld [tilespmem:s18+$0x900]  }
0x3b: {  	v0 =	vadd.f32 v63, v0  }
0x3c: {  	v8 =	vld [tilespmem:s18+$0x980]  }
0x3d: {  	v0 =	vadd.f32 v6, v0  }
0x3e: {  	v9 =	vld [tilespmem:s18+$0xA00]  }
0x3f: {  	v0 =	vadd.f32 v7, v0  }
0x40: {  	v10 =	vld [tilespmem:s18+$0xA80]  }
0x41: {  	v0 =	vadd.f32 v8, v0  }
0x42: {  	v11 =	vld [tilespmem:s18+$0xB00]  }
0x43: {  	v0 =	vadd.f32 v9, v0  }
0x44: {  	v12 =	vld [tilespmem:s18+$0xB80]  }
0x45: {  	v0 =	vadd.f32 v10, v0;
	_ =	sdelay $0x1  }
0x46: {  	v0 =	vadd.f32 v11, v0;
	_ =	sdelay $0x1  }
0x47: {  	v0 =	vadd.f32 v12, v0;
	_ =	sdelay $0x1  }
0x48: {  	s19 =	sshll.u32 s17, $0x7;
	v0 =	vmul.f32 $6.250000000e-02, v0  }
0x49: {  	s19 =	sand.u32 $0x3FFFFF80, s19  }
0x4a: {  	[tilespmem:s19+$0x10000] =	vst v0  }
0x4b: {  	v0 =	vld [tilespmem:s18+$0x10]  }
0x4c: {  	v13 =	vld [tilespmem:s18+$0x90];
	_ =	sdelay $0x1  }
0x4d: {  	v14 =	vld [tilespmem:s18+$0x110];
	_ =	sdelay $0x1  }
0x4e: {  	v15 =	vld [tilespmem:s18+$0x190]  }
0x4f: {  	v0 =	vadd.f32 v13, v0  }
0x50: {  	v16 =	vld [tilespmem:s18+$0x210]  }
0x51: {  	v0 =	vadd.f32 v14, v0  }
0x52: {  	v17 =	vld [tilespmem:s18+$0x290]  }
0x53: {  	v0 =	vadd.f32 v15, v0  }
0x54: {  	v18 =	vld [tilespmem:s18+$0x310]  }
0x55: {  	v0 =	vadd.f32 v16, v0  }
0x56: {  	v19 =	vld [tilespmem:s18+$0x390]  }
0x57: {  	v0 =	vadd.f32 v17, v0  }
0x58: {  	v20 =	vld [tilespmem:s18+$0x810]  }
0x59: {  	v0 =	vadd.f32 v18, v0  }
0x5a: {  	v21 =	vld [tilespmem:s18+$0x890]  }
0x5b: {  	v0 =	vadd.f32 v19, v0  }
0x5c: {  	v22 =	vld [tilespmem:s18+$0x910]  }
0x5d: {  	v0 =	vadd.f32 v20, v0  }
0x5e: {  	v23 =	vld [tilespmem:s18+$0x990]  }
0x5f: {  	v0 =	vadd.f32 v21, v0  }
0x60: {  	v24 =	vld [tilespmem:s18+$0xA10]  }
0x61: {  	v0 =	vadd.f32 v22, v0  }
0x62: {  	v25 =	vld [tilespmem:s18+$0xA90]  }
0x63: {  	v0 =	vadd.f32 v23, v0  }
0x64: {  	v26 =	vld [tilespmem:s18+$0xB10]  }
0x65: {  	v0 =	vadd.f32 v24, v0  }
0x66: {  	v27 =	vld [tilespmem:s18+$0xB90]  }
0x67: {  	v0 =	vadd.f32 v25, v0;
	_ =	sdelay $0x1  }
0x68: {  	v0 =	vadd.f32 v26, v0;
	_ =	sdelay $0x1  }
0x69: {  	v0 =	vadd.f32 v27, v0;
	_ =	sdelay $0x1  }
0x6a: {  	v0 =	vmul.f32 $6.250000000e-02, v0;
	_ =	sdelay $0x1  }
0x6b: {  	[tilespmem:s19+$0x10010] =	vst v0  }
0x6c: {  	v0 =	vld [tilespmem:s18+$0x20]  }
0x6d: {  	v28 =	vld [tilespmem:s18+$0xA0];
	_ =	sdelay $0x1  }
0x6e: {  	v29 =	vld [tilespmem:s18+$0x120];
	_ =	sdelay $0x1  }
0x6f: {  	v30 =	vld [tilespmem:s18+$0x1A0]  }
0x70: {  	v0 =	vadd.f32 v28, v0  }
0x71: {  	v31 =	vld [tilespmem:s18+$0x220]  }
0x72: {  	v0 =	vadd.f32 v29, v0  }
0x73: {  	v32 =	vld [tilespmem:s18+$0x2A0]  }
0x74: {  	v0 =	vadd.f32 v30, v0  }
0x75: {  	v33 =	vld [tilespmem:s18+$0x320]  }
0x76: {  	v0 =	vadd.f32 v31, v0  }
0x77: {  	v34 =	vld [tilespmem:s18+$0x3A0]  }
0x78: {  	v0 =	vadd.f32 v32, v0  }
0x79: {  	v35 =	vld [tilespmem:s18+$0x820]  }
0x7a: {  	v0 =	vadd.f32 v33, v0  }
0x7b: {  	v36 =	vld [tilespmem:s18+$0x8A0]  }
0x7c: {  	v0 =	vadd.f32 v34, v0  }
0x7d: {  	v37 =	vld [tilespmem:s18+$0x920]  }
0x7e: {  	v0 =	vadd.f32 v35, v0  }
0x7f: {  	v38 =	vld [tilespmem:s18+$0x9A0]  }
0x80: {  	v0 =	vadd.f32 v36, v0  }
0x81: {  	v39 =	vld [tilespmem:s18+$0xA20]  }
0x82: {  	v0 =	vadd.f32 v37, v0  }
0x83: {  	v40 =	vld [tilespmem:s18+$0xAA0]  }
0x84: {  	v0 =	vadd.f32 v38, v0  }
0x85: {  	v41 =	vld [tilespmem:s18+$0xB20]  }
0x86: {  	v0 =	vadd.f32 v39, v0  }
0x87: {  	v42 =	vld [tilespmem:s18+$0xBA0]  }
0x88: {  	v0 =	vadd.f32 v40, v0;
	_ =	sdelay $0x1  }
0x89: {  	v0 =	vadd.f32 v41, v0;
	_ =	sdelay $0x1  }
0x8a: {  	v0 =	vadd.f32 v42, v0;
	_ =	sdelay $0x1  }
0x8b: {  	v0 =	vmul.f32 $6.250000000e-02, v0;
	_ =	sdelay $0x1  }
0x8c: {  	[tilespmem:s19+$0x10020] =	vst v0  }
0x8d: {  	v0 =	vld [tilespmem:s18+$0x30]  }
0x8e: {  	v43 =	vld [tilespmem:s18+$0xB0];
	_ =	sdelay $0x1  }
0x8f: {  	v44 =	vld [tilespmem:s18+$0x130];
	_ =	sdelay $0x1  }
0x90: {  	v45 =	vld [tilespmem:s18+$0x1B0]  }
0x91: {  	v0 =	vadd.f32 v43, v0  }
0x92: {  	v46 =	vld [tilespmem:s18+$0x230]  }
0x93: {  	v0 =	vadd.f32 v44, v0  }
0x94: {  	v47 =	vld [tilespmem:s18+$0x2B0]  }
0x95: {  	v0 =	vadd.f32 v45, v0  }
0x96: {  	v48 =	vld [tilespmem:s18+$0x330]  }
0x97: {  	v0 =	vadd.f32 v46, v0  }
0x98: {  	v49 =	vld [tilespmem:s18+$0x3B0]  }
0x99: {  	v0 =	vadd.f32 v47, v0  }
0x9a: {  	v50 =	vld [tilespmem:s18+$0x830]  }
0x9b: {  	v0 =	vadd.f32 v48, v0  }
0x9c: {  	v51 =	vld [tilespmem:s18+$0x8B0]  }
0x9d: {  	v0 =	vadd.f32 v49, v0  }
0x9e: {  	v52 =	vld [tilespmem:s18+$0x930]  }
0x9f: {  	v0 =	vadd.f32 v50, v0  }
0xa0: {  	v53 =	vld [tilespmem:s18+$0x9B0]  }
0xa1: {  	v0 =	vadd.f32 v51, v0  }
0xa2: {  	v54 =	vld [tilespmem:s18+$0xA30]  }
0xa3: {  	v0 =	vadd.f32 v52, v0  }
0xa4: {  	v55 =	vld [tilespmem:s18+$0xAB0]  }
0xa5: {  	v0 =	vadd.f32 v53, v0  }
0xa6: {  	v56 =	vld [tilespmem:s18+$0xB30]  }
0xa7: {  	v0 =	vadd.f32 v54, v0  }
0xa8: {  	v57 =	vld [tilespmem:s18+$0xBB0]  }
0xa9: {  	v0 =	vadd.f32 v55, v0;
	_ =	sdelay $0x1  }
0xaa: {  	v0 =	vadd.f32 v56, v0;
	_ =	sdelay $0x1  }
0xab: {  	v0 =	vadd.f32 v57, v0;
	_ =	sdelay $0x1  }
0xac: {  	v0 =	vmul.f32 $6.250000000e-02, v0;
	_ =	sdelay $0x1  }
0xad: {  	[tilespmem:s19+$0x10030] =	vst v0  }
0xae: {  	v0 =	vld [tilespmem:s18+$0x40]  }
0xaf: {  	v58 =	vld [tilespmem:s18+$0xC0];
	_ =	sdelay $0x1  }
0xb0: {  	v59 =	vld [tilespmem:s18+$0x140];
	_ =	sdelay $0x1  }
0xb1: {  	v60 =	vld [tilespmem:s18+$0x1C0]  }
0xb2: {  	v0 =	vadd.f32 v58, v0  }
0xb3: {  	v61 =	vld [tilespmem:s18+$0x240]  }
0xb4: {  	v0 =	vadd.f32 v59, v0  }
0xb5: {  	v62 =	vld [tilespmem:s18+$0x2C0]  }
0xb6: {  	v0 =	vadd.f32 v60, v0  }
0xb7: {  	v63 =	vld [tilespmem:s18+$0x340]  }
0xb8: {  	v0 =	vadd.f32 v61, v0  }
0xb9: {  	v6 =	vld [tilespmem:s18+$0x3C0]  }
0xba: {  	v0 =	vadd.f32 v62, v0  }
0xbb: {  	v7 =	vld [tilespmem:s18+$0x840]  }
0xbc: {  	v0 =	vadd.f32 v63, v0  }
0xbd: {  	v8 =	vld [tilespmem:s18+$0x8C0]  }
0xbe: {  	v0 =	vadd.f32 v6, v0  }
0xbf: {  	v9 =	vld [tilespmem:s18+$0x940]  }
0xc0: {  	v0 =	vadd.f32 v7, v0  }
0xc1: {  	v10 =	vld [tilespmem:s18+$0x9C0]  }
0xc2: {  	v0 =	vadd.f32 v8, v0  }
0xc3: {  	v11 =	vld [tilespmem:s18+$0xA40]  }
0xc4: {  	v0 =	vadd.f32 v9, v0  }
0xc5: {  	v12 =	vld [tilespmem:s18+$0xAC0]  }
0xc6: {  	v0 =	vadd.f32 v10, v0  }
0xc7: {  	v13 =	vld [tilespmem:s18+$0xB40]  }
0xc8: {  	v0 =	vadd.f32 v11, v0  }
0xc9: {  	v14 =	vld [tilespmem:s18+$0xBC0]  }
0xca: {  	v0 =	vadd.f32 v12, v0;
	_ =	sdelay $0x1  }
0xcb: {  	v0 =	vadd.f32 v13, v0;
	_ =	sdelay $0x1  }
0xcc: {  	v0 =	vadd.f32 v14, v0;
	_ =	sdelay $0x1  }
0xcd: {  	v0 =	vmul.f32 $6.250000000e-02, v0;
	_ =	sdelay $0x1  }
0xce: {  	[tilespmem:s19+$0x10040] =	vst v0  }
0xcf: {  	v0 =	vld [tilespmem:s18+$0x50]  }
0xd0: {  	v15 =	vld [tilespmem:s18+$0xD0];
	_ =	sdelay $0x1  }
0xd1: {  	v16 =	vld [tilespmem:s18+$0x150];
	_ =	sdelay $0x1  }
0xd2: {  	v17 =	vld [tilespmem:s18+$0x1D0]  }
0xd3: {  	v0 =	vadd.f32 v15, v0  }
0xd4: {  	v18 =	vld [tilespmem:s18+$0x250]  }
0xd5: {  	v0 =	vadd.f32 v16, v0  }
0xd6: {  	v19 =	vld [tilespmem:s18+$0x2D0]  }
0xd7: {  	v0 =	vadd.f32 v17, v0  }
0xd8: {  	v20 =	vld [tilespmem:s18+$0x350]  }
0xd9: {  	v0 =	vadd.f32 v18, v0  }
0xda: {  	v21 =	vld [tilespmem:s18+$0x3D0]  }
0xdb: {  	v0 =	vadd.f32 v19, v0  }
0xdc: {  	v22 =	vld [tilespmem:s18+$0x850]  }
0xdd: {  	v0 =	vadd.f32 v20, v0  }
0xde: {  	v23 =	vld [tilespmem:s18+$0x8D0]  }
0xdf: {  	v0 =	vadd.f32 v21, v0  }
0xe0: {  	v24 =	vld [tilespmem:s18+$0x950]  }
0xe1: {  	v0 =	vadd.f32 v22, v0  }
0xe2: {  	v25 =	vld [tilespmem:s18+$0x9D0]  }
0xe3: {  	v0 =	vadd.f32 v23, v0  }
0xe4: {  	v26 =	vld [tilespmem:s18+$0xA50]  }
0xe5: {  	v0 =	vadd.f32 v24, v0  }
0xe6: {  	v27 =	vld [tilespmem:s18+$0xAD0]  }
0xe7: {  	v0 =	vadd.f32 v25, v0  }
0xe8: {  	v28 =	vld [tilespmem:s18+$0xB50]  }
0xe9: {  	v0 =	vadd.f32 v26, v0  }
0xea: {  	v29 =	vld [tilespmem:s18+$0xBD0]  }
0xeb: {  	v0 =	vadd.f32 v27, v0;
	_ =	sdelay $0x1  }
0xec: {  	v0 =	vadd.f32 v28, v0;
	_ =	sdelay $0x1  }
0xed: {  	v0 =	vadd.f32 v29, v0;
	_ =	sdelay $0x1  }
0xee: {  	v0 =	vmul.f32 $6.250000000e-02, v0;
	_ =	sdelay $0x1  }
0xef: {  	[tilespmem:s19+$0x10050] =	vst v0  }
0xf0: {  	v0 =	vld [tilespmem:s18+$0x60]  }
0xf1: {  	v30 =	vld [tilespmem:s18+$0xE0];
	_ =	sdelay $0x1  }
0xf2: {  	v31 =	vld [tilespmem:s18+$0x160];
	_ =	sdelay $0x1  }
0xf3: {  	v32 =	vld [tilespmem:s18+$0x1E0]  }
0xf4: {  	v0 =	vadd.f32 v30, v0  }
0xf5: {  	v33 =	vld [tilespmem:s18+$0x260]  }
0xf6: {  	v0 =	vadd.f32 v31, v0  }
0xf7: {  	v34 =	vld [tilespmem:s18+$0x2E0]  }
0xf8: {  	v0 =	vadd.f32 v32, v0  }
0xf9: {  	v35 =	vld [tilespmem:s18+$0x360]  }
0xfa: {  	v0 =	vadd.f32 v33, v0  }
0xfb: {  	v36 =	vld [tilespmem:s18+$0x3E0]  }
0xfc: {  	v0 =	vadd.f32 v34, v0  }
0xfd: {  	v37 =	vld [tilespmem:s18+$0x860]  }
0xfe: {  	v0 =	vadd.f32 v35, v0  }
0xff: {  	v38 =	vld [tilespmem:s18+$0x8E0]  }
0x100: {  	v0 =	vadd.f32 v36, v0  }
0x101: {  	v39 =	vld [tilespmem:s18+$0x960]  }
0x102: {  	v0 =	vadd.f32 v37, v0  }
0x103: {  	v40 =	vld [tilespmem:s18+$0x9E0]  }
0x104: {  	v0 =	vadd.f32 v38, v0  }
0x105: {  	v41 =	vld [tilespmem:s18+$0xA60]  }
0x106: {  	v0 =	vadd.f32 v39, v0  }
0x107: {  	v42 =	vld [tilespmem:s18+$0xAE0]  }
0x108: {  	v0 =	vadd.f32 v40, v0  }
0x109: {  	v43 =	vld [tilespmem:s18+$0xB60]  }
0x10a: {  	v0 =	vadd.f32 v41, v0  }
0x10b: {  	v44 =	vld [tilespmem:s18+$0xBE0]  }
0x10c: {  	v0 =	vadd.f32 v42, v0;
	_ =	sdelay $0x1  }
0x10d: {  	v0 =	vadd.f32 v43, v0;
	_ =	sdelay $0x1  }
0x10e: {  	v0 =	vadd.f32 v44, v0;
	_ =	sdelay $0x1  }
0x10f: {  	v0 =	vmul.f32 $6.250000000e-02, v0;
	_ =	sdelay $0x1  }
0x110: {  	[tilespmem:s19+$0x10060] =	vst v0  }
0x111: {  	v0 =	vld [tilespmem:s18+$0x70]  }
0x112: {  	v45 =	vld [tilespmem:s18+$0xF0];
	_ =	sdelay $0x1  }
0x113: {  	v46 =	vld [tilespmem:s18+$0x170];
	_ =	sdelay $0x1  }
0x114: {  	v47 =	vld [tilespmem:s18+$0x1F0]  }
0x115: {  	v0 =	vadd.f32 v45, v0  }
0x116: {  	v48 =	vld [tilespmem:s18+$0x270]  }
0x117: {  	v0 =	vadd.f32 v46, v0  }
0x118: {  	v49 =	vld [tilespmem:s18+$0x2F0]  }
0x119: {  	v0 =	vadd.f32 v47, v0  }
0x11a: {  	v50 =	vld [tilespmem:s18+$0x370]  }
0x11b: {  	v0 =	vadd.f32 v48, v0  }
0x11c: {  	v51 =	vld [tilespmem:s18+$0x3F0]  }
0x11d: {  	v0 =	vadd.f32 v49, v0  }
0x11e: {  	v52 =	vld [tilespmem:s18+$0x870]  }
0x11f: {  	v0 =	vadd.f32 v50, v0  }
0x120: {  	v53 =	vld [tilespmem:s18+$0x8F0]  }
0x121: {  	v0 =	vadd.f32 v51, v0  }
0x122: {  	v54 =	vld [tilespmem:s18+$0x970]  }
0x123: {  	v0 =	vadd.f32 v52, v0  }
0x124: {  	v55 =	vld [tilespmem:s18+$0x9F0]  }
0x125: {  	v0 =	vadd.f32 v53, v0  }
0x126: {  	v56 =	vld [tilespmem:s18+$0xA70]  }
0x127: {  	v0 =	vadd.f32 v54, v0  }
0x128: {  	v57 =	vld [tilespmem:s18+$0xAF0]  }
0x129: {  	v0 =	vadd.f32 v55, v0  }
0x12a: {  	v58 =	vld [tilespmem:s18+$0xB70]  }
0x12b: {  	v0 =	vadd.f32 v56, v0  }
0x12c: {  	v59 =	vld [tilespmem:s18+$0xBF0]  }
0x12d: {  	v0 =	vadd.f32 v57, v0;
	_ =	sdelay $0x1  }
0x12e: {  	v0 =	vadd.f32 v58, v0;
	_ =	sdelay $0x1  }
0x12f: {  	v0 =	vadd.f32 v59, v0;
	_ =	sdelay $0x1  }
0x130: {  	v0 =	vmul.f32 $6.250000000e-02, v0;
	_ =	sdelay $0x1  }
0x131: {  	[tilespmem:s19+$0x10070] =	vst v0  }
0x132: {  	v0 =	vld [tilespmem:s18+$0x400]  }
0x133: {  	v60 =	vld [tilespmem:s18+$0x480];
	_ =	sdelay $0x1  }
0x134: {  	v61 =	vld [tilespmem:s18+$0x500];
	_ =	sdelay $0x1  }
0x135: {  	v62 =	vld [tilespmem:s18+$0x580]  }
0x136: {  	v0 =	vadd.f32 v60, v0  }
0x137: {  	v63 =	vld [tilespmem:s18+$0x600]  }
0x138: {  	v0 =	vadd.f32 v61, v0  }
0x139: {  	v6 =	vld [tilespmem:s18+$0x680]  }
0x13a: {  	v0 =	vadd.f32 v62, v0  }
0x13b: {  	v7 =	vld [tilespmem:s18+$0x700]  }
0x13c: {  	v0 =	vadd.f32 v63, v0  }
0x13d: {  	v8 =	vld [tilespmem:s18+$0x780]  }
0x13e: {  	v0 =	vadd.f32 v6, v0  }
0x13f: {  	v9 =	vld [tilespmem:s18+$0xC00]  }
0x140: {  	v0 =	vadd.f32 v7, v0  }
0x141: {  	v10 =	vld [tilespmem:s18+$0xC80]  }
0x142: {  	v0 =	vadd.f32 v8, v0  }
0x143: {  	v11 =	vld [tilespmem:s18+$0xD00]  }
0x144: {  	v0 =	vadd.f32 v9, v0  }
0x145: {  	v12 =	vld [tilespmem:s18+$0xD80]  }
0x146: {  	v0 =	vadd.f32 v10, v0  }
0x147: {  	v13 =	vld [tilespmem:s18+$0xE00]  }
0x148: {  	v0 =	vadd.f32 v11, v0  }
0x149: {  	v14 =	vld [tilespmem:s18+$0xE80]  }
0x14a: {  	v0 =	vadd.f32 v12, v0  }
0x14b: {  	v15 =	vld [tilespmem:s18+$0xF00]  }
0x14c: {  	v0 =	vadd.f32 v13, v0  }
0x14d: {  	v16 =	vld [tilespmem:s18+$0xF80]  }
0x14e: {  	v0 =	vadd.f32 v14, v0;
	_ =	sdelay $0x1  }
0x14f: {  	v0 =	vadd.f32 v15, v0;
	_ =	sdelay $0x1  }
0x150: {  	v0 =	vadd.f32 v16, v0;
	_ =	sdelay $0x1  }
0x151: {  	v0 =	vmul.f32 $6.250000000e-02, v0;
	_ =	sdelay $0x1  }
0x152: {  	[tilespmem:s19+$0x10400] =	vst v0  }
0x153: {  	v0 =	vld [tilespmem:s18+$0x410]  }
0x154: {  	v17 =	vld [tilespmem:s18+$0x490];
	_ =	sdelay $0x1  }
0x155: {  	v18 =	vld [tilespmem:s18+$0x510];
	_ =	sdelay $0x1  }
0x156: {  	v19 =	vld [tilespmem:s18+$0x590]  }
0x157: {  	v0 =	vadd.f32 v17, v0  }
0x158: {  	v20 =	vld [tilespmem:s18+$0x610]  }
0x159: {  	v0 =	vadd.f32 v18, v0  }
0x15a: {  	v21 =	vld [tilespmem:s18+$0x690]  }
0x15b: {  	v0 =	vadd.f32 v19, v0  }
0x15c: {  	v22 =	vld [tilespmem:s18+$0x710]  }
0x15d: {  	v0 =	vadd.f32 v20, v0  }
0x15e: {  	v23 =	vld [tilespmem:s18+$0x790]  }
0x15f: {  	v0 =	vadd.f32 v21, v0  }
0x160: {  	v24 =	vld [tilespmem:s18+$0xC10]  }
0x161: {  	v0 =	vadd.f32 v22, v0  }
0x162: {  	v25 =	vld [tilespmem:s18+$0xC90]  }
0x163: {  	v0 =	vadd.f32 v23, v0  }
0x164: {  	v26 =	vld [tilespmem:s18+$0xD10]  }
0x165: {  	v0 =	vadd.f32 v24, v0  }
0x166: {  	v27 =	vld [tilespmem:s18+$0xD90]  }
0x167: {  	v0 =	vadd.f32 v25, v0  }
0x168: {  	v28 =	vld [tilespmem:s18+$0xE10]  }
0x169: {  	v0 =	vadd.f32 v26, v0  }
0x16a: {  	v29 =	vld [tilespmem:s18+$0xE90]  }
0x16b: {  	v0 =	vadd.f32 v27, v0  }
0x16c: {  	v30 =	vld [tilespmem:s18+$0xF10]  }
0x16d: {  	v0 =	vadd.f32 v28, v0  }
0x16e: {  	v31 =	vld [tilespmem:s18+$0xF90]  }
0x16f: {  	v0 =	vadd.f32 v29, v0;
	_ =	sdelay $0x1  }
0x170: {  	v0 =	vadd.f32 v30, v0;
	_ =	sdelay $0x1  }
0x171: {  	v0 =	vadd.f32 v31, v0;
	_ =	sdelay $0x1  }
0x172: {  	v0 =	vmul.f32 $6.250000000e-02, v0;
	_ =	sdelay $0x1  }
0x173: {  	[tilespmem:s19+$0x10410] =	vst v0  }
0x174: {  	v0 =	vld [tilespmem:s18+$0x420]  }
0x175: {  	v32 =	vld [tilespmem:s18+$0x4A0];
	_ =	sdelay $0x1  }
0x176: {  	v33 =	vld [tilespmem:s18+$0x520];
	_ =	sdelay $0x1  }
0x177: {  	v34 =	vld [tilespmem:s18+$0x5A0]  }
0x178: {  	v0 =	vadd.f32 v32, v0  }
0x179: {  	v35 =	vld [tilespmem:s18+$0x620]  }
0x17a: {  	v0 =	vadd.f32 v33, v0  }
0x17b: {  	v36 =	vld [tilespmem:s18+$0x6A0]  }
0x17c: {  	v0 =	vadd.f32 v34, v0  }
0x17d: {  	v37 =	vld [tilespmem:s18+$0x720]  }
0x17e: {  	v0 =	vadd.f32 v35, v0  }
0x17f: {  	v38 =	vld [tilespmem:s18+$0x7A0]  }
0x180: {  	v0 =	vadd.f32 v36, v0  }
0x181: {  	v39 =	vld [tilespmem:s18+$0xC20]  }
0x182: {  	v0 =	vadd.f32 v37, v0  }
0x183: {  	v40 =	vld [tilespmem:s18+$0xCA0]  }
0x184: {  	v0 =	vadd.f32 v38, v0  }
0x185: {  	v41 =	vld [tilespmem:s18+$0xD20]  }
0x186: {  	v0 =	vadd.f32 v39, v0  }
0x187: {  	v42 =	vld [tilespmem:s18+$0xDA0]  }
0x188: {  	v0 =	vadd.f32 v40, v0  }
0x189: {  	v43 =	vld [tilespmem:s18+$0xE20]  }
0x18a: {  	v0 =	vadd.f32 v41, v0  }
0x18b: {  	v44 =	vld [tilespmem:s18+$0xEA0]  }
0x18c: {  	v0 =	vadd.f32 v42, v0  }
0x18d: {  	v45 =	vld [tilespmem:s18+$0xF20]  }
0x18e: {  	v0 =	vadd.f32 v43, v0  }
0x18f: {  	v46 =	vld [tilespmem:s18+$0xFA0]  }
0x190: {  	v0 =	vadd.f32 v44, v0;
	_ =	sdelay $0x1  }
0x191: {  	v0 =	vadd.f32 v45, v0;
	_ =	sdelay $0x1  }
0x192: {  	v0 =	vadd.f32 v46, v0;
	_ =	sdelay $0x1  }
0x193: {  	v0 =	vmul.f32 $6.250000000e-02, v0;
	_ =	sdelay $0x1  }
0x194: {  	[tilespmem:s19+$0x10420] =	vst v0  }
0x195: {  	v0 =	vld [tilespmem:s18+$0x430]  }
0x196: {  	v47 =	vld [tilespmem:s18+$0x4B0];
	_ =	sdelay $0x1  }
0x197: {  	v48 =	vld [tilespmem:s18+$0x530];
	_ =	sdelay $0x1  }
0x198: {  	v49 =	vld [tilespmem:s18+$0x5B0]  }
0x199: {  	v0 =	vadd.f32 v47, v0  }
0x19a: {  	v50 =	vld [tilespmem:s18+$0x630]  }
0x19b: {  	v0 =	vadd.f32 v48, v0  }
0x19c: {  	v51 =	vld [tilespmem:s18+$0x6B0]  }
0x19d: {  	v0 =	vadd.f32 v49, v0  }
0x19e: {  	v52 =	vld [tilespmem:s18+$0x730]  }
0x19f: {  	v0 =	vadd.f32 v50, v0  }
0x1a0: {  	v53 =	vld [tilespmem:s18+$0x7B0]  }
0x1a1: {  	v0 =	vadd.f32 v51, v0  }
0x1a2: {  	v54 =	vld [tilespmem:s18+$0xC30]  }
0x1a3: {  	v0 =	vadd.f32 v52, v0  }
0x1a4: {  	v55 =	vld [tilespmem:s18+$0xCB0]  }
0x1a5: {  	v0 =	vadd.f32 v53, v0  }
0x1a6: {  	v56 =	vld [tilespmem:s18+$0xD30]  }
0x1a7: {  	v0 =	vadd.f32 v54, v0  }
0x1a8: {  	v57 =	vld [tilespmem:s18+$0xDB0]  }
0x1a9: {  	v0 =	vadd.f32 v55, v0  }
0x1aa: {  	v58 =	vld [tilespmem:s18+$0xE30]  }
0x1ab: {  	v0 =	vadd.f32 v56, v0  }
0x1ac: {  	v59 =	vld [tilespmem:s18+$0xEB0]  }
0x1ad: {  	v0 =	vadd.f32 v57, v0  }
0x1ae: {  	v60 =	vld [tilespmem:s18+$0xF30]  }
0x1af: {  	v0 =	vadd.f32 v58, v0  }
0x1b0: {  	v61 =	vld [tilespmem:s18+$0xFB0]  }
0x1b1: {  	v0 =	vadd.f32 v59, v0;
	_ =	sdelay $0x1  }
0x1b2: {  	v0 =	vadd.f32 v60, v0;
	_ =	sdelay $0x1  }
0x1b3: {  	v0 =	vadd.f32 v61, v0;
	_ =	sdelay $0x1  }
0x1b4: {  	v0 =	vmul.f32 $6.250000000e-02, v0;
	_ =	sdelay $0x1  }
0x1b5: {  	[tilespmem:s19+$0x10430] =	vst v0  }
0x1b6: {  	v0 =	vld [tilespmem:s18+$0x440]  }
0x1b7: {  	v62 =	vld [tilespmem:s18+$0x4C0];
	_ =	sdelay $0x1  }
0x1b8: {  	v63 =	vld [tilespmem:s18+$0x540];
	_ =	sdelay $0x1  }
0x1b9: {  	v6 =	vld [tilespmem:s18+$0x5C0]  }
0x1ba: {  	v0 =	vadd.f32 v62, v0  }
0x1bb: {  	v7 =	vld [tilespmem:s18+$0x640]  }
0x1bc: {  	v0 =	vadd.f32 v63, v0  }
0x1bd: {  	v8 =	vld [tilespmem:s18+$0x6C0]  }
0x1be: {  	v0 =	vadd.f32 v6, v0  }
0x1bf: {  	v9 =	vld [tilespmem:s18+$0x740]  }
0x1c0: {  	v0 =	vadd.f32 v7, v0  }
0x1c1: {  	v10 =	vld [tilespmem:s18+$0x7C0]  }
0x1c2: {  	v0 =	vadd.f32 v8, v0  }
0x1c3: {  	v11 =	vld [tilespmem:s18+$0xC40]  }
0x1c4: {  	v0 =	vadd.f32 v9, v0  }
0x1c5: {  	v12 =	vld [tilespmem:s18+$0xCC0]  }
0x1c6: {  	v0 =	vadd.f32 v10, v0  }
0x1c7: {  	v13 =	vld [tilespmem:s18+$0xD40]  }
0x1c8: {  	v0 =	vadd.f32 v11, v0  }
0x1c9: {  	v14 =	vld [tilespmem:s18+$0xDC0]  }
0x1ca: {  	v0 =	vadd.f32 v12, v0  }
0x1cb: {  	v15 =	vld [tilespmem:s18+$0xE40]  }
0x1cc: {  	v0 =	vadd.f32 v13, v0  }
0x1cd: {  	v16 =	vld [tilespmem:s18+$0xEC0]  }
0x1ce: {  	v0 =	vadd.f32 v14, v0  }
0x1cf: {  	v17 =	vld [tilespmem:s18+$0xF40]  }
0x1d0: {  	v0 =	vadd.f32 v15, v0  }
0x1d1: {  	v18 =	vld [tilespmem:s18+$0xFC0]  }
0x1d2: {  	v0 =	vadd.f32 v16, v0;
	_ =	sdelay $0x1  }
0x1d3: {  	v0 =	vadd.f32 v17, v0;
	_ =	sdelay $0x1  }
0x1d4: {  	v0 =	vadd.f32 v18, v0;
	_ =	sdelay $0x1  }
0x1d5: {  	v0 =	vmul.f32 $6.250000000e-02, v0;
	_ =	sdelay $0x1  }
0x1d6: {  	[tilespmem:s19+$0x10440] =	vst v0  }
0x1d7: {  	v0 =	vld [tilespmem:s18+$0x450]  }
0x1d8: {  	v19 =	vld [tilespmem:s18+$0x4D0];
	_ =	sdelay $0x1  }
0x1d9: {  	v20 =	vld [tilespmem:s18+$0x550];
	_ =	sdelay $0x1  }
0x1da: {  	v21 =	vld [tilespmem:s18+$0x5D0]  }
0x1db: {  	v0 =	vadd.f32 v19, v0  }
0x1dc: {  	v22 =	vld [tilespmem:s18+$0x650]  }
0x1dd: {  	v0 =	vadd.f32 v20, v0  }
0x1de: {  	v23 =	vld [tilespmem:s18+$0x6D0]  }
0x1df: {  	v0 =	vadd.f32 v21, v0  }
0x1e0: {  	v24 =	vld [tilespmem:s18+$0x750]  }
0x1e1: {  	v0 =	vadd.f32 v22, v0  }
0x1e2: {  	v25 =	vld [tilespmem:s18+$0x7D0]  }
0x1e3: {  	v0 =	vadd.f32 v23, v0  }
0x1e4: {  	v26 =	vld [tilespmem:s18+$0xC50]  }
0x1e5: {  	v0 =	vadd.f32 v24, v0  }
0x1e6: {  	v27 =	vld [tilespmem:s18+$0xCD0]  }
0x1e7: {  	v0 =	vadd.f32 v25, v0  }
0x1e8: {  	v28 =	vld [tilespmem:s18+$0xD50]  }
0x1e9: {  	v0 =	vadd.f32 v26, v0  }
0x1ea: {  	v29 =	vld [tilespmem:s18+$0xDD0]  }
0x1eb: {  	v0 =	vadd.f32 v27, v0  }
0x1ec: {  	v30 =	vld [tilespmem:s18+$0xE50]  }
0x1ed: {  	v0 =	vadd.f32 v28, v0  }
0x1ee: {  	v31 =	vld [tilespmem:s18+$0xED0]  }
0x1ef: {  	v0 =	vadd.f32 v29, v0  }
0x1f0: {  	v32 =	vld [tilespmem:s18+$0xF50]  }
0x1f1: {  	v0 =	vadd.f32 v30, v0  }
0x1f2: {  	v33 =	vld [tilespmem:s18+$0xFD0]  }
0x1f3: {  	v0 =	vadd.f32 v31, v0;
	_ =	sdelay $0x1  }
0x1f4: {  	v0 =	vadd.f32 v32, v0;
	_ =	sdelay $0x1  }
0x1f5: {  	v0 =	vadd.f32 v33, v0;
	_ =	sdelay $0x1  }
0x1f6: {  	v0 =	vmul.f32 $6.250000000e-02, v0;
	_ =	sdelay $0x1  }
0x1f7: {  	[tilespmem:s19+$0x10450] =	vst v0  }
0x1f8: {  	v0 =	vld [tilespmem:s18+$0x460]  }
0x1f9: {  	v34 =	vld [tilespmem:s18+$0x4E0];
	_ =	sdelay $0x1  }
0x1fa: {  	v35 =	vld [tilespmem:s18+$0x560];
	_ =	sdelay $0x1  }
0x1fb: {  	v36 =	vld [tilespmem:s18+$0x5E0]  }
0x1fc: {  	v0 =	vadd.f32 v34, v0  }
0x1fd: {  	v37 =	vld [tilespmem:s18+$0x660]  }
0x1fe: {  	v0 =	vadd.f32 v35, v0  }
0x1ff: {  	v38 =	vld [tilespmem:s18+$0x6E0]  }
0x200: {  	v0 =	vadd.f32 v36, v0  }
0x201: {  	v39 =	vld [tilespmem:s18+$0x760]  }
0x202: {  	v0 =	vadd.f32 v37, v0  }
0x203: {  	v40 =	vld [tilespmem:s18+$0x7E0]  }
0x204: {  	v0 =	vadd.f32 v38, v0  }
0x205: {  	v41 =	vld [tilespmem:s18+$0xC60]  }
0x206: {  	v0 =	vadd.f32 v39, v0  }
0x207: {  	v42 =	vld [tilespmem:s18+$0xCE0]  }
0x208: {  	v0 =	vadd.f32 v40, v0  }
0x209: {  	v43 =	vld [tilespmem:s18+$0xD60]  }
0x20a: {  	v0 =	vadd.f32 v41, v0  }
0x20b: {  	v44 =	vld [tilespmem:s18+$0xDE0]  }
0x20c: {  	v0 =	vadd.f32 v42, v0  }
0x20d: {  	v45 =	vld [tilespmem:s18+$0xE60]  }
0x20e: {  	v0 =	vadd.f32 v43, v0  }
0x20f: {  	v46 =	vld [tilespmem:s18+$0xEE0]  }
0x210: {  	v0 =	vadd.f32 v44, v0  }
0x211: {  	v47 =	vld [tilespmem:s18+$0xF60]  }
0x212: {  	v0 =	vadd.f32 v45, v0  }
0x213: {  	v48 =	vld [tilespmem:s18+$0xFE0]  }
0x214: {  	v0 =	vadd.f32 v46, v0;
	_ =	sdelay $0x1  }
0x215: {  	v0 =	vadd.f32 v47, v0;
	_ =	sdelay $0x1  }
0x216: {  	v0 =	vadd.f32 v48, v0;
	_ =	sdelay $0x1  }
0x217: {  	v0 =	vmul.f32 $6.250000000e-02, v0;
	_ =	sdelay $0x1  }
0x218: {  	[tilespmem:s19+$0x10460] =	vst v0  }
0x219: {  	v0 =	vld [tilespmem:s18+$0x470]  }
0x21a: {  	v49 =	vld [tilespmem:s18+$0x4F0];
	_ =	sdelay $0x1  }
0x21b: {  	v50 =	vld [tilespmem:s18+$0x570];
	_ =	sdelay $0x1  }
0x21c: {  	v51 =	vld [tilespmem:s18+$0x5F0]  }
0x21d: {  	v0 =	vadd.f32 v49, v0  }
0x21e: {  	v52 =	vld [tilespmem:s18+$0x670]  }
0x21f: {  	v0 =	vadd.f32 v50, v0  }
0x220: {  	v53 =	vld [tilespmem:s18+$0x6F0]  }
0x221: {  	v0 =	vadd.f32 v51, v0  }
0x222: {  	v54 =	vld [tilespmem:s18+$0x770]  }
0x223: {  	v0 =	vadd.f32 v52, v0  }
0x224: {  	v55 =	vld [tilespmem:s18+$0x7F0]  }
0x225: {  	v0 =	vadd.f32 v53, v0  }
0x226: {  	v56 =	vld [tilespmem:s18+$0xC70]  }
0x227: {  	v0 =	vadd.f32 v54, v0  }
0x228: {  	v57 =	vld [tilespmem:s18+$0xCF0]  }
0x229: {  	v0 =	vadd.f32 v55, v0  }
0x22a: {  	v58 =	vld [tilespmem:s18+$0xD70]  }
0x22b: {  	v0 =	vadd.f32 v56, v0  }
0x22c: {  	v59 =	vld [tilespmem:s18+$0xDF0]  }
0x22d: {  	v0 =	vadd.f32 v57, v0  }
0x22e: {  	v60 =	vld [tilespmem:s18+$0xE70]  }
0x22f: {  	v0 =	vadd.f32 v58, v0  }
0x230: {  	v61 =	vld [tilespmem:s18+$0xEF0]  }
0x231: {  	v0 =	vadd.f32 v59, v0  }
0x232: {  	v62 =	vld [tilespmem:s18+$0xF70]  }
0x233: {  	v0 =	vadd.f32 v60, v0  }
0x234: {  	v63 =	vld [tilespmem:s18+$0xFF0]  }
0x235: {  	v0 =	vadd.f32 v61, v0;
	_ =	sdelay $0x1  }
0x236: {  	v0 =	vadd.f32 v62, v0  }
0x237: {  	p2 =	sne.s32 s17, $0x7  }
.Ltmp5:
0x238: {  	v0 =	vadd.f32 v63, v0;
	(pc) =	sbr.rel @p2 .LBB2_4-.Ltmp5, $3  }
0x239: {  	_ = 	snop  }
0x23a: {  	v0 =	vmul.f32 $6.250000000e-02, v0;
	_ =	sdelay $0x1  }
0x23b: {  	s17 =	sadd.s32 $0x1, s17;
	[tilespmem:s19+$0x10470] =	vst v0  }
0x23c: {  	s17 =	sadd.s32 s5, s16  }
0x23d: {  	s17 =	sshll.u32 s17, $0x8  }
0x23e: {  	s17 =	sand.u32 $0x1FFFFF00, s17  }
0x23f: {  	s17 =	sadd.s32 s4, s17  }
0x240: {  	[hbm4b:s17+s3] =	stream.linear.scatter [tilespmem:s9], [sflag:$0x3], $0x800, $0x38;
	[tilespmem:$0x11000] =	vst v63  }
.LBB2_6:
0x241: {  	s16 =	sadd.s32 $0x2, s16  }
0x242: {  	p2 =	sge.u32 s16, s6  }
.Ltmp6:
0x243: {  	s17 =	simm.s32 @!p0 $0x2;
	s16 =	sadd.s32 @!p2 s5, s16;
	(pc) =	sbr.rel @p0 .LBB2_10-.Ltmp6, $4  }
0x244: {  	_ =	swait.ge @!p0 [sflag:s17], $0x8000;
	s16 =	sshll.u32 @!p2 s16, $0xC  }
0x245: {  	[sflag:s17] =	ssyncset.done @!p0 $0x0;
	s16 =	sand.u32 @!p2 $0x1FFFF000, s16  }
0x246: {  	[sflag:s17] =	ssyncadd.s32 @!p0 $0xFFFF8000;
	s17 =	simm.s32 @!p2 $0x0;
	s16 =	sadd.s32 @!p2 s2, s16  }
0x247: {  	[tilespmem:s17], [sflag:$0x1] =	stream.linear.gather @!p2 [hbm4b:s16+s17], $0x8000, $0x38;
	[tilespmem:$0x11000] =	vst v63  }
0x248: {  	s16 =	simm.s32 @!p1 $0x4  }
0x249: {  	_ =	swait.ge @!p1 [sflag:s16], $0x800  }
0x24a: {  	[sflag:s16] =	ssyncset.done @!p1 $0x0  }
0x24b: {  	[sflag:s16] =	ssyncadd.s32 @!p1 $0xFFFFF800;
	s16 =	simm.s32 $0x0  }
.LBB2_8:
0x24c: {  	s17 =	sshll.u32 s16, $0xC  }
0x24d: {  	s17 =	sand.u32 $0x3FFFF000, s17  }
0x24e: {  	v0 =	vld [tilespmem:s17+$0x8000]  }
0x24f: {  	v1 =	vld [tilespmem:s17+$0x8080];
	_ =	sdelay $0x1  }
0x250: {  	v2 =	vld [tilespmem:s17+$0x8100];
	_ =	sdelay $0x1  }
0x251: {  	v3 =	vld [tilespmem:s17+$0x8180]  }
0x252: {  	v0 =	vadd.f32 v1, v0  }
0x253: {  	v59 =	vld [tilespmem:s17+$0x8200]  }
0x254: {  	v0 =	vadd.f32 v2, v0  }
0x255: {  	v60 =	vld [tilespmem:s17+$0x8280]  }
0x256: {  	v0 =	vadd.f32 v3, v0  }
0x257: {  	v61 =	vld [tilespmem:s17+$0x8300]  }
0x258: {  	v0 =	vadd.f32 v59, v0  }
0x259: {  	v62 =	vld [tilespmem:s17+$0x8380]  }
0x25a: {  	v0 =	vadd.f32 v60, v0  }
0x25b: {  	v63 =	vld [tilespmem:s17+$0x8800]  }
0x25c: {  	v0 =	vadd.f32 v61, v0  }
0x25d: {  	v6 =	vld [tilespmem:s17+$0x8880]  }
0x25e: {  	v0 =	vadd.f32 v62, v0  }
0x25f: {  	v7 =	vld [tilespmem:s17+$0x8900]  }
0x260: {  	v0 =	vadd.f32 v63, v0  }
0x261: {  	v8 =	vld [tilespmem:s17+$0x8980]  }
0x262: {  	v0 =	vadd.f32 v6, v0  }
0x263: {  	v9 =	vld [tilespmem:s17+$0x8A00]  }
0x264: {  	v0 =	vadd.f32 v7, v0  }
0x265: {  	v10 =	vld [tilespmem:s17+$0x8A80]  }
0x266: {  	v0 =	vadd.f32 v8, v0  }
0x267: {  	v11 =	vld [tilespmem:s17+$0x8B00]  }
0x268: {  	v0 =	vadd.f32 v9, v0  }
0x269: {  	v12 =	vld [tilespmem:s17+$0x8B80]  }
0x26a: {  	v0 =	vadd.f32 v10, v0;
	_ =	sdelay $0x1  }
0x26b: {  	v0 =	vadd.f32 v11, v0;
	_ =	sdelay $0x1  }
0x26c: {  	v0 =	vadd.f32 v12, v0;
	_ =	sdelay $0x1  }
0x26d: {  	s18 =	sshll.u32 s16, $0x7;
	v0 =	vmul.f32 $6.250000000e-02, v0  }
0x26e: {  	s18 =	sand.u32 $0x3FFFFF80, s18  }
0x26f: {  	[tilespmem:s18+$0x10800] =	vst v0  }
0x270: {  	v0 =	vld [tilespmem:s17+$0x8010]  }
0x271: {  	v13 =	vld [tilespmem:s17+$0x8090];
	_ =	sdelay $0x1  }
0x272: {  	v14 =	vld [tilespmem:s17+$0x8110];
	_ =	sdelay $0x1  }
0x273: {  	v15 =	vld [tilespmem:s17+$0x8190]  }
0x274: {  	v0 =	vadd.f32 v13, v0  }
0x275: {  	v16 =	vld [tilespmem:s17+$0x8210]  }
0x276: {  	v0 =	vadd.f32 v14, v0  }
0x277: {  	v17 =	vld [tilespmem:s17+$0x8290]  }
0x278: {  	v0 =	vadd.f32 v15, v0  }
0x279: {  	v18 =	vld [tilespmem:s17+$0x8310]  }
0x27a: {  	v0 =	vadd.f32 v16, v0  }
0x27b: {  	v19 =	vld [tilespmem:s17+$0x8390]  }
0x27c: {  	v0 =	vadd.f32 v17, v0  }
0x27d: {  	v20 =	vld [tilespmem:s17+$0x8810]  }
0x27e: {  	v0 =	vadd.f32 v18, v0  }
0x27f: {  	v21 =	vld [tilespmem:s17+$0x8890]  }
0x280: {  	v0 =	vadd.f32 v19, v0  }
0x281: {  	v22 =	vld [tilespmem:s17+$0x8910]  }
0x282: {  	v0 =	vadd.f32 v20, v0  }
0x283: {  	v23 =	vld [tilespmem:s17+$0x8990]  }
0x284: {  	v0 =	vadd.f32 v21, v0  }
0x285: {  	v24 =	vld [tilespmem:s17+$0x8A10]  }
0x286: {  	v0 =	vadd.f32 v22, v0  }
0x287: {  	v25 =	vld [tilespmem:s17+$0x8A90]  }
0x288: {  	v0 =	vadd.f32 v23, v0  }
0x289: {  	v26 =	vld [tilespmem:s17+$0x8B10]  }
0x28a: {  	v0 =	vadd.f32 v24, v0  }
0x28b: {  	v27 =	vld [tilespmem:s17+$0x8B90]  }
0x28c: {  	v0 =	vadd.f32 v25, v0;
	_ =	sdelay $0x1  }
0x28d: {  	v0 =	vadd.f32 v26, v0;
	_ =	sdelay $0x1  }
0x28e: {  	v0 =	vadd.f32 v27, v0;
	_ =	sdelay $0x1  }
0x28f: {  	v0 =	vmul.f32 $6.250000000e-02, v0;
	_ =	sdelay $0x1  }
0x290: {  	[tilespmem:s18+$0x10810] =	vst v0  }
0x291: {  	v0 =	vld [tilespmem:s17+$0x8020]  }
0x292: {  	v28 =	vld [tilespmem:s17+$0x80A0];
	_ =	sdelay $0x1  }
0x293: {  	v29 =	vld [tilespmem:s17+$0x8120];
	_ =	sdelay $0x1  }
0x294: {  	v30 =	vld [tilespmem:s17+$0x81A0]  }
0x295: {  	v0 =	vadd.f32 v28, v0  }
0x296: {  	v31 =	vld [tilespmem:s17+$0x8220]  }
0x297: {  	v0 =	vadd.f32 v29, v0  }
0x298: {  	v32 =	vld [tilespmem:s17+$0x82A0]  }
0x299: {  	v0 =	vadd.f32 v30, v0  }
0x29a: {  	v33 =	vld [tilespmem:s17+$0x8320]  }
0x29b: {  	v0 =	vadd.f32 v31, v0  }
0x29c: {  	v34 =	vld [tilespmem:s17+$0x83A0]  }
0x29d: {  	v0 =	vadd.f32 v32, v0  }
0x29e: {  	v35 =	vld [tilespmem:s17+$0x8820]  }
0x29f: {  	v0 =	vadd.f32 v33, v0  }
0x2a0: {  	v36 =	vld [tilespmem:s17+$0x88A0]  }
0x2a1: {  	v0 =	vadd.f32 v34, v0  }
0x2a2: {  	v37 =	vld [tilespmem:s17+$0x8920]  }
0x2a3: {  	v0 =	vadd.f32 v35, v0  }
0x2a4: {  	v38 =	vld [tilespmem:s17+$0x89A0]  }
0x2a5: {  	v0 =	vadd.f32 v36, v0  }
0x2a6: {  	v39 =	vld [tilespmem:s17+$0x8A20]  }
0x2a7: {  	v0 =	vadd.f32 v37, v0  }
0x2a8: {  	v40 =	vld [tilespmem:s17+$0x8AA0]  }
0x2a9: {  	v0 =	vadd.f32 v38, v0  }
0x2aa: {  	v41 =	vld [tilespmem:s17+$0x8B20]  }
0x2ab: {  	v0 =	vadd.f32 v39, v0  }
0x2ac: {  	v42 =	vld [tilespmem:s17+$0x8BA0]  }
0x2ad: {  	v0 =	vadd.f32 v40, v0;
	_ =	sdelay $0x1  }
0x2ae: {  	v0 =	vadd.f32 v41, v0;
	_ =	sdelay $0x1  }
0x2af: {  	v0 =	vadd.f32 v42, v0;
	_ =	sdelay $0x1  }
0x2b0: {  	v0 =	vmul.f32 $6.250000000e-02, v0;
	_ =	sdelay $0x1  }
0x2b1: {  	[tilespmem:s18+$0x10820] =	vst v0  }
0x2b2: {  	v0 =	vld [tilespmem:s17+$0x8030]  }
0x2b3: {  	v43 =	vld [tilespmem:s17+$0x80B0];
	_ =	sdelay $0x1  }
0x2b4: {  	v44 =	vld [tilespmem:s17+$0x8130];
	_ =	sdelay $0x1  }
0x2b5: {  	v45 =	vld [tilespmem:s17+$0x81B0]  }
0x2b6: {  	v0 =	vadd.f32 v43, v0  }
0x2b7: {  	v46 =	vld [tilespmem:s17+$0x8230]  }
0x2b8: {  	v0 =	vadd.f32 v44, v0  }
0x2b9: {  	v47 =	vld [tilespmem:s17+$0x82B0]  }
0x2ba: {  	v0 =	vadd.f32 v45, v0  }
0x2bb: {  	v48 =	vld [tilespmem:s17+$0x8330]  }
0x2bc: {  	v0 =	vadd.f32 v46, v0  }
0x2bd: {  	v49 =	vld [tilespmem:s17+$0x83B0]  }
0x2be: {  	v0 =	vadd.f32 v47, v0  }
0x2bf: {  	v50 =	vld [tilespmem:s17+$0x8830]  }
0x2c0: {  	v0 =	vadd.f32 v48, v0  }
0x2c1: {  	v51 =	vld [tilespmem:s17+$0x88B0]  }
0x2c2: {  	v0 =	vadd.f32 v49, v0  }
0x2c3: {  	v52 =	vld [tilespmem:s17+$0x8930]  }
0x2c4: {  	v0 =	vadd.f32 v50, v0  }
0x2c5: {  	v53 =	vld [tilespmem:s17+$0x89B0]  }
0x2c6: {  	v0 =	vadd.f32 v51, v0  }
0x2c7: {  	v54 =	vld [tilespmem:s17+$0x8A30]  }
0x2c8: {  	v0 =	vadd.f32 v52, v0  }
0x2c9: {  	v55 =	vld [tilespmem:s17+$0x8AB0]  }
0x2ca: {  	v0 =	vadd.f32 v53, v0  }
0x2cb: {  	v56 =	vld [tilespmem:s17+$0x8B30]  }
0x2cc: {  	v0 =	vadd.f32 v54, v0  }
0x2cd: {  	v57 =	vld [tilespmem:s17+$0x8BB0]  }
0x2ce: {  	v0 =	vadd.f32 v55, v0;
	_ =	sdelay $0x1  }
0x2cf: {  	v0 =	vadd.f32 v56, v0;
	_ =	sdelay $0x1  }
0x2d0: {  	v0 =	vadd.f32 v57, v0;
	_ =	sdelay $0x1  }
0x2d1: {  	v0 =	vmul.f32 $6.250000000e-02, v0;
	_ =	sdelay $0x1  }
0x2d2: {  	[tilespmem:s18+$0x10830] =	vst v0  }
0x2d3: {  	v0 =	vld [tilespmem:s17+$0x8040]  }
0x2d4: {  	v58 =	vld [tilespmem:s17+$0x80C0];
	_ =	sdelay $0x1  }
0x2d5: {  	v59 =	vld [tilespmem:s17+$0x8140];
	_ =	sdelay $0x1  }
0x2d6: {  	v60 =	vld [tilespmem:s17+$0x81C0]  }
0x2d7: {  	v0 =	vadd.f32 v58, v0  }
0x2d8: {  	v61 =	vld [tilespmem:s17+$0x8240]  }
0x2d9: {  	v0 =	vadd.f32 v59, v0  }
0x2da: {  	v62 =	vld [tilespmem:s17+$0x82C0]  }
0x2db: {  	v0 =	vadd.f32 v60, v0  }
0x2dc: {  	v63 =	vld [tilespmem:s17+$0x8340]  }
0x2dd: {  	v0 =	vadd.f32 v61, v0  }
0x2de: {  	v6 =	vld [tilespmem:s17+$0x83C0]  }
0x2df: {  	v0 =	vadd.f32 v62, v0  }
0x2e0: {  	v7 =	vld [tilespmem:s17+$0x8840]  }
0x2e1: {  	v0 =	vadd.f32 v63, v0  }
0x2e2: {  	v8 =	vld [tilespmem:s17+$0x88C0]  }
0x2e3: {  	v0 =	vadd.f32 v6, v0  }
0x2e4: {  	v9 =	vld [tilespmem:s17+$0x8940]  }
0x2e5: {  	v0 =	vadd.f32 v7, v0  }
0x2e6: {  	v10 =	vld [tilespmem:s17+$0x89C0]  }
0x2e7: {  	v0 =	vadd.f32 v8, v0  }
0x2e8: {  	v11 =	vld [tilespmem:s17+$0x8A40]  }
0x2e9: {  	v0 =	vadd.f32 v9, v0  }
0x2ea: {  	v12 =	vld [tilespmem:s17+$0x8AC0]  }
0x2eb: {  	v0 =	vadd.f32 v10, v0  }
0x2ec: {  	v13 =	vld [tilespmem:s17+$0x8B40]  }
0x2ed: {  	v0 =	vadd.f32 v11, v0  }
0x2ee: {  	v14 =	vld [tilespmem:s17+$0x8BC0]  }
0x2ef: {  	v0 =	vadd.f32 v12, v0;
	_ =	sdelay $0x1  }
0x2f0: {  	v0 =	vadd.f32 v13, v0;
	_ =	sdelay $0x1  }
0x2f1: {  	v0 =	vadd.f32 v14, v0;
	_ =	sdelay $0x1  }
0x2f2: {  	v0 =	vmul.f32 $6.250000000e-02, v0;
	_ =	sdelay $0x1  }
0x2f3: {  	[tilespmem:s18+$0x10840] =	vst v0  }
0x2f4: {  	v0 =	vld [tilespmem:s17+$0x8050]  }
0x2f5: {  	v15 =	vld [tilespmem:s17+$0x80D0];
	_ =	sdelay $0x1  }
0x2f6: {  	v16 =	vld [tilespmem:s17+$0x8150];
	_ =	sdelay $0x1  }
0x2f7: {  	v17 =	vld [tilespmem:s17+$0x81D0]  }
0x2f8: {  	v0 =	vadd.f32 v15, v0  }
0x2f9: {  	v18 =	vld [tilespmem:s17+$0x8250]  }
0x2fa: {  	v0 =	vadd.f32 v16, v0  }
0x2fb: {  	v19 =	vld [tilespmem:s17+$0x82D0]  }
0x2fc: {  	v0 =	vadd.f32 v17, v0  }
0x2fd: {  	v20 =	vld [tilespmem:s17+$0x8350]  }
0x2fe: {  	v0 =	vadd.f32 v18, v0  }
0x2ff: {  	v21 =	vld [tilespmem:s17+$0x83D0]  }
0x300: {  	v0 =	vadd.f32 v19, v0  }
0x301: {  	v22 =	vld [tilespmem:s17+$0x8850]  }
0x302: {  	v0 =	vadd.f32 v20, v0  }
0x303: {  	v23 =	vld [tilespmem:s17+$0x88D0]  }
0x304: {  	v0 =	vadd.f32 v21, v0  }
0x305: {  	v24 =	vld [tilespmem:s17+$0x8950]  }
0x306: {  	v0 =	vadd.f32 v22, v0  }
0x307: {  	v25 =	vld [tilespmem:s17+$0x89D0]  }
0x308: {  	v0 =	vadd.f32 v23, v0  }
0x309: {  	v26 =	vld [tilespmem:s17+$0x8A50]  }
0x30a: {  	v0 =	vadd.f32 v24, v0  }
0x30b: {  	v27 =	vld [tilespmem:s17+$0x8AD0]  }
0x30c: {  	v0 =	vadd.f32 v25, v0  }
0x30d: {  	v28 =	vld [tilespmem:s17+$0x8B50]  }
0x30e: {  	v0 =	vadd.f32 v26, v0  }
0x30f: {  	v29 =	vld [tilespmem:s17+$0x8BD0]  }
0x310: {  	v0 =	vadd.f32 v27, v0;
	_ =	sdelay $0x1  }
0x311: {  	v0 =	vadd.f32 v28, v0;
	_ =	sdelay $0x1  }
0x312: {  	v0 =	vadd.f32 v29, v0;
	_ =	sdelay $0x1  }
0x313: {  	v0 =	vmul.f32 $6.250000000e-02, v0;
	_ =	sdelay $0x1  }
0x314: {  	[tilespmem:s18+$0x10850] =	vst v0  }
0x315: {  	v0 =	vld [tilespmem:s17+$0x8060]  }
0x316: {  	v30 =	vld [tilespmem:s17+$0x80E0];
	_ =	sdelay $0x1  }
0x317: {  	v31 =	vld [tilespmem:s17+$0x8160];
	_ =	sdelay $0x1  }
0x318: {  	v32 =	vld [tilespmem:s17+$0x81E0]  }
0x319: {  	v0 =	vadd.f32 v30, v0  }
0x31a: {  	v33 =	vld [tilespmem:s17+$0x8260]  }
0x31b: {  	v0 =	vadd.f32 v31, v0  }
0x31c: {  	v34 =	vld [tilespmem:s17+$0x82E0]  }
0x31d: {  	v0 =	vadd.f32 v32, v0  }
0x31e: {  	v35 =	vld [tilespmem:s17+$0x8360]  }
0x31f: {  	v0 =	vadd.f32 v33, v0  }
0x320: {  	v36 =	vld [tilespmem:s17+$0x83E0]  }
0x321: {  	v0 =	vadd.f32 v34, v0  }
0x322: {  	v37 =	vld [tilespmem:s17+$0x8860]  }
0x323: {  	v0 =	vadd.f32 v35, v0  }
0x324: {  	v38 =	vld [tilespmem:s17+$0x88E0]  }
0x325: {  	v0 =	vadd.f32 v36, v0  }
0x326: {  	v39 =	vld [tilespmem:s17+$0x8960]  }
0x327: {  	v0 =	vadd.f32 v37, v0  }
0x328: {  	v40 =	vld [tilespmem:s17+$0x89E0]  }
0x329: {  	v0 =	vadd.f32 v38, v0  }
0x32a: {  	v41 =	vld [tilespmem:s17+$0x8A60]  }
0x32b: {  	v0 =	vadd.f32 v39, v0  }
0x32c: {  	v42 =	vld [tilespmem:s17+$0x8AE0]  }
0x32d: {  	v0 =	vadd.f32 v40, v0  }
0x32e: {  	v43 =	vld [tilespmem:s17+$0x8B60]  }
0x32f: {  	v0 =	vadd.f32 v41, v0  }
0x330: {  	v44 =	vld [tilespmem:s17+$0x8BE0]  }
0x331: {  	v0 =	vadd.f32 v42, v0;
	_ =	sdelay $0x1  }
0x332: {  	v0 =	vadd.f32 v43, v0;
	_ =	sdelay $0x1  }
0x333: {  	v0 =	vadd.f32 v44, v0;
	_ =	sdelay $0x1  }
0x334: {  	v0 =	vmul.f32 $6.250000000e-02, v0;
	_ =	sdelay $0x1  }
0x335: {  	[tilespmem:s18+$0x10860] =	vst v0  }
0x336: {  	v0 =	vld [tilespmem:s17+$0x8070]  }
0x337: {  	v45 =	vld [tilespmem:s17+$0x80F0];
	_ =	sdelay $0x1  }
0x338: {  	v46 =	vld [tilespmem:s17+$0x8170];
	_ =	sdelay $0x1  }
0x339: {  	v47 =	vld [tilespmem:s17+$0x81F0]  }
0x33a: {  	v0 =	vadd.f32 v45, v0  }
0x33b: {  	v48 =	vld [tilespmem:s17+$0x8270]  }
0x33c: {  	v0 =	vadd.f32 v46, v0  }
0x33d: {  	v49 =	vld [tilespmem:s17+$0x82F0]  }
0x33e: {  	v0 =	vadd.f32 v47, v0  }
0x33f: {  	v50 =	vld [tilespmem:s17+$0x8370]  }
0x340: {  	v0 =	vadd.f32 v48, v0  }
0x341: {  	v51 =	vld [tilespmem:s17+$0x83F0]  }
0x342: {  	v0 =	vadd.f32 v49, v0  }
0x343: {  	v52 =	vld [tilespmem:s17+$0x8870]  }
0x344: {  	v0 =	vadd.f32 v50, v0  }
0x345: {  	v53 =	vld [tilespmem:s17+$0x88F0]  }
0x346: {  	v0 =	vadd.f32 v51, v0  }
0x347: {  	v54 =	vld [tilespmem:s17+$0x8970]  }
0x348: {  	v0 =	vadd.f32 v52, v0  }
0x349: {  	v55 =	vld [tilespmem:s17+$0x89F0]  }
0x34a: {  	v0 =	vadd.f32 v53, v0  }
0x34b: {  	v56 =	vld [tilespmem:s17+$0x8A70]  }
0x34c: {  	v0 =	vadd.f32 v54, v0  }
0x34d: {  	v57 =	vld [tilespmem:s17+$0x8AF0]  }
0x34e: {  	v0 =	vadd.f32 v55, v0  }
0x34f: {  	v58 =	vld [tilespmem:s17+$0x8B70]  }
0x350: {  	v0 =	vadd.f32 v56, v0  }
0x351: {  	v59 =	vld [tilespmem:s17+$0x8BF0]  }
0x352: {  	v0 =	vadd.f32 v57, v0;
	_ =	sdelay $0x1  }
0x353: {  	v0 =	vadd.f32 v58, v0;
	_ =	sdelay $0x1  }
0x354: {  	v0 =	vadd.f32 v59, v0;
	_ =	sdelay $0x1  }
0x355: {  	v0 =	vmul.f32 $6.250000000e-02, v0;
	_ =	sdelay $0x1  }
0x356: {  	[tilespmem:s18+$0x10870] =	vst v0  }
0x357: {  	v0 =	vld [tilespmem:s17+$0x8400]  }
0x358: {  	v60 =	vld [tilespmem:s17+$0x8480];
	_ =	sdelay $0x1  }
0x359: {  	v61 =	vld [tilespmem:s17+$0x8500];
	_ =	sdelay $0x1  }
0x35a: {  	v62 =	vld [tilespmem:s17+$0x8580]  }
0x35b: {  	v0 =	vadd.f32 v60, v0  }
0x35c: {  	v63 =	vld [tilespmem:s17+$0x8600]  }
0x35d: {  	v0 =	vadd.f32 v61, v0  }
0x35e: {  	v6 =	vld [tilespmem:s17+$0x8680]  }
0x35f: {  	v0 =	vadd.f32 v62, v0  }
0x360: {  	v7 =	vld [tilespmem:s17+$0x8700]  }
0x361: {  	v0 =	vadd.f32 v63, v0  }
0x362: {  	v8 =	vld [tilespmem:s17+$0x8780]  }
0x363: {  	v0 =	vadd.f32 v6, v0  }
0x364: {  	v9 =	vld [tilespmem:s17+$0x8C00]  }
0x365: {  	v0 =	vadd.f32 v7, v0  }
0x366: {  	v10 =	vld [tilespmem:s17+$0x8C80]  }
0x367: {  	v0 =	vadd.f32 v8, v0  }
0x368: {  	v11 =	vld [tilespmem:s17+$0x8D00]  }
0x369: {  	v0 =	vadd.f32 v9, v0  }
0x36a: {  	v12 =	vld [tilespmem:s17+$0x8D80]  }
0x36b: {  	v0 =	vadd.f32 v10, v0  }
0x36c: {  	v13 =	vld [tilespmem:s17+$0x8E00]  }
0x36d: {  	v0 =	vadd.f32 v11, v0  }
0x36e: {  	v14 =	vld [tilespmem:s17+$0x8E80]  }
0x36f: {  	v0 =	vadd.f32 v12, v0  }
0x370: {  	v15 =	vld [tilespmem:s17+$0x8F00]  }
0x371: {  	v0 =	vadd.f32 v13, v0  }
0x372: {  	v16 =	vld [tilespmem:s17+$0x8F80]  }
0x373: {  	v0 =	vadd.f32 v14, v0;
	_ =	sdelay $0x1  }
0x374: {  	v0 =	vadd.f32 v15, v0;
	_ =	sdelay $0x1  }
0x375: {  	v0 =	vadd.f32 v16, v0;
	_ =	sdelay $0x1  }
0x376: {  	v0 =	vmul.f32 $6.250000000e-02, v0;
	_ =	sdelay $0x1  }
0x377: {  	[tilespmem:s18+$0x10C00] =	vst v0  }
0x378: {  	v0 =	vld [tilespmem:s17+$0x8410]  }
0x379: {  	v17 =	vld [tilespmem:s17+$0x8490];
	_ =	sdelay $0x1  }
0x37a: {  	v18 =	vld [tilespmem:s17+$0x8510];
	_ =	sdelay $0x1  }
0x37b: {  	v19 =	vld [tilespmem:s17+$0x8590]  }
0x37c: {  	v0 =	vadd.f32 v17, v0  }
0x37d: {  	v20 =	vld [tilespmem:s17+$0x8610]  }
0x37e: {  	v0 =	vadd.f32 v18, v0  }
0x37f: {  	v21 =	vld [tilespmem:s17+$0x8690]  }
0x380: {  	v0 =	vadd.f32 v19, v0  }
0x381: {  	v22 =	vld [tilespmem:s17+$0x8710]  }
0x382: {  	v0 =	vadd.f32 v20, v0  }
0x383: {  	v23 =	vld [tilespmem:s17+$0x8790]  }
0x384: {  	v0 =	vadd.f32 v21, v0  }
0x385: {  	v24 =	vld [tilespmem:s17+$0x8C10]  }
0x386: {  	v0 =	vadd.f32 v22, v0  }
0x387: {  	v25 =	vld [tilespmem:s17+$0x8C90]  }
0x388: {  	v0 =	vadd.f32 v23, v0  }
0x389: {  	v26 =	vld [tilespmem:s17+$0x8D10]  }
0x38a: {  	v0 =	vadd.f32 v24, v0  }
0x38b: {  	v27 =	vld [tilespmem:s17+$0x8D90]  }
0x38c: {  	v0 =	vadd.f32 v25, v0  }
0x38d: {  	v28 =	vld [tilespmem:s17+$0x8E10]  }
0x38e: {  	v0 =	vadd.f32 v26, v0  }
0x38f: {  	v29 =	vld [tilespmem:s17+$0x8E90]  }
0x390: {  	v0 =	vadd.f32 v27, v0  }
0x391: {  	v30 =	vld [tilespmem:s17+$0x8F10]  }
0x392: {  	v0 =	vadd.f32 v28, v0  }
0x393: {  	v31 =	vld [tilespmem:s17+$0x8F90]  }
0x394: {  	v0 =	vadd.f32 v29, v0;
	_ =	sdelay $0x1  }
0x395: {  	v0 =	vadd.f32 v30, v0;
	_ =	sdelay $0x1  }
0x396: {  	v0 =	vadd.f32 v31, v0;
	_ =	sdelay $0x1  }
0x397: {  	v0 =	vmul.f32 $6.250000000e-02, v0;
	_ =	sdelay $0x1  }
0x398: {  	[tilespmem:s18+$0x10C10] =	vst v0  }
0x399: {  	v0 =	vld [tilespmem:s17+$0x8420]  }
0x39a: {  	v32 =	vld [tilespmem:s17+$0x84A0];
	_ =	sdelay $0x1  }
0x39b: {  	v33 =	vld [tilespmem:s17+$0x8520];
	_ =	sdelay $0x1  }
0x39c: {  	v34 =	vld [tilespmem:s17+$0x85A0]  }
0x39d: {  	v0 =	vadd.f32 v32, v0  }
0x39e: {  	v35 =	vld [tilespmem:s17+$0x8620]  }
0x39f: {  	v0 =	vadd.f32 v33, v0  }
0x3a0: {  	v36 =	vld [tilespmem:s17+$0x86A0]  }
0x3a1: {  	v0 =	vadd.f32 v34, v0  }
0x3a2: {  	v37 =	vld [tilespmem:s17+$0x8720]  }
0x3a3: {  	v0 =	vadd.f32 v35, v0  }
0x3a4: {  	v38 =	vld [tilespmem:s17+$0x87A0]  }
0x3a5: {  	v0 =	vadd.f32 v36, v0  }
0x3a6: {  	v39 =	vld [tilespmem:s17+$0x8C20]  }
0x3a7: {  	v0 =	vadd.f32 v37, v0  }
0x3a8: {  	v40 =	vld [tilespmem:s17+$0x8CA0]  }
0x3a9: {  	v0 =	vadd.f32 v38, v0  }
0x3aa: {  	v41 =	vld [tilespmem:s17+$0x8D20]  }
0x3ab: {  	v0 =	vadd.f32 v39, v0  }
0x3ac: {  	v42 =	vld [tilespmem:s17+$0x8DA0]  }
0x3ad: {  	v0 =	vadd.f32 v40, v0  }
0x3ae: {  	v43 =	vld [tilespmem:s17+$0x8E20]  }
0x3af: {  	v0 =	vadd.f32 v41, v0  }
0x3b0: {  	v44 =	vld [tilespmem:s17+$0x8EA0]  }
0x3b1: {  	v0 =	vadd.f32 v42, v0  }
0x3b2: {  	v45 =	vld [tilespmem:s17+$0x8F20]  }
0x3b3: {  	v0 =	vadd.f32 v43, v0  }
0x3b4: {  	v46 =	vld [tilespmem:s17+$0x8FA0]  }
0x3b5: {  	v0 =	vadd.f32 v44, v0;
	_ =	sdelay $0x1  }
0x3b6: {  	v0 =	vadd.f32 v45, v0;
	_ =	sdelay $0x1  }
0x3b7: {  	v0 =	vadd.f32 v46, v0;
	_ =	sdelay $0x1  }
0x3b8: {  	v0 =	vmul.f32 $6.250000000e-02, v0;
	_ =	sdelay $0x1  }
0x3b9: {  	[tilespmem:s18+$0x10C20] =	vst v0  }
0x3ba: {  	v0 =	vld [tilespmem:s17+$0x8430]  }
0x3bb: {  	v47 =	vld [tilespmem:s17+$0x84B0];
	_ =	sdelay $0x1  }
0x3bc: {  	v48 =	vld [tilespmem:s17+$0x8530];
	_ =	sdelay $0x1  }
0x3bd: {  	v49 =	vld [tilespmem:s17+$0x85B0]  }
0x3be: {  	v0 =	vadd.f32 v47, v0  }
0x3bf: {  	v50 =	vld [tilespmem:s17+$0x8630]  }
0x3c0: {  	v0 =	vadd.f32 v48, v0  }
0x3c1: {  	v51 =	vld [tilespmem:s17+$0x86B0]  }
0x3c2: {  	v0 =	vadd.f32 v49, v0  }
0x3c3: {  	v52 =	vld [tilespmem:s17+$0x8730]  }
0x3c4: {  	v0 =	vadd.f32 v50, v0  }
0x3c5: {  	v53 =	vld [tilespmem:s17+$0x87B0]  }
0x3c6: {  	v0 =	vadd.f32 v51, v0  }
0x3c7: {  	v54 =	vld [tilespmem:s17+$0x8C30]  }
0x3c8: {  	v0 =	vadd.f32 v52, v0  }
0x3c9: {  	v55 =	vld [tilespmem:s17+$0x8CB0]  }
0x3ca: {  	v0 =	vadd.f32 v53, v0  }
0x3cb: {  	v56 =	vld [tilespmem:s17+$0x8D30]  }
0x3cc: {  	v0 =	vadd.f32 v54, v0  }
0x3cd: {  	v57 =	vld [tilespmem:s17+$0x8DB0]  }
0x3ce: {  	v0 =	vadd.f32 v55, v0  }
0x3cf: {  	v58 =	vld [tilespmem:s17+$0x8E30]  }
0x3d0: {  	v0 =	vadd.f32 v56, v0  }
0x3d1: {  	v59 =	vld [tilespmem:s17+$0x8EB0]  }
0x3d2: {  	v0 =	vadd.f32 v57, v0  }
0x3d3: {  	v60 =	vld [tilespmem:s17+$0x8F30]  }
0x3d4: {  	v0 =	vadd.f32 v58, v0  }
0x3d5: {  	v61 =	vld [tilespmem:s17+$0x8FB0]  }
0x3d6: {  	v0 =	vadd.f32 v59, v0;
	_ =	sdelay $0x1  }
0x3d7: {  	v0 =	vadd.f32 v60, v0;
	_ =	sdelay $0x1  }
0x3d8: {  	v0 =	vadd.f32 v61, v0;
	_ =	sdelay $0x1  }
0x3d9: {  	v0 =	vmul.f32 $6.250000000e-02, v0;
	_ =	sdelay $0x1  }
0x3da: {  	[tilespmem:s18+$0x10C30] =	vst v0  }
0x3db: {  	v0 =	vld [tilespmem:s17+$0x8440]  }
0x3dc: {  	v62 =	vld [tilespmem:s17+$0x84C0];
	_ =	sdelay $0x1  }
0x3dd: {  	v63 =	vld [tilespmem:s17+$0x8540];
	_ =	sdelay $0x1  }
0x3de: {  	v6 =	vld [tilespmem:s17+$0x85C0]  }
0x3df: {  	v0 =	vadd.f32 v62, v0  }
0x3e0: {  	v7 =	vld [tilespmem:s17+$0x8640]  }
0x3e1: {  	v0 =	vadd.f32 v63, v0  }
0x3e2: {  	v8 =	vld [tilespmem:s17+$0x86C0]  }
0x3e3: {  	v0 =	vadd.f32 v6, v0  }
0x3e4: {  	v9 =	vld [tilespmem:s17+$0x8740]  }
0x3e5: {  	v0 =	vadd.f32 v7, v0  }
0x3e6: {  	v10 =	vld [tilespmem:s17+$0x87C0]  }
0x3e7: {  	v0 =	vadd.f32 v8, v0  }
0x3e8: {  	v11 =	vld [tilespmem:s17+$0x8C40]  }
0x3e9: {  	v0 =	vadd.f32 v9, v0  }
0x3ea: {  	v12 =	vld [tilespmem:s17+$0x8CC0]  }
0x3eb: {  	v0 =	vadd.f32 v10, v0  }
0x3ec: {  	v13 =	vld [tilespmem:s17+$0x8D40]  }
0x3ed: {  	v0 =	vadd.f32 v11, v0  }
0x3ee: {  	v14 =	vld [tilespmem:s17+$0x8DC0]  }
0x3ef: {  	v0 =	vadd.f32 v12, v0  }
0x3f0: {  	v15 =	vld [tilespmem:s17+$0x8E40]  }
0x3f1: {  	v0 =	vadd.f32 v13, v0  }
0x3f2: {  	v16 =	vld [tilespmem:s17+$0x8EC0]  }
0x3f3: {  	v0 =	vadd.f32 v14, v0  }
0x3f4: {  	v17 =	vld [tilespmem:s17+$0x8F40]  }
0x3f5: {  	v0 =	vadd.f32 v15, v0  }
0x3f6: {  	v18 =	vld [tilespmem:s17+$0x8FC0]  }
0x3f7: {  	v0 =	vadd.f32 v16, v0;
	_ =	sdelay $0x1  }
0x3f8: {  	v0 =	vadd.f32 v17, v0;
	_ =	sdelay $0x1  }
0x3f9: {  	v0 =	vadd.f32 v18, v0;
	_ =	sdelay $0x1  }
0x3fa: {  	v0 =	vmul.f32 $6.250000000e-02, v0;
	_ =	sdelay $0x1  }
0x3fb: {  	[tilespmem:s18+$0x10C40] =	vst v0  }
0x3fc: {  	v0 =	vld [tilespmem:s17+$0x8450]  }
0x3fd: {  	v19 =	vld [tilespmem:s17+$0x84D0];
	_ =	sdelay $0x1  }
0x3fe: {  	v20 =	vld [tilespmem:s17+$0x8550];
	_ =	sdelay $0x1  }
0x3ff: {  	v21 =	vld [tilespmem:s17+$0x85D0]  }
0x400: {  	v0 =	vadd.f32 v19, v0  }
0x401: {  	v22 =	vld [tilespmem:s17+$0x8650]  }
0x402: {  	v0 =	vadd.f32 v20, v0  }
0x403: {  	v23 =	vld [tilespmem:s17+$0x86D0]  }
0x404: {  	v0 =	vadd.f32 v21, v0  }
0x405: {  	v24 =	vld [tilespmem:s17+$0x8750]  }
0x406: {  	v0 =	vadd.f32 v22, v0  }
0x407: {  	v25 =	vld [tilespmem:s17+$0x87D0]  }
0x408: {  	v0 =	vadd.f32 v23, v0  }
0x409: {  	v26 =	vld [tilespmem:s17+$0x8C50]  }
0x40a: {  	v0 =	vadd.f32 v24, v0  }
0x40b: {  	v27 =	vld [tilespmem:s17+$0x8CD0]  }
0x40c: {  	v0 =	vadd.f32 v25, v0  }
0x40d: {  	v28 =	vld [tilespmem:s17+$0x8D50]  }
0x40e: {  	v0 =	vadd.f32 v26, v0  }
0x40f: {  	v29 =	vld [tilespmem:s17+$0x8DD0]  }
0x410: {  	v0 =	vadd.f32 v27, v0  }
0x411: {  	v30 =	vld [tilespmem:s17+$0x8E50]  }
0x412: {  	v0 =	vadd.f32 v28, v0  }
0x413: {  	v31 =	vld [tilespmem:s17+$0x8ED0]  }
0x414: {  	v0 =	vadd.f32 v29, v0  }
0x415: {  	v32 =	vld [tilespmem:s17+$0x8F50]  }
0x416: {  	v0 =	vadd.f32 v30, v0  }
0x417: {  	v33 =	vld [tilespmem:s17+$0x8FD0]  }
0x418: {  	v0 =	vadd.f32 v31, v0;
	_ =	sdelay $0x1  }
0x419: {  	v0 =	vadd.f32 v32, v0;
	_ =	sdelay $0x1  }
0x41a: {  	v0 =	vadd.f32 v33, v0;
	_ =	sdelay $0x1  }
0x41b: {  	v0 =	vmul.f32 $6.250000000e-02, v0;
	_ =	sdelay $0x1  }
0x41c: {  	[tilespmem:s18+$0x10C50] =	vst v0  }
0x41d: {  	v0 =	vld [tilespmem:s17+$0x8460]  }
0x41e: {  	v34 =	vld [tilespmem:s17+$0x84E0];
	_ =	sdelay $0x1  }
0x41f: {  	v35 =	vld [tilespmem:s17+$0x8560];
	_ =	sdelay $0x1  }
0x420: {  	v36 =	vld [tilespmem:s17+$0x85E0]  }
0x421: {  	v0 =	vadd.f32 v34, v0  }
0x422: {  	v37 =	vld [tilespmem:s17+$0x8660]  }
0x423: {  	v0 =	vadd.f32 v35, v0  }
0x424: {  	v38 =	vld [tilespmem:s17+$0x86E0]  }
0x425: {  	v0 =	vadd.f32 v36, v0  }
0x426: {  	v39 =	vld [tilespmem:s17+$0x8760]  }
0x427: {  	v0 =	vadd.f32 v37, v0  }
0x428: {  	v40 =	vld [tilespmem:s17+$0x87E0]  }
0x429: {  	v0 =	vadd.f32 v38, v0  }
0x42a: {  	v41 =	vld [tilespmem:s17+$0x8C60]  }
0x42b: {  	v0 =	vadd.f32 v39, v0  }
0x42c: {  	v42 =	vld [tilespmem:s17+$0x8CE0]  }
0x42d: {  	v0 =	vadd.f32 v40, v0  }
0x42e: {  	v43 =	vld [tilespmem:s17+$0x8D60]  }
0x42f: {  	v0 =	vadd.f32 v41, v0  }
0x430: {  	v44 =	vld [tilespmem:s17+$0x8DE0]  }
0x431: {  	v0 =	vadd.f32 v42, v0  }
0x432: {  	v45 =	vld [tilespmem:s17+$0x8E60]  }
0x433: {  	v0 =	vadd.f32 v43, v0  }
0x434: {  	v46 =	vld [tilespmem:s17+$0x8EE0]  }
0x435: {  	v0 =	vadd.f32 v44, v0  }
0x436: {  	v47 =	vld [tilespmem:s17+$0x8F60]  }
0x437: {  	v0 =	vadd.f32 v45, v0  }
0x438: {  	v48 =	vld [tilespmem:s17+$0x8FE0]  }
0x439: {  	v0 =	vadd.f32 v46, v0;
	_ =	sdelay $0x1  }
0x43a: {  	v0 =	vadd.f32 v47, v0;
	_ =	sdelay $0x1  }
0x43b: {  	v0 =	vadd.f32 v48, v0;
	_ =	sdelay $0x1  }
0x43c: {  	v0 =	vmul.f32 $6.250000000e-02, v0;
	_ =	sdelay $0x1  }
0x43d: {  	[tilespmem:s18+$0x10C60] =	vst v0  }
0x43e: {  	v0 =	vld [tilespmem:s17+$0x8470]  }
0x43f: {  	v49 =	vld [tilespmem:s17+$0x84F0];
	_ =	sdelay $0x1  }
0x440: {  	v50 =	vld [tilespmem:s17+$0x8570];
	_ =	sdelay $0x1  }
0x441: {  	v51 =	vld [tilespmem:s17+$0x85F0]  }
0x442: {  	v0 =	vadd.f32 v49, v0  }
0x443: {  	v52 =	vld [tilespmem:s17+$0x8670]  }
0x444: {  	v0 =	vadd.f32 v50, v0  }
0x445: {  	v53 =	vld [tilespmem:s17+$0x86F0]  }
0x446: {  	v0 =	vadd.f32 v51, v0  }
0x447: {  	v54 =	vld [tilespmem:s17+$0x8770]  }
0x448: {  	v0 =	vadd.f32 v52, v0  }
0x449: {  	v55 =	vld [tilespmem:s17+$0x87F0]  }
0x44a: {  	v0 =	vadd.f32 v53, v0  }
0x44b: {  	v56 =	vld [tilespmem:s17+$0x8C70]  }
0x44c: {  	v0 =	vadd.f32 v54, v0  }
0x44d: {  	v57 =	vld [tilespmem:s17+$0x8CF0]  }
0x44e: {  	v0 =	vadd.f32 v55, v0  }
0x44f: {  	v58 =	vld [tilespmem:s17+$0x8D70]  }
0x450: {  	v0 =	vadd.f32 v56, v0  }
0x451: {  	v59 =	vld [tilespmem:s17+$0x8DF0]  }
0x452: {  	v0 =	vadd.f32 v57, v0  }
0x453: {  	v60 =	vld [tilespmem:s17+$0x8E70]  }
0x454: {  	v0 =	vadd.f32 v58, v0  }
0x455: {  	v61 =	vld [tilespmem:s17+$0x8EF0]  }
0x456: {  	v0 =	vadd.f32 v59, v0  }
0x457: {  	v62 =	vld [tilespmem:s17+$0x8F70]  }
0x458: {  	v0 =	vadd.f32 v60, v0  }
0x459: {  	v63 =	vld [tilespmem:s17+$0x8FF0]  }
0x45a: {  	v0 =	vadd.f32 v61, v0;
	_ =	sdelay $0x1  }
0x45b: {  	v0 =	vadd.f32 v62, v0  }
0x45c: {  	p0 =	sne.s32 s16, $0x7  }
.Ltmp7:
0x45d: {  	v0 =	vadd.f32 v63, v0;
	(pc) =	sbr.rel @p0 .LBB2_8-.Ltmp7, $3  }
0x45e: {  	_ = 	snop  }
0x45f: {  	v0 =	vmul.f32 $6.250000000e-02, v0;
	_ =	sdelay $0x1  }
0x460: {  	s16 =	sadd.s32 $0x1, s16;
	[tilespmem:s18+$0x10C70] =	vst v0  }
.Ltmp8:
0x461: {  	s15 =	sadd.s32 s5, s15;
	(pc) =	sbr.rel .LBB2_10-.Ltmp8, $4  }
0x462: {  	s15 =	sshll.u32 s15, $0x8  }
0x463: {  	s15 =	sand.u32 $0x1FFFFF00, s15  }
0x464: {  	s15 =	sadd.s32 s4, s15  }
0x465: {  	[hbm4b:s15+s3] =	stream.linear.scatter [tilespmem:s10], [sflag:$0x4], $0x800, $0x38;
	[tilespmem:$0x11000] =	vst v63  }
.LBB2_12:
0x466: {  	_ =	sfence.sel $0x180000  }
0x467: {  	[bflag:$0x0] =	sbarrier.arrive $0xFFFF  }
0x468: {  	p0 =	sne.s32 s0, $0x0;
	_ =	strace $0x90000047  }
0x469: {  	s0 =	sadd.s32 @!p0 $0x100000, s1;
	[bflag:$0x2] =	sbarrier.arrive $0xFFFF  }
0x46a: {  	[sflag:s0] =	ssyncadd.tile.s32 @!p0 $0x1;
	_ =	shalt  }
.Lfunc_end2:
_tile_overlayer_lowered:
.L_overlay_start_2:
0x46b: {  	(tag) =	ssettag $0x2  }
0x46c: {  	s0 =	rddreg [dreg:$0x0];
	s2 =	stileid.u32  }
0x46d: {  	s1 =	rddreg [dreg:$0x1];
	p0 =	sne.s32 s2, $0x0  }
0x46e: {  	s3 =	rddreg [dreg:$0x2];
	[bflag:$0x3] =	sbarrier.arrive $0xFFFF;
	s2 =	simm.s32 @!p0 $0x1C05  }
0x46f: {  	[timem:s3], [sflag:s2] =	dma.local @!p0 [hbm:s0], s1  }
0x470: {  	s0 =	simm.s32 @!p0 $0x5  }
0x471: {  	_ =	swait.ge @!p0 [sflag:s0], s1  }
0x472: {  	s1 =	ssub.s32 @!p0 $0x0, s1;
	[sflag:s0] =	ssyncset.done @!p0 $0x0  }
0x473: {  	[sflag:s0] =	ssyncadd.s32 @!p0 s1  }
0x474: {  	[bflag:$0x3] =	sbarrier.arrive $0xFFFF  }
0x475: {  	_ =	shalt  }

</sc_bundles>
